<compile_context>
chip_gen: v7x
topology: tpu7x:2x2x1
jax: 0.10.2.dev20260603
libtpu: 0.0.44.dev20260713+nightly
codegen_flags: <defaults>
</compile_context>

<pallas_src>
import functools

import jax
import jax.numpy as jnp
from jax import lax
from jax.experimental import pallas as pl

_pcall = pl.pallas_call

ALPHA = 0.25
IOU_THRES = 0.5
BETA = 1.0 / 9.0
BLK = 2048
TOL = 3e-3
KFIX = 256

_DX = (-0.5, 0.5, 0.5, -0.5)
_DY = (-0.5, -0.5, 0.5, 0.5)


def _iou_kernel(nb, g_count, a_total, anc_ref, ann_ref,
                ioumax_ref, ioarg_ref, rsec_ref, rsecarg_ref,
                gmax_ref, garg_ref, csec_ref, csecarg_ref):
    G = g_count
    b = pl.program_id(0) % nb
    acx = anc_ref[0, 0:1, :]
    acy = anc_ref[0, 1:2, :]
    aw = anc_ref[0, 2:3, :]
    ah = anc_ref[0, 3:4, :]
    ath = anc_ref[0, 4:5, :]
    ann = ann_ref[0]
    gcx = ann[:, 0:1]
    gcy = ann[:, 1:2]
    gw = ann[:, 2:3]
    gh = ann[:, 3:4]
    gth = ann[:, 4:5]
    gcls = ann[:, 5:6]

    sa = jnp.maximum(aw, ah)
    sg = jnp.maximum(gw, gh)
    ax0 = acx - sa * 0.5
    ay0 = acy - sa * 0.5
    ax1 = acx + sa * 0.5
    ay1 = acy + sa * 0.5
    bx0 = gcx - sg * 0.5
    by0 = gcy - sg * 0.5
    bx1 = gcx + sg * 0.5
    by1 = gcy + sg * 0.5
    iw = jnp.clip(jnp.minimum(ax1, bx1) - jnp.maximum(ax0, bx0), 0.0, None)
    ih = jnp.clip(jnp.minimum(ay1, by1) - jnp.maximum(ay0, by0), 0.0, None)
    inter_sq = iw * ih
    area_sa = (ax1 - ax0) * (ay1 - ay0)
    area_sg = (bx1 - bx0) * (by1 - by0)
    indicator = inter_sq / (area_sa + area_sg - inter_sq + 1e-9)

    ca = jnp.cos(ath)
    sn = jnp.sin(ath)
    px = [acx + (_DX[k] * aw) * ca - (_DY[k] * ah) * sn for k in range(4)]
    py = [acy + (_DX[k] * aw) * sn + (_DY[k] * ah) * ca for k in range(4)]
    cg = jnp.cos(gth)
    sgn = jnp.sin(gth)
    qx = [gcx + (_DX[k] * gw) * cg - (_DY[k] * gh) * sgn for k in range(4)]
    qy = [gcy + (_DX[k] * gw) * sgn + (_DY[k] * gh) * cg for k in range(4)]

    def clip_contrib(ax, ay, bx, by, cxs, cys):
        dx = bx - ax
        dy = by - ay
        t0 = jnp.zeros((G, BLK), jnp.float32)
        t1 = jnp.ones((G, BLK), jnp.float32)
        keep = jnp.ones((G, BLK), jnp.bool_)
        for j in range(4):
            jn = (j + 1) % 4
            ex = cxs[jn] - cxs[j]
            ey = cys[jn] - cys[j]
            num = ex * (ay - cys[j]) - ey * (ax - cxs[j])
            den = ex * dy - ey * dx
            tb = -num / jnp.where(den == 0.0, 1.0, den)
            t0 = jnp.where(den > 0.0, jnp.maximum(t0, tb), t0)
            t1 = jnp.where(den < 0.0, jnp.minimum(t1, tb), t1)
            keep = keep & ((den != 0.0) | (num >= 0.0))
        p0x = ax + t0 * dx
        p0y = ay + t0 * dy
        p1x = ax + t1 * dx
        p1y = ay + t1 * dy
        cr = p0x * p1y - p0y * p1x
        return jnp.where(keep & (t1 > t0), cr, 0.0)

    total = jnp.zeros((G, BLK), jnp.float32)
    for k in range(4):
        kn = (k + 1) % 4
        total = total + clip_contrib(px[k], py[k], px[kn], py[kn], qx, qy)
    for k in range(4):
        kn = (k + 1) % 4
        total = total + clip_contrib(qx[k], qy[k], qx[kn], qy[kn], px, py)
    inter = jnp.maximum(total * 0.5, 0.0)

    area_a = aw * ah
    area_g = gw * gh
    iou = inter / (area_a + area_g - inter + 1e-9)
    ious = jnp.where(indicator > 0.1, iou, 0.0)
    ious = jnp.where(gcls != -1.0, ious, -1.0)
    iou_max = jnp.max(ious, axis=0, keepdims=True)
    gidx = lax.broadcasted_iota(jnp.int32, (G, BLK), 0)
    iou_arg = jnp.min(jnp.where(ious == iou_max, gidx, G), axis=0,
                      keepdims=True)
    bmax = jnp.max(ious, axis=1, keepdims=True)
    aidx = lax.broadcasted_iota(jnp.int32, (G, BLK), 1) + b * BLK
    barg = jnp.min(jnp.where(ious == bmax, aidx, a_total), axis=1,
                   keepdims=True)
    masked_r = jnp.where(gidx == iou_arg, -1e9, ious)
    rsec = jnp.max(masked_r, axis=0, keepdims=True)
    rsecarg = jnp.min(jnp.where(masked_r == rsec, gidx, G), axis=0,
                      keepdims=True)
    masked_c = jnp.where(aidx == barg, -1e9, ious)
    csec = jnp.max(masked_c, axis=1, keepdims=True)
    csecarg = jnp.min(jnp.where(masked_c == csec, aidx, a_total), axis=1,
                      keepdims=True)
    ioumax_ref[0] = iou_max
    ioarg_ref[0] = iou_arg
    rsec_ref[0] = rsec
    rsecarg_ref[0] = rsecarg
    gmax_ref[0] = bmax
    garg_ref[0] = barg
    csec_ref[0] = csec
    csecarg_ref[0] = csecarg


def _loss_kernel(nb, g_count, c_count, cls_ref, reg_ref, anc_ref, ann_ref,
                 ioumax_ref, ioarg_ref, force_ref, farg_ref, out_ref):
    G = g_count
    C = c_count
    b = pl.program_id(0) % nb
    cls = jnp.clip(cls_ref[0], 0.0001, 1.0 - 0.0001)
    iou_max = ioumax_ref[0]
    am = ioarg_ref[0]
    ann = ann_ref[0]

    aidx = lax.broadcasted_iota(jnp.int32, (G, BLK), 1) + b * BLK
    forced = jnp.any((farg_ref[0] == aidx) & (force_ref[0] > 0), axis=0,
                     keepdims=True)
    pos = (iou_max >= IOU_THRES) | forced

    onehot_g = lax.broadcasted_iota(jnp.int32, (G, BLK), 0) == am

    def gather_field(col):
        f = ann[:, col:col + 1]
        return jnp.sum(jnp.where(onehot_g, f, 0.0), axis=0, keepdims=True)

    asg_cx = gather_field(0)
    asg_cy = gather_field(1)
    asg_w = gather_field(2)
    asg_h = gather_field(3)
    asg_th = gather_field(4)
    asg_cls = gather_field(5).astype(jnp.int32)

    neg = iou_max < (IOU_THRES - 0.1)
    cls_t = jnp.where(neg, 0.0, -1.0)
    cls_t = jnp.where(pos, 0.0, cls_t)
    onehot_c = lax.broadcasted_iota(jnp.int32, (C, BLK), 0) == asg_cls
    cls_t = jnp.where(pos & onehot_c, 1.0, jnp.broadcast_to(cls_t, (C, BLK)))

    alpha_f = jnp.where(cls_t == 1.0, ALPHA, 1.0 - ALPHA)
    fw = jnp.where(cls_t == 1.0, 1.0 - cls, cls)
    fw = alpha_f * (fw * fw)
    bce = -(cls_t * jnp.log(cls + 1e-6)
            + (1.0 - cls_t) * jnp.log(1.0 - cls + 1e-6))
    closs = jnp.where(cls_t != -1.0, fw * bce, 0.0)
    cls_sum = jnp.sum(jnp.sum(closs, axis=1, keepdims=True), axis=0,
                      keepdims=True)

    acx = anc_ref[0, 0:1, :]
    acy = anc_ref[0, 1:2, :]
    aw = anc_ref[0, 2:3, :]
    ah = anc_ref[0, 3:4, :]
    ath = anc_ref[0, 4:5, :]
    tgt = [(asg_cx - acx) / aw,
           (asg_cy - acy) / ah,
           jnp.log(jnp.maximum(asg_w, 1e-6) / aw),
           jnp.log(jnp.maximum(asg_h, 1e-6) / ah),
           asg_th - ath]
    rsum = jnp.zeros((1, BLK), jnp.float32)
    for k in range(5):
        diff = jnp.abs(reg_ref[0, k:k + 1, :] - tgt[k])
        l = jnp.where(diff < BETA, 0.5 * diff * diff / BETA,
                      diff - 0.5 * BETA)
        rsum = rsum + l
    rsum = jnp.where(pos, rsum, 0.0)
    reg_sum = jnp.sum(rsum, axis=1, keepdims=True)
    npos = jnp.sum(jnp.where(pos, 1.0, 0.0), axis=1, keepdims=True)

    out_ref[0, :, 0:1] = cls_sum
    out_ref[0, :, 1:2] = reg_sum
    out_ref[0, :, 2:3] = npos


def _rbox_corners_s(rb):
    cx, cy, w, h, a = rb[0], rb[1], rb[2], rb[3], rb[4]
    c, s = jnp.cos(a), jnp.sin(a)
    dx = jnp.array([-0.5, 0.5, 0.5, -0.5]) * w
    dy = jnp.array([-0.5, -0.5, 0.5, 0.5]) * h
    xs = cx + dx * c - dy * s
    ys = cy + dx * s + dy * c
    return jnp.stack([xs, ys], axis=1)


def _quad_inter_s(P, Q):
    eps = 1e-9

    def inside(pts, poly):
        a = poly
        b = jnp.roll(poly, -1, axis=0)
        e = b - a
        d = pts[:, None, :] - a[None, :, :]
        cr = e[None, :, 0] * d[:, :, 1] - e[None, :, 1] * d[:, :, 0]
        return jnp.all(cr >= -1e-6, axis=1)

    m1 = inside(P, Q)
    m2 = inside(Q, P)
    p1 = P
    p2 = jnp.roll(P, -1, axis=0)
    q1 = Q
    q2 = jnp.roll(Q, -1, axis=0)
    r = (p2 - p1)[:, None, :]
    s = (q2 - q1)[None, :, :]
    qp = q1[None, :, :] - p1[:, None, :]
    denom = r[..., 0] * s[..., 1] - r[..., 1] * s[..., 0]
    dsafe = jnp.where(jnp.abs(denom) < eps, 1.0, denom)
    t = (qp[..., 0] * s[..., 1] - qp[..., 1] * s[..., 0]) / dsafe
    u = (qp[..., 0] * r[..., 1] - qp[..., 1] * r[..., 0]) / dsafe
    mi = ((jnp.abs(denom) > eps) & (t >= -1e-6) & (t <= 1.0 + 1e-6)
          & (u >= -1e-6) & (u <= 1.0 + 1e-6))
    pint = p1[:, None, :] + t[..., None] * r
    pts = jnp.concatenate([P, Q, pint.reshape(16, 2)], axis=0)
    mask = jnp.concatenate([m1, m2, mi.reshape(16)], axis=0)
    cnt = jnp.sum(mask)
    ctr = (jnp.sum(pts * mask[:, None].astype(pts.dtype), axis=0)
           / jnp.maximum(cnt, 1).astype(pts.dtype))
    ang = jnp.arctan2(pts[:, 1] - ctr[1], pts[:, 0] - ctr[0])
    ang = jnp.where(mask, ang, 1e9)
    order = jnp.argsort(ang)
    sp = pts[order]
    sm = mask[order]
    first = sp[0]
    sp = jnp.where(sm[:, None], sp, first[None, :])
    nxt = jnp.roll(sp, -1, axis=0)
    area2 = jnp.sum(sp[:, 0] * nxt[:, 1] - nxt[:, 0] * sp[:, 1])
    area = 0.5 * jnp.abs(area2)
    return jnp.where(cnt >= 3, area, 0.0)


def _pair_exact(anchor, gt6):
    gt = gt6[:5]
    sa = jnp.maximum(anchor[2], anchor[3])
    sg = jnp.maximum(gt[2], gt[3])
    ax0, ay0 = anchor[0] - sa * 0.5, anchor[1] - sa * 0.5
    ax1, ay1 = anchor[0] + sa * 0.5, anchor[1] + sa * 0.5
    bx0, by0 = gt[0] - sg * 0.5, gt[1] - sg * 0.5
    bx1, by1 = gt[0] + sg * 0.5, gt[1] + sg * 0.5
    iw = jnp.clip(jnp.minimum(ax1, bx1) - jnp.maximum(ax0, bx0), 0.0, None)
    ih = jnp.clip(jnp.minimum(ay1, by1) - jnp.maximum(ay0, by0), 0.0, None)
    inter_sq = iw * ih
    ind = inter_sq / ((ax1 - ax0) * (ay1 - ay0)
                      + (bx1 - bx0) * (by1 - by0) - inter_sq + 1e-9)
    inter = _quad_inter_s(_rbox_corners_s(anchor), _rbox_corners_s(gt))
    iou = inter / (anchor[2] * anchor[3] + gt[2] * gt[3] - inter + 1e-9)
    val = jnp.where(ind > 0.1, iou, 0.0)
    return jnp.where(gt6[5] != -1.0, val, -1.0)


def _fixup(iou_max0, ioarg0, rs, rsarg, gm0, garg0, csec, csecarg,
           anchors, annotations, nb, G):
    N, A = iou_max0.shape
    row_flag = ((jnp.abs(iou_max0 - 0.5) < TOL)
                | (jnp.abs(iou_max0 - 0.4) < TOL)
                | ((rs > 0.0) & (iou_max0 > 0.0) & (rs > iou_max0 - TOL)))
    flat = row_flag.ravel()
    an = jnp.nonzero(flat, size=KFIX, fill_value=0)[0]
    real_r = jnp.arange(KFIX) < jnp.sum(flat)
    rn = an // A
    ra = an % A
    col_flag = ((jnp.abs(gm0 - 0.5) < TOL)
                | ((csec > 0.0) & (gm0 > 0.0) & (csec > gm0 - TOL)))
    cn = jnp.broadcast_to(jnp.arange(N)[:, None], (N, G)).ravel()
    cg = jnp.broadcast_to(jnp.arange(G)[None, :], (N, G)).ravel()
    real_c = col_flag.ravel()

    ni = jnp.concatenate([rn, rn, cn, cn])
    ai = jnp.concatenate([ra, ra, garg0.ravel(), csecarg.ravel()])
    gi = jnp.concatenate([ioarg0[rn, ra], rsarg[rn, ra], cg, cg])
    x = jnp.concatenate([iou_max0[rn, ra], rs[rn, ra],
                         gm0.ravel(), csec.ravel()])
    real = jnp.concatenate([real_r, real_r, real_c, real_c])
    ai = jnp.clip(ai, 0, A - 1)
    gi = jnp.clip(gi, 0, G - 1)
    v = jax.vmap(_pair_exact)(anchors[ni, ai], annotations[ni, gi])

    same_n = ni[:, None] == ni[None, :]
    cand = real & (x > iou_max0[ni, ai] - TOL)
    candj = cand[None, :] & same_n & (ai[:, None] == ai[None, :])
    vj = jnp.where(candj, v[None, :], -jnp.inf)
    rmaxv = jnp.max(vj, axis=1)
    gj = jnp.where(candj & (v[None, :] == rmaxv[:, None]), gi[None, :], G)
    rargv = jnp.min(gj, axis=1)
    arow = jnp.where(cand, ai, A)
    iou_max1 = iou_max0.at[ni, arow].set(rmaxv, mode='drop')
    ioarg1 = ioarg0.at[ni, arow].set(rargv, mode='drop')

    candc = real & (x > gm0[ni, gi] - TOL)
    candcj = candc[None, :] & same_n & (gi[:, None] == gi[None, :])
    vcj = jnp.where(candcj, v[None, :], -jnp.inf)
    cmaxv = jnp.max(vcj, axis=1)
    aj = jnp.where(candcj & (v[None, :] == cmaxv[:, None]), ai[None, :], A)
    cargv = jnp.min(aj, axis=1)
    gcol = jnp.where(candc, gi, G)
    gm1 = gm0.at[ni, gcol].set(cmaxv, mode='drop')
    garg1 = garg0.at[ni, gcol].set(cargv, mode='drop')
    return iou_max1, ioarg1, gm1, garg1


def kernel(classifications, regressions, anchors, annotations):
    N, A, C = classifications.shape
    G = annotations.shape[1]
    nb = A // BLK
    f32 = jnp.float32

    cls_t = classifications.transpose(0, 2, 1)
    reg_t = regressions.transpose(0, 2, 1)
    anc_t = anchors.transpose(0, 2, 1)

    (ioumax, ioarg, rsec, rsecarg, gmax, garg, csec, csecarg) = _pcall(
        functools.partial(_iou_kernel, nb, G, A),
        grid=(N * nb,),
        in_specs=[
            pl.BlockSpec((1, 5, BLK), lambda i: (i // nb, 0, i % nb)),
            pl.BlockSpec((1, G, 6), lambda i: (i // nb, 0, 0)),
        ],
        out_specs=[
            pl.BlockSpec((1, 1, BLK), lambda i: (i, 0, 0)),
            pl.BlockSpec((1, 1, BLK), lambda i: (i, 0, 0)),
            pl.BlockSpec((1, 1, BLK), lambda i: (i, 0, 0)),
            pl.BlockSpec((1, 1, BLK), lambda i: (i, 0, 0)),
            pl.BlockSpec((1, G, 1), lambda i: (i, 0, 0)),
            pl.BlockSpec((1, G, 1), lambda i: (i, 0, 0)),
            pl.BlockSpec((1, G, 1), lambda i: (i, 0, 0)),
            pl.BlockSpec((1, G, 1), lambda i: (i, 0, 0)),
        ],
        out_shape=[
            jax.ShapeDtypeStruct((N * nb, 1, BLK), f32),
            jax.ShapeDtypeStruct((N * nb, 1, BLK), jnp.int32),
            jax.ShapeDtypeStruct((N * nb, 1, BLK), f32),
            jax.ShapeDtypeStruct((N * nb, 1, BLK), jnp.int32),
            jax.ShapeDtypeStruct((N * nb, G, 1), f32),
            jax.ShapeDtypeStruct((N * nb, G, 1), jnp.int32),
            jax.ShapeDtypeStruct((N * nb, G, 1), f32),
            jax.ShapeDtypeStruct((N * nb, G, 1), jnp.int32),
        ],
    )(anc_t, annotations)

    iou_max0 = ioumax.reshape(N, A)
    ioarg0 = ioarg.reshape(N, A)
    rs = rsec.reshape(N, A)
    rsarg = rsecarg.reshape(N, A)
    gmax_b = gmax.reshape(N, nb, G)
    garg_b = garg.reshape(N, nb, G)
    csec_b = csec.reshape(N, nb, G)
    csecarg_b = csecarg.reshape(N, nb, G)
    gm0 = jnp.max(gmax_b, axis=1)
    bsel = jnp.argmax(gmax_b, axis=1)[:, None, :]
    garg0 = jnp.take_along_axis(garg_b, bsel, axis=1)[:, 0, :]
    nbi = jnp.arange(nb)[None, :, None]
    other_b = jnp.where(nbi == bsel, -1e9, gmax_b)
    osel = jnp.argmax(other_b, axis=1)[:, None, :]
    other = jnp.take_along_axis(other_b, osel, axis=1)[:, 0, :]
    oarg = jnp.take_along_axis(garg_b, osel, axis=1)[:, 0, :]
    insec = jnp.take_along_axis(csec_b, bsel, axis=1)[:, 0, :]
    insecarg = jnp.take_along_axis(csecarg_b, bsel, axis=1)[:, 0, :]
    gsec = jnp.maximum(other, insec)
    gsecarg = jnp.where(insec >= other, insecarg, oarg)

    iou_max, ioarg_p, gm, garg_sel = _fixup(
        iou_max0, ioarg0, rs, rsarg, gm0, garg0, gsec, gsecarg,
        anchors, annotations, nb, G)

    valid = annotations[:, :, 5] != -1.0
    force = (valid & (gm < IOU_THRES)).astype(jnp.int32)
    ioumax = iou_max.reshape(N * nb, 1, BLK)
    ioarg = ioarg_p.reshape(N * nb, 1, BLK)

    partial = _pcall(
        functools.partial(_loss_kernel, nb, G, C),
        grid=(N * nb,),
        in_specs=[
            pl.BlockSpec((1, C, BLK), lambda i: (i // nb, 0, i % nb)),
            pl.BlockSpec((1, 5, BLK), lambda i: (i // nb, 0, i % nb)),
            pl.BlockSpec((1, 5, BLK), lambda i: (i // nb, 0, i % nb)),
            pl.BlockSpec((1, G, 6), lambda i: (i // nb, 0, 0)),
            pl.BlockSpec((1, 1, BLK), lambda i: (i, 0, 0)),
            pl.BlockSpec((1, 1, BLK), lambda i: (i, 0, 0)),
            pl.BlockSpec((1, G, 1), lambda i: (i // nb, 0, 0)),
            pl.BlockSpec((1, G, 1), lambda i: (i // nb, 0, 0)),
        ],
        out_specs=pl.BlockSpec((1, 1, 128), lambda i: (i, 0, 0)),
        out_shape=jax.ShapeDtypeStruct((N * nb, 1, 128), f32),
    )(cls_t, reg_t, anc_t, annotations, ioumax, ioarg,
      force.reshape(N, G, 1), garg_sel.reshape(N, G, 1))

    p = jnp.sum(partial.reshape(N, nb, 128), axis=1)
    cls_sum = p[:, 0]
    reg_sum = p[:, 1]
    npos = p[:, 2]
    cls_loss = cls_sum / jnp.maximum(npos, 1.0)
    reg_loss = jnp.where(npos > 0.0,
                         reg_sum / jnp.maximum(npos * 5.0, 1.0), 0.0)
    any_valid = jnp.any(valid, axis=1)
    cls_loss = jnp.where(any_valid, cls_loss, 0.0)
    reg_loss = jnp.where(any_valid, reg_loss, 0.0)
    return (jnp.mean(cls_loss, keepdims=True),
            jnp.mean(reg_loss, keepdims=True))

# --- scband reference (transcript-rebuilt; emitter-appended) ---
"""Pipeline reference for scband-integrated-loss-60962765799808 (READ-ONLY COPY).

The authoritative reference and input builder live on the scoring server;
editing this copy changes nothing except your own understanding.
"""

import jax, jax.numpy as jnp
import numpy as np

ALPHA = 0.25
GAMMA = 2.0
IOU_THRES = 0.5
BETA = 1.0 / 9.0

def rbox_corners(rb):
    cx, cy, w, h, a = rb[0], rb[1], rb[2], rb[3], rb[4]
    c, s = jnp.cos(a), jnp.sin(a)
    dx = jnp.array([-0.5, 0.5, 0.5, -0.5]) * w
    dy = jnp.array([-0.5, -0.5, 0.5, 0.5]) * h
    xs = cx + dx * c - dy * s
    ys = cy + dx * s + dy * c
    return jnp.stack([xs, ys], axis=1)

def quad_intersect_area(P, Q):
    eps = 1e-9
    def inside(pts, poly):
        a = poly
        b = jnp.roll(poly, -1, axis=0)
        e = b - a
        d = pts[:, None, :] - a[None, :, :]
        cr = e[None, :, 0] * d[:, :, 1] - e[None, :, 1] * d[:, :, 0]
        return jnp.all(cr >= -1e-6, axis=1)
    m1 = inside(P, Q)
    m2 = inside(Q, P)
    p1 = P
    p2 = jnp.roll(P, -1, axis=0)
    q1 = Q
    q2 = jnp.roll(Q, -1, axis=0)
    r = (p2 - p1)[:, None, :]
    s = (q2 - q1)[None, :, :]
    qp = q1[None, :, :] - p1[:, None, :]
    denom = r[..., 0] * s[..., 1] - r[..., 1] * s[..., 0]
    dsafe = jnp.where(jnp.abs(denom) < eps, 1.0, denom)
    t = (qp[..., 0] * s[..., 1] - qp[..., 1] * s[..., 0]) / dsafe
    u = (qp[..., 0] * r[..., 1] - qp[..., 1] * r[..., 0]) / dsafe
    mi = (jnp.abs(denom) > eps) & (t >= -1e-6) & (t <= 1.0 + 1e-6) & (u >= -1e-6) & (u <= 1.0 + 1e-6)
    pint = p1[:, None, :] + t[..., None] * r
    pts = jnp.concatenate([P, Q, pint.reshape(16, 2)], axis=0)
    mask = jnp.concatenate([m1, m2, mi.reshape(16)], axis=0)
    cnt = jnp.sum(mask)
    ctr = jnp.sum(pts * mask[:, None].astype(pts.dtype), axis=0) / jnp.maximum(cnt, 1).astype(pts.dtype)
    ang = jnp.arctan2(pts[:, 1] - ctr[1], pts[:, 0] - ctr[0])
    ang = jnp.where(mask, ang, 1e9)
    order = jnp.argsort(ang)
    sp = pts[order]
    sm = mask[order]
    first = sp[0]
    sp = jnp.where(sm[:, None], sp, first[None, :])
    nxt = jnp.roll(sp, -1, axis=0)
    area2 = jnp.sum(sp[:, 0] * nxt[:, 1] - nxt[:, 0] * sp[:, 1])
    area = 0.5 * jnp.abs(area2)
    return jnp.where(cnt >= 3, area, 0.0)

def min_area_square(rboxes):
    s = jnp.maximum(rboxes[:, 2], rboxes[:, 3])
    return jnp.stack([rboxes[:, 0] - s * 0.5, rboxes[:, 1] - s * 0.5, rboxes[:, 0] + s * 0.5, rboxes[:, 1] + s * 0.5], axis=1)

def bbox_overlaps(boxes, query):
    lt = jnp.maximum(boxes[:, None, :2], query[None, :, :2])
    rb = jnp.minimum(boxes[:, None, 2:], query[None, :, 2:])
    wh = jnp.clip(rb - lt, 0.0, None)
    inter = wh[..., 0] * wh[..., 1]
    area_a = (boxes[:, 2] - boxes[:, 0]) * (boxes[:, 3] - boxes[:, 1])
    area_b = (query[:, 2] - query[:, 0]) * (query[:, 3] - query[:, 1])
    return inter / (area_a[:, None] + area_b[None, :] - inter + 1e-9)

def rbox_overlaps(anchors, gts, indicator, thresh=0.1):
    A = anchors.shape[0]
    G = gts.shape[0]
    gcor = jax.vmap(rbox_corners)(gts)
    chunk = 256
    anc = anchors.reshape(A // chunk, chunk, 5)
    def chunk_fn(ac):
        acor = jax.vmap(rbox_corners)(ac)
        return jax.vmap(lambda P: jax.vmap(lambda Q: quad_intersect_area(P, Q))(gcor))(acor)
    inter = jax.lax.map(chunk_fn, anc).reshape(A, G)
    area_a = anchors[:, 2] * anchors[:, 3]
    area_g = gts[:, 2] * gts[:, 3]
    iou = inter / (area_a[:, None] + area_g[None, :] - inter + 1e-9)
    return jnp.where(indicator > thresh, iou, 0.0)

def box_encode(ex, gt):
    dx = (gt[:, 0] - ex[:, 0]) / ex[:, 2]
    dy = (gt[:, 1] - ex[:, 1]) / ex[:, 3]
    dw = jnp.log(jnp.maximum(gt[:, 2], 1e-6) / ex[:, 2])
    dh = jnp.log(jnp.maximum(gt[:, 3], 1e-6) / ex[:, 3])
    dt = gt[:, 4] - ex[:, 4]
    return jnp.stack([dx, dy, dw, dh, dt], axis=1)

def per_image(classification, regression, anchor, annot):
    valid = annot[:, -1] != -1.0
    any_valid = jnp.any(valid)
    cls = jnp.clip(classification, 0.0001, 1.0 - 0.0001)
    indicator = bbox_overlaps(min_area_square(anchor), min_area_square(annot[:, :5]))
    ious = rbox_overlaps(anchor, annot[:, :5], indicator, 0.1)
    ious = jax.lax.stop_gradient(jnp.where(valid[None, :], ious, -1.0))
    iou_max = jnp.max(ious, axis=1)
    iou_argmax = jnp.argmax(ious, axis=1)
    positive = iou_max >= IOU_THRES
    max_gt = jnp.max(ious, axis=0)
    argmax_gt = jnp.argmax(ious, axis=0)
    force = (valid & (max_gt < IOU_THRES)).astype(jnp.int32)
    pos_i = positive.astype(jnp.int32).at[argmax_gt].max(force)
    positive = pos_i > 0
    assigned = annot[iou_argmax]
    cls_t = -jnp.ones_like(cls)
    cls_t = jnp.where((iou_max < IOU_THRES - 0.1)[:, None], 0.0, cls_t)
    cls_t = jnp.where(positive[:, None], 0.0, cls_t)
    onehot = jax.nn.one_hot(assigned[:, -1].astype(jnp.int32), cls.shape[1], dtype=cls.dtype)
    cls_t = jnp.where(positive[:, None] & (onehot > 0.5), 1.0, cls_t)
    num_pos = jnp.sum(positive)
    alpha_factor = jnp.where(cls_t == 1.0, ALPHA, 1.0 - ALPHA)
    focal_w = jnp.where(cls_t == 1.0, 1.0 - cls, cls)
    focal_w = alpha_factor * focal_w ** GAMMA
    bce = -(cls_t * jnp.log(cls + 1e-6) + (1.0 - cls_t) * jnp.log(1.0 - cls + 1e-6))
    cls_loss = jnp.where(cls_t != -1.0, focal_w * bce, 0.0)
    cls_loss = jnp.sum(cls_loss) / jnp.maximum(num_pos.astype(cls.dtype), 1.0)
    reg_t = box_encode(anchor, assigned[:, :5])
    diff = jnp.abs(regression - reg_t)
    l = jnp.where(diff < BETA, 0.5 * diff * diff / BETA, diff - 0.5 * BETA)
    l = jnp.where(positive[:, None], l, 0.0)
    reg_loss = jnp.where(num_pos > 0, jnp.sum(l) / jnp.maximum(num_pos.astype(cls.dtype) * regression.shape[1], 1.0), 0.0)
    cls_loss = jnp.where(any_valid, cls_loss, 0.0)
    reg_loss = jnp.where(any_valid, reg_loss, 0.0)
    return cls_loss, reg_loss

def _forward(classifications, regressions, anchors, annotations):
    cls_losses = []
    reg_losses = []
    for j in range(classifications.shape[0]):
        cl, rl = per_image(classifications[j], regressions[j], anchors[j], annotations[j])
        cls_losses.append(cl)
        reg_losses.append(rl)
    loss_cls = jnp.mean(jnp.stack(cls_losses), axis=0, keepdims=True)
    loss_reg = jnp.mean(jnp.stack(reg_losses), axis=0, keepdims=True)
    return loss_cls, loss_reg

def setup_inputs(seed: int = 0):
    key = jax.random.key(seed)
    ks = jax.random.split(key, 12)
    N, A, G, C = 2, 16384, 24, 15
    cx = jax.random.uniform(ks[0], (N, A)) * 1024.0
    cy = jax.random.uniform(ks[1], (N, A)) * 1024.0
    w = jax.random.uniform(ks[2], (N, A)) * 96.0 + 16.0
    h = jax.random.uniform(ks[3], (N, A)) * 96.0 + 16.0
    th = (jax.random.uniform(ks[4], (N, A)) - 0.5) * (np.pi / 2)
    anchors = jnp.stack([cx, cy, w, h, th], axis=2)
    gcx = jax.random.uniform(ks[5], (N, G)) * 1024.0
    gcy = jax.random.uniform(ks[6], (N, G)) * 1024.0
    gw = jax.random.uniform(ks[7], (N, G)) * 128.0 + 32.0
    gh = jax.random.uniform(ks[8], (N, G)) * 128.0 + 32.0
    gth = (jax.random.uniform(ks[9], (N, G)) - 0.5) * (np.pi / 2)
    gcls = jax.random.randint(ks[10], (N, G), 0, C).astype(jnp.float32)
    valid = (jnp.arange(G) < 16)[None, :]
    gcls = jnp.where(valid, gcls, -1.0)
    annotations = jnp.stack([gcx, gcy, gw, gh, gth, gcls], axis=2)
    classifications = jax.random.uniform(ks[11], (N, A, C), minval=0.02, maxval=0.98)
    regressions = jax.random.normal(jax.random.fold_in(key, 7), (N, A, 5)) * 0.1
    return {'classifications': classifications, 'regressions': regressions, 'anchors': anchors, 'annotations': annotations}

def reference(classifications, regressions, anchors, annotations):
    return _forward(classifications, regressions, anchors, annotations)

if __name__ == "__main__":
    import jax
    _d = setup_inputs()
    print(jax.jit(kernel)(*tuple(_d.values())))

</pallas_src>

<mosaic_0001>
module attributes {stable_mosaic.version = 14 : i64} {
  func.func @_iou_kernel(%arg0: i32, %arg1: memref<1x5x2048xf32, #tpu.memory_space<vmem>>, %arg2: memref<1x24x6xf32, #tpu.memory_space<vmem>>, %arg3: memref<1x1x2048xf32, #tpu.memory_space<vmem>>, %arg4: memref<1x1x2048xi32, #tpu.memory_space<vmem>>, %arg5: memref<1x1x2048xf32, #tpu.memory_space<vmem>>, %arg6: memref<1x1x2048xi32, #tpu.memory_space<vmem>>, %arg7: memref<1x24x1xf32, #tpu.memory_space<vmem>>, %arg8: memref<1x24x1xi32, #tpu.memory_space<vmem>>, %arg9: memref<1x24x1xf32, #tpu.memory_space<vmem>>, %arg10: memref<1x24x1xi32, #tpu.memory_space<vmem>>) attributes {dimension_semantics = [#tpu.dimension_semantics<arbitrary>], iteration_bounds = array<i64: 16>, scalar_prefetch = 0 : i64, scratch_operands = 0 : i64, tpu.core_type = #tpu.core_type<tc>, window_params = [{transform_indices = @transform_0, window_bounds = array<i64: 1, 5, 2048>}, {transform_indices = @transform_1, window_bounds = array<i64: 1, 24, 6>}, {transform_indices = @transform_2, window_bounds = array<i64: 1, 1, 2048>}, {transform_indices = @transform_3, window_bounds = array<i64: 1, 1, 2048>}, {transform_indices = @transform_4, window_bounds = array<i64: 1, 1, 2048>}, {transform_indices = @transform_5, window_bounds = array<i64: 1, 1, 2048>}, {transform_indices = @transform_6, window_bounds = array<i64: 1, 24, 1>}, {transform_indices = @transform_7, window_bounds = array<i64: 1, 24, 1>}, {transform_indices = @transform_8, window_bounds = array<i64: 1, 24, 1>}, {transform_indices = @transform_9, window_bounds = array<i64: 1, 24, 1>}]} {
    %jit3A = arith.constant 8 : i32
    %eq3A = arith.constant 0 : i32
    %eq3A_0 = arith.cmpi eq, %jit3A, %eq3A : i32
    %jit3A_1 = arith.constant 1 : i32
    %select_n3A = arith.select %eq3A_0, %jit3A_1, %jit3A : i32
    %rem3A = arith.remsi %arg0, %select_n3A : i32
    %ne3A = arith.constant 0 : i32
    %ne3A_2 = arith.cmpi ne, %rem3A, %ne3A : i32
    %lt3A = arith.constant 0 : i32
    %lt3A_3 = arith.cmpi slt, %rem3A, %lt3A : i32
    %lt3A_4 = arith.constant 0 : i32
    %lt3A_5 = arith.cmpi slt, %select_n3A, %lt3A_4 : i32
    %ne3A_6 = arith.xori %lt3A_3, %lt3A_5 : i1
    %and3A = arith.andi %ne3A_6, %ne3A_2 : i1
    %add3A = arith.addi %rem3A, %select_n3A : i32
    %select_n3A_7 = arith.select %and3A, %add3A, %rem3A : i32
    %get3A = arith.constant 0 : index
    %get3A_8 = arith.constant 0 : index
    %get3A_9 = arith.constant 0 : index
    %get3A_10 = vector.load %arg1[%get3A, %get3A_8, %get3A_9] : memref<1x5x2048xf32, #tpu.memory_space<vmem>>, vector<1x1x2048xf32>
    %get3A_11 = vector.shape_cast %get3A_10 : vector<1x1x2048xf32> to vector<1x2048xf32>
    %get3A_12 = arith.constant 0 : index
    %get3A_13 = arith.constant 1 : index
    %get3A_14 = arith.constant 0 : index
    %get3A_15 = vector.load %arg1[%get3A_12, %get3A_13, %get3A_14] : memref<1x5x2048xf32, #tpu.memory_space<vmem>>, vector<1x1x2048xf32>
    %get3A_16 = vector.shape_cast %get3A_15 : vector<1x1x2048xf32> to vector<1x2048xf32>
    %get3A_17 = arith.constant 0 : index
    %get3A_18 = arith.constant 2 : index
    %get3A_19 = arith.constant 0 : index
    %get3A_20 = vector.load %arg1[%get3A_17, %get3A_18, %get3A_19] : memref<1x5x2048xf32, #tpu.memory_space<vmem>>, vector<1x1x2048xf32>
    %get3A_21 = vector.shape_cast %get3A_20 : vector<1x1x2048xf32> to vector<1x2048xf32>
    %get3A_22 = arith.constant 0 : index
    %get3A_23 = arith.constant 3 : index
    %get3A_24 = arith.constant 0 : index
    %get3A_25 = vector.load %arg1[%get3A_22, %get3A_23, %get3A_24] : memref<1x5x2048xf32, #tpu.memory_space<vmem>>, vector<1x1x2048xf32>
    %get3A_26 = vector.shape_cast %get3A_25 : vector<1x1x2048xf32> to vector<1x2048xf32>
    %get3A_27 = arith.constant 0 : index
    %get3A_28 = arith.constant 4 : index
    %get3A_29 = arith.constant 0 : index
    %get3A_30 = vector.load %arg1[%get3A_27, %get3A_28, %get3A_29] : memref<1x5x2048xf32, #tpu.memory_space<vmem>>, vector<1x1x2048xf32>
    %get3A_31 = vector.shape_cast %get3A_30 : vector<1x1x2048xf32> to vector<1x2048xf32>
    %get3A_32 = arith.constant 0 : index
    %get3A_33 = arith.constant 0 : index
    %get3A_34 = arith.constant 0 : index
    %get3A_35 = vector.load %arg2[%get3A_32, %get3A_33, %get3A_34] : memref<1x24x6xf32, #tpu.memory_space<vmem>>, vector<1x24x6xf32>
    %get3A_36 = vector.shape_cast %get3A_35 : vector<1x24x6xf32> to vector<24x6xf32>
    %slice3A = vector.extract_strided_slice %get3A_36 {offsets = [0, 0], sizes = [24, 1], strides = [1, 1]} : vector<24x6xf32> to vector<24x1xf32>
    %slice3A_37 = vector.extract_strided_slice %get3A_36 {offsets = [0, 1], sizes = [24, 1], strides = [1, 1]} : vector<24x6xf32> to vector<24x1xf32>
    %slice3A_38 = vector.extract_strided_slice %get3A_36 {offsets = [0, 2], sizes = [24, 1], strides = [1, 1]} : vector<24x6xf32> to vector<24x1xf32>
    %slice3A_39 = vector.extract_strided_slice %get3A_36 {offsets = [0, 3], sizes = [24, 1], strides = [1, 1]} : vector<24x6xf32> to vector<24x1xf32>
    %slice3A_40 = vector.extract_strided_slice %get3A_36 {offsets = [0, 4], sizes = [24, 1], strides = [1, 1]} : vector<24x6xf32> to vector<24x1xf32>
    %slice3A_41 = vector.extract_strided_slice %get3A_36 {offsets = [0, 5], sizes = [24, 1], strides = [1, 1]} : vector<24x6xf32> to vector<24x1xf32>
    %max3A = arith.maximumf %get3A_21, %get3A_26 : vector<1x2048xf32>
    %max3A_42 = arith.maximumf %slice3A_38, %slice3A_39 : vector<24x1xf32>
    %mul3A = arith.constant 5.000000e-01 : f32
    %mul3A_43 = vector.broadcast %mul3A : f32 to vector<1x2048xf32>
    %mul3A_44 = arith.mulf %max3A, %mul3A_43 : vector<1x2048xf32>
    %sub3A = arith.subf %get3A_11, %mul3A_44 : vector<1x2048xf32>
    %mul3A_45 = arith.constant 5.000000e-01 : f32
    %mul3A_46 = vector.broadcast %mul3A_45 : f32 to vector<1x2048xf32>
    %mul3A_47 = arith.mulf %max3A, %mul3A_46 : vector<1x2048xf32>
    %sub3A_48 = arith.subf %get3A_16, %mul3A_47 : vector<1x2048xf32>
    %mul3A_49 = arith.constant 5.000000e-01 : f32
    %mul3A_50 = vector.broadcast %mul3A_49 : f32 to vector<1x2048xf32>
    %mul3A_51 = arith.mulf %max3A, %mul3A_50 : vector<1x2048xf32>
    %add3A_52 = arith.addf %get3A_11, %mul3A_51 : vector<1x2048xf32>
    %mul3A_53 = arith.constant 5.000000e-01 : f32
    %mul3A_54 = vector.broadcast %mul3A_53 : f32 to vector<1x2048xf32>
    %mul3A_55 = arith.mulf %max3A, %mul3A_54 : vector<1x2048xf32>
    %add3A_56 = arith.addf %get3A_16, %mul3A_55 : vector<1x2048xf32>
    %mul3A_57 = arith.constant 5.000000e-01 : f32
    %mul3A_58 = vector.broadcast %mul3A_57 : f32 to vector<24x1xf32>
    %mul3A_59 = arith.mulf %max3A_42, %mul3A_58 : vector<24x1xf32>
    %sub3A_60 = arith.subf %slice3A, %mul3A_59 : vector<24x1xf32>
    %mul3A_61 = arith.constant 5.000000e-01 : f32
    %mul3A_62 = vector.broadcast %mul3A_61 : f32 to vector<24x1xf32>
    %mul3A_63 = arith.mulf %max3A_42, %mul3A_62 : vector<24x1xf32>
    %sub3A_64 = arith.subf %slice3A_37, %mul3A_63 : vector<24x1xf32>
    %mul3A_65 = arith.constant 5.000000e-01 : f32
    %mul3A_66 = vector.broadcast %mul3A_65 : f32 to vector<24x1xf32>
    %mul3A_67 = arith.mulf %max3A_42, %mul3A_66 : vector<24x1xf32>
    %add3A_68 = arith.addf %slice3A, %mul3A_67 : vector<24x1xf32>
    %mul3A_69 = arith.constant 5.000000e-01 : f32
    %mul3A_70 = vector.broadcast %mul3A_69 : f32 to vector<24x1xf32>
    %mul3A_71 = arith.mulf %max3A_42, %mul3A_70 : vector<24x1xf32>
    %add3A_72 = arith.addf %slice3A_37, %mul3A_71 : vector<24x1xf32>
    %min3A = vector.broadcast %add3A_52 : vector<1x2048xf32> to vector<24x2048xf32>
    %min3A_73 = vector.broadcast %add3A_68 : vector<24x1xf32> to vector<24x2048xf32>
    %min3A_74 = arith.minimumf %min3A, %min3A_73 : vector<24x2048xf32>
    %max3A_75 = vector.broadcast %sub3A : vector<1x2048xf32> to vector<24x2048xf32>
    %max3A_76 = vector.broadcast %sub3A_60 : vector<24x1xf32> to vector<24x2048xf32>
    %max3A_77 = arith.maximumf %max3A_75, %max3A_76 : vector<24x2048xf32>
    %sub3A_78 = arith.subf %min3A_74, %max3A_77 : vector<24x2048xf32>
    %jit3A_79 = arith.constant 0.000000e+00 : f32
    %max3A_80 = vector.broadcast %jit3A_79 : f32 to vector<24x2048xf32>
    %max3A_81 = arith.maximumf %max3A_80, %sub3A_78 : vector<24x2048xf32>
    %min3A_82 = vector.broadcast %add3A_56 : vector<1x2048xf32> to vector<24x2048xf32>
    %min3A_83 = vector.broadcast %add3A_72 : vector<24x1xf32> to vector<24x2048xf32>
    %min3A_84 = arith.minimumf %min3A_82, %min3A_83 : vector<24x2048xf32>
    %max3A_85 = vector.broadcast %sub3A_48 : vector<1x2048xf32> to vector<24x2048xf32>
    %max3A_86 = vector.broadcast %sub3A_64 : vector<24x1xf32> to vector<24x2048xf32>
    %max3A_87 = arith.maximumf %max3A_85, %max3A_86 : vector<24x2048xf32>
    %sub3A_88 = arith.subf %min3A_84, %max3A_87 : vector<24x2048xf32>
    %jit3A_89 = arith.constant 0.000000e+00 : f32
    %max3A_90 = vector.broadcast %jit3A_89 : f32 to vector<24x2048xf32>
    %max3A_91 = arith.maximumf %max3A_90, %sub3A_88 : vector<24x2048xf32>
    %mul3A_92 = arith.mulf %max3A_81, %max3A_91 : vector<24x2048xf32>
    %sub3A_93 = arith.subf %add3A_52, %sub3A : vector<1x2048xf32>
    %sub3A_94 = arith.subf %add3A_56, %sub3A_48 : vector<1x2048xf32>
    %mul3A_95 = arith.mulf %sub3A_93, %sub3A_94 : vector<1x2048xf32>
    %sub3A_96 = arith.subf %add3A_68, %sub3A_60 : vector<24x1xf32>
    %sub3A_97 = arith.subf %add3A_72, %sub3A_64 : vector<24x1xf32>
    %mul3A_98 = arith.mulf %sub3A_96, %sub3A_97 : vector<24x1xf32>
    %add3A_99 = vector.broadcast %mul3A_95 : vector<1x2048xf32> to vector<24x2048xf32>
    %add3A_100 = vector.broadcast %mul3A_98 : vector<24x1xf32> to vector<24x2048xf32>
    %add3A_101 = arith.addf %add3A_99, %add3A_100 : vector<24x2048xf32>
    %sub3A_102 = arith.subf %add3A_101, %mul3A_92 : vector<24x2048xf32>
    %add3A_103 = arith.constant 9.99999971E-10 : f32
    %add3A_104 = vector.broadcast %add3A_103 : f32 to vector<24x2048xf32>
    %add3A_105 = arith.addf %sub3A_102, %add3A_104 : vector<24x2048xf32>
    %div3A = arith.divf %mul3A_92, %add3A_105 : vector<24x2048xf32>
    %cos3A = math.cos %get3A_31 : vector<1x2048xf32>
    %sin3A = math.sin %get3A_31 : vector<1x2048xf32>
    %mul3A_106 = arith.constant -5.000000e-01 : f32
    %mul3A_107 = vector.broadcast %mul3A_106 : f32 to vector<1x2048xf32>
    %mul3A_108 = arith.mulf %mul3A_107, %get3A_21 : vector<1x2048xf32>
    %mul3A_109 = arith.mulf %mul3A_108, %cos3A : vector<1x2048xf32>
    %add3A_110 = arith.addf %get3A_11, %mul3A_109 : vector<1x2048xf32>
    %mul3A_111 = arith.constant -5.000000e-01 : f32
    %mul3A_112 = vector.broadcast %mul3A_111 : f32 to vector<1x2048xf32>
    %mul3A_113 = arith.mulf %mul3A_112, %get3A_26 : vector<1x2048xf32>
    %mul3A_114 = arith.mulf %mul3A_113, %sin3A : vector<1x2048xf32>
    %sub3A_115 = arith.subf %add3A_110, %mul3A_114 : vector<1x2048xf32>
    %mul3A_116 = arith.constant 5.000000e-01 : f32
    %mul3A_117 = vector.broadcast %mul3A_116 : f32 to vector<1x2048xf32>
    %mul3A_118 = arith.mulf %mul3A_117, %get3A_21 : vector<1x2048xf32>
    %mul3A_119 = arith.mulf %mul3A_118, %cos3A : vector<1x2048xf32>
    %add3A_120 = arith.addf %get3A_11, %mul3A_119 : vector<1x2048xf32>
    %mul3A_121 = arith.constant -5.000000e-01 : f32
    %mul3A_122 = vector.broadcast %mul3A_121 : f32 to vector<1x2048xf32>
    %mul3A_123 = arith.mulf %mul3A_122, %get3A_26 : vector<1x2048xf32>
    %mul3A_124 = arith.mulf %mul3A_123, %sin3A : vector<1x2048xf32>
    %sub3A_125 = arith.subf %add3A_120, %mul3A_124 : vector<1x2048xf32>
    %mul3A_126 = arith.constant 5.000000e-01 : f32
    %mul3A_127 = vector.broadcast %mul3A_126 : f32 to vector<1x2048xf32>
    %mul3A_128 = arith.mulf %mul3A_127, %get3A_21 : vector<1x2048xf32>
    %mul3A_129 = arith.mulf %mul3A_128, %cos3A : vector<1x2048xf32>
    %add3A_130 = arith.addf %get3A_11, %mul3A_129 : vector<1x2048xf32>
    %mul3A_131 = arith.constant 5.000000e-01 : f32
    %mul3A_132 = vector.broadcast %mul3A_131 : f32 to vector<1x2048xf32>
    %mul3A_133 = arith.mulf %mul3A_132, %get3A_26 : vector<1x2048xf32>
    %mul3A_134 = arith.mulf %mul3A_133, %sin3A : vector<1x2048xf32>
    %sub3A_135 = arith.subf %add3A_130, %mul3A_134 : vector<1x2048xf32>
    %mul3A_136 = arith.constant -5.000000e-01 : f32
    %mul3A_137 = vector.broadcast %mul3A_136 : f32 to vector<1x2048xf32>
    %mul3A_138 = arith.mulf %mul3A_137, %get3A_21 : vector<1x2048xf32>
    %mul3A_139 = arith.mulf %mul3A_138, %cos3A : vector<1x2048xf32>
    %add3A_140 = arith.addf %get3A_11, %mul3A_139 : vector<1x2048xf32>
    %mul3A_141 = arith.constant 5.000000e-01 : f32
    %mul3A_142 = vector.broadcast %mul3A_141 : f32 to vector<1x2048xf32>
    %mul3A_143 = arith.mulf %mul3A_142, %get3A_26 : vector<1x2048xf32>
    %mul3A_144 = arith.mulf %mul3A_143, %sin3A : vector<1x2048xf32>
    %sub3A_145 = arith.subf %add3A_140, %mul3A_144 : vector<1x2048xf32>
    %mul3A_146 = arith.constant -5.000000e-01 : f32
    %mul3A_147 = vector.broadcast %mul3A_146 : f32 to vector<1x2048xf32>
    %mul3A_148 = arith.mulf %mul3A_147, %get3A_21 : vector<1x2048xf32>
    %mul3A_149 = arith.mulf %mul3A_148, %sin3A : vector<1x2048xf32>
    %add3A_150 = arith.addf %get3A_16, %mul3A_149 : vector<1x2048xf32>
    %mul3A_151 = arith.constant -5.000000e-01 : f32
    %mul3A_152 = vector.broadcast %mul3A_151 : f32 to vector<1x2048xf32>
    %mul3A_153 = arith.mulf %mul3A_152, %get3A_26 : vector<1x2048xf32>
    %mul3A_154 = arith.mulf %mul3A_153, %cos3A : vector<1x2048xf32>
    %add3A_155 = arith.addf %add3A_150, %mul3A_154 : vector<1x2048xf32>
    %mul3A_156 = arith.constant 5.000000e-01 : f32
    %mul3A_157 = vector.broadcast %mul3A_156 : f32 to vector<1x2048xf32>
    %mul3A_158 = arith.mulf %mul3A_157, %get3A_21 : vector<1x2048xf32>
    %mul3A_159 = arith.mulf %mul3A_158, %sin3A : vector<1x2048xf32>
    %add3A_160 = arith.addf %get3A_16, %mul3A_159 : vector<1x2048xf32>
    %mul3A_161 = arith.constant -5.000000e-01 : f32
    %mul3A_162 = vector.broadcast %mul3A_161 : f32 to vector<1x2048xf32>
    %mul3A_163 = arith.mulf %mul3A_162, %get3A_26 : vector<1x2048xf32>
    %mul3A_164 = arith.mulf %mul3A_163, %cos3A : vector<1x2048xf32>
    %add3A_165 = arith.addf %add3A_160, %mul3A_164 : vector<1x2048xf32>
    %mul3A_166 = arith.constant 5.000000e-01 : f32
    %mul3A_167 = vector.broadcast %mul3A_166 : f32 to vector<1x2048xf32>
    %mul3A_168 = arith.mulf %mul3A_167, %get3A_21 : vector<1x2048xf32>
    %mul3A_169 = arith.mulf %mul3A_168, %sin3A : vector<1x2048xf32>
    %add3A_170 = arith.addf %get3A_16, %mul3A_169 : vector<1x2048xf32>
    %mul3A_171 = arith.constant 5.000000e-01 : f32
    %mul3A_172 = vector.broadcast %mul3A_171 : f32 to vector<1x2048xf32>
    %mul3A_173 = arith.mulf %mul3A_172, %get3A_26 : vector<1x2048xf32>
    %mul3A_174 = arith.mulf %mul3A_173, %cos3A : vector<1x2048xf32>
    %add3A_175 = arith.addf %add3A_170, %mul3A_174 : vector<1x2048xf32>
    %mul3A_176 = arith.constant -5.000000e-01 : f32
    %mul3A_177 = vector.broadcast %mul3A_176 : f32 to vector<1x2048xf32>
    %mul3A_178 = arith.mulf %mul3A_177, %get3A_21 : vector<1x2048xf32>
    %mul3A_179 = arith.mulf %mul3A_178, %sin3A : vector<1x2048xf32>
    %add3A_180 = arith.addf %get3A_16, %mul3A_179 : vector<1x2048xf32>
    %mul3A_181 = arith.constant 5.000000e-01 : f32
    %mul3A_182 = vector.broadcast %mul3A_181 : f32 to vector<1x2048xf32>
    %mul3A_183 = arith.mulf %mul3A_182, %get3A_26 : vector<1x2048xf32>
    %mul3A_184 = arith.mulf %mul3A_183, %cos3A : vector<1x2048xf32>
    %add3A_185 = arith.addf %add3A_180, %mul3A_184 : vector<1x2048xf32>
    %cos3A_186 = math.cos %slice3A_40 : vector<24x1xf32>
    %sin3A_187 = math.sin %slice3A_40 : vector<24x1xf32>
    %mul3A_188 = arith.constant -5.000000e-01 : f32
    %mul3A_189 = vector.broadcast %mul3A_188 : f32 to vector<24x1xf32>
    %mul3A_190 = arith.mulf %mul3A_189, %slice3A_38 : vector<24x1xf32>
    %mul3A_191 = arith.mulf %mul3A_190, %cos3A_186 : vector<24x1xf32>
    %add3A_192 = arith.addf %slice3A, %mul3A_191 : vector<24x1xf32>
    %mul3A_193 = arith.constant -5.000000e-01 : f32
    %mul3A_194 = vector.broadcast %mul3A_193 : f32 to vector<24x1xf32>
    %mul3A_195 = arith.mulf %mul3A_194, %slice3A_39 : vector<24x1xf32>
    %mul3A_196 = arith.mulf %mul3A_195, %sin3A_187 : vector<24x1xf32>
    %sub3A_197 = arith.subf %add3A_192, %mul3A_196 : vector<24x1xf32>
    %mul3A_198 = arith.constant 5.000000e-01 : f32
    %mul3A_199 = vector.broadcast %mul3A_198 : f32 to vector<24x1xf32>
    %mul3A_200 = arith.mulf %mul3A_199, %slice3A_38 : vector<24x1xf32>
    %mul3A_201 = arith.mulf %mul3A_200, %cos3A_186 : vector<24x1xf32>
    %add3A_202 = arith.addf %slice3A, %mul3A_201 : vector<24x1xf32>
    %mul3A_203 = arith.constant -5.000000e-01 : f32
    %mul3A_204 = vector.broadcast %mul3A_203 : f32 to vector<24x1xf32>
    %mul3A_205 = arith.mulf %mul3A_204, %slice3A_39 : vector<24x1xf32>
    %mul3A_206 = arith.mulf %mul3A_205, %sin3A_187 : vector<24x1xf32>
    %sub3A_207 = arith.subf %add3A_202, %mul3A_206 : vector<24x1xf32>
    %mul3A_208 = arith.constant 5.000000e-01 : f32
    %mul3A_209 = vector.broadcast %mul3A_208 : f32 to vector<24x1xf32>
    %mul3A_210 = arith.mulf %mul3A_209, %slice3A_38 : vector<24x1xf32>
    %mul3A_211 = arith.mulf %mul3A_210, %cos3A_186 : vector<24x1xf32>
    %add3A_212 = arith.addf %slice3A, %mul3A_211 : vector<24x1xf32>
    %mul3A_213 = arith.constant 5.000000e-01 : f32
    %mul3A_214 = vector.broadcast %mul3A_213 : f32 to vector<24x1xf32>
    %mul3A_215 = arith.mulf %mul3A_214, %slice3A_39 : vector<24x1xf32>
    %mul3A_216 = arith.mulf %mul3A_215, %sin3A_187 : vector<24x1xf32>
    %sub3A_217 = arith.subf %add3A_212, %mul3A_216 : vector<24x1xf32>
    %mul3A_218 = arith.constant -5.000000e-01 : f32
    %mul3A_219 = vector.broadcast %mul3A_218 : f32 to vector<24x1xf32>
    %mul3A_220 = arith.mulf %mul3A_219, %slice3A_38 : vector<24x1xf32>
    %mul3A_221 = arith.mulf %mul3A_220, %cos3A_186 : vector<24x1xf32>
    %add3A_222 = arith.addf %slice3A, %mul3A_221 : vector<24x1xf32>
    %mul3A_223 = arith.constant 5.000000e-01 : f32
    %mul3A_224 = vector.broadcast %mul3A_223 : f32 to vector<24x1xf32>
    %mul3A_225 = arith.mulf %mul3A_224, %slice3A_39 : vector<24x1xf32>
    %mul3A_226 = arith.mulf %mul3A_225, %sin3A_187 : vector<24x1xf32>
    %sub3A_227 = arith.subf %add3A_222, %mul3A_226 : vector<24x1xf32>
    %mul3A_228 = arith.constant -5.000000e-01 : f32
    %mul3A_229 = vector.broadcast %mul3A_228 : f32 to vector<24x1xf32>
    %mul3A_230 = arith.mulf %mul3A_229, %slice3A_38 : vector<24x1xf32>
    %mul3A_231 = arith.mulf %mul3A_230, %sin3A_187 : vector<24x1xf32>
    %add3A_232 = arith.addf %slice3A_37, %mul3A_231 : vector<24x1xf32>
    %mul3A_233 = arith.constant -5.000000e-01 : f32
    %mul3A_234 = vector.broadcast %mul3A_233 : f32 to vector<24x1xf32>
    %mul3A_235 = arith.mulf %mul3A_234, %slice3A_39 : vector<24x1xf32>
    %mul3A_236 = arith.mulf %mul3A_235, %cos3A_186 : vector<24x1xf32>
    %add3A_237 = arith.addf %add3A_232, %mul3A_236 : vector<24x1xf32>
    %mul3A_238 = arith.constant 5.000000e-01 : f32
    %mul3A_239 = vector.broadcast %mul3A_238 : f32 to vector<24x1xf32>
    %mul3A_240 = arith.mulf %mul3A_239, %slice3A_38 : vector<24x1xf32>
    %mul3A_241 = arith.mulf %mul3A_240, %sin3A_187 : vector<24x1xf32>
    %add3A_242 = arith.addf %slice3A_37, %mul3A_241 : vector<24x1xf32>
    %mul3A_243 = arith.constant -5.000000e-01 : f32
    %mul3A_244 = vector.broadcast %mul3A_243 : f32 to vector<24x1xf32>
    %mul3A_245 = arith.mulf %mul3A_244, %slice3A_39 : vector<24x1xf32>
    %mul3A_246 = arith.mulf %mul3A_245, %cos3A_186 : vector<24x1xf32>
    %add3A_247 = arith.addf %add3A_242, %mul3A_246 : vector<24x1xf32>
    %mul3A_248 = arith.constant 5.000000e-01 : f32
    %mul3A_249 = vector.broadcast %mul3A_248 : f32 to vector<24x1xf32>
    %mul3A_250 = arith.mulf %mul3A_249, %slice3A_38 : vector<24x1xf32>
    %mul3A_251 = arith.mulf %mul3A_250, %sin3A_187 : vector<24x1xf32>
    %add3A_252 = arith.addf %slice3A_37, %mul3A_251 : vector<24x1xf32>
    %mul3A_253 = arith.constant 5.000000e-01 : f32
    %mul3A_254 = vector.broadcast %mul3A_253 : f32 to vector<24x1xf32>
    %mul3A_255 = arith.mulf %mul3A_254, %slice3A_39 : vector<24x1xf32>
    %mul3A_256 = arith.mulf %mul3A_255, %cos3A_186 : vector<24x1xf32>
    %add3A_257 = arith.addf %add3A_252, %mul3A_256 : vector<24x1xf32>
    %mul3A_258 = arith.constant -5.000000e-01 : f32
    %mul3A_259 = vector.broadcast %mul3A_258 : f32 to vector<24x1xf32>
    %mul3A_260 = arith.mulf %mul3A_259, %slice3A_38 : vector<24x1xf32>
    %mul3A_261 = arith.mulf %mul3A_260, %sin3A_187 : vector<24x1xf32>
    %add3A_262 = arith.addf %slice3A_37, %mul3A_261 : vector<24x1xf32>
    %mul3A_263 = arith.constant 5.000000e-01 : f32
    %mul3A_264 = vector.broadcast %mul3A_263 : f32 to vector<24x1xf32>
    %mul3A_265 = arith.mulf %mul3A_264, %slice3A_39 : vector<24x1xf32>
    %mul3A_266 = arith.mulf %mul3A_265, %cos3A_186 : vector<24x1xf32>
    %add3A_267 = arith.addf %add3A_262, %mul3A_266 : vector<24x1xf32>
    %broadcast_in_dim3A = arith.constant 0.000000e+00 : f32
    %broadcast_in_dim3A_268 = vector.broadcast %broadcast_in_dim3A : f32 to vector<24x2048xf32>
    %sub3A_269 = arith.subf %sub3A_125, %sub3A_115 : vector<1x2048xf32>
    %sub3A_270 = arith.subf %add3A_165, %add3A_155 : vector<1x2048xf32>
    %broadcast_in_dim3A_271 = arith.constant 0.000000e+00 : f32
    %broadcast_in_dim3A_272 = vector.broadcast %broadcast_in_dim3A_271 : f32 to vector<24x2048xf32>
    %broadcast_in_dim3A_273 = arith.constant 1.000000e+00 : f32
    %broadcast_in_dim3A_274 = vector.broadcast %broadcast_in_dim3A_273 : f32 to vector<24x2048xf32>
    %broadcast_in_dim3A_275 = arith.constant true
    %broadcast_in_dim3A_276 = vector.broadcast %broadcast_in_dim3A_275 : i1 to vector<24x2048xi1>
    %sub3A_277 = arith.subf %sub3A_207, %sub3A_197 : vector<24x1xf32>
    %sub3A_278 = arith.subf %add3A_247, %add3A_237 : vector<24x1xf32>
    %sub3A_279 = vector.broadcast %add3A_155 : vector<1x2048xf32> to vector<24x2048xf32>
    %sub3A_280 = vector.broadcast %add3A_237 : vector<24x1xf32> to vector<24x2048xf32>
    %sub3A_281 = arith.subf %sub3A_279, %sub3A_280 : vector<24x2048xf32>
    %mul3A_282 = vector.broadcast %sub3A_277 : vector<24x1xf32> to vector<24x2048xf32>
    %mul3A_283 = arith.mulf %mul3A_282, %sub3A_281 : vector<24x2048xf32>
    %sub3A_284 = vector.broadcast %sub3A_115 : vector<1x2048xf32> to vector<24x2048xf32>
    %sub3A_285 = vector.broadcast %sub3A_197 : vector<24x1xf32> to vector<24x2048xf32>
    %sub3A_286 = arith.subf %sub3A_284, %sub3A_285 : vector<24x2048xf32>
    %mul3A_287 = vector.broadcast %sub3A_278 : vector<24x1xf32> to vector<24x2048xf32>
    %mul3A_288 = arith.mulf %mul3A_287, %sub3A_286 : vector<24x2048xf32>
    %sub3A_289 = arith.subf %mul3A_283, %mul3A_288 : vector<24x2048xf32>
    %mul3A_290 = vector.broadcast %sub3A_277 : vector<24x1xf32> to vector<24x2048xf32>
    %mul3A_291 = vector.broadcast %sub3A_270 : vector<1x2048xf32> to vector<24x2048xf32>
    %mul3A_292 = arith.mulf %mul3A_290, %mul3A_291 : vector<24x2048xf32>
    %mul3A_293 = vector.broadcast %sub3A_278 : vector<24x1xf32> to vector<24x2048xf32>
    %mul3A_294 = vector.broadcast %sub3A_269 : vector<1x2048xf32> to vector<24x2048xf32>
    %mul3A_295 = arith.mulf %mul3A_293, %mul3A_294 : vector<24x2048xf32>
    %sub3A_296 = arith.subf %mul3A_292, %mul3A_295 : vector<24x2048xf32>
    %neg3A = arith.constant 0.000000e+00 : f32
    %neg3A_297 = vector.broadcast %neg3A : f32 to vector<24x2048xf32>
    %neg3A_298 = arith.subf %neg3A_297, %sub3A_289 : vector<24x2048xf32>
    %eq3A_299 = arith.constant 0.000000e+00 : f32
    %eq3A_300 = vector.broadcast %eq3A_299 : f32 to vector<24x2048xf32>
    %eq3A_301 = arith.cmpf oeq, %sub3A_296, %eq3A_300 : vector<24x2048xf32>
    %jit3A_302 = arith.constant 1.000000e+00 : f32
    %broadcast_in_dim3A_303 = vector.broadcast %jit3A_302 : f32 to vector<24x2048xf32>
    %select_n3A_304 = arith.select %eq3A_301, %broadcast_in_dim3A_303, %sub3A_296 : vector<24x2048xi1>, vector<24x2048xf32>
    %div3A_305 = arith.divf %neg3A_298, %select_n3A_304 : vector<24x2048xf32>
    %gt3A = arith.constant 0.000000e+00 : f32
    %gt3A_306 = vector.broadcast %gt3A : f32 to vector<24x2048xf32>
    %gt3A_307 = arith.cmpf ogt, %sub3A_296, %gt3A_306 : vector<24x2048xf32>
    %max3A_308 = arith.maximumf %broadcast_in_dim3A_272, %div3A_305 : vector<24x2048xf32>
    %select_n3A_309 = arith.select %gt3A_307, %max3A_308, %broadcast_in_dim3A_272 : vector<24x2048xi1>, vector<24x2048xf32>
    %lt3A_310 = arith.constant 0.000000e+00 : f32
    %lt3A_311 = vector.broadcast %lt3A_310 : f32 to vector<24x2048xf32>
    %lt3A_312 = arith.cmpf olt, %sub3A_296, %lt3A_311 : vector<24x2048xf32>
    %min3A_313 = arith.minimumf %broadcast_in_dim3A_274, %div3A_305 : vector<24x2048xf32>
    %select_n3A_314 = arith.select %lt3A_312, %min3A_313, %broadcast_in_dim3A_274 : vector<24x2048xi1>, vector<24x2048xf32>
    %ne3A_315 = arith.constant 0.000000e+00 : f32
    %ne3A_316 = vector.broadcast %ne3A_315 : f32 to vector<24x2048xf32>
    %ne3A_317 = arith.cmpf one, %sub3A_296, %ne3A_316 : vector<24x2048xf32>
    %ge3A = arith.constant 0.000000e+00 : f32
    %ge3A_318 = vector.broadcast %ge3A : f32 to vector<24x2048xf32>
    %ge3A_319 = arith.cmpf oge, %sub3A_289, %ge3A_318 : vector<24x2048xf32>
    %or3A = arith.ori %ne3A_317, %ge3A_319 : vector<24x2048xi1>
    %and3A_320 = arith.andi %broadcast_in_dim3A_276, %or3A : vector<24x2048xi1>
    %sub3A_321 = arith.subf %sub3A_217, %sub3A_207 : vector<24x1xf32>
    %sub3A_322 = arith.subf %add3A_257, %add3A_247 : vector<24x1xf32>
    %sub3A_323 = vector.broadcast %add3A_155 : vector<1x2048xf32> to vector<24x2048xf32>
    %sub3A_324 = vector.broadcast %add3A_247 : vector<24x1xf32> to vector<24x2048xf32>
    %sub3A_325 = arith.subf %sub3A_323, %sub3A_324 : vector<24x2048xf32>
    %mul3A_326 = vector.broadcast %sub3A_321 : vector<24x1xf32> to vector<24x2048xf32>
    %mul3A_327 = arith.mulf %mul3A_326, %sub3A_325 : vector<24x2048xf32>
    %sub3A_328 = vector.broadcast %sub3A_115 : vector<1x2048xf32> to vector<24x2048xf32>
    %sub3A_329 = vector.broadcast %sub3A_207 : vector<24x1xf32> to vector<24x2048xf32>
    %sub3A_330 = arith.subf %sub3A_328, %sub3A_329 : vector<24x2048xf32>
    %mul3A_331 = vector.broadcast %sub3A_322 : vector<24x1xf32> to vector<24x2048xf32>
    %mul3A_332 = arith.mulf %mul3A_331, %sub3A_330 : vector<24x2048xf32>
    %sub3A_333 = arith.subf %mul3A_327, %mul3A_332 : vector<24x2048xf32>
    %mul3A_334 = vector.broadcast %sub3A_321 : vector<24x1xf32> to vector<24x2048xf32>
    %mul3A_335 = vector.broadcast %sub3A_270 : vector<1x2048xf32> to vector<24x2048xf32>
    %mul3A_336 = arith.mulf %mul3A_334, %mul3A_335 : vector<24x2048xf32>
    %mul3A_337 = vector.broadcast %sub3A_322 : vector<24x1xf32> to vector<24x2048xf32>
    %mul3A_338 = vector.broadcast %sub3A_269 : vector<1x2048xf32> to vector<24x2048xf32>
    %mul3A_339 = arith.mulf %mul3A_337, %mul3A_338 : vector<24x2048xf32>
    %sub3A_340 = arith.subf %mul3A_336, %mul3A_339 : vector<24x2048xf32>
    %neg3A_341 = arith.constant 0.000000e+00 : f32
    %neg3A_342 = vector.broadcast %neg3A_341 : f32 to vector<24x2048xf32>
    %neg3A_343 = arith.subf %neg3A_342, %sub3A_333 : vector<24x2048xf32>
    %eq3A_344 = arith.constant 0.000000e+00 : f32
    %eq3A_345 = vector.broadcast %eq3A_344 : f32 to vector<24x2048xf32>
    %eq3A_346 = arith.cmpf oeq, %sub3A_340, %eq3A_345 : vector<24x2048xf32>
    %jit3A_347 = arith.constant 1.000000e+00 : f32
    %broadcast_in_dim3A_348 = vector.broadcast %jit3A_347 : f32 to vector<24x2048xf32>
    %select_n3A_349 = arith.select %eq3A_346, %broadcast_in_dim3A_348, %sub3A_340 : vector<24x2048xi1>, vector<24x2048xf32>
    %div3A_350 = arith.divf %neg3A_343, %select_n3A_349 : vector<24x2048xf32>
    %gt3A_351 = arith.constant 0.000000e+00 : f32
    %gt3A_352 = vector.broadcast %gt3A_351 : f32 to vector<24x2048xf32>
    %gt3A_353 = arith.cmpf ogt, %sub3A_340, %gt3A_352 : vector<24x2048xf32>
    %max3A_354 = arith.maximumf %select_n3A_309, %div3A_350 : vector<24x2048xf32>
    %select_n3A_355 = arith.select %gt3A_353, %max3A_354, %select_n3A_309 : vector<24x2048xi1>, vector<24x2048xf32>
    %lt3A_356 = arith.constant 0.000000e+00 : f32
    %lt3A_357 = vector.broadcast %lt3A_356 : f32 to vector<24x2048xf32>
    %lt3A_358 = arith.cmpf olt, %sub3A_340, %lt3A_357 : vector<24x2048xf32>
    %min3A_359 = arith.minimumf %select_n3A_314, %div3A_350 : vector<24x2048xf32>
    %select_n3A_360 = arith.select %lt3A_358, %min3A_359, %select_n3A_314 : vector<24x2048xi1>, vector<24x2048xf32>
    %ne3A_361 = arith.constant 0.000000e+00 : f32
    %ne3A_362 = vector.broadcast %ne3A_361 : f32 to vector<24x2048xf32>
    %ne3A_363 = arith.cmpf one, %sub3A_340, %ne3A_362 : vector<24x2048xf32>
    %ge3A_364 = arith.constant 0.000000e+00 : f32
    %ge3A_365 = vector.broadcast %ge3A_364 : f32 to vector<24x2048xf32>
    %ge3A_366 = arith.cmpf oge, %sub3A_333, %ge3A_365 : vector<24x2048xf32>
    %or3A_367 = arith.ori %ne3A_363, %ge3A_366 : vector<24x2048xi1>
    %and3A_368 = arith.andi %and3A_320, %or3A_367 : vector<24x2048xi1>
    %sub3A_369 = arith.subf %sub3A_227, %sub3A_217 : vector<24x1xf32>
    %sub3A_370 = arith.subf %add3A_267, %add3A_257 : vector<24x1xf32>
    %sub3A_371 = vector.broadcast %add3A_155 : vector<1x2048xf32> to vector<24x2048xf32>
    %sub3A_372 = vector.broadcast %add3A_257 : vector<24x1xf32> to vector<24x2048xf32>
    %sub3A_373 = arith.subf %sub3A_371, %sub3A_372 : vector<24x2048xf32>
    %mul3A_374 = vector.broadcast %sub3A_369 : vector<24x1xf32> to vector<24x2048xf32>
    %mul3A_375 = arith.mulf %mul3A_374, %sub3A_373 : vector<24x2048xf32>
    %sub3A_376 = vector.broadcast %sub3A_115 : vector<1x2048xf32> to vector<24x2048xf32>
    %sub3A_377 = vector.broadcast %sub3A_217 : vector<24x1xf32> to vector<24x2048xf32>
    %sub3A_378 = arith.subf %sub3A_376, %sub3A_377 : vector<24x2048xf32>
    %mul3A_379 = vector.broadcast %sub3A_370 : vector<24x1xf32> to vector<24x2048xf32>
    %mul3A_380 = arith.mulf %mul3A_379, %sub3A_378 : vector<24x2048xf32>
    %sub3A_381 = arith.subf %mul3A_375, %mul3A_380 : vector<24x2048xf32>
    %mul3A_382 = vector.broadcast %sub3A_369 : vector<24x1xf32> to vector<24x2048xf32>
    %mul3A_383 = vector.broadcast %sub3A_270 : vector<1x2048xf32> to vector<24x2048xf32>
    %mul3A_384 = arith.mulf %mul3A_382, %mul3A_383 : vector<24x2048xf32>
    %mul3A_385 = vector.broadcast %sub3A_370 : vector<24x1xf32> to vector<24x2048xf32>
    %mul3A_386 = vector.broadcast %sub3A_269 : vector<1x2048xf32> to vector<24x2048xf32>
    %mul3A_387 = arith.mulf %mul3A_385, %mul3A_386 : vector<24x2048xf32>
    %sub3A_388 = arith.subf %mul3A_384, %mul3A_387 : vector<24x2048xf32>
    %neg3A_389 = arith.constant 0.000000e+00 : f32
    %neg3A_390 = vector.broadcast %neg3A_389 : f32 to vector<24x2048xf32>
    %neg3A_391 = arith.subf %neg3A_390, %sub3A_381 : vector<24x2048xf32>
    %eq3A_392 = arith.constant 0.000000e+00 : f32
    %eq3A_393 = vector.broadcast %eq3A_392 : f32 to vector<24x2048xf32>
    %eq3A_394 = arith.cmpf oeq, %sub3A_388, %eq3A_393 : vector<24x2048xf32>
    %jit3A_395 = arith.constant 1.000000e+00 : f32
    %broadcast_in_dim3A_396 = vector.broadcast %jit3A_395 : f32 to vector<24x2048xf32>
    %select_n3A_397 = arith.select %eq3A_394, %broadcast_in_dim3A_396, %sub3A_388 : vector<24x2048xi1>, vector<24x2048xf32>
    %div3A_398 = arith.divf %neg3A_391, %select_n3A_397 : vector<24x2048xf32>
    %gt3A_399 = arith.constant 0.000000e+00 : f32
    %gt3A_400 = vector.broadcast %gt3A_399 : f32 to vector<24x2048xf32>
    %gt3A_401 = arith.cmpf ogt, %sub3A_388, %gt3A_400 : vector<24x2048xf32>
    %max3A_402 = arith.maximumf %select_n3A_355, %div3A_398 : vector<24x2048xf32>
    %select_n3A_403 = arith.select %gt3A_401, %max3A_402, %select_n3A_355 : vector<24x2048xi1>, vector<24x2048xf32>
    %lt3A_404 = arith.constant 0.000000e+00 : f32
    %lt3A_405 = vector.broadcast %lt3A_404 : f32 to vector<24x2048xf32>
    %lt3A_406 = arith.cmpf olt, %sub3A_388, %lt3A_405 : vector<24x2048xf32>
    %min3A_407 = arith.minimumf %select_n3A_360, %div3A_398 : vector<24x2048xf32>
    %select_n3A_408 = arith.select %lt3A_406, %min3A_407, %select_n3A_360 : vector<24x2048xi1>, vector<24x2048xf32>
    %ne3A_409 = arith.constant 0.000000e+00 : f32
    %ne3A_410 = vector.broadcast %ne3A_409 : f32 to vector<24x2048xf32>
    %ne3A_411 = arith.cmpf one, %sub3A_388, %ne3A_410 : vector<24x2048xf32>
    %ge3A_412 = arith.constant 0.000000e+00 : f32
    %ge3A_413 = vector.broadcast %ge3A_412 : f32 to vector<24x2048xf32>
    %ge3A_414 = arith.cmpf oge, %sub3A_381, %ge3A_413 : vector<24x2048xf32>
    %or3A_415 = arith.ori %ne3A_411, %ge3A_414 : vector<24x2048xi1>
    %and3A_416 = arith.andi %and3A_368, %or3A_415 : vector<24x2048xi1>
    %sub3A_417 = arith.subf %sub3A_197, %sub3A_227 : vector<24x1xf32>
    %sub3A_418 = arith.subf %add3A_237, %add3A_267 : vector<24x1xf32>
    %sub3A_419 = vector.broadcast %add3A_155 : vector<1x2048xf32> to vector<24x2048xf32>
    %sub3A_420 = vector.broadcast %add3A_267 : vector<24x1xf32> to vector<24x2048xf32>
    %sub3A_421 = arith.subf %sub3A_419, %sub3A_420 : vector<24x2048xf32>
    %mul3A_422 = vector.broadcast %sub3A_417 : vector<24x1xf32> to vector<24x2048xf32>
    %mul3A_423 = arith.mulf %mul3A_422, %sub3A_421 : vector<24x2048xf32>
    %sub3A_424 = vector.broadcast %sub3A_115 : vector<1x2048xf32> to vector<24x2048xf32>
    %sub3A_425 = vector.broadcast %sub3A_227 : vector<24x1xf32> to vector<24x2048xf32>
    %sub3A_426 = arith.subf %sub3A_424, %sub3A_425 : vector<24x2048xf32>
    %mul3A_427 = vector.broadcast %sub3A_418 : vector<24x1xf32> to vector<24x2048xf32>
    %mul3A_428 = arith.mulf %mul3A_427, %sub3A_426 : vector<24x2048xf32>
    %sub3A_429 = arith.subf %mul3A_423, %mul3A_428 : vector<24x2048xf32>
    %mul3A_430 = vector.broadcast %sub3A_417 : vector<24x1xf32> to vector<24x2048xf32>
    %mul3A_431 = vector.broadcast %sub3A_270 : vector<1x2048xf32> to vector<24x2048xf32>
    %mul3A_432 = arith.mulf %mul3A_430, %mul3A_431 : vector<24x2048xf32>
    %mul3A_433 = vector.broadcast %sub3A_418 : vector<24x1xf32> to vector<24x2048xf32>
    %mul3A_434 = vector.broadcast %sub3A_269 : vector<1x2048xf32> to vector<24x2048xf32>
    %mul3A_435 = arith.mulf %mul3A_433, %mul3A_434 : vector<24x2048xf32>
    %sub3A_436 = arith.subf %mul3A_432, %mul3A_435 : vector<24x2048xf32>
    %neg3A_437 = arith.constant 0.000000e+00 : f32
    %neg3A_438 = vector.broadcast %neg3A_437 : f32 to vector<24x2048xf32>
    %neg3A_439 = arith.subf %neg3A_438, %sub3A_429 : vector<24x2048xf32>
    %eq3A_440 = arith.constant 0.000000e+00 : f32
    %eq3A_441 = vector.broadcast %eq3A_440 : f32 to vector<24x2048xf32>
    %eq3A_442 = arith.cmpf oeq, %sub3A_436, %eq3A_441 : vector<24x2048xf32>
    %jit3A_443 = arith.constant 1.000000e+00 : f32
    %broadcast_in_dim3A_444 = vector.broadcast %jit3A_443 : f32 to vector<24x2048xf32>
    %select_n3A_445 = arith.select %eq3A_442, %broadcast_in_dim3A_444, %sub3A_436 : vector<24x2048xi1>, vector<24x2048xf32>
    %div3A_446 = arith.divf %neg3A_439, %select_n3A_445 : vector<24x2048xf32>
    %gt3A_447 = arith.constant 0.000000e+00 : f32
    %gt3A_448 = vector.broadcast %gt3A_447 : f32 to vector<24x2048xf32>
    %gt3A_449 = arith.cmpf ogt, %sub3A_436, %gt3A_448 : vector<24x2048xf32>
    %max3A_450 = arith.maximumf %select_n3A_403, %div3A_446 : vector<24x2048xf32>
    %select_n3A_451 = arith.select %gt3A_449, %max3A_450, %select_n3A_403 : vector<24x2048xi1>, vector<24x2048xf32>
    %lt3A_452 = arith.constant 0.000000e+00 : f32
    %lt3A_453 = vector.broadcast %lt3A_452 : f32 to vector<24x2048xf32>
    %lt3A_454 = arith.cmpf olt, %sub3A_436, %lt3A_453 : vector<24x2048xf32>
    %min3A_455 = arith.minimumf %select_n3A_408, %div3A_446 : vector<24x2048xf32>
    %select_n3A_456 = arith.select %lt3A_454, %min3A_455, %select_n3A_408 : vector<24x2048xi1>, vector<24x2048xf32>
    %ne3A_457 = arith.constant 0.000000e+00 : f32
    %ne3A_458 = vector.broadcast %ne3A_457 : f32 to vector<24x2048xf32>
    %ne3A_459 = arith.cmpf one, %sub3A_436, %ne3A_458 : vector<24x2048xf32>
    %ge3A_460 = arith.constant 0.000000e+00 : f32
    %ge3A_461 = vector.broadcast %ge3A_460 : f32 to vector<24x2048xf32>
    %ge3A_462 = arith.cmpf oge, %sub3A_429, %ge3A_461 : vector<24x2048xf32>
    %or3A_463 = arith.ori %ne3A_459, %ge3A_462 : vector<24x2048xi1>
    %and3A_464 = arith.andi %and3A_416, %or3A_463 : vector<24x2048xi1>
    %mul3A_465 = vector.broadcast %sub3A_269 : vector<1x2048xf32> to vector<24x2048xf32>
    %mul3A_466 = arith.mulf %select_n3A_451, %mul3A_465 : vector<24x2048xf32>
    %add3A_467 = vector.broadcast %sub3A_115 : vector<1x2048xf32> to vector<24x2048xf32>
    %add3A_468 = arith.addf %add3A_467, %mul3A_466 : vector<24x2048xf32>
    %mul3A_469 = vector.broadcast %sub3A_270 : vector<1x2048xf32> to vector<24x2048xf32>
    %mul3A_470 = arith.mulf %select_n3A_451, %mul3A_469 : vector<24x2048xf32>
    %add3A_471 = vector.broadcast %add3A_155 : vector<1x2048xf32> to vector<24x2048xf32>
    %add3A_472 = arith.addf %add3A_471, %mul3A_470 : vector<24x2048xf32>
    %mul3A_473 = vector.broadcast %sub3A_269 : vector<1x2048xf32> to vector<24x2048xf32>
    %mul3A_474 = arith.mulf %select_n3A_456, %mul3A_473 : vector<24x2048xf32>
    %add3A_475 = vector.broadcast %sub3A_115 : vector<1x2048xf32> to vector<24x2048xf32>
    %add3A_476 = arith.addf %add3A_475, %mul3A_474 : vector<24x2048xf32>
    %mul3A_477 = vector.broadcast %sub3A_270 : vector<1x2048xf32> to vector<24x2048xf32>
    %mul3A_478 = arith.mulf %select_n3A_456, %mul3A_477 : vector<24x2048xf32>
    %add3A_479 = vector.broadcast %add3A_155 : vector<1x2048xf32> to vector<24x2048xf32>
    %add3A_480 = arith.addf %add3A_479, %mul3A_478 : vector<24x2048xf32>
    %mul3A_481 = arith.mulf %add3A_468, %add3A_480 : vector<24x2048xf32>
    %mul3A_482 = arith.mulf %add3A_472, %add3A_476 : vector<24x2048xf32>
    %sub3A_483 = arith.subf %mul3A_481, %mul3A_482 : vector<24x2048xf32>
    %gt3A_484 = arith.cmpf ogt, %select_n3A_456, %select_n3A_451 : vector<24x2048xf32>
    %and3A_485 = arith.andi %and3A_464, %gt3A_484 : vector<24x2048xi1>
    %jit3A_486 = arith.constant 0.000000e+00 : f32
    %broadcast_in_dim3A_487 = vector.broadcast %jit3A_486 : f32 to vector<24x2048xf32>
    %select_n3A_488 = arith.select %and3A_485, %sub3A_483, %broadcast_in_dim3A_487 : vector<24x2048xi1>, vector<24x2048xf32>
    %add3A_489 = arith.addf %broadcast_in_dim3A_268, %select_n3A_488 : vector<24x2048xf32>
    %sub3A_490 = arith.subf %sub3A_135, %sub3A_125 : vector<1x2048xf32>
    %sub3A_491 = arith.subf %add3A_175, %add3A_165 : vector<1x2048xf32>
    %broadcast_in_dim3A_492 = arith.constant 0.000000e+00 : f32
    %broadcast_in_dim3A_493 = vector.broadcast %broadcast_in_dim3A_492 : f32 to vector<24x2048xf32>
    %broadcast_in_dim3A_494 = arith.constant 1.000000e+00 : f32
    %broadcast_in_dim3A_495 = vector.broadcast %broadcast_in_dim3A_494 : f32 to vector<24x2048xf32>
    %broadcast_in_dim3A_496 = arith.constant true
    %broadcast_in_dim3A_497 = vector.broadcast %broadcast_in_dim3A_496 : i1 to vector<24x2048xi1>
    %sub3A_498 = arith.subf %sub3A_207, %sub3A_197 : vector<24x1xf32>
    %sub3A_499 = arith.subf %add3A_247, %add3A_237 : vector<24x1xf32>
    %sub3A_500 = vector.broadcast %add3A_165 : vector<1x2048xf32> to vector<24x2048xf32>
    %sub3A_501 = vector.broadcast %add3A_237 : vector<24x1xf32> to vector<24x2048xf32>
    %sub3A_502 = arith.subf %sub3A_500, %sub3A_501 : vector<24x2048xf32>
    %mul3A_503 = vector.broadcast %sub3A_498 : vector<24x1xf32> to vector<24x2048xf32>
    %mul3A_504 = arith.mulf %mul3A_503, %sub3A_502 : vector<24x2048xf32>
    %sub3A_505 = vector.broadcast %sub3A_125 : vector<1x2048xf32> to vector<24x2048xf32>
    %sub3A_506 = vector.broadcast %sub3A_197 : vector<24x1xf32> to vector<24x2048xf32>
    %sub3A_507 = arith.subf %sub3A_505, %sub3A_506 : vector<24x2048xf32>
    %mul3A_508 = vector.broadcast %sub3A_499 : vector<24x1xf32> to vector<24x2048xf32>
    %mul3A_509 = arith.mulf %mul3A_508, %sub3A_507 : vector<24x2048xf32>
    %sub3A_510 = arith.subf %mul3A_504, %mul3A_509 : vector<24x2048xf32>
    %mul3A_511 = vector.broadcast %sub3A_498 : vector<24x1xf32> to vector<24x2048xf32>
    %mul3A_512 = vector.broadcast %sub3A_491 : vector<1x2048xf32> to vector<24x2048xf32>
    %mul3A_513 = arith.mulf %mul3A_511, %mul3A_512 : vector<24x2048xf32>
    %mul3A_514 = vector.broadcast %sub3A_499 : vector<24x1xf32> to vector<24x2048xf32>
    %mul3A_515 = vector.broadcast %sub3A_490 : vector<1x2048xf32> to vector<24x2048xf32>
    %mul3A_516 = arith.mulf %mul3A_514, %mul3A_515 : vector<24x2048xf32>
    %sub3A_517 = arith.subf %mul3A_513, %mul3A_516 : vector<24x2048xf32>
    %neg3A_518 = arith.constant 0.000000e+00 : f32
    %neg3A_519 = vector.broadcast %neg3A_518 : f32 to vector<24x2048xf32>
    %neg3A_520 = arith.subf %neg3A_519, %sub3A_510 : vector<24x2048xf32>
    %eq3A_521 = arith.constant 0.000000e+00 : f32
    %eq3A_522 = vector.broadcast %eq3A_521 : f32 to vector<24x2048xf32>
    %eq3A_523 = arith.cmpf oeq, %sub3A_517, %eq3A_522 : vector<24x2048xf32>
    %jit3A_524 = arith.constant 1.000000e+00 : f32
    %broadcast_in_dim3A_525 = vector.broadcast %jit3A_524 : f32 to vector<24x2048xf32>
    %select_n3A_526 = arith.select %eq3A_523, %broadcast_in_dim3A_525, %sub3A_517 : vector<24x2048xi1>, vector<24x2048xf32>
    %div3A_527 = arith.divf %neg3A_520, %select_n3A_526 : vector<24x2048xf32>
    %gt3A_528 = arith.constant 0.000000e+00 : f32
    %gt3A_529 = vector.broadcast %gt3A_528 : f32 to vector<24x2048xf32>
    %gt3A_530 = arith.cmpf ogt, %sub3A_517, %gt3A_529 : vector<24x2048xf32>
    %max3A_531 = arith.maximumf %broadcast_in_dim3A_493, %div3A_527 : vector<24x2048xf32>
    %select_n3A_532 = arith.select %gt3A_530, %max3A_531, %broadcast_in_dim3A_493 : vector<24x2048xi1>, vector<24x2048xf32>
    %lt3A_533 = arith.constant 0.000000e+00 : f32
    %lt3A_534 = vector.broadcast %lt3A_533 : f32 to vector<24x2048xf32>
    %lt3A_535 = arith.cmpf olt, %sub3A_517, %lt3A_534 : vector<24x2048xf32>
    %min3A_536 = arith.minimumf %broadcast_in_dim3A_495, %div3A_527 : vector<24x2048xf32>
    %select_n3A_537 = arith.select %lt3A_535, %min3A_536, %broadcast_in_dim3A_495 : vector<24x2048xi1>, vector<24x2048xf32>
    %ne3A_538 = arith.constant 0.000000e+00 : f32
    %ne3A_539 = vector.broadcast %ne3A_538 : f32 to vector<24x2048xf32>
    %ne3A_540 = arith.cmpf one, %sub3A_517, %ne3A_539 : vector<24x2048xf32>
    %ge3A_541 = arith.constant 0.000000e+00 : f32
    %ge3A_542 = vector.broadcast %ge3A_541 : f32 to vector<24x2048xf32>
    %ge3A_543 = arith.cmpf oge, %sub3A_510, %ge3A_542 : vector<24x2048xf32>
    %or3A_544 = arith.ori %ne3A_540, %ge3A_543 : vector<24x2048xi1>
    %and3A_545 = arith.andi %broadcast_in_dim3A_497, %or3A_544 : vector<24x2048xi1>
    %sub3A_546 = arith.subf %sub3A_217, %sub3A_207 : vector<24x1xf32>
    %sub3A_547 = arith.subf %add3A_257, %add3A_247 : vector<24x1xf32>
    %sub3A_548 = vector.broadcast %add3A_165 : vector<1x2048xf32> to vector<24x2048xf32>
    %sub3A_549 = vector.broadcast %add3A_247 : vector<24x1xf32> to vector<24x2048xf32>
    %sub3A_550 = arith.subf %sub3A_548, %sub3A_549 : vector<24x2048xf32>
    %mul3A_551 = vector.broadcast %sub3A_546 : vector<24x1xf32> to vector<24x2048xf32>
    %mul3A_552 = arith.mulf %mul3A_551, %sub3A_550 : vector<24x2048xf32>
    %sub3A_553 = vector.broadcast %sub3A_125 : vector<1x2048xf32> to vector<24x2048xf32>
    %sub3A_554 = vector.broadcast %sub3A_207 : vector<24x1xf32> to vector<24x2048xf32>
    %sub3A_555 = arith.subf %sub3A_553, %sub3A_554 : vector<24x2048xf32>
    %mul3A_556 = vector.broadcast %sub3A_547 : vector<24x1xf32> to vector<24x2048xf32>
    %mul3A_557 = arith.mulf %mul3A_556, %sub3A_555 : vector<24x2048xf32>
    %sub3A_558 = arith.subf %mul3A_552, %mul3A_557 : vector<24x2048xf32>
    %mul3A_559 = vector.broadcast %sub3A_546 : vector<24x1xf32> to vector<24x2048xf32>
    %mul3A_560 = vector.broadcast %sub3A_491 : vector<1x2048xf32> to vector<24x2048xf32>
    %mul3A_561 = arith.mulf %mul3A_559, %mul3A_560 : vector<24x2048xf32>
    %mul3A_562 = vector.broadcast %sub3A_547 : vector<24x1xf32> to vector<24x2048xf32>
    %mul3A_563 = vector.broadcast %sub3A_490 : vector<1x2048xf32> to vector<24x2048xf32>
    %mul3A_564 = arith.mulf %mul3A_562, %mul3A_563 : vector<24x2048xf32>
    %sub3A_565 = arith.subf %mul3A_561, %mul3A_564 : vector<24x2048xf32>
    %neg3A_566 = arith.constant 0.000000e+00 : f32
    %neg3A_567 = vector.broadcast %neg3A_566 : f32 to vector<24x2048xf32>
    %neg3A_568 = arith.subf %neg3A_567, %sub3A_558 : vector<24x2048xf32>
    %eq3A_569 = arith.constant 0.000000e+00 : f32
    %eq3A_570 = vector.broadcast %eq3A_569 : f32 to vector<24x2048xf32>
    %eq3A_571 = arith.cmpf oeq, %sub3A_565, %eq3A_570 : vector<24x2048xf32>
    %jit3A_572 = arith.constant 1.000000e+00 : f32
    %broadcast_in_dim3A_573 = vector.broadcast %jit3A_572 : f32 to vector<24x2048xf32>
    %select_n3A_574 = arith.select %eq3A_571, %broadcast_in_dim3A_573, %sub3A_565 : vector<24x2048xi1>, vector<24x2048xf32>
    %div3A_575 = arith.divf %neg3A_568, %select_n3A_574 : vector<24x2048xf32>
    %gt3A_576 = arith.constant 0.000000e+00 : f32
    %gt3A_577 = vector.broadcast %gt3A_576 : f32 to vector<24x2048xf32>
    %gt3A_578 = arith.cmpf ogt, %sub3A_565, %gt3A_577 : vector<24x2048xf32>
    %max3A_579 = arith.maximumf %select_n3A_532, %div3A_575 : vector<24x2048xf32>
    %select_n3A_580 = arith.select %gt3A_578, %max3A_579, %select_n3A_532 : vector<24x2048xi1>, vector<24x2048xf32>
    %lt3A_581 = arith.constant 0.000000e+00 : f32
    %lt3A_582 = vector.broadcast %lt3A_581 : f32 to vector<24x2048xf32>
    %lt3A_583 = arith.cmpf olt, %sub3A_565, %lt3A_582 : vector<24x2048xf32>
    %min3A_584 = arith.minimumf %select_n3A_537, %div3A_575 : vector<24x2048xf32>
    %select_n3A_585 = arith.select %lt3A_583, %min3A_584, %select_n3A_537 : vector<24x2048xi1>, vector<24x2048xf32>
    %ne3A_586 = arith.constant 0.000000e+00 : f32
    %ne3A_587 = vector.broadcast %ne3A_586 : f32 to vector<24x2048xf32>
    %ne3A_588 = arith.cmpf one, %sub3A_565, %ne3A_587 : vector<24x2048xf32>
    %ge3A_589 = arith.constant 0.000000e+00 : f32
    %ge3A_590 = vector.broadcast %ge3A_589 : f32 to vector<24x2048xf32>
    %ge3A_591 = arith.cmpf oge, %sub3A_558, %ge3A_590 : vector<24x2048xf32>
    %or3A_592 = arith.ori %ne3A_588, %ge3A_591 : vector<24x2048xi1>
    %and3A_593 = arith.andi %and3A_545, %or3A_592 : vector<24x2048xi1>
    %sub3A_594 = arith.subf %sub3A_227, %sub3A_217 : vector<24x1xf32>
    %sub3A_595 = arith.subf %add3A_267, %add3A_257 : vector<24x1xf32>
    %sub3A_596 = vector.broadcast %add3A_165 : vector<1x2048xf32> to vector<24x2048xf32>
    %sub3A_597 = vector.broadcast %add3A_257 : vector<24x1xf32> to vector<24x2048xf32>
    %sub3A_598 = arith.subf %sub3A_596, %sub3A_597 : vector<24x2048xf32>
    %mul3A_599 = vector.broadcast %sub3A_594 : vector<24x1xf32> to vector<24x2048xf32>
    %mul3A_600 = arith.mulf %mul3A_599, %sub3A_598 : vector<24x2048xf32>
    %sub3A_601 = vector.broadcast %sub3A_125 : vector<1x2048xf32> to vector<24x2048xf32>
    %sub3A_602 = vector.broadcast %sub3A_217 : vector<24x1xf32> to vector<24x2048xf32>
    %sub3A_603 = arith.subf %sub3A_601, %sub3A_602 : vector<24x2048xf32>
    %mul3A_604 = vector.broadcast %sub3A_595 : vector<24x1xf32> to vector<24x2048xf32>
    %mul3A_605 = arith.mulf %mul3A_604, %sub3A_603 : vector<24x2048xf32>
    %sub3A_606 = arith.subf %mul3A_600, %mul3A_605 : vector<24x2048xf32>
    %mul3A_607 = vector.broadcast %sub3A_594 : vector<24x1xf32> to vector<24x2048xf32>
    %mul3A_608 = vector.broadcast %sub3A_491 : vector<1x2048xf32> to vector<24x2048xf32>
    %mul3A_609 = arith.mulf %mul3A_607, %mul3A_608 : vector<24x2048xf32>
    %mul3A_610 = vector.broadcast %sub3A_595 : vector<24x1xf32> to vector<24x2048xf32>
    %mul3A_611 = vector.broadcast %sub3A_490 : vector<1x2048xf32> to vector<24x2048xf32>
    %mul3A_612 = arith.mulf %mul3A_610, %mul3A_611 : vector<24x2048xf32>
    %sub3A_613 = arith.subf %mul3A_609, %mul3A_612 : vector<24x2048xf32>
    %neg3A_614 = arith.constant 0.000000e+00 : f32
    %neg3A_615 = vector.broadcast %neg3A_614 : f32 to vector<24x2048xf32>
    %neg3A_616 = arith.subf %neg3A_615, %sub3A_606 : vector<24x2048xf32>
    %eq3A_617 = arith.constant 0.000000e+00 : f32
    %eq3A_618 = vector.broadcast %eq3A_617 : f32 to vector<24x2048xf32>
    %eq3A_619 = arith.cmpf oeq, %sub3A_613, %eq3A_618 : vector<24x2048xf32>
    %jit3A_620 = arith.constant 1.000000e+00 : f32
    %broadcast_in_dim3A_621 = vector.broadcast %jit3A_620 : f32 to vector<24x2048xf32>
    %select_n3A_622 = arith.select %eq3A_619, %broadcast_in_dim3A_621, %sub3A_613 : vector<24x2048xi1>, vector<24x2048xf32>
    %div3A_623 = arith.divf %neg3A_616, %select_n3A_622 : vector<24x2048xf32>
    %gt3A_624 = arith.constant 0.000000e+00 : f32
    %gt3A_625 = vector.broadcast %gt3A_624 : f32 to vector<24x2048xf32>
    %gt3A_626 = arith.cmpf ogt, %sub3A_613, %gt3A_625 : vector<24x2048xf32>
    %max3A_627 = arith.maximumf %select_n3A_580, %div3A_623 : vector<24x2048xf32>
    %select_n3A_628 = arith.select %gt3A_626, %max3A_627, %select_n3A_580 : vector<24x2048xi1>, vector<24x2048xf32>
    %lt3A_629 = arith.constant 0.000000e+00 : f32
    %lt3A_630 = vector.broadcast %lt3A_629 : f32 to vector<24x2048xf32>
    %lt3A_631 = arith.cmpf olt, %sub3A_613, %lt3A_630 : vector<24x2048xf32>
    %min3A_632 = arith.minimumf %select_n3A_585, %div3A_623 : vector<24x2048xf32>
    %select_n3A_633 = arith.select %lt3A_631, %min3A_632, %select_n3A_585 : vector<24x2048xi1>, vector<24x2048xf32>
    %ne3A_634 = arith.constant 0.000000e+00 : f32
    %ne3A_635 = vector.broadcast %ne3A_634 : f32 to vector<24x2048xf32>
    %ne3A_636 = arith.cmpf one, %sub3A_613, %ne3A_635 : vector<24x2048xf32>
    %ge3A_637 = arith.constant 0.000000e+00 : f32
    %ge3A_638 = vector.broadcast %ge3A_637 : f32 to vector<24x2048xf32>
    %ge3A_639 = arith.cmpf oge, %sub3A_606, %ge3A_638 : vector<24x2048xf32>
    %or3A_640 = arith.ori %ne3A_636, %ge3A_639 : vector<24x2048xi1>
    %and3A_641 = arith.andi %and3A_593, %or3A_640 : vector<24x2048xi1>
    %sub3A_642 = arith.subf %sub3A_197, %sub3A_227 : vector<24x1xf32>
    %sub3A_643 = arith.subf %add3A_237, %add3A_267 : vector<24x1xf32>
    %sub3A_644 = vector.broadcast %add3A_165 : vector<1x2048xf32> to vector<24x2048xf32>
    %sub3A_645 = vector.broadcast %add3A_267 : vector<24x1xf32> to vector<24x2048xf32>
    %sub3A_646 = arith.subf %sub3A_644, %sub3A_645 : vector<24x2048xf32>
    %mul3A_647 = vector.broadcast %sub3A_642 : vector<24x1xf32> to vector<24x2048xf32>
    %mul3A_648 = arith.mulf %mul3A_647, %sub3A_646 : vector<24x2048xf32>
    %sub3A_649 = vector.broadcast %sub3A_125 : vector<1x2048xf32> to vector<24x2048xf32>
    %sub3A_650 = vector.broadcast %sub3A_227 : vector<24x1xf32> to vector<24x2048xf32>
    %sub3A_651 = arith.subf %sub3A_649, %sub3A_650 : vector<24x2048xf32>
    %mul3A_652 = vector.broadcast %sub3A_643 : vector<24x1xf32> to vector<24x2048xf32>
    %mul3A_653 = arith.mulf %mul3A_652, %sub3A_651 : vector<24x2048xf32>
    %sub3A_654 = arith.subf %mul3A_648, %mul3A_653 : vector<24x2048xf32>
    %mul3A_655 = vector.broadcast %sub3A_642 : vector<24x1xf32> to vector<24x2048xf32>
    %mul3A_656 = vector.broadcast %sub3A_491 : vector<1x2048xf32> to vector<24x2048xf32>
    %mul3A_657 = arith.mulf %mul3A_655, %mul3A_656 : vector<24x2048xf32>
    %mul3A_658 = vector.broadcast %sub3A_643 : vector<24x1xf32> to vector<24x2048xf32>
    %mul3A_659 = vector.broadcast %sub3A_490 : vector<1x2048xf32> to vector<24x2048xf32>
    %mul3A_660 = arith.mulf %mul3A_658, %mul3A_659 : vector<24x2048xf32>
    %sub3A_661 = arith.subf %mul3A_657, %mul3A_660 : vector<24x2048xf32>
    %neg3A_662 = arith.constant 0.000000e+00 : f32
    %neg3A_663 = vector.broadcast %neg3A_662 : f32 to vector<24x2048xf32>
    %neg3A_664 = arith.subf %neg3A_663, %sub3A_654 : vector<24x2048xf32>
    %eq3A_665 = arith.constant 0.000000e+00 : f32
    %eq3A_666 = vector.broadcast %eq3A_665 : f32 to vector<24x2048xf32>
    %eq3A_667 = arith.cmpf oeq, %sub3A_661, %eq3A_666 : vector<24x2048xf32>
    %jit3A_668 = arith.constant 1.000000e+00 : f32
    %broadcast_in_dim3A_669 = vector.broadcast %jit3A_668 : f32 to vector<24x2048xf32>
    %select_n3A_670 = arith.select %eq3A_667, %broadcast_in_dim3A_669, %sub3A_661 : vector<24x2048xi1>, vector<24x2048xf32>
    %div3A_671 = arith.divf %neg3A_664, %select_n3A_670 : vector<24x2048xf32>
    %gt3A_672 = arith.constant 0.000000e+00 : f32
    %gt3A_673 = vector.broadcast %gt3A_672 : f32 to vector<24x2048xf32>
    %gt3A_674 = arith.cmpf ogt, %sub3A_661, %gt3A_673 : vector<24x2048xf32>
    %max3A_675 = arith.maximumf %select_n3A_628, %div3A_671 : vector<24x2048xf32>
    %select_n3A_676 = arith.select %gt3A_674, %max3A_675, %select_n3A_628 : vector<24x2048xi1>, vector<24x2048xf32>
    %lt3A_677 = arith.constant 0.000000e+00 : f32
    %lt3A_678 = vector.broadcast %lt3A_677 : f32 to vector<24x2048xf32>
    %lt3A_679 = arith.cmpf olt, %sub3A_661, %lt3A_678 : vector<24x2048xf32>
    %min3A_680 = arith.minimumf %select_n3A_633, %div3A_671 : vector<24x2048xf32>
    %select_n3A_681 = arith.select %lt3A_679, %min3A_680, %select_n3A_633 : vector<24x2048xi1>, vector<24x2048xf32>
    %ne3A_682 = arith.constant 0.000000e+00 : f32
    %ne3A_683 = vector.broadcast %ne3A_682 : f32 to vector<24x2048xf32>
    %ne3A_684 = arith.cmpf one, %sub3A_661, %ne3A_683 : vector<24x2048xf32>
    %ge3A_685 = arith.constant 0.000000e+00 : f32
    %ge3A_686 = vector.broadcast %ge3A_685 : f32 to vector<24x2048xf32>
    %ge3A_687 = arith.cmpf oge, %sub3A_654, %ge3A_686 : vector<24x2048xf32>
    %or3A_688 = arith.ori %ne3A_684, %ge3A_687 : vector<24x2048xi1>
    %and3A_689 = arith.andi %and3A_641, %or3A_688 : vector<24x2048xi1>
    %mul3A_690 = vector.broadcast %sub3A_490 : vector<1x2048xf32> to vector<24x2048xf32>
    %mul3A_691 = arith.mulf %select_n3A_676, %mul3A_690 : vector<24x2048xf32>
    %add3A_692 = vector.broadcast %sub3A_125 : vector<1x2048xf32> to vector<24x2048xf32>
    %add3A_693 = arith.addf %add3A_692, %mul3A_691 : vector<24x2048xf32>
    %mul3A_694 = vector.broadcast %sub3A_491 : vector<1x2048xf32> to vector<24x2048xf32>
    %mul3A_695 = arith.mulf %select_n3A_676, %mul3A_694 : vector<24x2048xf32>
    %add3A_696 = vector.broadcast %add3A_165 : vector<1x2048xf32> to vector<24x2048xf32>
    %add3A_697 = arith.addf %add3A_696, %mul3A_695 : vector<24x2048xf32>
    %mul3A_698 = vector.broadcast %sub3A_490 : vector<1x2048xf32> to vector<24x2048xf32>
    %mul3A_699 = arith.mulf %select_n3A_681, %mul3A_698 : vector<24x2048xf32>
    %add3A_700 = vector.broadcast %sub3A_125 : vector<1x2048xf32> to vector<24x2048xf32>
    %add3A_701 = arith.addf %add3A_700, %mul3A_699 : vector<24x2048xf32>
    %mul3A_702 = vector.broadcast %sub3A_491 : vector<1x2048xf32> to vector<24x2048xf32>
    %mul3A_703 = arith.mulf %select_n3A_681, %mul3A_702 : vector<24x2048xf32>
    %add3A_704 = vector.broadcast %add3A_165 : vector<1x2048xf32> to vector<24x2048xf32>
    %add3A_705 = arith.addf %add3A_704, %mul3A_703 : vector<24x2048xf32>
    %mul3A_706 = arith.mulf %add3A_693, %add3A_705 : vector<24x2048xf32>
    %mul3A_707 = arith.mulf %add3A_697, %add3A_701 : vector<24x2048xf32>
    %sub3A_708 = arith.subf %mul3A_706, %mul3A_707 : vector<24x2048xf32>
    %gt3A_709 = arith.cmpf ogt, %select_n3A_681, %select_n3A_676 : vector<24x2048xf32>
    %and3A_710 = arith.andi %and3A_689, %gt3A_709 : vector<24x2048xi1>
    %jit3A_711 = arith.constant 0.000000e+00 : f32
    %broadcast_in_dim3A_712 = vector.broadcast %jit3A_711 : f32 to vector<24x2048xf32>
    %select_n3A_713 = arith.select %and3A_710, %sub3A_708, %broadcast_in_dim3A_712 : vector<24x2048xi1>, vector<24x2048xf32>
    %add3A_714 = arith.addf %add3A_489, %select_n3A_713 : vector<24x2048xf32>
    %sub3A_715 = arith.subf %sub3A_145, %sub3A_135 : vector<1x2048xf32>
    %sub3A_716 = arith.subf %add3A_185, %add3A_175 : vector<1x2048xf32>
    %broadcast_in_dim3A_717 = arith.constant 0.000000e+00 : f32
    %broadcast_in_dim3A_718 = vector.broadcast %broadcast_in_dim3A_717 : f32 to vector<24x2048xf32>
    %broadcast_in_dim3A_719 = arith.constant 1.000000e+00 : f32
    %broadcast_in_dim3A_720 = vector.broadcast %broadcast_in_dim3A_719 : f32 to vector<24x2048xf32>
    %broadcast_in_dim3A_721 = arith.constant true
    %broadcast_in_dim3A_722 = vector.broadcast %broadcast_in_dim3A_721 : i1 to vector<24x2048xi1>
    %sub3A_723 = arith.subf %sub3A_207, %sub3A_197 : vector<24x1xf32>
    %sub3A_724 = arith.subf %add3A_247, %add3A_237 : vector<24x1xf32>
    %sub3A_725 = vector.broadcast %add3A_175 : vector<1x2048xf32> to vector<24x2048xf32>
    %sub3A_726 = vector.broadcast %add3A_237 : vector<24x1xf32> to vector<24x2048xf32>
    %sub3A_727 = arith.subf %sub3A_725, %sub3A_726 : vector<24x2048xf32>
    %mul3A_728 = vector.broadcast %sub3A_723 : vector<24x1xf32> to vector<24x2048xf32>
    %mul3A_729 = arith.mulf %mul3A_728, %sub3A_727 : vector<24x2048xf32>
    %sub3A_730 = vector.broadcast %sub3A_135 : vector<1x2048xf32> to vector<24x2048xf32>
    %sub3A_731 = vector.broadcast %sub3A_197 : vector<24x1xf32> to vector<24x2048xf32>
    %sub3A_732 = arith.subf %sub3A_730, %sub3A_731 : vector<24x2048xf32>
    %mul3A_733 = vector.broadcast %sub3A_724 : vector<24x1xf32> to vector<24x2048xf32>
    %mul3A_734 = arith.mulf %mul3A_733, %sub3A_732 : vector<24x2048xf32>
    %sub3A_735 = arith.subf %mul3A_729, %mul3A_734 : vector<24x2048xf32>
    %mul3A_736 = vector.broadcast %sub3A_723 : vector<24x1xf32> to vector<24x2048xf32>
    %mul3A_737 = vector.broadcast %sub3A_716 : vector<1x2048xf32> to vector<24x2048xf32>
    %mul3A_738 = arith.mulf %mul3A_736, %mul3A_737 : vector<24x2048xf32>
    %mul3A_739 = vector.broadcast %sub3A_724 : vector<24x1xf32> to vector<24x2048xf32>
    %mul3A_740 = vector.broadcast %sub3A_715 : vector<1x2048xf32> to vector<24x2048xf32>
    %mul3A_741 = arith.mulf %mul3A_739, %mul3A_740 : vector<24x2048xf32>
    %sub3A_742 = arith.subf %mul3A_738, %mul3A_741 : vector<24x2048xf32>
    %neg3A_743 = arith.constant 0.000000e+00 : f32
    %neg3A_744 = vector.broadcast %neg3A_743 : f32 to vector<24x2048xf32>
    %neg3A_745 = arith.subf %neg3A_744, %sub3A_735 : vector<24x2048xf32>
    %eq3A_746 = arith.constant 0.000000e+00 : f32
    %eq3A_747 = vector.broadcast %eq3A_746 : f32 to vector<24x2048xf32>
    %eq3A_748 = arith.cmpf oeq, %sub3A_742, %eq3A_747 : vector<24x2048xf32>
    %jit3A_749 = arith.constant 1.000000e+00 : f32
    %broadcast_in_dim3A_750 = vector.broadcast %jit3A_749 : f32 to vector<24x2048xf32>
    %select_n3A_751 = arith.select %eq3A_748, %broadcast_in_dim3A_750, %sub3A_742 : vector<24x2048xi1>, vector<24x2048xf32>
    %div3A_752 = arith.divf %neg3A_745, %select_n3A_751 : vector<24x2048xf32>
    %gt3A_753 = arith.constant 0.000000e+00 : f32
    %gt3A_754 = vector.broadcast %gt3A_753 : f32 to vector<24x2048xf32>
    %gt3A_755 = arith.cmpf ogt, %sub3A_742, %gt3A_754 : vector<24x2048xf32>
    %max3A_756 = arith.maximumf %broadcast_in_dim3A_718, %div3A_752 : vector<24x2048xf32>
    %select_n3A_757 = arith.select %gt3A_755, %max3A_756, %broadcast_in_dim3A_718 : vector<24x2048xi1>, vector<24x2048xf32>
    %lt3A_758 = arith.constant 0.000000e+00 : f32
    %lt3A_759 = vector.broadcast %lt3A_758 : f32 to vector<24x2048xf32>
    %lt3A_760 = arith.cmpf olt, %sub3A_742, %lt3A_759 : vector<24x2048xf32>
    %min3A_761 = arith.minimumf %broadcast_in_dim3A_720, %div3A_752 : vector<24x2048xf32>
    %select_n3A_762 = arith.select %lt3A_760, %min3A_761, %broadcast_in_dim3A_720 : vector<24x2048xi1>, vector<24x2048xf32>
    %ne3A_763 = arith.constant 0.000000e+00 : f32
    %ne3A_764 = vector.broadcast %ne3A_763 : f32 to vector<24x2048xf32>
    %ne3A_765 = arith.cmpf one, %sub3A_742, %ne3A_764 : vector<24x2048xf32>
    %ge3A_766 = arith.constant 0.000000e+00 : f32
    %ge3A_767 = vector.broadcast %ge3A_766 : f32 to vector<24x2048xf32>
    %ge3A_768 = arith.cmpf oge, %sub3A_735, %ge3A_767 : vector<24x2048xf32>
    %or3A_769 = arith.ori %ne3A_765, %ge3A_768 : vector<24x2048xi1>
    %and3A_770 = arith.andi %broadcast_in_dim3A_722, %or3A_769 : vector<24x2048xi1>
    %sub3A_771 = arith.subf %sub3A_217, %sub3A_207 : vector<24x1xf32>
    %sub3A_772 = arith.subf %add3A_257, %add3A_247 : vector<24x1xf32>
    %sub3A_773 = vector.broadcast %add3A_175 : vector<1x2048xf32> to vector<24x2048xf32>
    %sub3A_774 = vector.broadcast %add3A_247 : vector<24x1xf32> to vector<24x2048xf32>
    %sub3A_775 = arith.subf %sub3A_773, %sub3A_774 : vector<24x2048xf32>
    %mul3A_776 = vector.broadcast %sub3A_771 : vector<24x1xf32> to vector<24x2048xf32>
    %mul3A_777 = arith.mulf %mul3A_776, %sub3A_775 : vector<24x2048xf32>
    %sub3A_778 = vector.broadcast %sub3A_135 : vector<1x2048xf32> to vector<24x2048xf32>
    %sub3A_779 = vector.broadcast %sub3A_207 : vector<24x1xf32> to vector<24x2048xf32>
    %sub3A_780 = arith.subf %sub3A_778, %sub3A_779 : vector<24x2048xf32>
    %mul3A_781 = vector.broadcast %sub3A_772 : vector<24x1xf32> to vector<24x2048xf32>
    %mul3A_782 = arith.mulf %mul3A_781, %sub3A_780 : vector<24x2048xf32>
    %sub3A_783 = arith.subf %mul3A_777, %mul3A_782 : vector<24x2048xf32>
    %mul3A_784 = vector.broadcast %sub3A_771 : vector<24x1xf32> to vector<24x2048xf32>
    %mul3A_785 = vector.broadcast %sub3A_716 : vector<1x2048xf32> to vector<24x2048xf32>
    %mul3A_786 = arith.mulf %mul3A_784, %mul3A_785 : vector<24x2048xf32>
    %mul3A_787 = vector.broadcast %sub3A_772 : vector<24x1xf32> to vector<24x2048xf32>
    %mul3A_788 = vector.broadcast %sub3A_715 : vector<1x2048xf32> to vector<24x2048xf32>
    %mul3A_789 = arith.mulf %mul3A_787, %mul3A_788 : vector<24x2048xf32>
    %sub3A_790 = arith.subf %mul3A_786, %mul3A_789 : vector<24x2048xf32>
    %neg3A_791 = arith.constant 0.000000e+00 : f32
    %neg3A_792 = vector.broadcast %neg3A_791 : f32 to vector<24x2048xf32>
    %neg3A_793 = arith.subf %neg3A_792, %sub3A_783 : vector<24x2048xf32>
    %eq3A_794 = arith.constant 0.000000e+00 : f32
    %eq3A_795 = vector.broadcast %eq3A_794 : f32 to vector<24x2048xf32>
    %eq3A_796 = arith.cmpf oeq, %sub3A_790, %eq3A_795 : vector<24x2048xf32>
    %jit3A_797 = arith.constant 1.000000e+00 : f32
    %broadcast_in_dim3A_798 = vector.broadcast %jit3A_797 : f32 to vector<24x2048xf32>
    %select_n3A_799 = arith.select %eq3A_796, %broadcast_in_dim3A_798, %sub3A_790 : vector<24x2048xi1>, vector<24x2048xf32>
    %div3A_800 = arith.divf %neg3A_793, %select_n3A_799 : vector<24x2048xf32>
    %gt3A_801 = arith.constant 0.000000e+00 : f32
    %gt3A_802 = vector.broadcast %gt3A_801 : f32 to vector<24x2048xf32>
    %gt3A_803 = arith.cmpf ogt, %sub3A_790, %gt3A_802 : vector<24x2048xf32>
    %max3A_804 = arith.maximumf %select_n3A_757, %div3A_800 : vector<24x2048xf32>
    %select_n3A_805 = arith.select %gt3A_803, %max3A_804, %select_n3A_757 : vector<24x2048xi1>, vector<24x2048xf32>
    %lt3A_806 = arith.constant 0.000000e+00 : f32
    %lt3A_807 = vector.broadcast %lt3A_806 : f32 to vector<24x2048xf32>
    %lt3A_808 = arith.cmpf olt, %sub3A_790, %lt3A_807 : vector<24x2048xf32>
    %min3A_809 = arith.minimumf %select_n3A_762, %div3A_800 : vector<24x2048xf32>
    %select_n3A_810 = arith.select %lt3A_808, %min3A_809, %select_n3A_762 : vector<24x2048xi1>, vector<24x2048xf32>
    %ne3A_811 = arith.constant 0.000000e+00 : f32
    %ne3A_812 = vector.broadcast %ne3A_811 : f32 to vector<24x2048xf32>
    %ne3A_813 = arith.cmpf one, %sub3A_790, %ne3A_812 : vector<24x2048xf32>
    %ge3A_814 = arith.constant 0.000000e+00 : f32
    %ge3A_815 = vector.broadcast %ge3A_814 : f32 to vector<24x2048xf32>
    %ge3A_816 = arith.cmpf oge, %sub3A_783, %ge3A_815 : vector<24x2048xf32>
    %or3A_817 = arith.ori %ne3A_813, %ge3A_816 : vector<24x2048xi1>
    %and3A_818 = arith.andi %and3A_770, %or3A_817 : vector<24x2048xi1>
    %sub3A_819 = arith.subf %sub3A_227, %sub3A_217 : vector<24x1xf32>
    %sub3A_820 = arith.subf %add3A_267, %add3A_257 : vector<24x1xf32>
    %sub3A_821 = vector.broadcast %add3A_175 : vector<1x2048xf32> to vector<24x2048xf32>
    %sub3A_822 = vector.broadcast %add3A_257 : vector<24x1xf32> to vector<24x2048xf32>
    %sub3A_823 = arith.subf %sub3A_821, %sub3A_822 : vector<24x2048xf32>
    %mul3A_824 = vector.broadcast %sub3A_819 : vector<24x1xf32> to vector<24x2048xf32>
    %mul3A_825 = arith.mulf %mul3A_824, %sub3A_823 : vector<24x2048xf32>
    %sub3A_826 = vector.broadcast %sub3A_135 : vector<1x2048xf32> to vector<24x2048xf32>
    %sub3A_827 = vector.broadcast %sub3A_217 : vector<24x1xf32> to vector<24x2048xf32>
    %sub3A_828 = arith.subf %sub3A_826, %sub3A_827 : vector<24x2048xf32>
    %mul3A_829 = vector.broadcast %sub3A_820 : vector<24x1xf32> to vector<24x2048xf32>
    %mul3A_830 = arith.mulf %mul3A_829, %sub3A_828 : vector<24x2048xf32>
    %sub3A_831 = arith.subf %mul3A_825, %mul3A_830 : vector<24x2048xf32>
    %mul3A_832 = vector.broadcast %sub3A_819 : vector<24x1xf32> to vector<24x2048xf32>
    %mul3A_833 = vector.broadcast %sub3A_716 : vector<1x2048xf32> to vector<24x2048xf32>
    %mul3A_834 = arith.mulf %mul3A_832, %mul3A_833 : vector<24x2048xf32>
    %mul3A_835 = vector.broadcast %sub3A_820 : vector<24x1xf32> to vector<24x2048xf32>
    %mul3A_836 = vector.broadcast %sub3A_715 : vector<1x2048xf32> to vector<24x2048xf32>
    %mul3A_837 = arith.mulf %mul3A_835, %mul3A_836 : vector<24x2048xf32>
    %sub3A_838 = arith.subf %mul3A_834, %mul3A_837 : vector<24x2048xf32>
    %neg3A_839 = arith.constant 0.000000e+00 : f32
    %neg3A_840 = vector.broadcast %neg3A_839 : f32 to vector<24x2048xf32>
    %neg3A_841 = arith.subf %neg3A_840, %sub3A_831 : vector<24x2048xf32>
    %eq3A_842 = arith.constant 0.000000e+00 : f32
    %eq3A_843 = vector.broadcast %eq3A_842 : f32 to vector<24x2048xf32>
    %eq3A_844 = arith.cmpf oeq, %sub3A_838, %eq3A_843 : vector<24x2048xf32>
    %jit3A_845 = arith.constant 1.000000e+00 : f32
    %broadcast_in_dim3A_846 = vector.broadcast %jit3A_845 : f32 to vector<24x2048xf32>
    %select_n3A_847 = arith.select %eq3A_844, %broadcast_in_dim3A_846, %sub3A_838 : vector<24x2048xi1>, vector<24x2048xf32>
    %div3A_848 = arith.divf %neg3A_841, %select_n3A_847 : vector<24x2048xf32>
    %gt3A_849 = arith.constant 0.000000e+00 : f32
    %gt3A_850 = vector.broadcast %gt3A_849 : f32 to vector<24x2048xf32>
    %gt3A_851 = arith.cmpf ogt, %sub3A_838, %gt3A_850 : vector<24x2048xf32>
    %max3A_852 = arith.maximumf %select_n3A_805, %div3A_848 : vector<24x2048xf32>
    %select_n3A_853 = arith.select %gt3A_851, %max3A_852, %select_n3A_805 : vector<24x2048xi1>, vector<24x2048xf32>
    %lt3A_854 = arith.constant 0.000000e+00 : f32
    %lt3A_855 = vector.broadcast %lt3A_854 : f32 to vector<24x2048xf32>
    %lt3A_856 = arith.cmpf olt, %sub3A_838, %lt3A_855 : vector<24x2048xf32>
    %min3A_857 = arith.minimumf %select_n3A_810, %div3A_848 : vector<24x2048xf32>
    %select_n3A_858 = arith.select %lt3A_856, %min3A_857, %select_n3A_810 : vector<24x2048xi1>, vector<24x2048xf32>
    %ne3A_859 = arith.constant 0.000000e+00 : f32
    %ne3A_860 = vector.broadcast %ne3A_859 : f32 to vector<24x2048xf32>
    %ne3A_861 = arith.cmpf one, %sub3A_838, %ne3A_860 : vector<24x2048xf32>
    %ge3A_862 = arith.constant 0.000000e+00 : f32
    %ge3A_863 = vector.broadcast %ge3A_862 : f32 to vector<24x2048xf32>
    %ge3A_864 = arith.cmpf oge, %sub3A_831, %ge3A_863 : vector<24x2048xf32>
    %or3A_865 = arith.ori %ne3A_861, %ge3A_864 : vector<24x2048xi1>
    %and3A_866 = arith.andi %and3A_818, %or3A_865 : vector<24x2048xi1>
    %sub3A_867 = arith.subf %sub3A_197, %sub3A_227 : vector<24x1xf32>
    %sub3A_868 = arith.subf %add3A_237, %add3A_267 : vector<24x1xf32>
    %sub3A_869 = vector.broadcast %add3A_175 : vector<1x2048xf32> to vector<24x2048xf32>
    %sub3A_870 = vector.broadcast %add3A_267 : vector<24x1xf32> to vector<24x2048xf32>
    %sub3A_871 = arith.subf %sub3A_869, %sub3A_870 : vector<24x2048xf32>
    %mul3A_872 = vector.broadcast %sub3A_867 : vector<24x1xf32> to vector<24x2048xf32>
    %mul3A_873 = arith.mulf %mul3A_872, %sub3A_871 : vector<24x2048xf32>
    %sub3A_874 = vector.broadcast %sub3A_135 : vector<1x2048xf32> to vector<24x2048xf32>
    %sub3A_875 = vector.broadcast %sub3A_227 : vector<24x1xf32> to vector<24x2048xf32>
    %sub3A_876 = arith.subf %sub3A_874, %sub3A_875 : vector<24x2048xf32>
    %mul3A_877 = vector.broadcast %sub3A_868 : vector<24x1xf32> to vector<24x2048xf32>
    %mul3A_878 = arith.mulf %mul3A_877, %sub3A_876 : vector<24x2048xf32>
    %sub3A_879 = arith.subf %mul3A_873, %mul3A_878 : vector<24x2048xf32>
    %mul3A_880 = vector.broadcast %sub3A_867 : vector<24x1xf32> to vector<24x2048xf32>
    %mul3A_881 = vector.broadcast %sub3A_716 : vector<1x2048xf32> to vector<24x2048xf32>
    %mul3A_882 = arith.mulf %mul3A_880, %mul3A_881 : vector<24x2048xf32>
    %mul3A_883 = vector.broadcast %sub3A_868 : vector<24x1xf32> to vector<24x2048xf32>
    %mul3A_884 = vector.broadcast %sub3A_715 : vector<1x2048xf32> to vector<24x2048xf32>
    %mul3A_885 = arith.mulf %mul3A_883, %mul3A_884 : vector<24x2048xf32>
    %sub3A_886 = arith.subf %mul3A_882, %mul3A_885 : vector<24x2048xf32>
    %neg3A_887 = arith.constant 0.000000e+00 : f32
    %neg3A_888 = vector.broadcast %neg3A_887 : f32 to vector<24x2048xf32>
    %neg3A_889 = arith.subf %neg3A_888, %sub3A_879 : vector<24x2048xf32>
    %eq3A_890 = arith.constant 0.000000e+00 : f32
    %eq3A_891 = vector.broadcast %eq3A_890 : f32 to vector<24x2048xf32>
    %eq3A_892 = arith.cmpf oeq, %sub3A_886, %eq3A_891 : vector<24x2048xf32>
    %jit3A_893 = arith.constant 1.000000e+00 : f32
    %broadcast_in_dim3A_894 = vector.broadcast %jit3A_893 : f32 to vector<24x2048xf32>
    %select_n3A_895 = arith.select %eq3A_892, %broadcast_in_dim3A_894, %sub3A_886 : vector<24x2048xi1>, vector<24x2048xf32>
    %div3A_896 = arith.divf %neg3A_889, %select_n3A_895 : vector<24x2048xf32>
    %gt3A_897 = arith.constant 0.000000e+00 : f32
    %gt3A_898 = vector.broadcast %gt3A_897 : f32 to vector<24x2048xf32>
    %gt3A_899 = arith.cmpf ogt, %sub3A_886, %gt3A_898 : vector<24x2048xf32>
    %max3A_900 = arith.maximumf %select_n3A_853, %div3A_896 : vector<24x2048xf32>
    %select_n3A_901 = arith.select %gt3A_899, %max3A_900, %select_n3A_853 : vector<24x2048xi1>, vector<24x2048xf32>
    %lt3A_902 = arith.constant 0.000000e+00 : f32
    %lt3A_903 = vector.broadcast %lt3A_902 : f32 to vector<24x2048xf32>
    %lt3A_904 = arith.cmpf olt, %sub3A_886, %lt3A_903 : vector<24x2048xf32>
    %min3A_905 = arith.minimumf %select_n3A_858, %div3A_896 : vector<24x2048xf32>
    %select_n3A_906 = arith.select %lt3A_904, %min3A_905, %select_n3A_858 : vector<24x2048xi1>, vector<24x2048xf32>
    %ne3A_907 = arith.constant 0.000000e+00 : f32
    %ne3A_908 = vector.broadcast %ne3A_907 : f32 to vector<24x2048xf32>
    %ne3A_909 = arith.cmpf one, %sub3A_886, %ne3A_908 : vector<24x2048xf32>
    %ge3A_910 = arith.constant 0.000000e+00 : f32
    %ge3A_911 = vector.broadcast %ge3A_910 : f32 to vector<24x2048xf32>
    %ge3A_912 = arith.cmpf oge, %sub3A_879, %ge3A_911 : vector<24x2048xf32>
    %or3A_913 = arith.ori %ne3A_909, %ge3A_912 : vector<24x2048xi1>
    %and3A_914 = arith.andi %and3A_866, %or3A_913 : vector<24x2048xi1>
    %mul3A_915 = vector.broadcast %sub3A_715 : vector<1x2048xf32> to vector<24x2048xf32>
    %mul3A_916 = arith.mulf %select_n3A_901, %mul3A_915 : vector<24x2048xf32>
    %add3A_917 = vector.broadcast %sub3A_135 : vector<1x2048xf32> to vector<24x2048xf32>
    %add3A_918 = arith.addf %add3A_917, %mul3A_916 : vector<24x2048xf32>
    %mul3A_919 = vector.broadcast %sub3A_716 : vector<1x2048xf32> to vector<24x2048xf32>
    %mul3A_920 = arith.mulf %select_n3A_901, %mul3A_919 : vector<24x2048xf32>
    %add3A_921 = vector.broadcast %add3A_175 : vector<1x2048xf32> to vector<24x2048xf32>
    %add3A_922 = arith.addf %add3A_921, %mul3A_920 : vector<24x2048xf32>
    %mul3A_923 = vector.broadcast %sub3A_715 : vector<1x2048xf32> to vector<24x2048xf32>
    %mul3A_924 = arith.mulf %select_n3A_906, %mul3A_923 : vector<24x2048xf32>
    %add3A_925 = vector.broadcast %sub3A_135 : vector<1x2048xf32> to vector<24x2048xf32>
    %add3A_926 = arith.addf %add3A_925, %mul3A_924 : vector<24x2048xf32>
    %mul3A_927 = vector.broadcast %sub3A_716 : vector<1x2048xf32> to vector<24x2048xf32>
    %mul3A_928 = arith.mulf %select_n3A_906, %mul3A_927 : vector<24x2048xf32>
    %add3A_929 = vector.broadcast %add3A_175 : vector<1x2048xf32> to vector<24x2048xf32>
    %add3A_930 = arith.addf %add3A_929, %mul3A_928 : vector<24x2048xf32>
    %mul3A_931 = arith.mulf %add3A_918, %add3A_930 : vector<24x2048xf32>
    %mul3A_932 = arith.mulf %add3A_922, %add3A_926 : vector<24x2048xf32>
    %sub3A_933 = arith.subf %mul3A_931, %mul3A_932 : vector<24x2048xf32>
    %gt3A_934 = arith.cmpf ogt, %select_n3A_906, %select_n3A_901 : vector<24x2048xf32>
    %and3A_935 = arith.andi %and3A_914, %gt3A_934 : vector<24x2048xi1>
    %jit3A_936 = arith.constant 0.000000e+00 : f32
    %broadcast_in_dim3A_937 = vector.broadcast %jit3A_936 : f32 to vector<24x2048xf32>
    %select_n3A_938 = arith.select %and3A_935, %sub3A_933, %broadcast_in_dim3A_937 : vector<24x2048xi1>, vector<24x2048xf32>
    %add3A_939 = arith.addf %add3A_714, %select_n3A_938 : vector<24x2048xf32>
    %sub3A_940 = arith.subf %sub3A_115, %sub3A_145 : vector<1x2048xf32>
    %sub3A_941 = arith.subf %add3A_155, %add3A_185 : vector<1x2048xf32>
    %broadcast_in_dim3A_942 = arith.constant 0.000000e+00 : f32
    %broadcast_in_dim3A_943 = vector.broadcast %broadcast_in_dim3A_942 : f32 to vector<24x2048xf32>
    %broadcast_in_dim3A_944 = arith.constant 1.000000e+00 : f32
    %broadcast_in_dim3A_945 = vector.broadcast %broadcast_in_dim3A_944 : f32 to vector<24x2048xf32>
    %broadcast_in_dim3A_946 = arith.constant true
    %broadcast_in_dim3A_947 = vector.broadcast %broadcast_in_dim3A_946 : i1 to vector<24x2048xi1>
    %sub3A_948 = arith.subf %sub3A_207, %sub3A_197 : vector<24x1xf32>
    %sub3A_949 = arith.subf %add3A_247, %add3A_237 : vector<24x1xf32>
    %sub3A_950 = vector.broadcast %add3A_185 : vector<1x2048xf32> to vector<24x2048xf32>
    %sub3A_951 = vector.broadcast %add3A_237 : vector<24x1xf32> to vector<24x2048xf32>
    %sub3A_952 = arith.subf %sub3A_950, %sub3A_951 : vector<24x2048xf32>
    %mul3A_953 = vector.broadcast %sub3A_948 : vector<24x1xf32> to vector<24x2048xf32>
    %mul3A_954 = arith.mulf %mul3A_953, %sub3A_952 : vector<24x2048xf32>
    %sub3A_955 = vector.broadcast %sub3A_145 : vector<1x2048xf32> to vector<24x2048xf32>
    %sub3A_956 = vector.broadcast %sub3A_197 : vector<24x1xf32> to vector<24x2048xf32>
    %sub3A_957 = arith.subf %sub3A_955, %sub3A_956 : vector<24x2048xf32>
    %mul3A_958 = vector.broadcast %sub3A_949 : vector<24x1xf32> to vector<24x2048xf32>
    %mul3A_959 = arith.mulf %mul3A_958, %sub3A_957 : vector<24x2048xf32>
    %sub3A_960 = arith.subf %mul3A_954, %mul3A_959 : vector<24x2048xf32>
    %mul3A_961 = vector.broadcast %sub3A_948 : vector<24x1xf32> to vector<24x2048xf32>
    %mul3A_962 = vector.broadcast %sub3A_941 : vector<1x2048xf32> to vector<24x2048xf32>
    %mul3A_963 = arith.mulf %mul3A_961, %mul3A_962 : vector<24x2048xf32>
    %mul3A_964 = vector.broadcast %sub3A_949 : vector<24x1xf32> to vector<24x2048xf32>
    %mul3A_965 = vector.broadcast %sub3A_940 : vector<1x2048xf32> to vector<24x2048xf32>
    %mul3A_966 = arith.mulf %mul3A_964, %mul3A_965 : vector<24x2048xf32>
    %sub3A_967 = arith.subf %mul3A_963, %mul3A_966 : vector<24x2048xf32>
    %neg3A_968 = arith.constant 0.000000e+00 : f32
    %neg3A_969 = vector.broadcast %neg3A_968 : f32 to vector<24x2048xf32>
    %neg3A_970 = arith.subf %neg3A_969, %sub3A_960 : vector<24x2048xf32>
    %eq3A_971 = arith.constant 0.000000e+00 : f32
    %eq3A_972 = vector.broadcast %eq3A_971 : f32 to vector<24x2048xf32>
    %eq3A_973 = arith.cmpf oeq, %sub3A_967, %eq3A_972 : vector<24x2048xf32>
    %jit3A_974 = arith.constant 1.000000e+00 : f32
    %broadcast_in_dim3A_975 = vector.broadcast %jit3A_974 : f32 to vector<24x2048xf32>
    %select_n3A_976 = arith.select %eq3A_973, %broadcast_in_dim3A_975, %sub3A_967 : vector<24x2048xi1>, vector<24x2048xf32>
    %div3A_977 = arith.divf %neg3A_970, %select_n3A_976 : vector<24x2048xf32>
    %gt3A_978 = arith.constant 0.000000e+00 : f32
    %gt3A_979 = vector.broadcast %gt3A_978 : f32 to vector<24x2048xf32>
    %gt3A_980 = arith.cmpf ogt, %sub3A_967, %gt3A_979 : vector<24x2048xf32>
    %max3A_981 = arith.maximumf %broadcast_in_dim3A_943, %div3A_977 : vector<24x2048xf32>
    %select_n3A_982 = arith.select %gt3A_980, %max3A_981, %broadcast_in_dim3A_943 : vector<24x2048xi1>, vector<24x2048xf32>
    %lt3A_983 = arith.constant 0.000000e+00 : f32
    %lt3A_984 = vector.broadcast %lt3A_983 : f32 to vector<24x2048xf32>
    %lt3A_985 = arith.cmpf olt, %sub3A_967, %lt3A_984 : vector<24x2048xf32>
    %min3A_986 = arith.minimumf %broadcast_in_dim3A_945, %div3A_977 : vector<24x2048xf32>
    %select_n3A_987 = arith.select %lt3A_985, %min3A_986, %broadcast_in_dim3A_945 : vector<24x2048xi1>, vector<24x2048xf32>
    %ne3A_988 = arith.constant 0.000000e+00 : f32
    %ne3A_989 = vector.broadcast %ne3A_988 : f32 to vector<24x2048xf32>
    %ne3A_990 = arith.cmpf one, %sub3A_967, %ne3A_989 : vector<24x2048xf32>
    %ge3A_991 = arith.constant 0.000000e+00 : f32
    %ge3A_992 = vector.broadcast %ge3A_991 : f32 to vector<24x2048xf32>
    %ge3A_993 = arith.cmpf oge, %sub3A_960, %ge3A_992 : vector<24x2048xf32>
    %or3A_994 = arith.ori %ne3A_990, %ge3A_993 : vector<24x2048xi1>
    %and3A_995 = arith.andi %broadcast_in_dim3A_947, %or3A_994 : vector<24x2048xi1>
    %sub3A_996 = arith.subf %sub3A_217, %sub3A_207 : vector<24x1xf32>
    %sub3A_997 = arith.subf %add3A_257, %add3A_247 : vector<24x1xf32>
    %sub3A_998 = vector.broadcast %add3A_185 : vector<1x2048xf32> to vector<24x2048xf32>
    %sub3A_999 = vector.broadcast %add3A_247 : vector<24x1xf32> to vector<24x2048xf32>
    %sub3A_1000 = arith.subf %sub3A_998, %sub3A_999 : vector<24x2048xf32>
    %mul3A_1001 = vector.broadcast %sub3A_996 : vector<24x1xf32> to vector<24x2048xf32>
    %mul3A_1002 = arith.mulf %mul3A_1001, %sub3A_1000 : vector<24x2048xf32>
    %sub3A_1003 = vector.broadcast %sub3A_145 : vector<1x2048xf32> to vector<24x2048xf32>
    %sub3A_1004 = vector.broadcast %sub3A_207 : vector<24x1xf32> to vector<24x2048xf32>
    %sub3A_1005 = arith.subf %sub3A_1003, %sub3A_1004 : vector<24x2048xf32>
    %mul3A_1006 = vector.broadcast %sub3A_997 : vector<24x1xf32> to vector<24x2048xf32>
    %mul3A_1007 = arith.mulf %mul3A_1006, %sub3A_1005 : vector<24x2048xf32>
    %sub3A_1008 = arith.subf %mul3A_1002, %mul3A_1007 : vector<24x2048xf32>
    %mul3A_1009 = vector.broadcast %sub3A_996 : vector<24x1xf32> to vector<24x2048xf32>
    %mul3A_1010 = vector.broadcast %sub3A_941 : vector<1x2048xf32> to vector<24x2048xf32>
    %mul3A_1011 = arith.mulf %mul3A_1009, %mul3A_1010 : vector<24x2048xf32>
    %mul3A_1012 = vector.broadcast %sub3A_997 : vector<24x1xf32> to vector<24x2048xf32>
    %mul3A_1013 = vector.broadcast %sub3A_940 : vector<1x2048xf32> to vector<24x2048xf32>
    %mul3A_1014 = arith.mulf %mul3A_1012, %mul3A_1013 : vector<24x2048xf32>
    %sub3A_1015 = arith.subf %mul3A_1011, %mul3A_1014 : vector<24x2048xf32>
    %neg3A_1016 = arith.constant 0.000000e+00 : f32
    %neg3A_1017 = vector.broadcast %neg3A_1016 : f32 to vector<24x2048xf32>
    %neg3A_1018 = arith.subf %neg3A_1017, %sub3A_1008 : vector<24x2048xf32>
    %eq3A_1019 = arith.constant 0.000000e+00 : f32
    %eq3A_1020 = vector.broadcast %eq3A_1019 : f32 to vector<24x2048xf32>
    %eq3A_1021 = arith.cmpf oeq, %sub3A_1015, %eq3A_1020 : vector<24x2048xf32>
    %jit3A_1022 = arith.constant 1.000000e+00 : f32
    %broadcast_in_dim3A_1023 = vector.broadcast %jit3A_1022 : f32 to vector<24x2048xf32>
    %select_n3A_1024 = arith.select %eq3A_1021, %broadcast_in_dim3A_1023, %sub3A_1015 : vector<24x2048xi1>, vector<24x2048xf32>
    %div3A_1025 = arith.divf %neg3A_1018, %select_n3A_1024 : vector<24x2048xf32>
    %gt3A_1026 = arith.constant 0.000000e+00 : f32
    %gt3A_1027 = vector.broadcast %gt3A_1026 : f32 to vector<24x2048xf32>
    %gt3A_1028 = arith.cmpf ogt, %sub3A_1015, %gt3A_1027 : vector<24x2048xf32>
    %max3A_1029 = arith.maximumf %select_n3A_982, %div3A_1025 : vector<24x2048xf32>
    %select_n3A_1030 = arith.select %gt3A_1028, %max3A_1029, %select_n3A_982 : vector<24x2048xi1>, vector<24x2048xf32>
    %lt3A_1031 = arith.constant 0.000000e+00 : f32
    %lt3A_1032 = vector.broadcast %lt3A_1031 : f32 to vector<24x2048xf32>
    %lt3A_1033 = arith.cmpf olt, %sub3A_1015, %lt3A_1032 : vector<24x2048xf32>
    %min3A_1034 = arith.minimumf %select_n3A_987, %div3A_1025 : vector<24x2048xf32>
    %select_n3A_1035 = arith.select %lt3A_1033, %min3A_1034, %select_n3A_987 : vector<24x2048xi1>, vector<24x2048xf32>
    %ne3A_1036 = arith.constant 0.000000e+00 : f32
    %ne3A_1037 = vector.broadcast %ne3A_1036 : f32 to vector<24x2048xf32>
    %ne3A_1038 = arith.cmpf one, %sub3A_1015, %ne3A_1037 : vector<24x2048xf32>
    %ge3A_1039 = arith.constant 0.000000e+00 : f32
    %ge3A_1040 = vector.broadcast %ge3A_1039 : f32 to vector<24x2048xf32>
    %ge3A_1041 = arith.cmpf oge, %sub3A_1008, %ge3A_1040 : vector<24x2048xf32>
    %or3A_1042 = arith.ori %ne3A_1038, %ge3A_1041 : vector<24x2048xi1>
    %and3A_1043 = arith.andi %and3A_995, %or3A_1042 : vector<24x2048xi1>
    %sub3A_1044 = arith.subf %sub3A_227, %sub3A_217 : vector<24x1xf32>
    %sub3A_1045 = arith.subf %add3A_267, %add3A_257 : vector<24x1xf32>
    %sub3A_1046 = vector.broadcast %add3A_185 : vector<1x2048xf32> to vector<24x2048xf32>
    %sub3A_1047 = vector.broadcast %add3A_257 : vector<24x1xf32> to vector<24x2048xf32>
    %sub3A_1048 = arith.subf %sub3A_1046, %sub3A_1047 : vector<24x2048xf32>
    %mul3A_1049 = vector.broadcast %sub3A_1044 : vector<24x1xf32> to vector<24x2048xf32>
    %mul3A_1050 = arith.mulf %mul3A_1049, %sub3A_1048 : vector<24x2048xf32>
    %sub3A_1051 = vector.broadcast %sub3A_145 : vector<1x2048xf32> to vector<24x2048xf32>
    %sub3A_1052 = vector.broadcast %sub3A_217 : vector<24x1xf32> to vector<24x2048xf32>
    %sub3A_1053 = arith.subf %sub3A_1051, %sub3A_1052 : vector<24x2048xf32>
    %mul3A_1054 = vector.broadcast %sub3A_1045 : vector<24x1xf32> to vector<24x2048xf32>
    %mul3A_1055 = arith.mulf %mul3A_1054, %sub3A_1053 : vector<24x2048xf32>
    %sub3A_1056 = arith.subf %mul3A_1050, %mul3A_1055 : vector<24x2048xf32>
    %mul3A_1057 = vector.broadcast %sub3A_1044 : vector<24x1xf32> to vector<24x2048xf32>
    %mul3A_1058 = vector.broadcast %sub3A_941 : vector<1x2048xf32> to vector<24x2048xf32>
    %mul3A_1059 = arith.mulf %mul3A_1057, %mul3A_1058 : vector<24x2048xf32>
    %mul3A_1060 = vector.broadcast %sub3A_1045 : vector<24x1xf32> to vector<24x2048xf32>
    %mul3A_1061 = vector.broadcast %sub3A_940 : vector<1x2048xf32> to vector<24x2048xf32>
    %mul3A_1062 = arith.mulf %mul3A_1060, %mul3A_1061 : vector<24x2048xf32>
    %sub3A_1063 = arith.subf %mul3A_1059, %mul3A_1062 : vector<24x2048xf32>
    %neg3A_1064 = arith.constant 0.000000e+00 : f32
    %neg3A_1065 = vector.broadcast %neg3A_1064 : f32 to vector<24x2048xf32>
    %neg3A_1066 = arith.subf %neg3A_1065, %sub3A_1056 : vector<24x2048xf32>
    %eq3A_1067 = arith.constant 0.000000e+00 : f32
    %eq3A_1068 = vector.broadcast %eq3A_1067 : f32 to vector<24x2048xf32>
    %eq3A_1069 = arith.cmpf oeq, %sub3A_1063, %eq3A_1068 : vector<24x2048xf32>
    %jit3A_1070 = arith.constant 1.000000e+00 : f32
    %broadcast_in_dim3A_1071 = vector.broadcast %jit3A_1070 : f32 to vector<24x2048xf32>
    %select_n3A_1072 = arith.select %eq3A_1069, %broadcast_in_dim3A_1071, %sub3A_1063 : vector<24x2048xi1>, vector<24x2048xf32>
    %div3A_1073 = arith.divf %neg3A_1066, %select_n3A_1072 : vector<24x2048xf32>
    %gt3A_1074 = arith.constant 0.000000e+00 : f32
    %gt3A_1075 = vector.broadcast %gt3A_1074 : f32 to vector<24x2048xf32>
    %gt3A_1076 = arith.cmpf ogt, %sub3A_1063, %gt3A_1075 : vector<24x2048xf32>
    %max3A_1077 = arith.maximumf %select_n3A_1030, %div3A_1073 : vector<24x2048xf32>
    %select_n3A_1078 = arith.select %gt3A_1076, %max3A_1077, %select_n3A_1030 : vector<24x2048xi1>, vector<24x2048xf32>
    %lt3A_1079 = arith.constant 0.000000e+00 : f32
    %lt3A_1080 = vector.broadcast %lt3A_1079 : f32 to vector<24x2048xf32>
    %lt3A_1081 = arith.cmpf olt, %sub3A_1063, %lt3A_1080 : vector<24x2048xf32>
    %min3A_1082 = arith.minimumf %select_n3A_1035, %div3A_1073 : vector<24x2048xf32>
    %select_n3A_1083 = arith.select %lt3A_1081, %min3A_1082, %select_n3A_1035 : vector<24x2048xi1>, vector<24x2048xf32>
    %ne3A_1084 = arith.constant 0.000000e+00 : f32
    %ne3A_1085 = vector.broadcast %ne3A_1084 : f32 to vector<24x2048xf32>
    %ne3A_1086 = arith.cmpf one, %sub3A_1063, %ne3A_1085 : vector<24x2048xf32>
    %ge3A_1087 = arith.constant 0.000000e+00 : f32
    %ge3A_1088 = vector.broadcast %ge3A_1087 : f32 to vector<24x2048xf32>
    %ge3A_1089 = arith.cmpf oge, %sub3A_1056, %ge3A_1088 : vector<24x2048xf32>
    %or3A_1090 = arith.ori %ne3A_1086, %ge3A_1089 : vector<24x2048xi1>
    %and3A_1091 = arith.andi %and3A_1043, %or3A_1090 : vector<24x2048xi1>
    %sub3A_1092 = arith.subf %sub3A_197, %sub3A_227 : vector<24x1xf32>
    %sub3A_1093 = arith.subf %add3A_237, %add3A_267 : vector<24x1xf32>
    %sub3A_1094 = vector.broadcast %add3A_185 : vector<1x2048xf32> to vector<24x2048xf32>
    %sub3A_1095 = vector.broadcast %add3A_267 : vector<24x1xf32> to vector<24x2048xf32>
    %sub3A_1096 = arith.subf %sub3A_1094, %sub3A_1095 : vector<24x2048xf32>
    %mul3A_1097 = vector.broadcast %sub3A_1092 : vector<24x1xf32> to vector<24x2048xf32>
    %mul3A_1098 = arith.mulf %mul3A_1097, %sub3A_1096 : vector<24x2048xf32>
    %sub3A_1099 = vector.broadcast %sub3A_145 : vector<1x2048xf32> to vector<24x2048xf32>
    %sub3A_1100 = vector.broadcast %sub3A_227 : vector<24x1xf32> to vector<24x2048xf32>
    %sub3A_1101 = arith.subf %sub3A_1099, %sub3A_1100 : vector<24x2048xf32>
    %mul3A_1102 = vector.broadcast %sub3A_1093 : vector<24x1xf32> to vector<24x2048xf32>
    %mul3A_1103 = arith.mulf %mul3A_1102, %sub3A_1101 : vector<24x2048xf32>
    %sub3A_1104 = arith.subf %mul3A_1098, %mul3A_1103 : vector<24x2048xf32>
    %mul3A_1105 = vector.broadcast %sub3A_1092 : vector<24x1xf32> to vector<24x2048xf32>
    %mul3A_1106 = vector.broadcast %sub3A_941 : vector<1x2048xf32> to vector<24x2048xf32>
    %mul3A_1107 = arith.mulf %mul3A_1105, %mul3A_1106 : vector<24x2048xf32>
    %mul3A_1108 = vector.broadcast %sub3A_1093 : vector<24x1xf32> to vector<24x2048xf32>
    %mul3A_1109 = vector.broadcast %sub3A_940 : vector<1x2048xf32> to vector<24x2048xf32>
    %mul3A_1110 = arith.mulf %mul3A_1108, %mul3A_1109 : vector<24x2048xf32>
    %sub3A_1111 = arith.subf %mul3A_1107, %mul3A_1110 : vector<24x2048xf32>
    %neg3A_1112 = arith.constant 0.000000e+00 : f32
    %neg3A_1113 = vector.broadcast %neg3A_1112 : f32 to vector<24x2048xf32>
    %neg3A_1114 = arith.subf %neg3A_1113, %sub3A_1104 : vector<24x2048xf32>
    %eq3A_1115 = arith.constant 0.000000e+00 : f32
    %eq3A_1116 = vector.broadcast %eq3A_1115 : f32 to vector<24x2048xf32>
    %eq3A_1117 = arith.cmpf oeq, %sub3A_1111, %eq3A_1116 : vector<24x2048xf32>
    %jit3A_1118 = arith.constant 1.000000e+00 : f32
    %broadcast_in_dim3A_1119 = vector.broadcast %jit3A_1118 : f32 to vector<24x2048xf32>
    %select_n3A_1120 = arith.select %eq3A_1117, %broadcast_in_dim3A_1119, %sub3A_1111 : vector<24x2048xi1>, vector<24x2048xf32>
    %div3A_1121 = arith.divf %neg3A_1114, %select_n3A_1120 : vector<24x2048xf32>
    %gt3A_1122 = arith.constant 0.000000e+00 : f32
    %gt3A_1123 = vector.broadcast %gt3A_1122 : f32 to vector<24x2048xf32>
    %gt3A_1124 = arith.cmpf ogt, %sub3A_1111, %gt3A_1123 : vector<24x2048xf32>
    %max3A_1125 = arith.maximumf %select_n3A_1078, %div3A_1121 : vector<24x2048xf32>
    %select_n3A_1126 = arith.select %gt3A_1124, %max3A_1125, %select_n3A_1078 : vector<24x2048xi1>, vector<24x2048xf32>
    %lt3A_1127 = arith.constant 0.000000e+00 : f32
    %lt3A_1128 = vector.broadcast %lt3A_1127 : f32 to vector<24x2048xf32>
    %lt3A_1129 = arith.cmpf olt, %sub3A_1111, %lt3A_1128 : vector<24x2048xf32>
    %min3A_1130 = arith.minimumf %select_n3A_1083, %div3A_1121 : vector<24x2048xf32>
    %select_n3A_1131 = arith.select %lt3A_1129, %min3A_1130, %select_n3A_1083 : vector<24x2048xi1>, vector<24x2048xf32>
    %ne3A_1132 = arith.constant 0.000000e+00 : f32
    %ne3A_1133 = vector.broadcast %ne3A_1132 : f32 to vector<24x2048xf32>
    %ne3A_1134 = arith.cmpf one, %sub3A_1111, %ne3A_1133 : vector<24x2048xf32>
    %ge3A_1135 = arith.constant 0.000000e+00 : f32
    %ge3A_1136 = vector.broadcast %ge3A_1135 : f32 to vector<24x2048xf32>
    %ge3A_1137 = arith.cmpf oge, %sub3A_1104, %ge3A_1136 : vector<24x2048xf32>
    %or3A_1138 = arith.ori %ne3A_1134, %ge3A_1137 : vector<24x2048xi1>
    %and3A_1139 = arith.andi %and3A_1091, %or3A_1138 : vector<24x2048xi1>
    %mul3A_1140 = vector.broadcast %sub3A_940 : vector<1x2048xf32> to vector<24x2048xf32>
    %mul3A_1141 = arith.mulf %select_n3A_1126, %mul3A_1140 : vector<24x2048xf32>
    %add3A_1142 = vector.broadcast %sub3A_145 : vector<1x2048xf32> to vector<24x2048xf32>
    %add3A_1143 = arith.addf %add3A_1142, %mul3A_1141 : vector<24x2048xf32>
    %mul3A_1144 = vector.broadcast %sub3A_941 : vector<1x2048xf32> to vector<24x2048xf32>
    %mul3A_1145 = arith.mulf %select_n3A_1126, %mul3A_1144 : vector<24x2048xf32>
    %add3A_1146 = vector.broadcast %add3A_185 : vector<1x2048xf32> to vector<24x2048xf32>
    %add3A_1147 = arith.addf %add3A_1146, %mul3A_1145 : vector<24x2048xf32>
    %mul3A_1148 = vector.broadcast %sub3A_940 : vector<1x2048xf32> to vector<24x2048xf32>
    %mul3A_1149 = arith.mulf %select_n3A_1131, %mul3A_1148 : vector<24x2048xf32>
    %add3A_1150 = vector.broadcast %sub3A_145 : vector<1x2048xf32> to vector<24x2048xf32>
    %add3A_1151 = arith.addf %add3A_1150, %mul3A_1149 : vector<24x2048xf32>
    %mul3A_1152 = vector.broadcast %sub3A_941 : vector<1x2048xf32> to vector<24x2048xf32>
    %mul3A_1153 = arith.mulf %select_n3A_1131, %mul3A_1152 : vector<24x2048xf32>
    %add3A_1154 = vector.broadcast %add3A_185 : vector<1x2048xf32> to vector<24x2048xf32>
    %add3A_1155 = arith.addf %add3A_1154, %mul3A_1153 : vector<24x2048xf32>
    %mul3A_1156 = arith.mulf %add3A_1143, %add3A_1155 : vector<24x2048xf32>
    %mul3A_1157 = arith.mulf %add3A_1147, %add3A_1151 : vector<24x2048xf32>
    %sub3A_1158 = arith.subf %mul3A_1156, %mul3A_1157 : vector<24x2048xf32>
    %gt3A_1159 = arith.cmpf ogt, %select_n3A_1131, %select_n3A_1126 : vector<24x2048xf32>
    %and3A_1160 = arith.andi %and3A_1139, %gt3A_1159 : vector<24x2048xi1>
    %jit3A_1161 = arith.constant 0.000000e+00 : f32
    %broadcast_in_dim3A_1162 = vector.broadcast %jit3A_1161 : f32 to vector<24x2048xf32>
    %select_n3A_1163 = arith.select %and3A_1160, %sub3A_1158, %broadcast_in_dim3A_1162 : vector<24x2048xi1>, vector<24x2048xf32>
    %add3A_1164 = arith.addf %add3A_939, %select_n3A_1163 : vector<24x2048xf32>
    %sub3A_1165 = arith.subf %sub3A_207, %sub3A_197 : vector<24x1xf32>
    %sub3A_1166 = arith.subf %add3A_247, %add3A_237 : vector<24x1xf32>
    %broadcast_in_dim3A_1167 = arith.constant 0.000000e+00 : f32
    %broadcast_in_dim3A_1168 = vector.broadcast %broadcast_in_dim3A_1167 : f32 to vector<24x2048xf32>
    %broadcast_in_dim3A_1169 = arith.constant 1.000000e+00 : f32
    %broadcast_in_dim3A_1170 = vector.broadcast %broadcast_in_dim3A_1169 : f32 to vector<24x2048xf32>
    %broadcast_in_dim3A_1171 = arith.constant true
    %broadcast_in_dim3A_1172 = vector.broadcast %broadcast_in_dim3A_1171 : i1 to vector<24x2048xi1>
    %sub3A_1173 = arith.subf %sub3A_125, %sub3A_115 : vector<1x2048xf32>
    %sub3A_1174 = arith.subf %add3A_165, %add3A_155 : vector<1x2048xf32>
    %sub3A_1175 = vector.broadcast %add3A_237 : vector<24x1xf32> to vector<24x2048xf32>
    %sub3A_1176 = vector.broadcast %add3A_155 : vector<1x2048xf32> to vector<24x2048xf32>
    %sub3A_1177 = arith.subf %sub3A_1175, %sub3A_1176 : vector<24x2048xf32>
    %mul3A_1178 = vector.broadcast %sub3A_1173 : vector<1x2048xf32> to vector<24x2048xf32>
    %mul3A_1179 = arith.mulf %mul3A_1178, %sub3A_1177 : vector<24x2048xf32>
    %sub3A_1180 = vector.broadcast %sub3A_197 : vector<24x1xf32> to vector<24x2048xf32>
    %sub3A_1181 = vector.broadcast %sub3A_115 : vector<1x2048xf32> to vector<24x2048xf32>
    %sub3A_1182 = arith.subf %sub3A_1180, %sub3A_1181 : vector<24x2048xf32>
    %mul3A_1183 = vector.broadcast %sub3A_1174 : vector<1x2048xf32> to vector<24x2048xf32>
    %mul3A_1184 = arith.mulf %mul3A_1183, %sub3A_1182 : vector<24x2048xf32>
    %sub3A_1185 = arith.subf %mul3A_1179, %mul3A_1184 : vector<24x2048xf32>
    %mul3A_1186 = vector.broadcast %sub3A_1173 : vector<1x2048xf32> to vector<24x2048xf32>
    %mul3A_1187 = vector.broadcast %sub3A_1166 : vector<24x1xf32> to vector<24x2048xf32>
    %mul3A_1188 = arith.mulf %mul3A_1186, %mul3A_1187 : vector<24x2048xf32>
    %mul3A_1189 = vector.broadcast %sub3A_1174 : vector<1x2048xf32> to vector<24x2048xf32>
    %mul3A_1190 = vector.broadcast %sub3A_1165 : vector<24x1xf32> to vector<24x2048xf32>
    %mul3A_1191 = arith.mulf %mul3A_1189, %mul3A_1190 : vector<24x2048xf32>
    %sub3A_1192 = arith.subf %mul3A_1188, %mul3A_1191 : vector<24x2048xf32>
    %neg3A_1193 = arith.constant 0.000000e+00 : f32
    %neg3A_1194 = vector.broadcast %neg3A_1193 : f32 to vector<24x2048xf32>
    %neg3A_1195 = arith.subf %neg3A_1194, %sub3A_1185 : vector<24x2048xf32>
    %eq3A_1196 = arith.constant 0.000000e+00 : f32
    %eq3A_1197 = vector.broadcast %eq3A_1196 : f32 to vector<24x2048xf32>
    %eq3A_1198 = arith.cmpf oeq, %sub3A_1192, %eq3A_1197 : vector<24x2048xf32>
    %jit3A_1199 = arith.constant 1.000000e+00 : f32
    %broadcast_in_dim3A_1200 = vector.broadcast %jit3A_1199 : f32 to vector<24x2048xf32>
    %select_n3A_1201 = arith.select %eq3A_1198, %broadcast_in_dim3A_1200, %sub3A_1192 : vector<24x2048xi1>, vector<24x2048xf32>
    %div3A_1202 = arith.divf %neg3A_1195, %select_n3A_1201 : vector<24x2048xf32>
    %gt3A_1203 = arith.constant 0.000000e+00 : f32
    %gt3A_1204 = vector.broadcast %gt3A_1203 : f32 to vector<24x2048xf32>
    %gt3A_1205 = arith.cmpf ogt, %sub3A_1192, %gt3A_1204 : vector<24x2048xf32>
    %max3A_1206 = arith.maximumf %broadcast_in_dim3A_1168, %div3A_1202 : vector<24x2048xf32>
    %select_n3A_1207 = arith.select %gt3A_1205, %max3A_1206, %broadcast_in_dim3A_1168 : vector<24x2048xi1>, vector<24x2048xf32>
    %lt3A_1208 = arith.constant 0.000000e+00 : f32
    %lt3A_1209 = vector.broadcast %lt3A_1208 : f32 to vector<24x2048xf32>
    %lt3A_1210 = arith.cmpf olt, %sub3A_1192, %lt3A_1209 : vector<24x2048xf32>
    %min3A_1211 = arith.minimumf %broadcast_in_dim3A_1170, %div3A_1202 : vector<24x2048xf32>
    %select_n3A_1212 = arith.select %lt3A_1210, %min3A_1211, %broadcast_in_dim3A_1170 : vector<24x2048xi1>, vector<24x2048xf32>
    %ne3A_1213 = arith.constant 0.000000e+00 : f32
    %ne3A_1214 = vector.broadcast %ne3A_1213 : f32 to vector<24x2048xf32>
    %ne3A_1215 = arith.cmpf one, %sub3A_1192, %ne3A_1214 : vector<24x2048xf32>
    %ge3A_1216 = arith.constant 0.000000e+00 : f32
    %ge3A_1217 = vector.broadcast %ge3A_1216 : f32 to vector<24x2048xf32>
    %ge3A_1218 = arith.cmpf oge, %sub3A_1185, %ge3A_1217 : vector<24x2048xf32>
    %or3A_1219 = arith.ori %ne3A_1215, %ge3A_1218 : vector<24x2048xi1>
    %and3A_1220 = arith.andi %broadcast_in_dim3A_1172, %or3A_1219 : vector<24x2048xi1>
    %sub3A_1221 = arith.subf %sub3A_135, %sub3A_125 : vector<1x2048xf32>
    %sub3A_1222 = arith.subf %add3A_175, %add3A_165 : vector<1x2048xf32>
    %sub3A_1223 = vector.broadcast %add3A_237 : vector<24x1xf32> to vector<24x2048xf32>
    %sub3A_1224 = vector.broadcast %add3A_165 : vector<1x2048xf32> to vector<24x2048xf32>
    %sub3A_1225 = arith.subf %sub3A_1223, %sub3A_1224 : vector<24x2048xf32>
    %mul3A_1226 = vector.broadcast %sub3A_1221 : vector<1x2048xf32> to vector<24x2048xf32>
    %mul3A_1227 = arith.mulf %mul3A_1226, %sub3A_1225 : vector<24x2048xf32>
    %sub3A_1228 = vector.broadcast %sub3A_197 : vector<24x1xf32> to vector<24x2048xf32>
    %sub3A_1229 = vector.broadcast %sub3A_125 : vector<1x2048xf32> to vector<24x2048xf32>
    %sub3A_1230 = arith.subf %sub3A_1228, %sub3A_1229 : vector<24x2048xf32>
    %mul3A_1231 = vector.broadcast %sub3A_1222 : vector<1x2048xf32> to vector<24x2048xf32>
    %mul3A_1232 = arith.mulf %mul3A_1231, %sub3A_1230 : vector<24x2048xf32>
    %sub3A_1233 = arith.subf %mul3A_1227, %mul3A_1232 : vector<24x2048xf32>
    %mul3A_1234 = vector.broadcast %sub3A_1221 : vector<1x2048xf32> to vector<24x2048xf32>
    %mul3A_1235 = vector.broadcast %sub3A_1166 : vector<24x1xf32> to vector<24x2048xf32>
    %mul3A_1236 = arith.mulf %mul3A_1234, %mul3A_1235 : vector<24x2048xf32>
    %mul3A_1237 = vector.broadcast %sub3A_1222 : vector<1x2048xf32> to vector<24x2048xf32>
    %mul3A_1238 = vector.broadcast %sub3A_1165 : vector<24x1xf32> to vector<24x2048xf32>
    %mul3A_1239 = arith.mulf %mul3A_1237, %mul3A_1238 : vector<24x2048xf32>
    %sub3A_1240 = arith.subf %mul3A_1236, %mul3A_1239 : vector<24x2048xf32>
    %neg3A_1241 = arith.constant 0.000000e+00 : f32
    %neg3A_1242 = vector.broadcast %neg3A_1241 : f32 to vector<24x2048xf32>
    %neg3A_1243 = arith.subf %neg3A_1242, %sub3A_1233 : vector<24x2048xf32>
    %eq3A_1244 = arith.constant 0.000000e+00 : f32
    %eq3A_1245 = vector.broadcast %eq3A_1244 : f32 to vector<24x2048xf32>
    %eq3A_1246 = arith.cmpf oeq, %sub3A_1240, %eq3A_1245 : vector<24x2048xf32>
    %jit3A_1247 = arith.constant 1.000000e+00 : f32
    %broadcast_in_dim3A_1248 = vector.broadcast %jit3A_1247 : f32 to vector<24x2048xf32>
    %select_n3A_1249 = arith.select %eq3A_1246, %broadcast_in_dim3A_1248, %sub3A_1240 : vector<24x2048xi1>, vector<24x2048xf32>
    %div3A_1250 = arith.divf %neg3A_1243, %select_n3A_1249 : vector<24x2048xf32>
    %gt3A_1251 = arith.constant 0.000000e+00 : f32
    %gt3A_1252 = vector.broadcast %gt3A_1251 : f32 to vector<24x2048xf32>
    %gt3A_1253 = arith.cmpf ogt, %sub3A_1240, %gt3A_1252 : vector<24x2048xf32>
    %max3A_1254 = arith.maximumf %select_n3A_1207, %div3A_1250 : vector<24x2048xf32>
    %select_n3A_1255 = arith.select %gt3A_1253, %max3A_1254, %select_n3A_1207 : vector<24x2048xi1>, vector<24x2048xf32>
    %lt3A_1256 = arith.constant 0.000000e+00 : f32
    %lt3A_1257 = vector.broadcast %lt3A_1256 : f32 to vector<24x2048xf32>
    %lt3A_1258 = arith.cmpf olt, %sub3A_1240, %lt3A_1257 : vector<24x2048xf32>
    %min3A_1259 = arith.minimumf %select_n3A_1212, %div3A_1250 : vector<24x2048xf32>
    %select_n3A_1260 = arith.select %lt3A_1258, %min3A_1259, %select_n3A_1212 : vector<24x2048xi1>, vector<24x2048xf32>
    %ne3A_1261 = arith.constant 0.000000e+00 : f32
    %ne3A_1262 = vector.broadcast %ne3A_1261 : f32 to vector<24x2048xf32>
    %ne3A_1263 = arith.cmpf one, %sub3A_1240, %ne3A_1262 : vector<24x2048xf32>
    %ge3A_1264 = arith.constant 0.000000e+00 : f32
    %ge3A_1265 = vector.broadcast %ge3A_1264 : f32 to vector<24x2048xf32>
    %ge3A_1266 = arith.cmpf oge, %sub3A_1233, %ge3A_1265 : vector<24x2048xf32>
    %or3A_1267 = arith.ori %ne3A_1263, %ge3A_1266 : vector<24x2048xi1>
    %and3A_1268 = arith.andi %and3A_1220, %or3A_1267 : vector<24x2048xi1>
    %sub3A_1269 = arith.subf %sub3A_145, %sub3A_135 : vector<1x2048xf32>
    %sub3A_1270 = arith.subf %add3A_185, %add3A_175 : vector<1x2048xf32>
    %sub3A_1271 = vector.broadcast %add3A_237 : vector<24x1xf32> to vector<24x2048xf32>
    %sub3A_1272 = vector.broadcast %add3A_175 : vector<1x2048xf32> to vector<24x2048xf32>
    %sub3A_1273 = arith.subf %sub3A_1271, %sub3A_1272 : vector<24x2048xf32>
    %mul3A_1274 = vector.broadcast %sub3A_1269 : vector<1x2048xf32> to vector<24x2048xf32>
    %mul3A_1275 = arith.mulf %mul3A_1274, %sub3A_1273 : vector<24x2048xf32>
    %sub3A_1276 = vector.broadcast %sub3A_197 : vector<24x1xf32> to vector<24x2048xf32>
    %sub3A_1277 = vector.broadcast %sub3A_135 : vector<1x2048xf32> to vector<24x2048xf32>
    %sub3A_1278 = arith.subf %sub3A_1276, %sub3A_1277 : vector<24x2048xf32>
    %mul3A_1279 = vector.broadcast %sub3A_1270 : vector<1x2048xf32> to vector<24x2048xf32>
    %mul3A_1280 = arith.mulf %mul3A_1279, %sub3A_1278 : vector<24x2048xf32>
    %sub3A_1281 = arith.subf %mul3A_1275, %mul3A_1280 : vector<24x2048xf32>
    %mul3A_1282 = vector.broadcast %sub3A_1269 : vector<1x2048xf32> to vector<24x2048xf32>
    %mul3A_1283 = vector.broadcast %sub3A_1166 : vector<24x1xf32> to vector<24x2048xf32>
    %mul3A_1284 = arith.mulf %mul3A_1282, %mul3A_1283 : vector<24x2048xf32>
    %mul3A_1285 = vector.broadcast %sub3A_1270 : vector<1x2048xf32> to vector<24x2048xf32>
    %mul3A_1286 = vector.broadcast %sub3A_1165 : vector<24x1xf32> to vector<24x2048xf32>
    %mul3A_1287 = arith.mulf %mul3A_1285, %mul3A_1286 : vector<24x2048xf32>
    %sub3A_1288 = arith.subf %mul3A_1284, %mul3A_1287 : vector<24x2048xf32>
    %neg3A_1289 = arith.constant 0.000000e+00 : f32
    %neg3A_1290 = vector.broadcast %neg3A_1289 : f32 to vector<24x2048xf32>
    %neg3A_1291 = arith.subf %neg3A_1290, %sub3A_1281 : vector<24x2048xf32>
    %eq3A_1292 = arith.constant 0.000000e+00 : f32
    %eq3A_1293 = vector.broadcast %eq3A_1292 : f32 to vector<24x2048xf32>
    %eq3A_1294 = arith.cmpf oeq, %sub3A_1288, %eq3A_1293 : vector<24x2048xf32>
    %jit3A_1295 = arith.constant 1.000000e+00 : f32
    %broadcast_in_dim3A_1296 = vector.broadcast %jit3A_1295 : f32 to vector<24x2048xf32>
    %select_n3A_1297 = arith.select %eq3A_1294, %broadcast_in_dim3A_1296, %sub3A_1288 : vector<24x2048xi1>, vector<24x2048xf32>
    %div3A_1298 = arith.divf %neg3A_1291, %select_n3A_1297 : vector<24x2048xf32>
    %gt3A_1299 = arith.constant 0.000000e+00 : f32
    %gt3A_1300 = vector.broadcast %gt3A_1299 : f32 to vector<24x2048xf32>
    %gt3A_1301 = arith.cmpf ogt, %sub3A_1288, %gt3A_1300 : vector<24x2048xf32>
    %max3A_1302 = arith.maximumf %select_n3A_1255, %div3A_1298 : vector<24x2048xf32>
    %select_n3A_1303 = arith.select %gt3A_1301, %max3A_1302, %select_n3A_1255 : vector<24x2048xi1>, vector<24x2048xf32>
    %lt3A_1304 = arith.constant 0.000000e+00 : f32
    %lt3A_1305 = vector.broadcast %lt3A_1304 : f32 to vector<24x2048xf32>
    %lt3A_1306 = arith.cmpf olt, %sub3A_1288, %lt3A_1305 : vector<24x2048xf32>
    %min3A_1307 = arith.minimumf %select_n3A_1260, %div3A_1298 : vector<24x2048xf32>
    %select_n3A_1308 = arith.select %lt3A_1306, %min3A_1307, %select_n3A_1260 : vector<24x2048xi1>, vector<24x2048xf32>
    %ne3A_1309 = arith.constant 0.000000e+00 : f32
    %ne3A_1310 = vector.broadcast %ne3A_1309 : f32 to vector<24x2048xf32>
    %ne3A_1311 = arith.cmpf one, %sub3A_1288, %ne3A_1310 : vector<24x2048xf32>
    %ge3A_1312 = arith.constant 0.000000e+00 : f32
    %ge3A_1313 = vector.broadcast %ge3A_1312 : f32 to vector<24x2048xf32>
    %ge3A_1314 = arith.cmpf oge, %sub3A_1281, %ge3A_1313 : vector<24x2048xf32>
    %or3A_1315 = arith.ori %ne3A_1311, %ge3A_1314 : vector<24x2048xi1>
    %and3A_1316 = arith.andi %and3A_1268, %or3A_1315 : vector<24x2048xi1>
    %sub3A_1317 = arith.subf %sub3A_115, %sub3A_145 : vector<1x2048xf32>
    %sub3A_1318 = arith.subf %add3A_155, %add3A_185 : vector<1x2048xf32>
    %sub3A_1319 = vector.broadcast %add3A_237 : vector<24x1xf32> to vector<24x2048xf32>
    %sub3A_1320 = vector.broadcast %add3A_185 : vector<1x2048xf32> to vector<24x2048xf32>
    %sub3A_1321 = arith.subf %sub3A_1319, %sub3A_1320 : vector<24x2048xf32>
    %mul3A_1322 = vector.broadcast %sub3A_1317 : vector<1x2048xf32> to vector<24x2048xf32>
    %mul3A_1323 = arith.mulf %mul3A_1322, %sub3A_1321 : vector<24x2048xf32>
    %sub3A_1324 = vector.broadcast %sub3A_197 : vector<24x1xf32> to vector<24x2048xf32>
    %sub3A_1325 = vector.broadcast %sub3A_145 : vector<1x2048xf32> to vector<24x2048xf32>
    %sub3A_1326 = arith.subf %sub3A_1324, %sub3A_1325 : vector<24x2048xf32>
    %mul3A_1327 = vector.broadcast %sub3A_1318 : vector<1x2048xf32> to vector<24x2048xf32>
    %mul3A_1328 = arith.mulf %mul3A_1327, %sub3A_1326 : vector<24x2048xf32>
    %sub3A_1329 = arith.subf %mul3A_1323, %mul3A_1328 : vector<24x2048xf32>
    %mul3A_1330 = vector.broadcast %sub3A_1317 : vector<1x2048xf32> to vector<24x2048xf32>
    %mul3A_1331 = vector.broadcast %sub3A_1166 : vector<24x1xf32> to vector<24x2048xf32>
    %mul3A_1332 = arith.mulf %mul3A_1330, %mul3A_1331 : vector<24x2048xf32>
    %mul3A_1333 = vector.broadcast %sub3A_1318 : vector<1x2048xf32> to vector<24x2048xf32>
    %mul3A_1334 = vector.broadcast %sub3A_1165 : vector<24x1xf32> to vector<24x2048xf32>
    %mul3A_1335 = arith.mulf %mul3A_1333, %mul3A_1334 : vector<24x2048xf32>
    %sub3A_1336 = arith.subf %mul3A_1332, %mul3A_1335 : vector<24x2048xf32>
    %neg3A_1337 = arith.constant 0.000000e+00 : f32
    %neg3A_1338 = vector.broadcast %neg3A_1337 : f32 to vector<24x2048xf32>
    %neg3A_1339 = arith.subf %neg3A_1338, %sub3A_1329 : vector<24x2048xf32>
    %eq3A_1340 = arith.constant 0.000000e+00 : f32
    %eq3A_1341 = vector.broadcast %eq3A_1340 : f32 to vector<24x2048xf32>
    %eq3A_1342 = arith.cmpf oeq, %sub3A_1336, %eq3A_1341 : vector<24x2048xf32>
    %jit3A_1343 = arith.constant 1.000000e+00 : f32
    %broadcast_in_dim3A_1344 = vector.broadcast %jit3A_1343 : f32 to vector<24x2048xf32>
    %select_n3A_1345 = arith.select %eq3A_1342, %broadcast_in_dim3A_1344, %sub3A_1336 : vector<24x2048xi1>, vector<24x2048xf32>
    %div3A_1346 = arith.divf %neg3A_1339, %select_n3A_1345 : vector<24x2048xf32>
    %gt3A_1347 = arith.constant 0.000000e+00 : f32
    %gt3A_1348 = vector.broadcast %gt3A_1347 : f32 to vector<24x2048xf32>
    %gt3A_1349 = arith.cmpf ogt, %sub3A_1336, %gt3A_1348 : vector<24x2048xf32>
    %max3A_1350 = arith.maximumf %select_n3A_1303, %div3A_1346 : vector<24x2048xf32>
    %select_n3A_1351 = arith.select %gt3A_1349, %max3A_1350, %select_n3A_1303 : vector<24x2048xi1>, vector<24x2048xf32>
    %lt3A_1352 = arith.constant 0.000000e+00 : f32
    %lt3A_1353 = vector.broadcast %lt3A_1352 : f32 to vector<24x2048xf32>
    %lt3A_1354 = arith.cmpf olt, %sub3A_1336, %lt3A_1353 : vector<24x2048xf32>
    %min3A_1355 = arith.minimumf %select_n3A_1308, %div3A_1346 : vector<24x2048xf32>
    %select_n3A_1356 = arith.select %lt3A_1354, %min3A_1355, %select_n3A_1308 : vector<24x2048xi1>, vector<24x2048xf32>
    %ne3A_1357 = arith.constant 0.000000e+00 : f32
    %ne3A_1358 = vector.broadcast %ne3A_1357 : f32 to vector<24x2048xf32>
    %ne3A_1359 = arith.cmpf one, %sub3A_1336, %ne3A_1358 : vector<24x2048xf32>
    %ge3A_1360 = arith.constant 0.000000e+00 : f32
    %ge3A_1361 = vector.broadcast %ge3A_1360 : f32 to vector<24x2048xf32>
    %ge3A_1362 = arith.cmpf oge, %sub3A_1329, %ge3A_1361 : vector<24x2048xf32>
    %or3A_1363 = arith.ori %ne3A_1359, %ge3A_1362 : vector<24x2048xi1>
    %and3A_1364 = arith.andi %and3A_1316, %or3A_1363 : vector<24x2048xi1>
    %mul3A_1365 = vector.broadcast %sub3A_1165 : vector<24x1xf32> to vector<24x2048xf32>
    %mul3A_1366 = arith.mulf %select_n3A_1351, %mul3A_1365 : vector<24x2048xf32>
    %add3A_1367 = vector.broadcast %sub3A_197 : vector<24x1xf32> to vector<24x2048xf32>
    %add3A_1368 = arith.addf %add3A_1367, %mul3A_1366 : vector<24x2048xf32>
    %mul3A_1369 = vector.broadcast %sub3A_1166 : vector<24x1xf32> to vector<24x2048xf32>
    %mul3A_1370 = arith.mulf %select_n3A_1351, %mul3A_1369 : vector<24x2048xf32>
    %add3A_1371 = vector.broadcast %add3A_237 : vector<24x1xf32> to vector<24x2048xf32>
    %add3A_1372 = arith.addf %add3A_1371, %mul3A_1370 : vector<24x2048xf32>
    %mul3A_1373 = vector.broadcast %sub3A_1165 : vector<24x1xf32> to vector<24x2048xf32>
    %mul3A_1374 = arith.mulf %select_n3A_1356, %mul3A_1373 : vector<24x2048xf32>
    %add3A_1375 = vector.broadcast %sub3A_197 : vector<24x1xf32> to vector<24x2048xf32>
    %add3A_1376 = arith.addf %add3A_1375, %mul3A_1374 : vector<24x2048xf32>
    %mul3A_1377 = vector.broadcast %sub3A_1166 : vector<24x1xf32> to vector<24x2048xf32>
    %mul3A_1378 = arith.mulf %select_n3A_1356, %mul3A_1377 : vector<24x2048xf32>
    %add3A_1379 = vector.broadcast %add3A_237 : vector<24x1xf32> to vector<24x2048xf32>
    %add3A_1380 = arith.addf %add3A_1379, %mul3A_1378 : vector<24x2048xf32>
    %mul3A_1381 = arith.mulf %add3A_1368, %add3A_1380 : vector<24x2048xf32>
    %mul3A_1382 = arith.mulf %add3A_1372, %add3A_1376 : vector<24x2048xf32>
    %sub3A_1383 = arith.subf %mul3A_1381, %mul3A_1382 : vector<24x2048xf32>
    %gt3A_1384 = arith.cmpf ogt, %select_n3A_1356, %select_n3A_1351 : vector<24x2048xf32>
    %and3A_1385 = arith.andi %and3A_1364, %gt3A_1384 : vector<24x2048xi1>
    %jit3A_1386 = arith.constant 0.000000e+00 : f32
    %broadcast_in_dim3A_1387 = vector.broadcast %jit3A_1386 : f32 to vector<24x2048xf32>
    %select_n3A_1388 = arith.select %and3A_1385, %sub3A_1383, %broadcast_in_dim3A_1387 : vector<24x2048xi1>, vector<24x2048xf32>
    %add3A_1389 = arith.addf %add3A_1164, %select_n3A_1388 : vector<24x2048xf32>
    %sub3A_1390 = arith.subf %sub3A_217, %sub3A_207 : vector<24x1xf32>
    %sub3A_1391 = arith.subf %add3A_257, %add3A_247 : vector<24x1xf32>
    %broadcast_in_dim3A_1392 = arith.constant 0.000000e+00 : f32
    %broadcast_in_dim3A_1393 = vector.broadcast %broadcast_in_dim3A_1392 : f32 to vector<24x2048xf32>
    %broadcast_in_dim3A_1394 = arith.constant 1.000000e+00 : f32
    %broadcast_in_dim3A_1395 = vector.broadcast %broadcast_in_dim3A_1394 : f32 to vector<24x2048xf32>
    %broadcast_in_dim3A_1396 = arith.constant true
    %broadcast_in_dim3A_1397 = vector.broadcast %broadcast_in_dim3A_1396 : i1 to vector<24x2048xi1>
    %sub3A_1398 = arith.subf %sub3A_125, %sub3A_115 : vector<1x2048xf32>
    %sub3A_1399 = arith.subf %add3A_165, %add3A_155 : vector<1x2048xf32>
    %sub3A_1400 = vector.broadcast %add3A_247 : vector<24x1xf32> to vector<24x2048xf32>
    %sub3A_1401 = vector.broadcast %add3A_155 : vector<1x2048xf32> to vector<24x2048xf32>
    %sub3A_1402 = arith.subf %sub3A_1400, %sub3A_1401 : vector<24x2048xf32>
    %mul3A_1403 = vector.broadcast %sub3A_1398 : vector<1x2048xf32> to vector<24x2048xf32>
    %mul3A_1404 = arith.mulf %mul3A_1403, %sub3A_1402 : vector<24x2048xf32>
    %sub3A_1405 = vector.broadcast %sub3A_207 : vector<24x1xf32> to vector<24x2048xf32>
    %sub3A_1406 = vector.broadcast %sub3A_115 : vector<1x2048xf32> to vector<24x2048xf32>
    %sub3A_1407 = arith.subf %sub3A_1405, %sub3A_1406 : vector<24x2048xf32>
    %mul3A_1408 = vector.broadcast %sub3A_1399 : vector<1x2048xf32> to vector<24x2048xf32>
    %mul3A_1409 = arith.mulf %mul3A_1408, %sub3A_1407 : vector<24x2048xf32>
    %sub3A_1410 = arith.subf %mul3A_1404, %mul3A_1409 : vector<24x2048xf32>
    %mul3A_1411 = vector.broadcast %sub3A_1398 : vector<1x2048xf32> to vector<24x2048xf32>
    %mul3A_1412 = vector.broadcast %sub3A_1391 : vector<24x1xf32> to vector<24x2048xf32>
    %mul3A_1413 = arith.mulf %mul3A_1411, %mul3A_1412 : vector<24x2048xf32>
    %mul3A_1414 = vector.broadcast %sub3A_1399 : vector<1x2048xf32> to vector<24x2048xf32>
    %mul3A_1415 = vector.broadcast %sub3A_1390 : vector<24x1xf32> to vector<24x2048xf32>
    %mul3A_1416 = arith.mulf %mul3A_1414, %mul3A_1415 : vector<24x2048xf32>
    %sub3A_1417 = arith.subf %mul3A_1413, %mul3A_1416 : vector<24x2048xf32>
    %neg3A_1418 = arith.constant 0.000000e+00 : f32
    %neg3A_1419 = vector.broadcast %neg3A_1418 : f32 to vector<24x2048xf32>
    %neg3A_1420 = arith.subf %neg3A_1419, %sub3A_1410 : vector<24x2048xf32>
    %eq3A_1421 = arith.constant 0.000000e+00 : f32
    %eq3A_1422 = vector.broadcast %eq3A_1421 : f32 to vector<24x2048xf32>
    %eq3A_1423 = arith.cmpf oeq, %sub3A_1417, %eq3A_1422 : vector<24x2048xf32>
    %jit3A_1424 = arith.constant 1.000000e+00 : f32
    %broadcast_in_dim3A_1425 = vector.broadcast %jit3A_1424 : f32 to vector<24x2048xf32>
    %select_n3A_1426 = arith.select %eq3A_1423, %broadcast_in_dim3A_1425, %sub3A_1417 : vector<24x2048xi1>, vector<24x2048xf32>
    %div3A_1427 = arith.divf %neg3A_1420, %select_n3A_1426 : vector<24x2048xf32>
    %gt3A_1428 = arith.constant 0.000000e+00 : f32
    %gt3A_1429 = vector.broadcast %gt3A_1428 : f32 to vector<24x2048xf32>
    %gt3A_1430 = arith.cmpf ogt, %sub3A_1417, %gt3A_1429 : vector<24x2048xf32>
    %max3A_1431 = arith.maximumf %broadcast_in_dim3A_1393, %div3A_1427 : vector<24x2048xf32>
    %select_n3A_1432 = arith.select %gt3A_1430, %max3A_1431, %broadcast_in_dim3A_1393 : vector<24x2048xi1>, vector<24x2048xf32>
    %lt3A_1433 = arith.constant 0.000000e+00 : f32
    %lt3A_1434 = vector.broadcast %lt3A_1433 : f32 to vector<24x2048xf32>
    %lt3A_1435 = arith.cmpf olt, %sub3A_1417, %lt3A_1434 : vector<24x2048xf32>
    %min3A_1436 = arith.minimumf %broadcast_in_dim3A_1395, %div3A_1427 : vector<24x2048xf32>
    %select_n3A_1437 = arith.select %lt3A_1435, %min3A_1436, %broadcast_in_dim3A_1395 : vector<24x2048xi1>, vector<24x2048xf32>
    %ne3A_1438 = arith.constant 0.000000e+00 : f32
    %ne3A_1439 = vector.broadcast %ne3A_1438 : f32 to vector<24x2048xf32>
    %ne3A_1440 = arith.cmpf one, %sub3A_1417, %ne3A_1439 : vector<24x2048xf32>
    %ge3A_1441 = arith.constant 0.000000e+00 : f32
    %ge3A_1442 = vector.broadcast %ge3A_1441 : f32 to vector<24x2048xf32>
    %ge3A_1443 = arith.cmpf oge, %sub3A_1410, %ge3A_1442 : vector<24x2048xf32>
    %or3A_1444 = arith.ori %ne3A_1440, %ge3A_1443 : vector<24x2048xi1>
    %and3A_1445 = arith.andi %broadcast_in_dim3A_1397, %or3A_1444 : vector<24x2048xi1>
    %sub3A_1446 = arith.subf %sub3A_135, %sub3A_125 : vector<1x2048xf32>
    %sub3A_1447 = arith.subf %add3A_175, %add3A_165 : vector<1x2048xf32>
    %sub3A_1448 = vector.broadcast %add3A_247 : vector<24x1xf32> to vector<24x2048xf32>
    %sub3A_1449 = vector.broadcast %add3A_165 : vector<1x2048xf32> to vector<24x2048xf32>
    %sub3A_1450 = arith.subf %sub3A_1448, %sub3A_1449 : vector<24x2048xf32>
    %mul3A_1451 = vector.broadcast %sub3A_1446 : vector<1x2048xf32> to vector<24x2048xf32>
    %mul3A_1452 = arith.mulf %mul3A_1451, %sub3A_1450 : vector<24x2048xf32>
    %sub3A_1453 = vector.broadcast %sub3A_207 : vector<24x1xf32> to vector<24x2048xf32>
    %sub3A_1454 = vector.broadcast %sub3A_125 : vector<1x2048xf32> to vector<24x2048xf32>
    %sub3A_1455 = arith.subf %sub3A_1453, %sub3A_1454 : vector<24x2048xf32>
    %mul3A_1456 = vector.broadcast %sub3A_1447 : vector<1x2048xf32> to vector<24x2048xf32>
    %mul3A_1457 = arith.mulf %mul3A_1456, %sub3A_1455 : vector<24x2048xf32>
    %sub3A_1458 = arith.subf %mul3A_1452, %mul3A_1457 : vector<24x2048xf32>
    %mul3A_1459 = vector.broadcast %sub3A_1446 : vector<1x2048xf32> to vector<24x2048xf32>
    %mul3A_1460 = vector.broadcast %sub3A_1391 : vector<24x1xf32> to vector<24x2048xf32>
    %mul3A_1461 = arith.mulf %mul3A_1459, %mul3A_1460 : vector<24x2048xf32>
    %mul3A_1462 = vector.broadcast %sub3A_1447 : vector<1x2048xf32> to vector<24x2048xf32>
    %mul3A_1463 = vector.broadcast %sub3A_1390 : vector<24x1xf32> to vector<24x2048xf32>
    %mul3A_1464 = arith.mulf %mul3A_1462, %mul3A_1463 : vector<24x2048xf32>
    %sub3A_1465 = arith.subf %mul3A_1461, %mul3A_1464 : vector<24x2048xf32>
    %neg3A_1466 = arith.constant 0.000000e+00 : f32
    %neg3A_1467 = vector.broadcast %neg3A_1466 : f32 to vector<24x2048xf32>
    %neg3A_1468 = arith.subf %neg3A_1467, %sub3A_1458 : vector<24x2048xf32>
    %eq3A_1469 = arith.constant 0.000000e+00 : f32
    %eq3A_1470 = vector.broadcast %eq3A_1469 : f32 to vector<24x2048xf32>
    %eq3A_1471 = arith.cmpf oeq, %sub3A_1465, %eq3A_1470 : vector<24x2048xf32>
    %jit3A_1472 = arith.constant 1.000000e+00 : f32
    %broadcast_in_dim3A_1473 = vector.broadcast %jit3A_1472 : f32 to vector<24x2048xf32>
    %select_n3A_1474 = arith.select %eq3A_1471, %broadcast_in_dim3A_1473, %sub3A_1465 : vector<24x2048xi1>, vector<24x2048xf32>
    %div3A_1475 = arith.divf %neg3A_1468, %select_n3A_1474 : vector<24x2048xf32>
    %gt3A_1476 = arith.constant 0.000000e+00 : f32
    %gt3A_1477 = vector.broadcast %gt3A_1476 : f32 to vector<24x2048xf32>
    %gt3A_1478 = arith.cmpf ogt, %sub3A_1465, %gt3A_1477 : vector<24x2048xf32>
    %max3A_1479 = arith.maximumf %select_n3A_1432, %div3A_1475 : vector<24x2048xf32>
    %select_n3A_1480 = arith.select %gt3A_1478, %max3A_1479, %select_n3A_1432 : vector<24x2048xi1>, vector<24x2048xf32>
    %lt3A_1481 = arith.constant 0.000000e+00 : f32
    %lt3A_1482 = vector.broadcast %lt3A_1481 : f32 to vector<24x2048xf32>
    %lt3A_1483 = arith.cmpf olt, %sub3A_1465, %lt3A_1482 : vector<24x2048xf32>
    %min3A_1484 = arith.minimumf %select_n3A_1437, %div3A_1475 : vector<24x2048xf32>
    %select_n3A_1485 = arith.select %lt3A_1483, %min3A_1484, %select_n3A_1437 : vector<24x2048xi1>, vector<24x2048xf32>
    %ne3A_1486 = arith.constant 0.000000e+00 : f32
    %ne3A_1487 = vector.broadcast %ne3A_1486 : f32 to vector<24x2048xf32>
    %ne3A_1488 = arith.cmpf one, %sub3A_1465, %ne3A_1487 : vector<24x2048xf32>
    %ge3A_1489 = arith.constant 0.000000e+00 : f32
    %ge3A_1490 = vector.broadcast %ge3A_1489 : f32 to vector<24x2048xf32>
    %ge3A_1491 = arith.cmpf oge, %sub3A_1458, %ge3A_1490 : vector<24x2048xf32>
    %or3A_1492 = arith.ori %ne3A_1488, %ge3A_1491 : vector<24x2048xi1>
    %and3A_1493 = arith.andi %and3A_1445, %or3A_1492 : vector<24x2048xi1>
    %sub3A_1494 = arith.subf %sub3A_145, %sub3A_135 : vector<1x2048xf32>
    %sub3A_1495 = arith.subf %add3A_185, %add3A_175 : vector<1x2048xf32>
    %sub3A_1496 = vector.broadcast %add3A_247 : vector<24x1xf32> to vector<24x2048xf32>
    %sub3A_1497 = vector.broadcast %add3A_175 : vector<1x2048xf32> to vector<24x2048xf32>
    %sub3A_1498 = arith.subf %sub3A_1496, %sub3A_1497 : vector<24x2048xf32>
    %mul3A_1499 = vector.broadcast %sub3A_1494 : vector<1x2048xf32> to vector<24x2048xf32>
    %mul3A_1500 = arith.mulf %mul3A_1499, %sub3A_1498 : vector<24x2048xf32>
    %sub3A_1501 = vector.broadcast %sub3A_207 : vector<24x1xf32> to vector<24x2048xf32>
    %sub3A_1502 = vector.broadcast %sub3A_135 : vector<1x2048xf32> to vector<24x2048xf32>
    %sub3A_1503 = arith.subf %sub3A_1501, %sub3A_1502 : vector<24x2048xf32>
    %mul3A_1504 = vector.broadcast %sub3A_1495 : vector<1x2048xf32> to vector<24x2048xf32>
    %mul3A_1505 = arith.mulf %mul3A_1504, %sub3A_1503 : vector<24x2048xf32>
    %sub3A_1506 = arith.subf %mul3A_1500, %mul3A_1505 : vector<24x2048xf32>
    %mul3A_1507 = vector.broadcast %sub3A_1494 : vector<1x2048xf32> to vector<24x2048xf32>
    %mul3A_1508 = vector.broadcast %sub3A_1391 : vector<24x1xf32> to vector<24x2048xf32>
    %mul3A_1509 = arith.mulf %mul3A_1507, %mul3A_1508 : vector<24x2048xf32>
    %mul3A_1510 = vector.broadcast %sub3A_1495 : vector<1x2048xf32> to vector<24x2048xf32>
    %mul3A_1511 = vector.broadcast %sub3A_1390 : vector<24x1xf32> to vector<24x2048xf32>
    %mul3A_1512 = arith.mulf %mul3A_1510, %mul3A_1511 : vector<24x2048xf32>
    %sub3A_1513 = arith.subf %mul3A_1509, %mul3A_1512 : vector<24x2048xf32>
    %neg3A_1514 = arith.constant 0.000000e+00 : f32
    %neg3A_1515 = vector.broadcast %neg3A_1514 : f32 to vector<24x2048xf32>
    %neg3A_1516 = arith.subf %neg3A_1515, %sub3A_1506 : vector<24x2048xf32>
    %eq3A_1517 = arith.constant 0.000000e+00 : f32
    %eq3A_1518 = vector.broadcast %eq3A_1517 : f32 to vector<24x2048xf32>
    %eq3A_1519 = arith.cmpf oeq, %sub3A_1513, %eq3A_1518 : vector<24x2048xf32>
    %jit3A_1520 = arith.constant 1.000000e+00 : f32
    %broadcast_in_dim3A_1521 = vector.broadcast %jit3A_1520 : f32 to vector<24x2048xf32>
    %select_n3A_1522 = arith.select %eq3A_1519, %broadcast_in_dim3A_1521, %sub3A_1513 : vector<24x2048xi1>, vector<24x2048xf32>
    %div3A_1523 = arith.divf %neg3A_1516, %select_n3A_1522 : vector<24x2048xf32>
    %gt3A_1524 = arith.constant 0.000000e+00 : f32
    %gt3A_1525 = vector.broadcast %gt3A_1524 : f32 to vector<24x2048xf32>
    %gt3A_1526 = arith.cmpf ogt, %sub3A_1513, %gt3A_1525 : vector<24x2048xf32>
    %max3A_1527 = arith.maximumf %select_n3A_1480, %div3A_1523 : vector<24x2048xf32>
    %select_n3A_1528 = arith.select %gt3A_1526, %max3A_1527, %select_n3A_1480 : vector<24x2048xi1>, vector<24x2048xf32>
    %lt3A_1529 = arith.constant 0.000000e+00 : f32
    %lt3A_1530 = vector.broadcast %lt3A_1529 : f32 to vector<24x2048xf32>
    %lt3A_1531 = arith.cmpf olt, %sub3A_1513, %lt3A_1530 : vector<24x2048xf32>
    %min3A_1532 = arith.minimumf %select_n3A_1485, %div3A_1523 : vector<24x2048xf32>
    %select_n3A_1533 = arith.select %lt3A_1531, %min3A_1532, %select_n3A_1485 : vector<24x2048xi1>, vector<24x2048xf32>
    %ne3A_1534 = arith.constant 0.000000e+00 : f32
    %ne3A_1535 = vector.broadcast %ne3A_1534 : f32 to vector<24x2048xf32>
    %ne3A_1536 = arith.cmpf one, %sub3A_1513, %ne3A_1535 : vector<24x2048xf32>
    %ge3A_1537 = arith.constant 0.000000e+00 : f32
    %ge3A_1538 = vector.broadcast %ge3A_1537 : f32 to vector<24x2048xf32>
    %ge3A_1539 = arith.cmpf oge, %sub3A_1506, %ge3A_1538 : vector<24x2048xf32>
    %or3A_1540 = arith.ori %ne3A_1536, %ge3A_1539 : vector<24x2048xi1>
    %and3A_1541 = arith.andi %and3A_1493, %or3A_1540 : vector<24x2048xi1>
    %sub3A_1542 = arith.subf %sub3A_115, %sub3A_145 : vector<1x2048xf32>
    %sub3A_1543 = arith.subf %add3A_155, %add3A_185 : vector<1x2048xf32>
    %sub3A_1544 = vector.broadcast %add3A_247 : vector<24x1xf32> to vector<24x2048xf32>
    %sub3A_1545 = vector.broadcast %add3A_185 : vector<1x2048xf32> to vector<24x2048xf32>
    %sub3A_1546 = arith.subf %sub3A_1544, %sub3A_1545 : vector<24x2048xf32>
    %mul3A_1547 = vector.broadcast %sub3A_1542 : vector<1x2048xf32> to vector<24x2048xf32>
    %mul3A_1548 = arith.mulf %mul3A_1547, %sub3A_1546 : vector<24x2048xf32>
    %sub3A_1549 = vector.broadcast %sub3A_207 : vector<24x1xf32> to vector<24x2048xf32>
    %sub3A_1550 = vector.broadcast %sub3A_145 : vector<1x2048xf32> to vector<24x2048xf32>
    %sub3A_1551 = arith.subf %sub3A_1549, %sub3A_1550 : vector<24x2048xf32>
    %mul3A_1552 = vector.broadcast %sub3A_1543 : vector<1x2048xf32> to vector<24x2048xf32>
    %mul3A_1553 = arith.mulf %mul3A_1552, %sub3A_1551 : vector<24x2048xf32>
    %sub3A_1554 = arith.subf %mul3A_1548, %mul3A_1553 : vector<24x2048xf32>
    %mul3A_1555 = vector.broadcast %sub3A_1542 : vector<1x2048xf32> to vector<24x2048xf32>
    %mul3A_1556 = vector.broadcast %sub3A_1391 : vector<24x1xf32> to vector<24x2048xf32>
    %mul3A_1557 = arith.mulf %mul3A_1555, %mul3A_1556 : vector<24x2048xf32>
    %mul3A_1558 = vector.broadcast %sub3A_1543 : vector<1x2048xf32> to vector<24x2048xf32>
    %mul3A_1559 = vector.broadcast %sub3A_1390 : vector<24x1xf32> to vector<24x2048xf32>
    %mul3A_1560 = arith.mulf %mul3A_1558, %mul3A_1559 : vector<24x2048xf32>
    %sub3A_1561 = arith.subf %mul3A_1557, %mul3A_1560 : vector<24x2048xf32>
    %neg3A_1562 = arith.constant 0.000000e+00 : f32
    %neg3A_1563 = vector.broadcast %neg3A_1562 : f32 to vector<24x2048xf32>
    %neg3A_1564 = arith.subf %neg3A_1563, %sub3A_1554 : vector<24x2048xf32>
    %eq3A_1565 = arith.constant 0.000000e+00 : f32
    %eq3A_1566 = vector.broadcast %eq3A_1565 : f32 to vector<24x2048xf32>
    %eq3A_1567 = arith.cmpf oeq, %sub3A_1561, %eq3A_1566 : vector<24x2048xf32>
    %jit3A_1568 = arith.constant 1.000000e+00 : f32
    %broadcast_in_dim3A_1569 = vector.broadcast %jit3A_1568 : f32 to vector<24x2048xf32>
    %select_n3A_1570 = arith.select %eq3A_1567, %broadcast_in_dim3A_1569, %sub3A_1561 : vector<24x2048xi1>, vector<24x2048xf32>
    %div3A_1571 = arith.divf %neg3A_1564, %select_n3A_1570 : vector<24x2048xf32>
    %gt3A_1572 = arith.constant 0.000000e+00 : f32
    %gt3A_1573 = vector.broadcast %gt3A_1572 : f32 to vector<24x2048xf32>
    %gt3A_1574 = arith.cmpf ogt, %sub3A_1561, %gt3A_1573 : vector<24x2048xf32>
    %max3A_1575 = arith.maximumf %select_n3A_1528, %div3A_1571 : vector<24x2048xf32>
    %select_n3A_1576 = arith.select %gt3A_1574, %max3A_1575, %select_n3A_1528 : vector<24x2048xi1>, vector<24x2048xf32>
    %lt3A_1577 = arith.constant 0.000000e+00 : f32
    %lt3A_1578 = vector.broadcast %lt3A_1577 : f32 to vector<24x2048xf32>
    %lt3A_1579 = arith.cmpf olt, %sub3A_1561, %lt3A_1578 : vector<24x2048xf32>
    %min3A_1580 = arith.minimumf %select_n3A_1533, %div3A_1571 : vector<24x2048xf32>
    %select_n3A_1581 = arith.select %lt3A_1579, %min3A_1580, %select_n3A_1533 : vector<24x2048xi1>, vector<24x2048xf32>
    %ne3A_1582 = arith.constant 0.000000e+00 : f32
    %ne3A_1583 = vector.broadcast %ne3A_1582 : f32 to vector<24x2048xf32>
    %ne3A_1584 = arith.cmpf one, %sub3A_1561, %ne3A_1583 : vector<24x2048xf32>
    %ge3A_1585 = arith.constant 0.000000e+00 : f32
    %ge3A_1586 = vector.broadcast %ge3A_1585 : f32 to vector<24x2048xf32>
    %ge3A_1587 = arith.cmpf oge, %sub3A_1554, %ge3A_1586 : vector<24x2048xf32>
    %or3A_1588 = arith.ori %ne3A_1584, %ge3A_1587 : vector<24x2048xi1>
    %and3A_1589 = arith.andi %and3A_1541, %or3A_1588 : vector<24x2048xi1>
    %mul3A_1590 = vector.broadcast %sub3A_1390 : vector<24x1xf32> to vector<24x2048xf32>
    %mul3A_1591 = arith.mulf %select_n3A_1576, %mul3A_1590 : vector<24x2048xf32>
    %add3A_1592 = vector.broadcast %sub3A_207 : vector<24x1xf32> to vector<24x2048xf32>
    %add3A_1593 = arith.addf %add3A_1592, %mul3A_1591 : vector<24x2048xf32>
    %mul3A_1594 = vector.broadcast %sub3A_1391 : vector<24x1xf32> to vector<24x2048xf32>
    %mul3A_1595 = arith.mulf %select_n3A_1576, %mul3A_1594 : vector<24x2048xf32>
    %add3A_1596 = vector.broadcast %add3A_247 : vector<24x1xf32> to vector<24x2048xf32>
    %add3A_1597 = arith.addf %add3A_1596, %mul3A_1595 : vector<24x2048xf32>
    %mul3A_1598 = vector.broadcast %sub3A_1390 : vector<24x1xf32> to vector<24x2048xf32>
    %mul3A_1599 = arith.mulf %select_n3A_1581, %mul3A_1598 : vector<24x2048xf32>
    %add3A_1600 = vector.broadcast %sub3A_207 : vector<24x1xf32> to vector<24x2048xf32>
    %add3A_1601 = arith.addf %add3A_1600, %mul3A_1599 : vector<24x2048xf32>
    %mul3A_1602 = vector.broadcast %sub3A_1391 : vector<24x1xf32> to vector<24x2048xf32>
    %mul3A_1603 = arith.mulf %select_n3A_1581, %mul3A_1602 : vector<24x2048xf32>
    %add3A_1604 = vector.broadcast %add3A_247 : vector<24x1xf32> to vector<24x2048xf32>
    %add3A_1605 = arith.addf %add3A_1604, %mul3A_1603 : vector<24x2048xf32>
    %mul3A_1606 = arith.mulf %add3A_1593, %add3A_1605 : vector<24x2048xf32>
    %mul3A_1607 = arith.mulf %add3A_1597, %add3A_1601 : vector<24x2048xf32>
    %sub3A_1608 = arith.subf %mul3A_1606, %mul3A_1607 : vector<24x2048xf32>
    %gt3A_1609 = arith.cmpf ogt, %select_n3A_1581, %select_n3A_1576 : vector<24x2048xf32>
    %and3A_1610 = arith.andi %and3A_1589, %gt3A_1609 : vector<24x2048xi1>
    %jit3A_1611 = arith.constant 0.000000e+00 : f32
    %broadcast_in_dim3A_1612 = vector.broadcast %jit3A_1611 : f32 to vector<24x2048xf32>
    %select_n3A_1613 = arith.select %and3A_1610, %sub3A_1608, %broadcast_in_dim3A_1612 : vector<24x2048xi1>, vector<24x2048xf32>
    %add3A_1614 = arith.addf %add3A_1389, %select_n3A_1613 : vector<24x2048xf32>
    %sub3A_1615 = arith.subf %sub3A_227, %sub3A_217 : vector<24x1xf32>
    %sub3A_1616 = arith.subf %add3A_267, %add3A_257 : vector<24x1xf32>
    %broadcast_in_dim3A_1617 = arith.constant 0.000000e+00 : f32
    %broadcast_in_dim3A_1618 = vector.broadcast %broadcast_in_dim3A_1617 : f32 to vector<24x2048xf32>
    %broadcast_in_dim3A_1619 = arith.constant 1.000000e+00 : f32
    %broadcast_in_dim3A_1620 = vector.broadcast %broadcast_in_dim3A_1619 : f32 to vector<24x2048xf32>
    %broadcast_in_dim3A_1621 = arith.constant true
    %broadcast_in_dim3A_1622 = vector.broadcast %broadcast_in_dim3A_1621 : i1 to vector<24x2048xi1>
    %sub3A_1623 = arith.subf %sub3A_125, %sub3A_115 : vector<1x2048xf32>
    %sub3A_1624 = arith.subf %add3A_165, %add3A_155 : vector<1x2048xf32>
    %sub3A_1625 = vector.broadcast %add3A_257 : vector<24x1xf32> to vector<24x2048xf32>
    %sub3A_1626 = vector.broadcast %add3A_155 : vector<1x2048xf32> to vector<24x2048xf32>
    %sub3A_1627 = arith.subf %sub3A_1625, %sub3A_1626 : vector<24x2048xf32>
    %mul3A_1628 = vector.broadcast %sub3A_1623 : vector<1x2048xf32> to vector<24x2048xf32>
    %mul3A_1629 = arith.mulf %mul3A_1628, %sub3A_1627 : vector<24x2048xf32>
    %sub3A_1630 = vector.broadcast %sub3A_217 : vector<24x1xf32> to vector<24x2048xf32>
    %sub3A_1631 = vector.broadcast %sub3A_115 : vector<1x2048xf32> to vector<24x2048xf32>
    %sub3A_1632 = arith.subf %sub3A_1630, %sub3A_1631 : vector<24x2048xf32>
    %mul3A_1633 = vector.broadcast %sub3A_1624 : vector<1x2048xf32> to vector<24x2048xf32>
    %mul3A_1634 = arith.mulf %mul3A_1633, %sub3A_1632 : vector<24x2048xf32>
    %sub3A_1635 = arith.subf %mul3A_1629, %mul3A_1634 : vector<24x2048xf32>
    %mul3A_1636 = vector.broadcast %sub3A_1623 : vector<1x2048xf32> to vector<24x2048xf32>
    %mul3A_1637 = vector.broadcast %sub3A_1616 : vector<24x1xf32> to vector<24x2048xf32>
    %mul3A_1638 = arith.mulf %mul3A_1636, %mul3A_1637 : vector<24x2048xf32>
    %mul3A_1639 = vector.broadcast %sub3A_1624 : vector<1x2048xf32> to vector<24x2048xf32>
    %mul3A_1640 = vector.broadcast %sub3A_1615 : vector<24x1xf32> to vector<24x2048xf32>
    %mul3A_1641 = arith.mulf %mul3A_1639, %mul3A_1640 : vector<24x2048xf32>
    %sub3A_1642 = arith.subf %mul3A_1638, %mul3A_1641 : vector<24x2048xf32>
    %neg3A_1643 = arith.constant 0.000000e+00 : f32
    %neg3A_1644 = vector.broadcast %neg3A_1643 : f32 to vector<24x2048xf32>
    %neg3A_1645 = arith.subf %neg3A_1644, %sub3A_1635 : vector<24x2048xf32>
    %eq3A_1646 = arith.constant 0.000000e+00 : f32
    %eq3A_1647 = vector.broadcast %eq3A_1646 : f32 to vector<24x2048xf32>
    %eq3A_1648 = arith.cmpf oeq, %sub3A_1642, %eq3A_1647 : vector<24x2048xf32>
    %jit3A_1649 = arith.constant 1.000000e+00 : f32
    %broadcast_in_dim3A_1650 = vector.broadcast %jit3A_1649 : f32 to vector<24x2048xf32>
    %select_n3A_1651 = arith.select %eq3A_1648, %broadcast_in_dim3A_1650, %sub3A_1642 : vector<24x2048xi1>, vector<24x2048xf32>
    %div3A_1652 = arith.divf %neg3A_1645, %select_n3A_1651 : vector<24x2048xf32>
    %gt3A_1653 = arith.constant 0.000000e+00 : f32
    %gt3A_1654 = vector.broadcast %gt3A_1653 : f32 to vector<24x2048xf32>
    %gt3A_1655 = arith.cmpf ogt, %sub3A_1642, %gt3A_1654 : vector<24x2048xf32>
    %max3A_1656 = arith.maximumf %broadcast_in_dim3A_1618, %div3A_1652 : vector<24x2048xf32>
    %select_n3A_1657 = arith.select %gt3A_1655, %max3A_1656, %broadcast_in_dim3A_1618 : vector<24x2048xi1>, vector<24x2048xf32>
    %lt3A_1658 = arith.constant 0.000000e+00 : f32
    %lt3A_1659 = vector.broadcast %lt3A_1658 : f32 to vector<24x2048xf32>
    %lt3A_1660 = arith.cmpf olt, %sub3A_1642, %lt3A_1659 : vector<24x2048xf32>
    %min3A_1661 = arith.minimumf %broadcast_in_dim3A_1620, %div3A_1652 : vector<24x2048xf32>
    %select_n3A_1662 = arith.select %lt3A_1660, %min3A_1661, %broadcast_in_dim3A_1620 : vector<24x2048xi1>, vector<24x2048xf32>
    %ne3A_1663 = arith.constant 0.000000e+00 : f32
    %ne3A_1664 = vector.broadcast %ne3A_1663 : f32 to vector<24x2048xf32>
    %ne3A_1665 = arith.cmpf one, %sub3A_1642, %ne3A_1664 : vector<24x2048xf32>
    %ge3A_1666 = arith.constant 0.000000e+00 : f32
    %ge3A_1667 = vector.broadcast %ge3A_1666 : f32 to vector<24x2048xf32>
    %ge3A_1668 = arith.cmpf oge, %sub3A_1635, %ge3A_1667 : vector<24x2048xf32>
    %or3A_1669 = arith.ori %ne3A_1665, %ge3A_1668 : vector<24x2048xi1>
    %and3A_1670 = arith.andi %broadcast_in_dim3A_1622, %or3A_1669 : vector<24x2048xi1>
    %sub3A_1671 = arith.subf %sub3A_135, %sub3A_125 : vector<1x2048xf32>
    %sub3A_1672 = arith.subf %add3A_175, %add3A_165 : vector<1x2048xf32>
    %sub3A_1673 = vector.broadcast %add3A_257 : vector<24x1xf32> to vector<24x2048xf32>
    %sub3A_1674 = vector.broadcast %add3A_165 : vector<1x2048xf32> to vector<24x2048xf32>
    %sub3A_1675 = arith.subf %sub3A_1673, %sub3A_1674 : vector<24x2048xf32>
    %mul3A_1676 = vector.broadcast %sub3A_1671 : vector<1x2048xf32> to vector<24x2048xf32>
    %mul3A_1677 = arith.mulf %mul3A_1676, %sub3A_1675 : vector<24x2048xf32>
    %sub3A_1678 = vector.broadcast %sub3A_217 : vector<24x1xf32> to vector<24x2048xf32>
    %sub3A_1679 = vector.broadcast %sub3A_125 : vector<1x2048xf32> to vector<24x2048xf32>
    %sub3A_1680 = arith.subf %sub3A_1678, %sub3A_1679 : vector<24x2048xf32>
    %mul3A_1681 = vector.broadcast %sub3A_1672 : vector<1x2048xf32> to vector<24x2048xf32>
    %mul3A_1682 = arith.mulf %mul3A_1681, %sub3A_1680 : vector<24x2048xf32>
    %sub3A_1683 = arith.subf %mul3A_1677, %mul3A_1682 : vector<24x2048xf32>
    %mul3A_1684 = vector.broadcast %sub3A_1671 : vector<1x2048xf32> to vector<24x2048xf32>
    %mul3A_1685 = vector.broadcast %sub3A_1616 : vector<24x1xf32> to vector<24x2048xf32>
    %mul3A_1686 = arith.mulf %mul3A_1684, %mul3A_1685 : vector<24x2048xf32>
    %mul3A_1687 = vector.broadcast %sub3A_1672 : vector<1x2048xf32> to vector<24x2048xf32>
    %mul3A_1688 = vector.broadcast %sub3A_1615 : vector<24x1xf32> to vector<24x2048xf32>
    %mul3A_1689 = arith.mulf %mul3A_1687, %mul3A_1688 : vector<24x2048xf32>
    %sub3A_1690 = arith.subf %mul3A_1686, %mul3A_1689 : vector<24x2048xf32>
    %neg3A_1691 = arith.constant 0.000000e+00 : f32
    %neg3A_1692 = vector.broadcast %neg3A_1691 : f32 to vector<24x2048xf32>
    %neg3A_1693 = arith.subf %neg3A_1692, %sub3A_1683 : vector<24x2048xf32>
    %eq3A_1694 = arith.constant 0.000000e+00 : f32
    %eq3A_1695 = vector.broadcast %eq3A_1694 : f32 to vector<24x2048xf32>
    %eq3A_1696 = arith.cmpf oeq, %sub3A_1690, %eq3A_1695 : vector<24x2048xf32>
    %jit3A_1697 = arith.constant 1.000000e+00 : f32
    %broadcast_in_dim3A_1698 = vector.broadcast %jit3A_1697 : f32 to vector<24x2048xf32>
    %select_n3A_1699 = arith.select %eq3A_1696, %broadcast_in_dim3A_1698, %sub3A_1690 : vector<24x2048xi1>, vector<24x2048xf32>
    %div3A_1700 = arith.divf %neg3A_1693, %select_n3A_1699 : vector<24x2048xf32>
    %gt3A_1701 = arith.constant 0.000000e+00 : f32
    %gt3A_1702 = vector.broadcast %gt3A_1701 : f32 to vector<24x2048xf32>
    %gt3A_1703 = arith.cmpf ogt, %sub3A_1690, %gt3A_1702 : vector<24x2048xf32>
    %max3A_1704 = arith.maximumf %select_n3A_1657, %div3A_1700 : vector<24x2048xf32>
    %select_n3A_1705 = arith.select %gt3A_1703, %max3A_1704, %select_n3A_1657 : vector<24x2048xi1>, vector<24x2048xf32>
    %lt3A_1706 = arith.constant 0.000000e+00 : f32
    %lt3A_1707 = vector.broadcast %lt3A_1706 : f32 to vector<24x2048xf32>
    %lt3A_1708 = arith.cmpf olt, %sub3A_1690, %lt3A_1707 : vector<24x2048xf32>
    %min3A_1709 = arith.minimumf %select_n3A_1662, %div3A_1700 : vector<24x2048xf32>
    %select_n3A_1710 = arith.select %lt3A_1708, %min3A_1709, %select_n3A_1662 : vector<24x2048xi1>, vector<24x2048xf32>
    %ne3A_1711 = arith.constant 0.000000e+00 : f32
    %ne3A_1712 = vector.broadcast %ne3A_1711 : f32 to vector<24x2048xf32>
    %ne3A_1713 = arith.cmpf one, %sub3A_1690, %ne3A_1712 : vector<24x2048xf32>
    %ge3A_1714 = arith.constant 0.000000e+00 : f32
    %ge3A_1715 = vector.broadcast %ge3A_1714 : f32 to vector<24x2048xf32>
    %ge3A_1716 = arith.cmpf oge, %sub3A_1683, %ge3A_1715 : vector<24x2048xf32>
    %or3A_1717 = arith.ori %ne3A_1713, %ge3A_1716 : vector<24x2048xi1>
    %and3A_1718 = arith.andi %and3A_1670, %or3A_1717 : vector<24x2048xi1>
    %sub3A_1719 = arith.subf %sub3A_145, %sub3A_135 : vector<1x2048xf32>
    %sub3A_1720 = arith.subf %add3A_185, %add3A_175 : vector<1x2048xf32>
    %sub3A_1721 = vector.broadcast %add3A_257 : vector<24x1xf32> to vector<24x2048xf32>
    %sub3A_1722 = vector.broadcast %add3A_175 : vector<1x2048xf32> to vector<24x2048xf32>
    %sub3A_1723 = arith.subf %sub3A_1721, %sub3A_1722 : vector<24x2048xf32>
    %mul3A_1724 = vector.broadcast %sub3A_1719 : vector<1x2048xf32> to vector<24x2048xf32>
    %mul3A_1725 = arith.mulf %mul3A_1724, %sub3A_1723 : vector<24x2048xf32>
    %sub3A_1726 = vector.broadcast %sub3A_217 : vector<24x1xf32> to vector<24x2048xf32>
    %sub3A_1727 = vector.broadcast %sub3A_135 : vector<1x2048xf32> to vector<24x2048xf32>
    %sub3A_1728 = arith.subf %sub3A_1726, %sub3A_1727 : vector<24x2048xf32>
    %mul3A_1729 = vector.broadcast %sub3A_1720 : vector<1x2048xf32> to vector<24x2048xf32>
    %mul3A_1730 = arith.mulf %mul3A_1729, %sub3A_1728 : vector<24x2048xf32>
    %sub3A_1731 = arith.subf %mul3A_1725, %mul3A_1730 : vector<24x2048xf32>
    %mul3A_1732 = vector.broadcast %sub3A_1719 : vector<1x2048xf32> to vector<24x2048xf32>
    %mul3A_1733 = vector.broadcast %sub3A_1616 : vector<24x1xf32> to vector<24x2048xf32>
    %mul3A_1734 = arith.mulf %mul3A_1732, %mul3A_1733 : vector<24x2048xf32>
    %mul3A_1735 = vector.broadcast %sub3A_1720 : vector<1x2048xf32> to vector<24x2048xf32>
    %mul3A_1736 = vector.broadcast %sub3A_1615 : vector<24x1xf32> to vector<24x2048xf32>
    %mul3A_1737 = arith.mulf %mul3A_1735, %mul3A_1736 : vector<24x2048xf32>
    %sub3A_1738 = arith.subf %mul3A_1734, %mul3A_1737 : vector<24x2048xf32>
    %neg3A_1739 = arith.constant 0.000000e+00 : f32
    %neg3A_1740 = vector.broadcast %neg3A_1739 : f32 to vector<24x2048xf32>
    %neg3A_1741 = arith.subf %neg3A_1740, %sub3A_1731 : vector<24x2048xf32>
    %eq3A_1742 = arith.constant 0.000000e+00 : f32
    %eq3A_1743 = vector.broadcast %eq3A_1742 : f32 to vector<24x2048xf32>
    %eq3A_1744 = arith.cmpf oeq, %sub3A_1738, %eq3A_1743 : vector<24x2048xf32>
    %jit3A_1745 = arith.constant 1.000000e+00 : f32
    %broadcast_in_dim3A_1746 = vector.broadcast %jit3A_1745 : f32 to vector<24x2048xf32>
    %select_n3A_1747 = arith.select %eq3A_1744, %broadcast_in_dim3A_1746, %sub3A_1738 : vector<24x2048xi1>, vector<24x2048xf32>
    %div3A_1748 = arith.divf %neg3A_1741, %select_n3A_1747 : vector<24x2048xf32>
    %gt3A_1749 = arith.constant 0.000000e+00 : f32
    %gt3A_1750 = vector.broadcast %gt3A_1749 : f32 to vector<24x2048xf32>
    %gt3A_1751 = arith.cmpf ogt, %sub3A_1738, %gt3A_1750 : vector<24x2048xf32>
    %max3A_1752 = arith.maximumf %select_n3A_1705, %div3A_1748 : vector<24x2048xf32>
    %select_n3A_1753 = arith.select %gt3A_1751, %max3A_1752, %select_n3A_1705 : vector<24x2048xi1>, vector<24x2048xf32>
    %lt3A_1754 = arith.constant 0.000000e+00 : f32
    %lt3A_1755 = vector.broadcast %lt3A_1754 : f32 to vector<24x2048xf32>
    %lt3A_1756 = arith.cmpf olt, %sub3A_1738, %lt3A_1755 : vector<24x2048xf32>
    %min3A_1757 = arith.minimumf %select_n3A_1710, %div3A_1748 : vector<24x2048xf32>
    %select_n3A_1758 = arith.select %lt3A_1756, %min3A_1757, %select_n3A_1710 : vector<24x2048xi1>, vector<24x2048xf32>
    %ne3A_1759 = arith.constant 0.000000e+00 : f32
    %ne3A_1760 = vector.broadcast %ne3A_1759 : f32 to vector<24x2048xf32>
    %ne3A_1761 = arith.cmpf one, %sub3A_1738, %ne3A_1760 : vector<24x2048xf32>
    %ge3A_1762 = arith.constant 0.000000e+00 : f32
    %ge3A_1763 = vector.broadcast %ge3A_1762 : f32 to vector<24x2048xf32>
    %ge3A_1764 = arith.cmpf oge, %sub3A_1731, %ge3A_1763 : vector<24x2048xf32>
    %or3A_1765 = arith.ori %ne3A_1761, %ge3A_1764 : vector<24x2048xi1>
    %and3A_1766 = arith.andi %and3A_1718, %or3A_1765 : vector<24x2048xi1>
    %sub3A_1767 = arith.subf %sub3A_115, %sub3A_145 : vector<1x2048xf32>
    %sub3A_1768 = arith.subf %add3A_155, %add3A_185 : vector<1x2048xf32>
    %sub3A_1769 = vector.broadcast %add3A_257 : vector<24x1xf32> to vector<24x2048xf32>
    %sub3A_1770 = vector.broadcast %add3A_185 : vector<1x2048xf32> to vector<24x2048xf32>
    %sub3A_1771 = arith.subf %sub3A_1769, %sub3A_1770 : vector<24x2048xf32>
    %mul3A_1772 = vector.broadcast %sub3A_1767 : vector<1x2048xf32> to vector<24x2048xf32>
    %mul3A_1773 = arith.mulf %mul3A_1772, %sub3A_1771 : vector<24x2048xf32>
    %sub3A_1774 = vector.broadcast %sub3A_217 : vector<24x1xf32> to vector<24x2048xf32>
    %sub3A_1775 = vector.broadcast %sub3A_145 : vector<1x2048xf32> to vector<24x2048xf32>
    %sub3A_1776 = arith.subf %sub3A_1774, %sub3A_1775 : vector<24x2048xf32>
    %mul3A_1777 = vector.broadcast %sub3A_1768 : vector<1x2048xf32> to vector<24x2048xf32>
    %mul3A_1778 = arith.mulf %mul3A_1777, %sub3A_1776 : vector<24x2048xf32>
    %sub3A_1779 = arith.subf %mul3A_1773, %mul3A_1778 : vector<24x2048xf32>
    %mul3A_1780 = vector.broadcast %sub3A_1767 : vector<1x2048xf32> to vector<24x2048xf32>
    %mul3A_1781 = vector.broadcast %sub3A_1616 : vector<24x1xf32> to vector<24x2048xf32>
    %mul3A_1782 = arith.mulf %mul3A_1780, %mul3A_1781 : vector<24x2048xf32>
    %mul3A_1783 = vector.broadcast %sub3A_1768 : vector<1x2048xf32> to vector<24x2048xf32>
    %mul3A_1784 = vector.broadcast %sub3A_1615 : vector<24x1xf32> to vector<24x2048xf32>
    %mul3A_1785 = arith.mulf %mul3A_1783, %mul3A_1784 : vector<24x2048xf32>
    %sub3A_1786 = arith.subf %mul3A_1782, %mul3A_1785 : vector<24x2048xf32>
    %neg3A_1787 = arith.constant 0.000000e+00 : f32
    %neg3A_1788 = vector.broadcast %neg3A_1787 : f32 to vector<24x2048xf32>
    %neg3A_1789 = arith.subf %neg3A_1788, %sub3A_1779 : vector<24x2048xf32>
    %eq3A_1790 = arith.constant 0.000000e+00 : f32
    %eq3A_1791 = vector.broadcast %eq3A_1790 : f32 to vector<24x2048xf32>
    %eq3A_1792 = arith.cmpf oeq, %sub3A_1786, %eq3A_1791 : vector<24x2048xf32>
    %jit3A_1793 = arith.constant 1.000000e+00 : f32
    %broadcast_in_dim3A_1794 = vector.broadcast %jit3A_1793 : f32 to vector<24x2048xf32>
    %select_n3A_1795 = arith.select %eq3A_1792, %broadcast_in_dim3A_1794, %sub3A_1786 : vector<24x2048xi1>, vector<24x2048xf32>
    %div3A_1796 = arith.divf %neg3A_1789, %select_n3A_1795 : vector<24x2048xf32>
    %gt3A_1797 = arith.constant 0.000000e+00 : f32
    %gt3A_1798 = vector.broadcast %gt3A_1797 : f32 to vector<24x2048xf32>
    %gt3A_1799 = arith.cmpf ogt, %sub3A_1786, %gt3A_1798 : vector<24x2048xf32>
    %max3A_1800 = arith.maximumf %select_n3A_1753, %div3A_1796 : vector<24x2048xf32>
    %select_n3A_1801 = arith.select %gt3A_1799, %max3A_1800, %select_n3A_1753 : vector<24x2048xi1>, vector<24x2048xf32>
    %lt3A_1802 = arith.constant 0.000000e+00 : f32
    %lt3A_1803 = vector.broadcast %lt3A_1802 : f32 to vector<24x2048xf32>
    %lt3A_1804 = arith.cmpf olt, %sub3A_1786, %lt3A_1803 : vector<24x2048xf32>
    %min3A_1805 = arith.minimumf %select_n3A_1758, %div3A_1796 : vector<24x2048xf32>
    %select_n3A_1806 = arith.select %lt3A_1804, %min3A_1805, %select_n3A_1758 : vector<24x2048xi1>, vector<24x2048xf32>
    %ne3A_1807 = arith.constant 0.000000e+00 : f32
    %ne3A_1808 = vector.broadcast %ne3A_1807 : f32 to vector<24x2048xf32>
    %ne3A_1809 = arith.cmpf one, %sub3A_1786, %ne3A_1808 : vector<24x2048xf32>
    %ge3A_1810 = arith.constant 0.000000e+00 : f32
    %ge3A_1811 = vector.broadcast %ge3A_1810 : f32 to vector<24x2048xf32>
    %ge3A_1812 = arith.cmpf oge, %sub3A_1779, %ge3A_1811 : vector<24x2048xf32>
    %or3A_1813 = arith.ori %ne3A_1809, %ge3A_1812 : vector<24x2048xi1>
    %and3A_1814 = arith.andi %and3A_1766, %or3A_1813 : vector<24x2048xi1>
    %mul3A_1815 = vector.broadcast %sub3A_1615 : vector<24x1xf32> to vector<24x2048xf32>
    %mul3A_1816 = arith.mulf %select_n3A_1801, %mul3A_1815 : vector<24x2048xf32>
    %add3A_1817 = vector.broadcast %sub3A_217 : vector<24x1xf32> to vector<24x2048xf32>
    %add3A_1818 = arith.addf %add3A_1817, %mul3A_1816 : vector<24x2048xf32>
    %mul3A_1819 = vector.broadcast %sub3A_1616 : vector<24x1xf32> to vector<24x2048xf32>
    %mul3A_1820 = arith.mulf %select_n3A_1801, %mul3A_1819 : vector<24x2048xf32>
    %add3A_1821 = vector.broadcast %add3A_257 : vector<24x1xf32> to vector<24x2048xf32>
    %add3A_1822 = arith.addf %add3A_1821, %mul3A_1820 : vector<24x2048xf32>
    %mul3A_1823 = vector.broadcast %sub3A_1615 : vector<24x1xf32> to vector<24x2048xf32>
    %mul3A_1824 = arith.mulf %select_n3A_1806, %mul3A_1823 : vector<24x2048xf32>
    %add3A_1825 = vector.broadcast %sub3A_217 : vector<24x1xf32> to vector<24x2048xf32>
    %add3A_1826 = arith.addf %add3A_1825, %mul3A_1824 : vector<24x2048xf32>
    %mul3A_1827 = vector.broadcast %sub3A_1616 : vector<24x1xf32> to vector<24x2048xf32>
    %mul3A_1828 = arith.mulf %select_n3A_1806, %mul3A_1827 : vector<24x2048xf32>
    %add3A_1829 = vector.broadcast %add3A_257 : vector<24x1xf32> to vector<24x2048xf32>
    %add3A_1830 = arith.addf %add3A_1829, %mul3A_1828 : vector<24x2048xf32>
    %mul3A_1831 = arith.mulf %add3A_1818, %add3A_1830 : vector<24x2048xf32>
    %mul3A_1832 = arith.mulf %add3A_1822, %add3A_1826 : vector<24x2048xf32>
    %sub3A_1833 = arith.subf %mul3A_1831, %mul3A_1832 : vector<24x2048xf32>
    %gt3A_1834 = arith.cmpf ogt, %select_n3A_1806, %select_n3A_1801 : vector<24x2048xf32>
    %and3A_1835 = arith.andi %and3A_1814, %gt3A_1834 : vector<24x2048xi1>
    %jit3A_1836 = arith.constant 0.000000e+00 : f32
    %broadcast_in_dim3A_1837 = vector.broadcast %jit3A_1836 : f32 to vector<24x2048xf32>
    %select_n3A_1838 = arith.select %and3A_1835, %sub3A_1833, %broadcast_in_dim3A_1837 : vector<24x2048xi1>, vector<24x2048xf32>
    %add3A_1839 = arith.addf %add3A_1614, %select_n3A_1838 : vector<24x2048xf32>
    %sub3A_1840 = arith.subf %sub3A_197, %sub3A_227 : vector<24x1xf32>
    %sub3A_1841 = arith.subf %add3A_237, %add3A_267 : vector<24x1xf32>
    %broadcast_in_dim3A_1842 = arith.constant 0.000000e+00 : f32
    %broadcast_in_dim3A_1843 = vector.broadcast %broadcast_in_dim3A_1842 : f32 to vector<24x2048xf32>
    %broadcast_in_dim3A_1844 = arith.constant 1.000000e+00 : f32
    %broadcast_in_dim3A_1845 = vector.broadcast %broadcast_in_dim3A_1844 : f32 to vector<24x2048xf32>
    %broadcast_in_dim3A_1846 = arith.constant true
    %broadcast_in_dim3A_1847 = vector.broadcast %broadcast_in_dim3A_1846 : i1 to vector<24x2048xi1>
    %sub3A_1848 = arith.subf %sub3A_125, %sub3A_115 : vector<1x2048xf32>
    %sub3A_1849 = arith.subf %add3A_165, %add3A_155 : vector<1x2048xf32>
    %sub3A_1850 = vector.broadcast %add3A_267 : vector<24x1xf32> to vector<24x2048xf32>
    %sub3A_1851 = vector.broadcast %add3A_155 : vector<1x2048xf32> to vector<24x2048xf32>
    %sub3A_1852 = arith.subf %sub3A_1850, %sub3A_1851 : vector<24x2048xf32>
    %mul3A_1853 = vector.broadcast %sub3A_1848 : vector<1x2048xf32> to vector<24x2048xf32>
    %mul3A_1854 = arith.mulf %mul3A_1853, %sub3A_1852 : vector<24x2048xf32>
    %sub3A_1855 = vector.broadcast %sub3A_227 : vector<24x1xf32> to vector<24x2048xf32>
    %sub3A_1856 = vector.broadcast %sub3A_115 : vector<1x2048xf32> to vector<24x2048xf32>
    %sub3A_1857 = arith.subf %sub3A_1855, %sub3A_1856 : vector<24x2048xf32>
    %mul3A_1858 = vector.broadcast %sub3A_1849 : vector<1x2048xf32> to vector<24x2048xf32>
    %mul3A_1859 = arith.mulf %mul3A_1858, %sub3A_1857 : vector<24x2048xf32>
    %sub3A_1860 = arith.subf %mul3A_1854, %mul3A_1859 : vector<24x2048xf32>
    %mul3A_1861 = vector.broadcast %sub3A_1848 : vector<1x2048xf32> to vector<24x2048xf32>
    %mul3A_1862 = vector.broadcast %sub3A_1841 : vector<24x1xf32> to vector<24x2048xf32>
    %mul3A_1863 = arith.mulf %mul3A_1861, %mul3A_1862 : vector<24x2048xf32>
    %mul3A_1864 = vector.broadcast %sub3A_1849 : vector<1x2048xf32> to vector<24x2048xf32>
    %mul3A_1865 = vector.broadcast %sub3A_1840 : vector<24x1xf32> to vector<24x2048xf32>
    %mul3A_1866 = arith.mulf %mul3A_1864, %mul3A_1865 : vector<24x2048xf32>
    %sub3A_1867 = arith.subf %mul3A_1863, %mul3A_1866 : vector<24x2048xf32>
    %neg3A_1868 = arith.constant 0.000000e+00 : f32
    %neg3A_1869 = vector.broadcast %neg3A_1868 : f32 to vector<24x2048xf32>
    %neg3A_1870 = arith.subf %neg3A_1869, %sub3A_1860 : vector<24x2048xf32>
    %eq3A_1871 = arith.constant 0.000000e+00 : f32
    %eq3A_1872 = vector.broadcast %eq3A_1871 : f32 to vector<24x2048xf32>
    %eq3A_1873 = arith.cmpf oeq, %sub3A_1867, %eq3A_1872 : vector<24x2048xf32>
    %jit3A_1874 = arith.constant 1.000000e+00 : f32
    %broadcast_in_dim3A_1875 = vector.broadcast %jit3A_1874 : f32 to vector<24x2048xf32>
    %select_n3A_1876 = arith.select %eq3A_1873, %broadcast_in_dim3A_1875, %sub3A_1867 : vector<24x2048xi1>, vector<24x2048xf32>
    %div3A_1877 = arith.divf %neg3A_1870, %select_n3A_1876 : vector<24x2048xf32>
    %gt3A_1878 = arith.constant 0.000000e+00 : f32
    %gt3A_1879 = vector.broadcast %gt3A_1878 : f32 to vector<24x2048xf32>
    %gt3A_1880 = arith.cmpf ogt, %sub3A_1867, %gt3A_1879 : vector<24x2048xf32>
    %max3A_1881 = arith.maximumf %broadcast_in_dim3A_1843, %div3A_1877 : vector<24x2048xf32>
    %select_n3A_1882 = arith.select %gt3A_1880, %max3A_1881, %broadcast_in_dim3A_1843 : vector<24x2048xi1>, vector<24x2048xf32>
    %lt3A_1883 = arith.constant 0.000000e+00 : f32
    %lt3A_1884 = vector.broadcast %lt3A_1883 : f32 to vector<24x2048xf32>
    %lt3A_1885 = arith.cmpf olt, %sub3A_1867, %lt3A_1884 : vector<24x2048xf32>
    %min3A_1886 = arith.minimumf %broadcast_in_dim3A_1845, %div3A_1877 : vector<24x2048xf32>
    %select_n3A_1887 = arith.select %lt3A_1885, %min3A_1886, %broadcast_in_dim3A_1845 : vector<24x2048xi1>, vector<24x2048xf32>
    %ne3A_1888 = arith.constant 0.000000e+00 : f32
    %ne3A_1889 = vector.broadcast %ne3A_1888 : f32 to vector<24x2048xf32>
    %ne3A_1890 = arith.cmpf one, %sub3A_1867, %ne3A_1889 : vector<24x2048xf32>
    %ge3A_1891 = arith.constant 0.000000e+00 : f32
    %ge3A_1892 = vector.broadcast %ge3A_1891 : f32 to vector<24x2048xf32>
    %ge3A_1893 = arith.cmpf oge, %sub3A_1860, %ge3A_1892 : vector<24x2048xf32>
    %or3A_1894 = arith.ori %ne3A_1890, %ge3A_1893 : vector<24x2048xi1>
    %and3A_1895 = arith.andi %broadcast_in_dim3A_1847, %or3A_1894 : vector<24x2048xi1>
    %sub3A_1896 = arith.subf %sub3A_135, %sub3A_125 : vector<1x2048xf32>
    %sub3A_1897 = arith.subf %add3A_175, %add3A_165 : vector<1x2048xf32>
    %sub3A_1898 = vector.broadcast %add3A_267 : vector<24x1xf32> to vector<24x2048xf32>
    %sub3A_1899 = vector.broadcast %add3A_165 : vector<1x2048xf32> to vector<24x2048xf32>
    %sub3A_1900 = arith.subf %sub3A_1898, %sub3A_1899 : vector<24x2048xf32>
    %mul3A_1901 = vector.broadcast %sub3A_1896 : vector<1x2048xf32> to vector<24x2048xf32>
    %mul3A_1902 = arith.mulf %mul3A_1901, %sub3A_1900 : vector<24x2048xf32>
    %sub3A_1903 = vector.broadcast %sub3A_227 : vector<24x1xf32> to vector<24x2048xf32>
    %sub3A_1904 = vector.broadcast %sub3A_125 : vector<1x2048xf32> to vector<24x2048xf32>
    %sub3A_1905 = arith.subf %sub3A_1903, %sub3A_1904 : vector<24x2048xf32>
    %mul3A_1906 = vector.broadcast %sub3A_1897 : vector<1x2048xf32> to vector<24x2048xf32>
    %mul3A_1907 = arith.mulf %mul3A_1906, %sub3A_1905 : vector<24x2048xf32>
    %sub3A_1908 = arith.subf %mul3A_1902, %mul3A_1907 : vector<24x2048xf32>
    %mul3A_1909 = vector.broadcast %sub3A_1896 : vector<1x2048xf32> to vector<24x2048xf32>
    %mul3A_1910 = vector.broadcast %sub3A_1841 : vector<24x1xf32> to vector<24x2048xf32>
    %mul3A_1911 = arith.mulf %mul3A_1909, %mul3A_1910 : vector<24x2048xf32>
    %mul3A_1912 = vector.broadcast %sub3A_1897 : vector<1x2048xf32> to vector<24x2048xf32>
    %mul3A_1913 = vector.broadcast %sub3A_1840 : vector<24x1xf32> to vector<24x2048xf32>
    %mul3A_1914 = arith.mulf %mul3A_1912, %mul3A_1913 : vector<24x2048xf32>
    %sub3A_1915 = arith.subf %mul3A_1911, %mul3A_1914 : vector<24x2048xf32>
    %neg3A_1916 = arith.constant 0.000000e+00 : f32
    %neg3A_1917 = vector.broadcast %neg3A_1916 : f32 to vector<24x2048xf32>
    %neg3A_1918 = arith.subf %neg3A_1917, %sub3A_1908 : vector<24x2048xf32>
    %eq3A_1919 = arith.constant 0.000000e+00 : f32
    %eq3A_1920 = vector.broadcast %eq3A_1919 : f32 to vector<24x2048xf32>
    %eq3A_1921 = arith.cmpf oeq, %sub3A_1915, %eq3A_1920 : vector<24x2048xf32>
    %jit3A_1922 = arith.constant 1.000000e+00 : f32
    %broadcast_in_dim3A_1923 = vector.broadcast %jit3A_1922 : f32 to vector<24x2048xf32>
    %select_n3A_1924 = arith.select %eq3A_1921, %broadcast_in_dim3A_1923, %sub3A_1915 : vector<24x2048xi1>, vector<24x2048xf32>
    %div3A_1925 = arith.divf %neg3A_1918, %select_n3A_1924 : vector<24x2048xf32>
    %gt3A_1926 = arith.constant 0.000000e+00 : f32
    %gt3A_1927 = vector.broadcast %gt3A_1926 : f32 to vector<24x2048xf32>
    %gt3A_1928 = arith.cmpf ogt, %sub3A_1915, %gt3A_1927 : vector<24x2048xf32>
    %max3A_1929 = arith.maximumf %select_n3A_1882, %div3A_1925 : vector<24x2048xf32>
    %select_n3A_1930 = arith.select %gt3A_1928, %max3A_1929, %select_n3A_1882 : vector<24x2048xi1>, vector<24x2048xf32>
    %lt3A_1931 = arith.constant 0.000000e+00 : f32
    %lt3A_1932 = vector.broadcast %lt3A_1931 : f32 to vector<24x2048xf32>
    %lt3A_1933 = arith.cmpf olt, %sub3A_1915, %lt3A_1932 : vector<24x2048xf32>
    %min3A_1934 = arith.minimumf %select_n3A_1887, %div3A_1925 : vector<24x2048xf32>
    %select_n3A_1935 = arith.select %lt3A_1933, %min3A_1934, %select_n3A_1887 : vector<24x2048xi1>, vector<24x2048xf32>
    %ne3A_1936 = arith.constant 0.000000e+00 : f32
    %ne3A_1937 = vector.broadcast %ne3A_1936 : f32 to vector<24x2048xf32>
    %ne3A_1938 = arith.cmpf one, %sub3A_1915, %ne3A_1937 : vector<24x2048xf32>
    %ge3A_1939 = arith.constant 0.000000e+00 : f32
    %ge3A_1940 = vector.broadcast %ge3A_1939 : f32 to vector<24x2048xf32>
    %ge3A_1941 = arith.cmpf oge, %sub3A_1908, %ge3A_1940 : vector<24x2048xf32>
    %or3A_1942 = arith.ori %ne3A_1938, %ge3A_1941 : vector<24x2048xi1>
    %and3A_1943 = arith.andi %and3A_1895, %or3A_1942 : vector<24x2048xi1>
    %sub3A_1944 = arith.subf %sub3A_145, %sub3A_135 : vector<1x2048xf32>
    %sub3A_1945 = arith.subf %add3A_185, %add3A_175 : vector<1x2048xf32>
    %sub3A_1946 = vector.broadcast %add3A_267 : vector<24x1xf32> to vector<24x2048xf32>
    %sub3A_1947 = vector.broadcast %add3A_175 : vector<1x2048xf32> to vector<24x2048xf32>
    %sub3A_1948 = arith.subf %sub3A_1946, %sub3A_1947 : vector<24x2048xf32>
    %mul3A_1949 = vector.broadcast %sub3A_1944 : vector<1x2048xf32> to vector<24x2048xf32>
    %mul3A_1950 = arith.mulf %mul3A_1949, %sub3A_1948 : vector<24x2048xf32>
    %sub3A_1951 = vector.broadcast %sub3A_227 : vector<24x1xf32> to vector<24x2048xf32>
    %sub3A_1952 = vector.broadcast %sub3A_135 : vector<1x2048xf32> to vector<24x2048xf32>
    %sub3A_1953 = arith.subf %sub3A_1951, %sub3A_1952 : vector<24x2048xf32>
    %mul3A_1954 = vector.broadcast %sub3A_1945 : vector<1x2048xf32> to vector<24x2048xf32>
    %mul3A_1955 = arith.mulf %mul3A_1954, %sub3A_1953 : vector<24x2048xf32>
    %sub3A_1956 = arith.subf %mul3A_1950, %mul3A_1955 : vector<24x2048xf32>
    %mul3A_1957 = vector.broadcast %sub3A_1944 : vector<1x2048xf32> to vector<24x2048xf32>
    %mul3A_1958 = vector.broadcast %sub3A_1841 : vector<24x1xf32> to vector<24x2048xf32>
    %mul3A_1959 = arith.mulf %mul3A_1957, %mul3A_1958 : vector<24x2048xf32>
    %mul3A_1960 = vector.broadcast %sub3A_1945 : vector<1x2048xf32> to vector<24x2048xf32>
    %mul3A_1961 = vector.broadcast %sub3A_1840 : vector<24x1xf32> to vector<24x2048xf32>
    %mul3A_1962 = arith.mulf %mul3A_1960, %mul3A_1961 : vector<24x2048xf32>
    %sub3A_1963 = arith.subf %mul3A_1959, %mul3A_1962 : vector<24x2048xf32>
    %neg3A_1964 = arith.constant 0.000000e+00 : f32
    %neg3A_1965 = vector.broadcast %neg3A_1964 : f32 to vector<24x2048xf32>
    %neg3A_1966 = arith.subf %neg3A_1965, %sub3A_1956 : vector<24x2048xf32>
    %eq3A_1967 = arith.constant 0.000000e+00 : f32
    %eq3A_1968 = vector.broadcast %eq3A_1967 : f32 to vector<24x2048xf32>
    %eq3A_1969 = arith.cmpf oeq, %sub3A_1963, %eq3A_1968 : vector<24x2048xf32>
    %jit3A_1970 = arith.constant 1.000000e+00 : f32
    %broadcast_in_dim3A_1971 = vector.broadcast %jit3A_1970 : f32 to vector<24x2048xf32>
    %select_n3A_1972 = arith.select %eq3A_1969, %broadcast_in_dim3A_1971, %sub3A_1963 : vector<24x2048xi1>, vector<24x2048xf32>
    %div3A_1973 = arith.divf %neg3A_1966, %select_n3A_1972 : vector<24x2048xf32>
    %gt3A_1974 = arith.constant 0.000000e+00 : f32
    %gt3A_1975 = vector.broadcast %gt3A_1974 : f32 to vector<24x2048xf32>
    %gt3A_1976 = arith.cmpf ogt, %sub3A_1963, %gt3A_1975 : vector<24x2048xf32>
    %max3A_1977 = arith.maximumf %select_n3A_1930, %div3A_1973 : vector<24x2048xf32>
    %select_n3A_1978 = arith.select %gt3A_1976, %max3A_1977, %select_n3A_1930 : vector<24x2048xi1>, vector<24x2048xf32>
    %lt3A_1979 = arith.constant 0.000000e+00 : f32
    %lt3A_1980 = vector.broadcast %lt3A_1979 : f32 to vector<24x2048xf32>
    %lt3A_1981 = arith.cmpf olt, %sub3A_1963, %lt3A_1980 : vector<24x2048xf32>
    %min3A_1982 = arith.minimumf %select_n3A_1935, %div3A_1973 : vector<24x2048xf32>
    %select_n3A_1983 = arith.select %lt3A_1981, %min3A_1982, %select_n3A_1935 : vector<24x2048xi1>, vector<24x2048xf32>
    %ne3A_1984 = arith.constant 0.000000e+00 : f32
    %ne3A_1985 = vector.broadcast %ne3A_1984 : f32 to vector<24x2048xf32>
    %ne3A_1986 = arith.cmpf one, %sub3A_1963, %ne3A_1985 : vector<24x2048xf32>
    %ge3A_1987 = arith.constant 0.000000e+00 : f32
    %ge3A_1988 = vector.broadcast %ge3A_1987 : f32 to vector<24x2048xf32>
    %ge3A_1989 = arith.cmpf oge, %sub3A_1956, %ge3A_1988 : vector<24x2048xf32>
    %or3A_1990 = arith.ori %ne3A_1986, %ge3A_1989 : vector<24x2048xi1>
    %and3A_1991 = arith.andi %and3A_1943, %or3A_1990 : vector<24x2048xi1>
    %sub3A_1992 = arith.subf %sub3A_115, %sub3A_145 : vector<1x2048xf32>
    %sub3A_1993 = arith.subf %add3A_155, %add3A_185 : vector<1x2048xf32>
    %sub3A_1994 = vector.broadcast %add3A_267 : vector<24x1xf32> to vector<24x2048xf32>
    %sub3A_1995 = vector.broadcast %add3A_185 : vector<1x2048xf32> to vector<24x2048xf32>
    %sub3A_1996 = arith.subf %sub3A_1994, %sub3A_1995 : vector<24x2048xf32>
    %mul3A_1997 = vector.broadcast %sub3A_1992 : vector<1x2048xf32> to vector<24x2048xf32>
    %mul3A_1998 = arith.mulf %mul3A_1997, %sub3A_1996 : vector<24x2048xf32>
    %sub3A_1999 = vector.broadcast %sub3A_227 : vector<24x1xf32> to vector<24x2048xf32>
    %sub3A_2000 = vector.broadcast %sub3A_145 : vector<1x2048xf32> to vector<24x2048xf32>
    %sub3A_2001 = arith.subf %sub3A_1999, %sub3A_2000 : vector<24x2048xf32>
    %mul3A_2002 = vector.broadcast %sub3A_1993 : vector<1x2048xf32> to vector<24x2048xf32>
    %mul3A_2003 = arith.mulf %mul3A_2002, %sub3A_2001 : vector<24x2048xf32>
    %sub3A_2004 = arith.subf %mul3A_1998, %mul3A_2003 : vector<24x2048xf32>
    %mul3A_2005 = vector.broadcast %sub3A_1992 : vector<1x2048xf32> to vector<24x2048xf32>
    %mul3A_2006 = vector.broadcast %sub3A_1841 : vector<24x1xf32> to vector<24x2048xf32>
    %mul3A_2007 = arith.mulf %mul3A_2005, %mul3A_2006 : vector<24x2048xf32>
    %mul3A_2008 = vector.broadcast %sub3A_1993 : vector<1x2048xf32> to vector<24x2048xf32>
    %mul3A_2009 = vector.broadcast %sub3A_1840 : vector<24x1xf32> to vector<24x2048xf32>
    %mul3A_2010 = arith.mulf %mul3A_2008, %mul3A_2009 : vector<24x2048xf32>
    %sub3A_2011 = arith.subf %mul3A_2007, %mul3A_2010 : vector<24x2048xf32>
    %neg3A_2012 = arith.constant 0.000000e+00 : f32
    %neg3A_2013 = vector.broadcast %neg3A_2012 : f32 to vector<24x2048xf32>
    %neg3A_2014 = arith.subf %neg3A_2013, %sub3A_2004 : vector<24x2048xf32>
    %eq3A_2015 = arith.constant 0.000000e+00 : f32
    %eq3A_2016 = vector.broadcast %eq3A_2015 : f32 to vector<24x2048xf32>
    %eq3A_2017 = arith.cmpf oeq, %sub3A_2011, %eq3A_2016 : vector<24x2048xf32>
    %jit3A_2018 = arith.constant 1.000000e+00 : f32
    %broadcast_in_dim3A_2019 = vector.broadcast %jit3A_2018 : f32 to vector<24x2048xf32>
    %select_n3A_2020 = arith.select %eq3A_2017, %broadcast_in_dim3A_2019, %sub3A_2011 : vector<24x2048xi1>, vector<24x2048xf32>
    %div3A_2021 = arith.divf %neg3A_2014, %select_n3A_2020 : vector<24x2048xf32>
    %gt3A_2022 = arith.constant 0.000000e+00 : f32
    %gt3A_2023 = vector.broadcast %gt3A_2022 : f32 to vector<24x2048xf32>
    %gt3A_2024 = arith.cmpf ogt, %sub3A_2011, %gt3A_2023 : vector<24x2048xf32>
    %max3A_2025 = arith.maximumf %select_n3A_1978, %div3A_2021 : vector<24x2048xf32>
    %select_n3A_2026 = arith.select %gt3A_2024, %max3A_2025, %select_n3A_1978 : vector<24x2048xi1>, vector<24x2048xf32>
    %lt3A_2027 = arith.constant 0.000000e+00 : f32
    %lt3A_2028 = vector.broadcast %lt3A_2027 : f32 to vector<24x2048xf32>
    %lt3A_2029 = arith.cmpf olt, %sub3A_2011, %lt3A_2028 : vector<24x2048xf32>
    %min3A_2030 = arith.minimumf %select_n3A_1983, %div3A_2021 : vector<24x2048xf32>
    %select_n3A_2031 = arith.select %lt3A_2029, %min3A_2030, %select_n3A_1983 : vector<24x2048xi1>, vector<24x2048xf32>
    %ne3A_2032 = arith.constant 0.000000e+00 : f32
    %ne3A_2033 = vector.broadcast %ne3A_2032 : f32 to vector<24x2048xf32>
    %ne3A_2034 = arith.cmpf one, %sub3A_2011, %ne3A_2033 : vector<24x2048xf32>
    %ge3A_2035 = arith.constant 0.000000e+00 : f32
    %ge3A_2036 = vector.broadcast %ge3A_2035 : f32 to vector<24x2048xf32>
    %ge3A_2037 = arith.cmpf oge, %sub3A_2004, %ge3A_2036 : vector<24x2048xf32>
    %or3A_2038 = arith.ori %ne3A_2034, %ge3A_2037 : vector<24x2048xi1>
    %and3A_2039 = arith.andi %and3A_1991, %or3A_2038 : vector<24x2048xi1>
    %mul3A_2040 = vector.broadcast %sub3A_1840 : vector<24x1xf32> to vector<24x2048xf32>
    %mul3A_2041 = arith.mulf %select_n3A_2026, %mul3A_2040 : vector<24x2048xf32>
    %add3A_2042 = vector.broadcast %sub3A_227 : vector<24x1xf32> to vector<24x2048xf32>
    %add3A_2043 = arith.addf %add3A_2042, %mul3A_2041 : vector<24x2048xf32>
    %mul3A_2044 = vector.broadcast %sub3A_1841 : vector<24x1xf32> to vector<24x2048xf32>
    %mul3A_2045 = arith.mulf %select_n3A_2026, %mul3A_2044 : vector<24x2048xf32>
    %add3A_2046 = vector.broadcast %add3A_267 : vector<24x1xf32> to vector<24x2048xf32>
    %add3A_2047 = arith.addf %add3A_2046, %mul3A_2045 : vector<24x2048xf32>
    %mul3A_2048 = vector.broadcast %sub3A_1840 : vector<24x1xf32> to vector<24x2048xf32>
    %mul3A_2049 = arith.mulf %select_n3A_2031, %mul3A_2048 : vector<24x2048xf32>
    %add3A_2050 = vector.broadcast %sub3A_227 : vector<24x1xf32> to vector<24x2048xf32>
    %add3A_2051 = arith.addf %add3A_2050, %mul3A_2049 : vector<24x2048xf32>
    %mul3A_2052 = vector.broadcast %sub3A_1841 : vector<24x1xf32> to vector<24x2048xf32>
    %mul3A_2053 = arith.mulf %select_n3A_2031, %mul3A_2052 : vector<24x2048xf32>
    %add3A_2054 = vector.broadcast %add3A_267 : vector<24x1xf32> to vector<24x2048xf32>
    %add3A_2055 = arith.addf %add3A_2054, %mul3A_2053 : vector<24x2048xf32>
    %mul3A_2056 = arith.mulf %add3A_2043, %add3A_2055 : vector<24x2048xf32>
    %mul3A_2057 = arith.mulf %add3A_2047, %add3A_2051 : vector<24x2048xf32>
    %sub3A_2058 = arith.subf %mul3A_2056, %mul3A_2057 : vector<24x2048xf32>
    %gt3A_2059 = arith.cmpf ogt, %select_n3A_2031, %select_n3A_2026 : vector<24x2048xf32>
    %and3A_2060 = arith.andi %and3A_2039, %gt3A_2059 : vector<24x2048xi1>
    %jit3A_2061 = arith.constant 0.000000e+00 : f32
    %broadcast_in_dim3A_2062 = vector.broadcast %jit3A_2061 : f32 to vector<24x2048xf32>
    %select_n3A_2063 = arith.select %and3A_2060, %sub3A_2058, %broadcast_in_dim3A_2062 : vector<24x2048xi1>, vector<24x2048xf32>
    %add3A_2064 = arith.addf %add3A_1839, %select_n3A_2063 : vector<24x2048xf32>
    %mul3A_2065 = arith.constant 5.000000e-01 : f32
    %mul3A_2066 = vector.broadcast %mul3A_2065 : f32 to vector<24x2048xf32>
    %mul3A_2067 = arith.mulf %add3A_2064, %mul3A_2066 : vector<24x2048xf32>
    %max3A_2068 = arith.constant 0.000000e+00 : f32
    %max3A_2069 = vector.broadcast %max3A_2068 : f32 to vector<24x2048xf32>
    %max3A_2070 = arith.maximumf %mul3A_2067, %max3A_2069 : vector<24x2048xf32>
    %mul3A_2071 = arith.mulf %get3A_21, %get3A_26 : vector<1x2048xf32>
    %mul3A_2072 = arith.mulf %slice3A_38, %slice3A_39 : vector<24x1xf32>
    %add3A_2073 = vector.broadcast %mul3A_2071 : vector<1x2048xf32> to vector<24x2048xf32>
    %add3A_2074 = vector.broadcast %mul3A_2072 : vector<24x1xf32> to vector<24x2048xf32>
    %add3A_2075 = arith.addf %add3A_2073, %add3A_2074 : vector<24x2048xf32>
    %sub3A_2076 = arith.subf %add3A_2075, %max3A_2070 : vector<24x2048xf32>
    %add3A_2077 = arith.constant 9.99999971E-10 : f32
    %add3A_2078 = vector.broadcast %add3A_2077 : f32 to vector<24x2048xf32>
    %add3A_2079 = arith.addf %sub3A_2076, %add3A_2078 : vector<24x2048xf32>
    %div3A_2080 = arith.divf %max3A_2070, %add3A_2079 : vector<24x2048xf32>
    %gt3A_2081 = arith.constant 1.000000e-01 : f32
    %gt3A_2082 = vector.broadcast %gt3A_2081 : f32 to vector<24x2048xf32>
    %gt3A_2083 = arith.cmpf ogt, %div3A, %gt3A_2082 : vector<24x2048xf32>
    %jit3A_2084 = arith.constant 0.000000e+00 : f32
    %broadcast_in_dim3A_2085 = vector.broadcast %jit3A_2084 : f32 to vector<24x2048xf32>
    %select_n3A_2086 = arith.select %gt3A_2083, %div3A_2080, %broadcast_in_dim3A_2085 : vector<24x2048xi1>, vector<24x2048xf32>
    %ne3A_2087 = arith.constant -1.000000e+00 : f32
    %ne3A_2088 = vector.broadcast %ne3A_2087 : f32 to vector<24x1xf32>
    %ne3A_2089 = arith.cmpf one, %slice3A_41, %ne3A_2088 : vector<24x1xf32>
    %jit3A_2090 = arith.constant -1.000000e+00 : f32
    %broadcast_in_dim3A_2091 = vector.shape_cast %ne3A_2089 : vector<24x1xi1> to vector<24x1xi1>
    %broadcast_in_dim3A_2092 = vector.broadcast %broadcast_in_dim3A_2091 : vector<24x1xi1> to vector<24x2048xi1>
    %broadcast_in_dim3A_2093 = vector.broadcast %jit3A_2090 : f32 to vector<24x2048xf32>
    %select_n3A_2094 = arith.select %broadcast_in_dim3A_2092, %select_n3A_2086, %broadcast_in_dim3A_2093 : vector<24x2048xi1>, vector<24x2048xf32>
    %reduce_max3A = arith.constant dense<0xFF800000> : vector<2048xf32>
    %reduce_max3A_2095 = vector.multi_reduction <maximumf>, %select_n3A_2094, %reduce_max3A [0] : vector<24x2048xf32> to vector<2048xf32>
    %broadcast_in_dim3A_2096 = vector.shape_cast %reduce_max3A_2095 : vector<2048xf32> to vector<1x2048xf32>
    %iota3A = tpu.iota {dimensions = array<i32: 0>} : vector<24x2048xi32>
    %eq3A_2097 = vector.broadcast %broadcast_in_dim3A_2096 : vector<1x2048xf32> to vector<24x2048xf32>
    %eq3A_2098 = arith.cmpf oeq, %select_n3A_2094, %eq3A_2097 : vector<24x2048xf32>
    %jit3A_2099 = arith.constant 24 : i32
    %broadcast_in_dim3A_2100 = vector.broadcast %jit3A_2099 : i32 to vector<24x2048xi32>
    %select_n3A_2101 = arith.select %eq3A_2098, %iota3A, %broadcast_in_dim3A_2100 : vector<24x2048xi1>, vector<24x2048xi32>
    %reduce_min3A = arith.constant dense<2147483647> : vector<2048xi32>
    %reduce_min3A_2102 = vector.multi_reduction <minsi>, %select_n3A_2101, %reduce_min3A [0] : vector<24x2048xi32> to vector<2048xi32>
    %broadcast_in_dim3A_2103 = vector.shape_cast %reduce_min3A_2102 : vector<2048xi32> to vector<1x2048xi32>
    %reduce_max3A_2104 = arith.constant dense<0xFF800000> : vector<24xf32>
    %reduce_max3A_2105 = vector.multi_reduction <maximumf>, %select_n3A_2094, %reduce_max3A_2104 [1] : vector<24x2048xf32> to vector<24xf32>
    %broadcast_in_dim3A_2106 = vector.shape_cast %reduce_max3A_2105 : vector<24xf32> to vector<24x1xf32>
    %iota3A_2107 = tpu.iota {dimensions = array<i32: 1>} : vector<24x2048xi32>
    %mul3A_2108 = arith.constant 2048 : i32
    %mul3A_2109 = arith.muli %select_n3A_7, %mul3A_2108 : i32
    %add3A_2110 = vector.broadcast %mul3A_2109 : i32 to vector<24x2048xi32>
    %add3A_2111 = arith.addi %iota3A_2107, %add3A_2110 : vector<24x2048xi32>
    %eq3A_2112 = vector.broadcast %broadcast_in_dim3A_2106 : vector<24x1xf32> to vector<24x2048xf32>
    %eq3A_2113 = arith.cmpf oeq, %select_n3A_2094, %eq3A_2112 : vector<24x2048xf32>
    %jit3A_2114 = arith.constant 16384 : i32
    %broadcast_in_dim3A_2115 = vector.broadcast %jit3A_2114 : i32 to vector<24x2048xi32>
    %select_n3A_2116 = arith.select %eq3A_2113, %add3A_2111, %broadcast_in_dim3A_2115 : vector<24x2048xi1>, vector<24x2048xi32>
    %reduce_min3A_2117 = arith.constant dense<2147483647> : vector<24xi32>
    %reduce_min3A_2118 = vector.multi_reduction <minsi>, %select_n3A_2116, %reduce_min3A_2117 [1] : vector<24x2048xi32> to vector<24xi32>
    %broadcast_in_dim3A_2119 = vector.shape_cast %reduce_min3A_2118 : vector<24xi32> to vector<24x1xi32>
    %eq3A_2120 = vector.broadcast %broadcast_in_dim3A_2103 : vector<1x2048xi32> to vector<24x2048xi32>
    %eq3A_2121 = arith.cmpi eq, %iota3A, %eq3A_2120 : vector<24x2048xi32>
    %jit3A_2122 = arith.constant -1.000000e+09 : f32
    %broadcast_in_dim3A_2123 = vector.broadcast %jit3A_2122 : f32 to vector<24x2048xf32>
    %select_n3A_2124 = arith.select %eq3A_2121, %broadcast_in_dim3A_2123, %select_n3A_2094 : vector<24x2048xi1>, vector<24x2048xf32>
    %reduce_max3A_2125 = arith.constant dense<0xFF800000> : vector<2048xf32>
    %reduce_max3A_2126 = vector.multi_reduction <maximumf>, %select_n3A_2124, %reduce_max3A_2125 [0] : vector<24x2048xf32> to vector<2048xf32>
    %broadcast_in_dim3A_2127 = vector.shape_cast %reduce_max3A_2126 : vector<2048xf32> to vector<1x2048xf32>
    %eq3A_2128 = vector.broadcast %broadcast_in_dim3A_2127 : vector<1x2048xf32> to vector<24x2048xf32>
    %eq3A_2129 = arith.cmpf oeq, %select_n3A_2124, %eq3A_2128 : vector<24x2048xf32>
    %jit3A_2130 = arith.constant 24 : i32
    %broadcast_in_dim3A_2131 = vector.broadcast %jit3A_2130 : i32 to vector<24x2048xi32>
    %select_n3A_2132 = arith.select %eq3A_2129, %iota3A, %broadcast_in_dim3A_2131 : vector<24x2048xi1>, vector<24x2048xi32>
    %reduce_min3A_2133 = arith.constant dense<2147483647> : vector<2048xi32>
    %reduce_min3A_2134 = vector.multi_reduction <minsi>, %select_n3A_2132, %reduce_min3A_2133 [0] : vector<24x2048xi32> to vector<2048xi32>
    %broadcast_in_dim3A_2135 = vector.shape_cast %reduce_min3A_2134 : vector<2048xi32> to vector<1x2048xi32>
    %eq3A_2136 = vector.broadcast %broadcast_in_dim3A_2119 : vector<24x1xi32> to vector<24x2048xi32>
    %eq3A_2137 = arith.cmpi eq, %add3A_2111, %eq3A_2136 : vector<24x2048xi32>
    %jit3A_2138 = arith.constant -1.000000e+09 : f32
    %broadcast_in_dim3A_2139 = vector.broadcast %jit3A_2138 : f32 to vector<24x2048xf32>
    %select_n3A_2140 = arith.select %eq3A_2137, %broadcast_in_dim3A_2139, %select_n3A_2094 : vector<24x2048xi1>, vector<24x2048xf32>
    %reduce_max3A_2141 = arith.constant dense<0xFF800000> : vector<24xf32>
    %reduce_max3A_2142 = vector.multi_reduction <maximumf>, %select_n3A_2140, %reduce_max3A_2141 [1] : vector<24x2048xf32> to vector<24xf32>
    %broadcast_in_dim3A_2143 = vector.shape_cast %reduce_max3A_2142 : vector<24xf32> to vector<24x1xf32>
    %eq3A_2144 = vector.broadcast %broadcast_in_dim3A_2143 : vector<24x1xf32> to vector<24x2048xf32>
    %eq3A_2145 = arith.cmpf oeq, %select_n3A_2140, %eq3A_2144 : vector<24x2048xf32>
    %jit3A_2146 = arith.constant 16384 : i32
    %broadcast_in_dim3A_2147 = vector.broadcast %jit3A_2146 : i32 to vector<24x2048xi32>
    %select_n3A_2148 = arith.select %eq3A_2145, %add3A_2111, %broadcast_in_dim3A_2147 : vector<24x2048xi1>, vector<24x2048xi32>
    %reduce_min3A_2149 = arith.constant dense<2147483647> : vector<24xi32>
    %reduce_min3A_2150 = vector.multi_reduction <minsi>, %select_n3A_2148, %reduce_min3A_2149 [1] : vector<24x2048xi32> to vector<24xi32>
    %broadcast_in_dim3A_2151 = vector.shape_cast %reduce_min3A_2150 : vector<24xi32> to vector<24x1xi32>
    %swap3A = arith.constant 0 : index
    %swap3A_2152 = arith.constant 0 : index
    %swap3A_2153 = arith.constant 0 : index
    %swap3A_2154 = vector.load %arg3[%swap3A, %swap3A_2152, %swap3A_2153] : memref<1x1x2048xf32, #tpu.memory_space<vmem>>, vector<1x1x2048xf32>
    %swap3A_2155 = vector.shape_cast %swap3A_2154 : vector<1x1x2048xf32> to vector<1x2048xf32>
    %swap3A_2156 = vector.shape_cast %broadcast_in_dim3A_2096 : vector<1x2048xf32> to vector<1x1x2048xf32>
    tpu.vector_store %arg3[%swap3A, %swap3A_2152, %swap3A_2153], %swap3A_2156 {strides = array<i32>} : memref<1x1x2048xf32, #tpu.memory_space<vmem>>, vector<1x1x2048xf32>,
    %swap3A_2157 = arith.constant 0 : index
    %swap3A_2158 = arith.constant 0 : index
    %swap3A_2159 = arith.constant 0 : index
    %swap3A_2160 = vector.load %arg4[%swap3A_2157, %swap3A_2158, %swap3A_2159] : memref<1x1x2048xi32, #tpu.memory_space<vmem>>, vector<1x1x2048xi32>
    %swap3A_2161 = vector.shape_cast %swap3A_2160 : vector<1x1x2048xi32> to vector<1x2048xi32>
    %swap3A_2162 = vector.shape_cast %broadcast_in_dim3A_2103 : vector<1x2048xi32> to vector<1x1x2048xi32>
    tpu.vector_store %arg4[%swap3A_2157, %swap3A_2158, %swap3A_2159], %swap3A_2162 {strides = array<i32>} : memref<1x1x2048xi32, #tpu.memory_space<vmem>>, vector<1x1x2048xi32>,
    %swap3A_2163 = arith.constant 0 : index
    %swap3A_2164 = arith.constant 0 : index
    %swap3A_2165 = arith.constant 0 : index
    %swap3A_2166 = vector.load %arg5[%swap3A_2163, %swap3A_2164, %swap3A_2165] : memref<1x1x2048xf32, #tpu.memory_space<vmem>>, vector<1x1x2048xf32>
    %swap3A_2167 = vector.shape_cast %swap3A_2166 : vector<1x1x2048xf32> to vector<1x2048xf32>
    %swap3A_2168 = vector.shape_cast %broadcast_in_dim3A_2127 : vector<1x2048xf32> to vector<1x1x2048xf32>
    tpu.vector_store %arg5[%swap3A_2163, %swap3A_2164, %swap3A_2165], %swap3A_2168 {strides = array<i32>} : memref<1x1x2048xf32, #tpu.memory_space<vmem>>, vector<1x1x2048xf32>,
    %swap3A_2169 = arith.constant 0 : index
    %swap3A_2170 = arith.constant 0 : index
    %swap3A_2171 = arith.constant 0 : index
    %swap3A_2172 = vector.load %arg6[%swap3A_2169, %swap3A_2170, %swap3A_2171] : memref<1x1x2048xi32, #tpu.memory_space<vmem>>, vector<1x1x2048xi32>
    %swap3A_2173 = vector.shape_cast %swap3A_2172 : vector<1x1x2048xi32> to vector<1x2048xi32>
    %swap3A_2174 = vector.shape_cast %broadcast_in_dim3A_2135 : vector<1x2048xi32> to vector<1x1x2048xi32>
    tpu.vector_store %arg6[%swap3A_2169, %swap3A_2170, %swap3A_2171], %swap3A_2174 {strides = array<i32>} : memref<1x1x2048xi32, #tpu.memory_space<vmem>>, vector<1x1x2048xi32>,
    %swap3A_2175 = arith.constant 0 : index
    %swap3A_2176 = arith.constant 0 : index
    %swap3A_2177 = arith.constant 0 : index
    %swap3A_2178 = vector.load %arg7[%swap3A_2175, %swap3A_2176, %swap3A_2177] : memref<1x24x1xf32, #tpu.memory_space<vmem>>, vector<1x24x1xf32>
    %swap3A_2179 = vector.shape_cast %swap3A_2178 : vector<1x24x1xf32> to vector<24x1xf32>
    %swap3A_2180 = vector.shape_cast %broadcast_in_dim3A_2106 : vector<24x1xf32> to vector<1x24x1xf32>
    tpu.vector_store %arg7[%swap3A_2175, %swap3A_2176, %swap3A_2177], %swap3A_2180 {strides = array<i32>} : memref<1x24x1xf32, #tpu.memory_space<vmem>>, vector<1x24x1xf32>,
    %swap3A_2181 = arith.constant 0 : index
    %swap3A_2182 = arith.constant 0 : index
    %swap3A_2183 = arith.constant 0 : index
    %swap3A_2184 = vector.load %arg8[%swap3A_2181, %swap3A_2182, %swap3A_2183] : memref<1x24x1xi32, #tpu.memory_space<vmem>>, vector<1x24x1xi32>
    %swap3A_2185 = vector.shape_cast %swap3A_2184 : vector<1x24x1xi32> to vector<24x1xi32>
    %swap3A_2186 = vector.shape_cast %broadcast_in_dim3A_2119 : vector<24x1xi32> to vector<1x24x1xi32>
    tpu.vector_store %arg8[%swap3A_2181, %swap3A_2182, %swap3A_2183], %swap3A_2186 {strides = array<i32>} : memref<1x24x1xi32, #tpu.memory_space<vmem>>, vector<1x24x1xi32>,
    %swap3A_2187 = arith.constant 0 : index
    %swap3A_2188 = arith.constant 0 : index
    %swap3A_2189 = arith.constant 0 : index
    %swap3A_2190 = vector.load %arg9[%swap3A_2187, %swap3A_2188, %swap3A_2189] : memref<1x24x1xf32, #tpu.memory_space<vmem>>, vector<1x24x1xf32>
    %swap3A_2191 = vector.shape_cast %swap3A_2190 : vector<1x24x1xf32> to vector<24x1xf32>
    %swap3A_2192 = vector.shape_cast %broadcast_in_dim3A_2143 : vector<24x1xf32> to vector<1x24x1xf32>
    tpu.vector_store %arg9[%swap3A_2187, %swap3A_2188, %swap3A_2189], %swap3A_2192 {strides = array<i32>} : memref<1x24x1xf32, #tpu.memory_space<vmem>>, vector<1x24x1xf32>,
    %swap3A_2193 = arith.constant 0 : index
    %swap3A_2194 = arith.constant 0 : index
    %swap3A_2195 = arith.constant 0 : index
    %swap3A_2196 = vector.load %arg10[%swap3A_2193, %swap3A_2194, %swap3A_2195] : memref<1x24x1xi32, #tpu.memory_space<vmem>>, vector<1x24x1xi32>
    %swap3A_2197 = vector.shape_cast %swap3A_2196 : vector<1x24x1xi32> to vector<24x1xi32>
    %swap3A_2198 = vector.shape_cast %broadcast_in_dim3A_2151 : vector<24x1xi32> to vector<1x24x1xi32>
    tpu.vector_store %arg10[%swap3A_2193, %swap3A_2194, %swap3A_2195], %swap3A_2198 {strides = array<i32>} : memref<1x24x1xi32, #tpu.memory_space<vmem>>, vector<1x24x1xi32>,
    return
  }
  func.func @transform_0(%arg0: i32) -> (i32, i32, i32) {
    %jit3A = arith.constant 8 : i32
    %div3A = arith.divsi %arg0, %jit3A : i32
    %sign3A = arith.constant 0 : i32
    %sign3A_0 = arith.cmpi sgt, %arg0, %sign3A : i32
    %sign3A_1 = arith.extui %sign3A_0 : i1 to i32
    %sign3A_2 = arith.constant 0 : i32
    %sign3A_3 = arith.cmpi slt, %arg0, %sign3A_2 : i32
    %sign3A_4 = arith.extui %sign3A_3 : i1 to i32
    %sign3A_5 = arith.subi %sign3A_1, %sign3A_4 : i32
    %sign3A_6 = arith.constant 0 : i32
    %sign3A_7 = arith.cmpi sgt, %jit3A, %sign3A_6 : i32
    %sign3A_8 = arith.extui %sign3A_7 : i1 to i32
    %sign3A_9 = arith.constant 0 : i32
    %sign3A_10 = arith.cmpi slt, %jit3A, %sign3A_9 : i32
    %sign3A_11 = arith.extui %sign3A_10 : i1 to i32
    %sign3A_12 = arith.subi %sign3A_8, %sign3A_11 : i32
    %ne3A = arith.cmpi ne, %sign3A_5, %sign3A_12 : i32
    %rem3A = arith.remsi %arg0, %jit3A : i32
    %ne3A_13 = arith.constant 0 : i32
    %ne3A_14 = arith.cmpi ne, %rem3A, %ne3A_13 : i32
    %and3A = arith.andi %ne3A, %ne3A_14 : i1
    %sub3A = arith.constant 1 : i32
    %sub3A_15 = arith.subi %div3A, %sub3A : i32
    %select_n3A = arith.select %and3A, %sub3A_15, %div3A : i32
    %jit3A_16 = arith.constant 8 : i32
    %eq3A = arith.constant 0 : i32
    %eq3A_17 = arith.cmpi eq, %jit3A_16, %eq3A : i32
    %jit3A_18 = arith.constant 1 : i32
    %select_n3A_19 = arith.select %eq3A_17, %jit3A_18, %jit3A_16 : i32
    %rem3A_20 = arith.remsi %arg0, %select_n3A_19 : i32
    %ne3A_21 = arith.constant 0 : i32
    %ne3A_22 = arith.cmpi ne, %rem3A_20, %ne3A_21 : i32
    %lt3A = arith.constant 0 : i32
    %lt3A_23 = arith.cmpi slt, %rem3A_20, %lt3A : i32
    %lt3A_24 = arith.constant 0 : i32
    %lt3A_25 = arith.cmpi slt, %select_n3A_19, %lt3A_24 : i32
    %ne3A_26 = arith.xori %lt3A_23, %lt3A_25 : i1
    %and3A_27 = arith.andi %ne3A_26, %ne3A_22 : i1
    %add3A = arith.addi %rem3A_20, %select_n3A_19 : i32
    %select_n3A_28 = arith.select %and3A_27, %add3A, %rem3A_20 : i32
    %c0_i32 = arith.constant 0 : i32
    %c0_i32_29 = arith.constant 0 : i32
    return %select_n3A, %c0_i32, %select_n3A_28 : i32, i32, i32
  }
  func.func @transform_1(%arg0: i32) -> (i32, i32, i32) {
    %jit3A = arith.constant 8 : i32
    %div3A = arith.divsi %arg0, %jit3A : i32
    %sign3A = arith.constant 0 : i32
    %sign3A_0 = arith.cmpi sgt, %arg0, %sign3A : i32
    %sign3A_1 = arith.extui %sign3A_0 : i1 to i32
    %sign3A_2 = arith.constant 0 : i32
    %sign3A_3 = arith.cmpi slt, %arg0, %sign3A_2 : i32
    %sign3A_4 = arith.extui %sign3A_3 : i1 to i32
    %sign3A_5 = arith.subi %sign3A_1, %sign3A_4 : i32
    %sign3A_6 = arith.constant 0 : i32
    %sign3A_7 = arith.cmpi sgt, %jit3A, %sign3A_6 : i32
    %sign3A_8 = arith.extui %sign3A_7 : i1 to i32
    %sign3A_9 = arith.constant 0 : i32
    %sign3A_10 = arith.cmpi slt, %jit3A, %sign3A_9 : i32
    %sign3A_11 = arith.extui %sign3A_10 : i1 to i32
    %sign3A_12 = arith.subi %sign3A_8, %sign3A_11 : i32
    %ne3A = arith.cmpi ne, %sign3A_5, %sign3A_12 : i32
    %rem3A = arith.remsi %arg0, %jit3A : i32
    %ne3A_13 = arith.constant 0 : i32
    %ne3A_14 = arith.cmpi ne, %rem3A, %ne3A_13 : i32
    %and3A = arith.andi %ne3A, %ne3A_14 : i1
    %sub3A = arith.constant 1 : i32
    %sub3A_15 = arith.subi %div3A, %sub3A : i32
    %select_n3A = arith.select %and3A, %sub3A_15, %div3A : i32
    %c0_i32 = arith.constant 0 : i32
    %c0_i32_16 = arith.constant 0 : i32
    %c0_i32_17 = arith.constant 0 : i32
    return %select_n3A, %c0_i32, %c0_i32_16 : i32, i32, i32
  }
  func.func @transform_2(%arg0: i32) -> (i32, i32, i32) {
    %c0_i32 = arith.constant 0 : i32
    %c0_i32_0 = arith.constant 0 : i32
    %c0_i32_1 = arith.constant 0 : i32
    return %arg0, %c0_i32, %c0_i32_0 : i32, i32, i32
  }
  func.func @transform_3(%arg0: i32) -> (i32, i32, i32) {
    %c0_i32 = arith.constant 0 : i32
    %c0_i32_0 = arith.constant 0 : i32
    %c0_i32_1 = arith.constant 0 : i32
    return %arg0, %c0_i32, %c0_i32_0 : i32, i32, i32
  }
  func.func @transform_4(%arg0: i32) -> (i32, i32, i32) {
    %c0_i32 = arith.constant 0 : i32
    %c0_i32_0 = arith.constant 0 : i32
    %c0_i32_1 = arith.constant 0 : i32
    return %arg0, %c0_i32, %c0_i32_0 : i32, i32, i32
  }
  func.func @transform_5(%arg0: i32) -> (i32, i32, i32) {
    %c0_i32 = arith.constant 0 : i32
    %c0_i32_0 = arith.constant 0 : i32
    %c0_i32_1 = arith.constant 0 : i32
    return %arg0, %c0_i32, %c0_i32_0 : i32, i32, i32
  }
  func.func @transform_6(%arg0: i32) -> (i32, i32, i32) {
    %c0_i32 = arith.constant 0 : i32
    %c0_i32_0 = arith.constant 0 : i32
    %c0_i32_1 = arith.constant 0 : i32
    return %arg0, %c0_i32, %c0_i32_0 : i32, i32, i32
  }
  func.func @transform_7(%arg0: i32) -> (i32, i32, i32) {
    %c0_i32 = arith.constant 0 : i32
    %c0_i32_0 = arith.constant 0 : i32
    %c0_i32_1 = arith.constant 0 : i32
    return %arg0, %c0_i32, %c0_i32_0 : i32, i32, i32
  }
  func.func @transform_8(%arg0: i32) -> (i32, i32, i32) {
    %c0_i32 = arith.constant 0 : i32
    %c0_i32_0 = arith.constant 0 : i32
    %c0_i32_1 = arith.constant 0 : i32
    return %arg0, %c0_i32, %c0_i32_0 : i32, i32, i32
  }
  func.func @transform_9(%arg0: i32) -> (i32, i32, i32) {
    %c0_i32 = arith.constant 0 : i32
    %c0_i32_0 = arith.constant 0 : i32
    %c0_i32_1 = arith.constant 0 : i32
    return %arg0, %c0_i32, %c0_i32_0 : i32, i32, i32
  }
}

module attributes {stable_mosaic.version = 14 : i64} {
  func.func @_loss_kernel(%arg0: i32, %arg1: memref<1x15x2048xf32, #tpu.memory_space<vmem>>, %arg2: memref<1x5x2048xf32, #tpu.memory_space<vmem>>, %arg3: memref<1x5x2048xf32, #tpu.memory_space<vmem>>, %arg4: memref<1x24x6xf32, #tpu.memory_space<vmem>>, %arg5: memref<1x1x2048xf32, #tpu.memory_space<vmem>>, %arg6: memref<1x1x2048xi32, #tpu.memory_space<vmem>>, %arg7: memref<1x24x1xi32, #tpu.memory_space<vmem>>, %arg8: memref<1x24x1xi32, #tpu.memory_space<vmem>>, %arg9: memref<1x1x128xf32, #tpu.memory_space<vmem>>) attributes {dimension_semantics = [#tpu.dimension_semantics<arbitrary>], iteration_bounds = array<i64: 16>, scalar_prefetch = 0 : i64, scratch_operands = 0 : i64, tpu.core_type = #tpu.core_type<tc>, window_params = [{transform_indices = @transform_0, window_bounds = array<i64: 1, 15, 2048>}, {transform_indices = @transform_1, window_bounds = array<i64: 1, 5, 2048>}, {transform_indices = @transform_2, window_bounds = array<i64: 1, 5, 2048>}, {transform_indices = @transform_3, window_bounds = array<i64: 1, 24, 6>}, {transform_indices = @transform_4, window_bounds = array<i64: 1, 1, 2048>}, {transform_indices = @transform_5, window_bounds = array<i64: 1, 1, 2048>}, {transform_indices = @transform_6, window_bounds = array<i64: 1, 24, 1>}, {transform_indices = @transform_7, window_bounds = array<i64: 1, 24, 1>}, {transform_indices = @transform_8, window_bounds = array<i64: 1, 1, 128>}]} {
    %jit3A = arith.constant 8 : i32
    %eq3A = arith.constant 0 : i32
    %eq3A_0 = arith.cmpi eq, %jit3A, %eq3A : i32
    %jit3A_1 = arith.constant 1 : i32
    %select_n3A = arith.select %eq3A_0, %jit3A_1, %jit3A : i32
    %rem3A = arith.remsi %arg0, %select_n3A : i32
    %ne3A = arith.constant 0 : i32
    %ne3A_2 = arith.cmpi ne, %rem3A, %ne3A : i32
    %lt3A = arith.constant 0 : i32
    %lt3A_3 = arith.cmpi slt, %rem3A, %lt3A : i32
    %lt3A_4 = arith.constant 0 : i32
    %lt3A_5 = arith.cmpi slt, %select_n3A, %lt3A_4 : i32
    %ne3A_6 = arith.xori %lt3A_3, %lt3A_5 : i1
    %and3A = arith.andi %ne3A_6, %ne3A_2 : i1
    %add3A = arith.addi %rem3A, %select_n3A : i32
    %select_n3A_7 = arith.select %and3A, %add3A, %rem3A : i32
    %get3A = arith.constant 0 : index
    %get3A_8 = arith.constant 0 : index
    %get3A_9 = arith.constant 0 : index
    %get3A_10 = vector.load %arg1[%get3A, %get3A_8, %get3A_9] : memref<1x15x2048xf32, #tpu.memory_space<vmem>>, vector<1x15x2048xf32>
    %get3A_11 = vector.shape_cast %get3A_10 : vector<1x15x2048xf32> to vector<15x2048xf32>
    %jit3A_12 = arith.constant 9.99999974E-5 : f32
    %jit3A_13 = arith.constant 0.999899983 : f32
    %max3A = vector.broadcast %jit3A_12 : f32 to vector<15x2048xf32>
    %max3A_14 = arith.maximumf %max3A, %get3A_11 : vector<15x2048xf32>
    %min3A = vector.broadcast %jit3A_13 : f32 to vector<15x2048xf32>
    %min3A_15 = arith.minimumf %min3A, %max3A_14 : vector<15x2048xf32>
    %get3A_16 = arith.constant 0 : index
    %get3A_17 = arith.constant 0 : index
    %get3A_18 = arith.constant 0 : index
    %get3A_19 = vector.load %arg5[%get3A_16, %get3A_17, %get3A_18] : memref<1x1x2048xf32, #tpu.memory_space<vmem>>, vector<1x1x2048xf32>
    %get3A_20 = vector.shape_cast %get3A_19 : vector<1x1x2048xf32> to vector<1x2048xf32>
    %get3A_21 = arith.constant 0 : index
    %get3A_22 = arith.constant 0 : index
    %get3A_23 = arith.constant 0 : index
    %get3A_24 = vector.load %arg6[%get3A_21, %get3A_22, %get3A_23] : memref<1x1x2048xi32, #tpu.memory_space<vmem>>, vector<1x1x2048xi32>
    %get3A_25 = vector.shape_cast %get3A_24 : vector<1x1x2048xi32> to vector<1x2048xi32>
    %get3A_26 = arith.constant 0 : index
    %get3A_27 = arith.constant 0 : index
    %get3A_28 = arith.constant 0 : index
    %get3A_29 = vector.load %arg4[%get3A_26, %get3A_27, %get3A_28] : memref<1x24x6xf32, #tpu.memory_space<vmem>>, vector<1x24x6xf32>
    %get3A_30 = vector.shape_cast %get3A_29 : vector<1x24x6xf32> to vector<24x6xf32>
    %iota3A = tpu.iota {dimensions = array<i32: 1>} : vector<24x2048xi32>
    %mul3A = arith.constant 2048 : i32
    %mul3A_31 = arith.muli %select_n3A_7, %mul3A : i32
    %add3A_32 = vector.broadcast %mul3A_31 : i32 to vector<24x2048xi32>
    %add3A_33 = arith.addi %iota3A, %add3A_32 : vector<24x2048xi32>
    %get3A_34 = arith.constant 0 : index
    %get3A_35 = arith.constant 0 : index
    %get3A_36 = arith.constant 0 : index
    %get3A_37 = vector.load %arg8[%get3A_34, %get3A_35, %get3A_36] : memref<1x24x1xi32, #tpu.memory_space<vmem>>, vector<1x24x1xi32>
    %get3A_38 = vector.shape_cast %get3A_37 : vector<1x24x1xi32> to vector<24x1xi32>
    %eq3A_39 = vector.broadcast %get3A_38 : vector<24x1xi32> to vector<24x2048xi32>
    %eq3A_40 = arith.cmpi eq, %eq3A_39, %add3A_33 : vector<24x2048xi32>
    %get3A_41 = arith.constant 0 : index
    %get3A_42 = arith.constant 0 : index
    %get3A_43 = arith.constant 0 : index
    %get3A_44 = vector.load %arg7[%get3A_41, %get3A_42, %get3A_43] : memref<1x24x1xi32, #tpu.memory_space<vmem>>, vector<1x24x1xi32>
    %get3A_45 = vector.shape_cast %get3A_44 : vector<1x24x1xi32> to vector<24x1xi32>
    %gt3A = arith.constant 0 : i32
    %gt3A_46 = vector.broadcast %gt3A : i32 to vector<24x1xi32>
    %gt3A_47 = arith.cmpi sgt, %get3A_45, %gt3A_46 : vector<24x1xi32>
    %and3A_48 = vector.broadcast %gt3A_47 : vector<24x1xi1> to vector<24x2048xi1>
    %and3A_49 = arith.andi %eq3A_40, %and3A_48 : vector<24x2048xi1>
    %reduce_or3A = arith.constant 1.000000e+00 : f32
    %reduce_or3A_50 = arith.constant 0.000000e+00 : f32
    %reduce_or3A_51 = vector.broadcast %reduce_or3A : f32 to vector<24x2048xf32>
    %reduce_or3A_52 = vector.broadcast %reduce_or3A_50 : f32 to vector<24x2048xf32>
    %reduce_or3A_53 = arith.select %and3A_49, %reduce_or3A_51, %reduce_or3A_52 : vector<24x2048xi1>, vector<24x2048xf32>
    %reduce_or3A_54 = arith.constant dense<0xFF800000> : vector<2048xf32>
    %reduce_or3A_55 = vector.multi_reduction <maximumf>, %reduce_or3A_53, %reduce_or3A_54 [0] : vector<24x2048xf32> to vector<2048xf32>
    %reduce_or3A_56 = arith.constant 0.000000e+00 : f32
    %reduce_or3A_57 = vector.broadcast %reduce_or3A_56 : f32 to vector<2048xf32>
    %reduce_or3A_58 = arith.cmpf ogt, %reduce_or3A_55, %reduce_or3A_57 : vector<2048xf32>
    %broadcast_in_dim3A = vector.shape_cast %reduce_or3A_58 : vector<2048xi1> to vector<1x2048xi1>
    %ge3A = arith.constant 5.000000e-01 : f32
    %ge3A_59 = vector.broadcast %ge3A : f32 to vector<1x2048xf32>
    %ge3A_60 = arith.cmpf oge, %get3A_20, %ge3A_59 : vector<1x2048xf32>
    %or3A = arith.ori %ge3A_60, %broadcast_in_dim3A : vector<1x2048xi1>
    %iota3A_61 = tpu.iota {dimensions = array<i32: 0>} : vector<24x2048xi32>
    %eq3A_62 = vector.broadcast %get3A_25 : vector<1x2048xi32> to vector<24x2048xi32>
    %eq3A_63 = arith.cmpi eq, %iota3A_61, %eq3A_62 : vector<24x2048xi32>
    %slice3A = vector.extract_strided_slice %get3A_30 {offsets = [0, 0], sizes = [24, 1], strides = [1, 1]} : vector<24x6xf32> to vector<24x1xf32>
    %jit3A_64 = arith.constant 0.000000e+00 : f32
    %broadcast_in_dim3A_65 = vector.shape_cast %slice3A : vector<24x1xf32> to vector<24x1xf32>
    %broadcast_in_dim3A_66 = vector.broadcast %broadcast_in_dim3A_65 : vector<24x1xf32> to vector<24x2048xf32>
    %broadcast_in_dim3A_67 = vector.broadcast %jit3A_64 : f32 to vector<24x2048xf32>
    %select_n3A_68 = arith.select %eq3A_63, %broadcast_in_dim3A_66, %broadcast_in_dim3A_67 : vector<24x2048xi1>, vector<24x2048xf32>
    %reduce_sum3A = arith.constant dense<0.000000e+00> : vector<2048xf32>
    %reduce_sum3A_69 = vector.multi_reduction <add>, %select_n3A_68, %reduce_sum3A [0] : vector<24x2048xf32> to vector<2048xf32>
    %broadcast_in_dim3A_70 = vector.shape_cast %reduce_sum3A_69 : vector<2048xf32> to vector<1x2048xf32>
    %slice3A_71 = vector.extract_strided_slice %get3A_30 {offsets = [0, 1], sizes = [24, 1], strides = [1, 1]} : vector<24x6xf32> to vector<24x1xf32>
    %jit3A_72 = arith.constant 0.000000e+00 : f32
    %broadcast_in_dim3A_73 = vector.shape_cast %slice3A_71 : vector<24x1xf32> to vector<24x1xf32>
    %broadcast_in_dim3A_74 = vector.broadcast %broadcast_in_dim3A_73 : vector<24x1xf32> to vector<24x2048xf32>
    %broadcast_in_dim3A_75 = vector.broadcast %jit3A_72 : f32 to vector<24x2048xf32>
    %select_n3A_76 = arith.select %eq3A_63, %broadcast_in_dim3A_74, %broadcast_in_dim3A_75 : vector<24x2048xi1>, vector<24x2048xf32>
    %reduce_sum3A_77 = arith.constant dense<0.000000e+00> : vector<2048xf32>
    %reduce_sum3A_78 = vector.multi_reduction <add>, %select_n3A_76, %reduce_sum3A_77 [0] : vector<24x2048xf32> to vector<2048xf32>
    %broadcast_in_dim3A_79 = vector.shape_cast %reduce_sum3A_78 : vector<2048xf32> to vector<1x2048xf32>
    %slice3A_80 = vector.extract_strided_slice %get3A_30 {offsets = [0, 2], sizes = [24, 1], strides = [1, 1]} : vector<24x6xf32> to vector<24x1xf32>
    %jit3A_81 = arith.constant 0.000000e+00 : f32
    %broadcast_in_dim3A_82 = vector.shape_cast %slice3A_80 : vector<24x1xf32> to vector<24x1xf32>
    %broadcast_in_dim3A_83 = vector.broadcast %broadcast_in_dim3A_82 : vector<24x1xf32> to vector<24x2048xf32>
    %broadcast_in_dim3A_84 = vector.broadcast %jit3A_81 : f32 to vector<24x2048xf32>
    %select_n3A_85 = arith.select %eq3A_63, %broadcast_in_dim3A_83, %broadcast_in_dim3A_84 : vector<24x2048xi1>, vector<24x2048xf32>
    %reduce_sum3A_86 = arith.constant dense<0.000000e+00> : vector<2048xf32>
    %reduce_sum3A_87 = vector.multi_reduction <add>, %select_n3A_85, %reduce_sum3A_86 [0] : vector<24x2048xf32> to vector<2048xf32>
    %broadcast_in_dim3A_88 = vector.shape_cast %reduce_sum3A_87 : vector<2048xf32> to vector<1x2048xf32>
    %slice3A_89 = vector.extract_strided_slice %get3A_30 {offsets = [0, 3], sizes = [24, 1], strides = [1, 1]} : vector<24x6xf32> to vector<24x1xf32>
    %jit3A_90 = arith.constant 0.000000e+00 : f32
    %broadcast_in_dim3A_91 = vector.shape_cast %slice3A_89 : vector<24x1xf32> to vector<24x1xf32>
    %broadcast_in_dim3A_92 = vector.broadcast %broadcast_in_dim3A_91 : vector<24x1xf32> to vector<24x2048xf32>
    %broadcast_in_dim3A_93 = vector.broadcast %jit3A_90 : f32 to vector<24x2048xf32>
    %select_n3A_94 = arith.select %eq3A_63, %broadcast_in_dim3A_92, %broadcast_in_dim3A_93 : vector<24x2048xi1>, vector<24x2048xf32>
    %reduce_sum3A_95 = arith.constant dense<0.000000e+00> : vector<2048xf32>
    %reduce_sum3A_96 = vector.multi_reduction <add>, %select_n3A_94, %reduce_sum3A_95 [0] : vector<24x2048xf32> to vector<2048xf32>
    %broadcast_in_dim3A_97 = vector.shape_cast %reduce_sum3A_96 : vector<2048xf32> to vector<1x2048xf32>
    %slice3A_98 = vector.extract_strided_slice %get3A_30 {offsets = [0, 4], sizes = [24, 1], strides = [1, 1]} : vector<24x6xf32> to vector<24x1xf32>
    %jit3A_99 = arith.constant 0.000000e+00 : f32
    %broadcast_in_dim3A_100 = vector.shape_cast %slice3A_98 : vector<24x1xf32> to vector<24x1xf32>
    %broadcast_in_dim3A_101 = vector.broadcast %broadcast_in_dim3A_100 : vector<24x1xf32> to vector<24x2048xf32>
    %broadcast_in_dim3A_102 = vector.broadcast %jit3A_99 : f32 to vector<24x2048xf32>
    %select_n3A_103 = arith.select %eq3A_63, %broadcast_in_dim3A_101, %broadcast_in_dim3A_102 : vector<24x2048xi1>, vector<24x2048xf32>
    %reduce_sum3A_104 = arith.constant dense<0.000000e+00> : vector<2048xf32>
    %reduce_sum3A_105 = vector.multi_reduction <add>, %select_n3A_103, %reduce_sum3A_104 [0] : vector<24x2048xf32> to vector<2048xf32>
    %broadcast_in_dim3A_106 = vector.shape_cast %reduce_sum3A_105 : vector<2048xf32> to vector<1x2048xf32>
    %slice3A_107 = vector.extract_strided_slice %get3A_30 {offsets = [0, 5], sizes = [24, 1], strides = [1, 1]} : vector<24x6xf32> to vector<24x1xf32>
    %jit3A_108 = arith.constant 0.000000e+00 : f32
    %broadcast_in_dim3A_109 = vector.shape_cast %slice3A_107 : vector<24x1xf32> to vector<24x1xf32>
    %broadcast_in_dim3A_110 = vector.broadcast %broadcast_in_dim3A_109 : vector<24x1xf32> to vector<24x2048xf32>
    %broadcast_in_dim3A_111 = vector.broadcast %jit3A_108 : f32 to vector<24x2048xf32>
    %select_n3A_112 = arith.select %eq3A_63, %broadcast_in_dim3A_110, %broadcast_in_dim3A_111 : vector<24x2048xi1>, vector<24x2048xf32>
    %reduce_sum3A_113 = arith.constant dense<0.000000e+00> : vector<2048xf32>
    %reduce_sum3A_114 = vector.multi_reduction <add>, %select_n3A_112, %reduce_sum3A_113 [0] : vector<24x2048xf32> to vector<2048xf32>
    %broadcast_in_dim3A_115 = vector.shape_cast %reduce_sum3A_114 : vector<2048xf32> to vector<1x2048xf32>
    %convert_element_type3A = arith.fptosi %broadcast_in_dim3A_115 : vector<1x2048xf32> to vector<1x2048xi32>
    %lt3A_116 = arith.constant 4.000000e-01 : f32
    %lt3A_117 = vector.broadcast %lt3A_116 : f32 to vector<1x2048xf32>
    %lt3A_118 = arith.cmpf olt, %get3A_20, %lt3A_117 : vector<1x2048xf32>
    %jit3A_119 = arith.constant 0.000000e+00 : f32
    %jit3A_120 = arith.constant -1.000000e+00 : f32
    %broadcast_in_dim3A_121 = vector.broadcast %jit3A_119 : f32 to vector<1x2048xf32>
    %broadcast_in_dim3A_122 = vector.broadcast %jit3A_120 : f32 to vector<1x2048xf32>
    %select_n3A_123 = arith.select %lt3A_118, %broadcast_in_dim3A_121, %broadcast_in_dim3A_122 : vector<1x2048xi1>, vector<1x2048xf32>
    %jit3A_124 = arith.constant 0.000000e+00 : f32
    %broadcast_in_dim3A_125 = vector.broadcast %jit3A_124 : f32 to vector<1x2048xf32>
    %select_n3A_126 = arith.select %or3A, %broadcast_in_dim3A_125, %select_n3A_123 : vector<1x2048xi1>, vector<1x2048xf32>
    %iota3A_127 = tpu.iota {dimensions = array<i32: 0>} : vector<15x2048xi32>
    %eq3A_128 = vector.broadcast %convert_element_type3A : vector<1x2048xi32> to vector<15x2048xi32>
    %eq3A_129 = arith.cmpi eq, %iota3A_127, %eq3A_128 : vector<15x2048xi32>
    %and3A_130 = vector.broadcast %or3A : vector<1x2048xi1> to vector<15x2048xi1>
    %and3A_131 = arith.andi %and3A_130, %eq3A_129 : vector<15x2048xi1>
    %broadcast_in_dim3A_132 = vector.shape_cast %select_n3A_126 : vector<1x2048xf32> to vector<1x2048xf32>
    %broadcast_in_dim3A_133 = vector.broadcast %broadcast_in_dim3A_132 : vector<1x2048xf32> to vector<15x2048xf32>
    %jit3A_134 = arith.constant 1.000000e+00 : f32
    %broadcast_in_dim3A_135 = vector.broadcast %jit3A_134 : f32 to vector<15x2048xf32>
    %select_n3A_136 = arith.select %and3A_131, %broadcast_in_dim3A_135, %broadcast_in_dim3A_133 : vector<15x2048xi1>, vector<15x2048xf32>
    %eq3A_137 = arith.constant 1.000000e+00 : f32
    %eq3A_138 = vector.broadcast %eq3A_137 : f32 to vector<15x2048xf32>
    %eq3A_139 = arith.cmpf oeq, %select_n3A_136, %eq3A_138 : vector<15x2048xf32>
    %jit3A_140 = arith.constant 2.500000e-01 : f32
    %jit3A_141 = arith.constant 7.500000e-01 : f32
    %broadcast_in_dim3A_142 = vector.broadcast %jit3A_140 : f32 to vector<15x2048xf32>
    %broadcast_in_dim3A_143 = vector.broadcast %jit3A_141 : f32 to vector<15x2048xf32>
    %select_n3A_144 = arith.select %eq3A_139, %broadcast_in_dim3A_142, %broadcast_in_dim3A_143 : vector<15x2048xi1>, vector<15x2048xf32>
    %eq3A_145 = arith.constant 1.000000e+00 : f32
    %eq3A_146 = vector.broadcast %eq3A_145 : f32 to vector<15x2048xf32>
    %eq3A_147 = arith.cmpf oeq, %select_n3A_136, %eq3A_146 : vector<15x2048xf32>
    %sub3A = arith.constant 1.000000e+00 : f32
    %sub3A_148 = vector.broadcast %sub3A : f32 to vector<15x2048xf32>
    %sub3A_149 = arith.subf %sub3A_148, %min3A_15 : vector<15x2048xf32>
    %select_n3A_150 = arith.select %eq3A_147, %sub3A_149, %min3A_15 : vector<15x2048xi1>, vector<15x2048xf32>
    %mul3A_151 = arith.mulf %select_n3A_150, %select_n3A_150 : vector<15x2048xf32>
    %mul3A_152 = arith.mulf %select_n3A_144, %mul3A_151 : vector<15x2048xf32>
    %add3A_153 = arith.constant 9.99999997E-7 : f32
    %add3A_154 = vector.broadcast %add3A_153 : f32 to vector<15x2048xf32>
    %add3A_155 = arith.addf %min3A_15, %add3A_154 : vector<15x2048xf32>
    %log3A = math.log %add3A_155 : vector<15x2048xf32>
    %mul3A_156 = arith.mulf %select_n3A_136, %log3A : vector<15x2048xf32>
    %sub3A_157 = arith.constant 1.000000e+00 : f32
    %sub3A_158 = vector.broadcast %sub3A_157 : f32 to vector<15x2048xf32>
    %sub3A_159 = arith.subf %sub3A_158, %select_n3A_136 : vector<15x2048xf32>
    %sub3A_160 = arith.constant 1.000000e+00 : f32
    %sub3A_161 = vector.broadcast %sub3A_160 : f32 to vector<15x2048xf32>
    %sub3A_162 = arith.subf %sub3A_161, %min3A_15 : vector<15x2048xf32>
    %add3A_163 = arith.constant 9.99999997E-7 : f32
    %add3A_164 = vector.broadcast %add3A_163 : f32 to vector<15x2048xf32>
    %add3A_165 = arith.addf %sub3A_162, %add3A_164 : vector<15x2048xf32>
    %log3A_166 = math.log %add3A_165 : vector<15x2048xf32>
    %mul3A_167 = arith.mulf %sub3A_159, %log3A_166 : vector<15x2048xf32>
    %add3A_168 = arith.addf %mul3A_156, %mul3A_167 : vector<15x2048xf32>
    %neg3A = arith.constant 0.000000e+00 : f32
    %neg3A_169 = vector.broadcast %neg3A : f32 to vector<15x2048xf32>
    %neg3A_170 = arith.subf %neg3A_169, %add3A_168 : vector<15x2048xf32>
    %ne3A_171 = arith.constant -1.000000e+00 : f32
    %ne3A_172 = vector.broadcast %ne3A_171 : f32 to vector<15x2048xf32>
    %ne3A_173 = arith.cmpf one, %select_n3A_136, %ne3A_172 : vector<15x2048xf32>
    %mul3A_174 = arith.mulf %mul3A_152, %neg3A_170 : vector<15x2048xf32>
    %jit3A_175 = arith.constant 0.000000e+00 : f32
    %broadcast_in_dim3A_176 = vector.broadcast %jit3A_175 : f32 to vector<15x2048xf32>
    %select_n3A_177 = arith.select %ne3A_173, %mul3A_174, %broadcast_in_dim3A_176 : vector<15x2048xi1>, vector<15x2048xf32>
    %reduce_sum3A_178 = arith.constant dense<0.000000e+00> : vector<15xf32>
    %reduce_sum3A_179 = vector.multi_reduction <add>, %select_n3A_177, %reduce_sum3A_178 [1] : vector<15x2048xf32> to vector<15xf32>
    %broadcast_in_dim3A_180 = vector.shape_cast %reduce_sum3A_179 : vector<15xf32> to vector<15x1xf32>
    %reduce_sum3A_181 = arith.constant dense<0.000000e+00> : vector<1xf32>
    %reduce_sum3A_182 = vector.multi_reduction <add>, %broadcast_in_dim3A_180, %reduce_sum3A_181 [0] : vector<15x1xf32> to vector<1xf32>
    %broadcast_in_dim3A_183 = vector.shape_cast %reduce_sum3A_182 : vector<1xf32> to vector<1x1xf32>
    %get3A_184 = arith.constant 0 : index
    %get3A_185 = arith.constant 0 : index
    %get3A_186 = arith.constant 0 : index
    %get3A_187 = vector.load %arg3[%get3A_184, %get3A_185, %get3A_186] : memref<1x5x2048xf32, #tpu.memory_space<vmem>>, vector<1x1x2048xf32>
    %get3A_188 = vector.shape_cast %get3A_187 : vector<1x1x2048xf32> to vector<1x2048xf32>
    %get3A_189 = arith.constant 0 : index
    %get3A_190 = arith.constant 1 : index
    %get3A_191 = arith.constant 0 : index
    %get3A_192 = vector.load %arg3[%get3A_189, %get3A_190, %get3A_191] : memref<1x5x2048xf32, #tpu.memory_space<vmem>>, vector<1x1x2048xf32>
    %get3A_193 = vector.shape_cast %get3A_192 : vector<1x1x2048xf32> to vector<1x2048xf32>
    %get3A_194 = arith.constant 0 : index
    %get3A_195 = arith.constant 2 : index
    %get3A_196 = arith.constant 0 : index
    %get3A_197 = vector.load %arg3[%get3A_194, %get3A_195, %get3A_196] : memref<1x5x2048xf32, #tpu.memory_space<vmem>>, vector<1x1x2048xf32>
    %get3A_198 = vector.shape_cast %get3A_197 : vector<1x1x2048xf32> to vector<1x2048xf32>
    %get3A_199 = arith.constant 0 : index
    %get3A_200 = arith.constant 3 : index
    %get3A_201 = arith.constant 0 : index
    %get3A_202 = vector.load %arg3[%get3A_199, %get3A_200, %get3A_201] : memref<1x5x2048xf32, #tpu.memory_space<vmem>>, vector<1x1x2048xf32>
    %get3A_203 = vector.shape_cast %get3A_202 : vector<1x1x2048xf32> to vector<1x2048xf32>
    %get3A_204 = arith.constant 0 : index
    %get3A_205 = arith.constant 4 : index
    %get3A_206 = arith.constant 0 : index
    %get3A_207 = vector.load %arg3[%get3A_204, %get3A_205, %get3A_206] : memref<1x5x2048xf32, #tpu.memory_space<vmem>>, vector<1x1x2048xf32>
    %get3A_208 = vector.shape_cast %get3A_207 : vector<1x1x2048xf32> to vector<1x2048xf32>
    %sub3A_209 = arith.subf %broadcast_in_dim3A_70, %get3A_188 : vector<1x2048xf32>
    %div3A = arith.divf %sub3A_209, %get3A_198 : vector<1x2048xf32>
    %sub3A_210 = arith.subf %broadcast_in_dim3A_79, %get3A_193 : vector<1x2048xf32>
    %div3A_211 = arith.divf %sub3A_210, %get3A_203 : vector<1x2048xf32>
    %max3A_212 = arith.constant 9.99999997E-7 : f32
    %max3A_213 = vector.broadcast %max3A_212 : f32 to vector<1x2048xf32>
    %max3A_214 = arith.maximumf %broadcast_in_dim3A_88, %max3A_213 : vector<1x2048xf32>
    %div3A_215 = arith.divf %max3A_214, %get3A_198 : vector<1x2048xf32>
    %log3A_216 = math.log %div3A_215 : vector<1x2048xf32>
    %max3A_217 = arith.constant 9.99999997E-7 : f32
    %max3A_218 = vector.broadcast %max3A_217 : f32 to vector<1x2048xf32>
    %max3A_219 = arith.maximumf %broadcast_in_dim3A_97, %max3A_218 : vector<1x2048xf32>
    %div3A_220 = arith.divf %max3A_219, %get3A_203 : vector<1x2048xf32>
    %log3A_221 = math.log %div3A_220 : vector<1x2048xf32>
    %sub3A_222 = arith.subf %broadcast_in_dim3A_106, %get3A_208 : vector<1x2048xf32>
    %broadcast_in_dim3A_223 = arith.constant 0.000000e+00 : f32
    %broadcast_in_dim3A_224 = vector.broadcast %broadcast_in_dim3A_223 : f32 to vector<1x2048xf32>
    %get3A_225 = arith.constant 0 : index
    %get3A_226 = arith.constant 0 : index
    %get3A_227 = arith.constant 0 : index
    %get3A_228 = vector.load %arg2[%get3A_225, %get3A_226, %get3A_227] : memref<1x5x2048xf32, #tpu.memory_space<vmem>>, vector<1x1x2048xf32>
    %get3A_229 = vector.shape_cast %get3A_228 : vector<1x1x2048xf32> to vector<1x2048xf32>
    %sub3A_230 = arith.subf %get3A_229, %div3A : vector<1x2048xf32>
    %abs3A = math.absf %sub3A_230 : vector<1x2048xf32>
    %lt3A_231 = arith.constant 0.111111112 : f32
    %lt3A_232 = vector.broadcast %lt3A_231 : f32 to vector<1x2048xf32>
    %lt3A_233 = arith.cmpf olt, %abs3A, %lt3A_232 : vector<1x2048xf32>
    %mul3A_234 = arith.constant 5.000000e-01 : f32
    %mul3A_235 = vector.broadcast %mul3A_234 : f32 to vector<1x2048xf32>
    %mul3A_236 = arith.mulf %mul3A_235, %abs3A : vector<1x2048xf32>
    %mul3A_237 = arith.mulf %mul3A_236, %abs3A : vector<1x2048xf32>
    %div3A_238 = arith.constant 0.111111112 : f32
    %div3A_239 = vector.broadcast %div3A_238 : f32 to vector<1x2048xf32>
    %div3A_240 = arith.divf %mul3A_237, %div3A_239 : vector<1x2048xf32>
    %sub3A_241 = arith.constant 0.055555556 : f32
    %sub3A_242 = vector.broadcast %sub3A_241 : f32 to vector<1x2048xf32>
    %sub3A_243 = arith.subf %abs3A, %sub3A_242 : vector<1x2048xf32>
    %select_n3A_244 = arith.select %lt3A_233, %div3A_240, %sub3A_243 : vector<1x2048xi1>, vector<1x2048xf32>
    %add3A_245 = arith.addf %broadcast_in_dim3A_224, %select_n3A_244 : vector<1x2048xf32>
    %get3A_246 = arith.constant 0 : index
    %get3A_247 = arith.constant 1 : index
    %get3A_248 = arith.constant 0 : index
    %get3A_249 = vector.load %arg2[%get3A_246, %get3A_247, %get3A_248] : memref<1x5x2048xf32, #tpu.memory_space<vmem>>, vector<1x1x2048xf32>
    %get3A_250 = vector.shape_cast %get3A_249 : vector<1x1x2048xf32> to vector<1x2048xf32>
    %sub3A_251 = arith.subf %get3A_250, %div3A_211 : vector<1x2048xf32>
    %abs3A_252 = math.absf %sub3A_251 : vector<1x2048xf32>
    %lt3A_253 = arith.constant 0.111111112 : f32
    %lt3A_254 = vector.broadcast %lt3A_253 : f32 to vector<1x2048xf32>
    %lt3A_255 = arith.cmpf olt, %abs3A_252, %lt3A_254 : vector<1x2048xf32>
    %mul3A_256 = arith.constant 5.000000e-01 : f32
    %mul3A_257 = vector.broadcast %mul3A_256 : f32 to vector<1x2048xf32>
    %mul3A_258 = arith.mulf %mul3A_257, %abs3A_252 : vector<1x2048xf32>
    %mul3A_259 = arith.mulf %mul3A_258, %abs3A_252 : vector<1x2048xf32>
    %div3A_260 = arith.constant 0.111111112 : f32
    %div3A_261 = vector.broadcast %div3A_260 : f32 to vector<1x2048xf32>
    %div3A_262 = arith.divf %mul3A_259, %div3A_261 : vector<1x2048xf32>
    %sub3A_263 = arith.constant 0.055555556 : f32
    %sub3A_264 = vector.broadcast %sub3A_263 : f32 to vector<1x2048xf32>
    %sub3A_265 = arith.subf %abs3A_252, %sub3A_264 : vector<1x2048xf32>
    %select_n3A_266 = arith.select %lt3A_255, %div3A_262, %sub3A_265 : vector<1x2048xi1>, vector<1x2048xf32>
    %add3A_267 = arith.addf %add3A_245, %select_n3A_266 : vector<1x2048xf32>
    %get3A_268 = arith.constant 0 : index
    %get3A_269 = arith.constant 2 : index
    %get3A_270 = arith.constant 0 : index
    %get3A_271 = vector.load %arg2[%get3A_268, %get3A_269, %get3A_270] : memref<1x5x2048xf32, #tpu.memory_space<vmem>>, vector<1x1x2048xf32>
    %get3A_272 = vector.shape_cast %get3A_271 : vector<1x1x2048xf32> to vector<1x2048xf32>
    %sub3A_273 = arith.subf %get3A_272, %log3A_216 : vector<1x2048xf32>
    %abs3A_274 = math.absf %sub3A_273 : vector<1x2048xf32>
    %lt3A_275 = arith.constant 0.111111112 : f32
    %lt3A_276 = vector.broadcast %lt3A_275 : f32 to vector<1x2048xf32>
    %lt3A_277 = arith.cmpf olt, %abs3A_274, %lt3A_276 : vector<1x2048xf32>
    %mul3A_278 = arith.constant 5.000000e-01 : f32
    %mul3A_279 = vector.broadcast %mul3A_278 : f32 to vector<1x2048xf32>
    %mul3A_280 = arith.mulf %mul3A_279, %abs3A_274 : vector<1x2048xf32>
    %mul3A_281 = arith.mulf %mul3A_280, %abs3A_274 : vector<1x2048xf32>
    %div3A_282 = arith.constant 0.111111112 : f32
    %div3A_283 = vector.broadcast %div3A_282 : f32 to vector<1x2048xf32>
    %div3A_284 = arith.divf %mul3A_281, %div3A_283 : vector<1x2048xf32>
    %sub3A_285 = arith.constant 0.055555556 : f32
    %sub3A_286 = vector.broadcast %sub3A_285 : f32 to vector<1x2048xf32>
    %sub3A_287 = arith.subf %abs3A_274, %sub3A_286 : vector<1x2048xf32>
    %select_n3A_288 = arith.select %lt3A_277, %div3A_284, %sub3A_287 : vector<1x2048xi1>, vector<1x2048xf32>
    %add3A_289 = arith.addf %add3A_267, %select_n3A_288 : vector<1x2048xf32>
    %get3A_290 = arith.constant 0 : index
    %get3A_291 = arith.constant 3 : index
    %get3A_292 = arith.constant 0 : index
    %get3A_293 = vector.load %arg2[%get3A_290, %get3A_291, %get3A_292] : memref<1x5x2048xf32, #tpu.memory_space<vmem>>, vector<1x1x2048xf32>
    %get3A_294 = vector.shape_cast %get3A_293 : vector<1x1x2048xf32> to vector<1x2048xf32>
    %sub3A_295 = arith.subf %get3A_294, %log3A_221 : vector<1x2048xf32>
    %abs3A_296 = math.absf %sub3A_295 : vector<1x2048xf32>
    %lt3A_297 = arith.constant 0.111111112 : f32
    %lt3A_298 = vector.broadcast %lt3A_297 : f32 to vector<1x2048xf32>
    %lt3A_299 = arith.cmpf olt, %abs3A_296, %lt3A_298 : vector<1x2048xf32>
    %mul3A_300 = arith.constant 5.000000e-01 : f32
    %mul3A_301 = vector.broadcast %mul3A_300 : f32 to vector<1x2048xf32>
    %mul3A_302 = arith.mulf %mul3A_301, %abs3A_296 : vector<1x2048xf32>
    %mul3A_303 = arith.mulf %mul3A_302, %abs3A_296 : vector<1x2048xf32>
    %div3A_304 = arith.constant 0.111111112 : f32
    %div3A_305 = vector.broadcast %div3A_304 : f32 to vector<1x2048xf32>
    %div3A_306 = arith.divf %mul3A_303, %div3A_305 : vector<1x2048xf32>
    %sub3A_307 = arith.constant 0.055555556 : f32
    %sub3A_308 = vector.broadcast %sub3A_307 : f32 to vector<1x2048xf32>
    %sub3A_309 = arith.subf %abs3A_296, %sub3A_308 : vector<1x2048xf32>
    %select_n3A_310 = arith.select %lt3A_299, %div3A_306, %sub3A_309 : vector<1x2048xi1>, vector<1x2048xf32>
    %add3A_311 = arith.addf %add3A_289, %select_n3A_310 : vector<1x2048xf32>
    %get3A_312 = arith.constant 0 : index
    %get3A_313 = arith.constant 4 : index
    %get3A_314 = arith.constant 0 : index
    %get3A_315 = vector.load %arg2[%get3A_312, %get3A_313, %get3A_314] : memref<1x5x2048xf32, #tpu.memory_space<vmem>>, vector<1x1x2048xf32>
    %get3A_316 = vector.shape_cast %get3A_315 : vector<1x1x2048xf32> to vector<1x2048xf32>
    %sub3A_317 = arith.subf %get3A_316, %sub3A_222 : vector<1x2048xf32>
    %abs3A_318 = math.absf %sub3A_317 : vector<1x2048xf32>
    %lt3A_319 = arith.constant 0.111111112 : f32
    %lt3A_320 = vector.broadcast %lt3A_319 : f32 to vector<1x2048xf32>
    %lt3A_321 = arith.cmpf olt, %abs3A_318, %lt3A_320 : vector<1x2048xf32>
    %mul3A_322 = arith.constant 5.000000e-01 : f32
    %mul3A_323 = vector.broadcast %mul3A_322 : f32 to vector<1x2048xf32>
    %mul3A_324 = arith.mulf %mul3A_323, %abs3A_318 : vector<1x2048xf32>
    %mul3A_325 = arith.mulf %mul3A_324, %abs3A_318 : vector<1x2048xf32>
    %div3A_326 = arith.constant 0.111111112 : f32
    %div3A_327 = vector.broadcast %div3A_326 : f32 to vector<1x2048xf32>
    %div3A_328 = arith.divf %mul3A_325, %div3A_327 : vector<1x2048xf32>
    %sub3A_329 = arith.constant 0.055555556 : f32
    %sub3A_330 = vector.broadcast %sub3A_329 : f32 to vector<1x2048xf32>
    %sub3A_331 = arith.subf %abs3A_318, %sub3A_330 : vector<1x2048xf32>
    %select_n3A_332 = arith.select %lt3A_321, %div3A_328, %sub3A_331 : vector<1x2048xi1>, vector<1x2048xf32>
    %add3A_333 = arith.addf %add3A_311, %select_n3A_332 : vector<1x2048xf32>
    %jit3A_334 = arith.constant 0.000000e+00 : f32
    %broadcast_in_dim3A_335 = vector.broadcast %jit3A_334 : f32 to vector<1x2048xf32>
    %select_n3A_336 = arith.select %or3A, %add3A_333, %broadcast_in_dim3A_335 : vector<1x2048xi1>, vector<1x2048xf32>
    %reduce_sum3A_337 = arith.constant dense<0.000000e+00> : vector<1xf32>
    %reduce_sum3A_338 = vector.multi_reduction <add>, %select_n3A_336, %reduce_sum3A_337 [1] : vector<1x2048xf32> to vector<1xf32>
    %broadcast_in_dim3A_339 = vector.shape_cast %reduce_sum3A_338 : vector<1xf32> to vector<1x1xf32>
    %jit3A_340 = arith.constant 1.000000e+00 : f32
    %jit3A_341 = arith.constant 0.000000e+00 : f32
    %broadcast_in_dim3A_342 = vector.broadcast %jit3A_340 : f32 to vector<1x2048xf32>
    %broadcast_in_dim3A_343 = vector.broadcast %jit3A_341 : f32 to vector<1x2048xf32>
    %select_n3A_344 = arith.select %or3A, %broadcast_in_dim3A_342, %broadcast_in_dim3A_343 : vector<1x2048xi1>, vector<1x2048xf32>
    %reduce_sum3A_345 = arith.constant dense<0.000000e+00> : vector<1xf32>
    %reduce_sum3A_346 = vector.multi_reduction <add>, %select_n3A_344, %reduce_sum3A_345 [1] : vector<1x2048xf32> to vector<1xf32>
    %broadcast_in_dim3A_347 = vector.shape_cast %reduce_sum3A_346 : vector<1xf32> to vector<1x1xf32>
    %swap3A = arith.constant 0 : index
    %swap3A_348 = arith.constant 0 : index
    %swap3A_349 = arith.constant 0 : index
    %swap3A_350 = vector.load %arg9[%swap3A, %swap3A_348, %swap3A_349] : memref<1x1x128xf32, #tpu.memory_space<vmem>>, vector<1x1x1xf32>
    %swap3A_351 = vector.shape_cast %swap3A_350 : vector<1x1x1xf32> to vector<1x1xf32>
    %swap3A_352 = vector.shape_cast %broadcast_in_dim3A_183 : vector<1x1xf32> to vector<1x1x1xf32>
    tpu.vector_store %arg9[%swap3A, %swap3A_348, %swap3A_349], %swap3A_352 {strides = array<i32>} : memref<1x1x128xf32, #tpu.memory_space<vmem>>, vector<1x1x1xf32>,
    %swap3A_353 = arith.constant 0 : index
    %swap3A_354 = arith.constant 0 : index
    %swap3A_355 = arith.constant 1 : index
    %swap3A_356 = vector.load %arg9[%swap3A_353, %swap3A_354, %swap3A_355] : memref<1x1x128xf32, #tpu.memory_space<vmem>>, vector<1x1x1xf32>
    %swap3A_357 = vector.shape_cast %swap3A_356 : vector<1x1x1xf32> to vector<1x1xf32>
    %swap3A_358 = vector.shape_cast %broadcast_in_dim3A_339 : vector<1x1xf32> to vector<1x1x1xf32>
    tpu.vector_store %arg9[%swap3A_353, %swap3A_354, %swap3A_355], %swap3A_358 {strides = array<i32>} : memref<1x1x128xf32, #tpu.memory_space<vmem>>, vector<1x1x1xf32>,
    %swap3A_359 = arith.constant 0 : index
    %swap3A_360 = arith.constant 0 : index
    %swap3A_361 = arith.constant 2 : index
    %swap3A_362 = vector.load %arg9[%swap3A_359, %swap3A_360, %swap3A_361] : memref<1x1x128xf32, #tpu.memory_space<vmem>>, vector<1x1x1xf32>
    %swap3A_363 = vector.shape_cast %swap3A_362 : vector<1x1x1xf32> to vector<1x1xf32>
    %swap3A_364 = vector.shape_cast %broadcast_in_dim3A_347 : vector<1x1xf32> to vector<1x1x1xf32>
    tpu.vector_store %arg9[%swap3A_359, %swap3A_360, %swap3A_361], %swap3A_364 {strides = array<i32>} : memref<1x1x128xf32, #tpu.memory_space<vmem>>, vector<1x1x1xf32>,
    return
  }
  func.func @transform_0(%arg0: i32) -> (i32, i32, i32) {
    %jit3A = arith.constant 8 : i32
    %div3A = arith.divsi %arg0, %jit3A : i32
    %sign3A = arith.constant 0 : i32
    %sign3A_0 = arith.cmpi sgt, %arg0, %sign3A : i32
    %sign3A_1 = arith.extui %sign3A_0 : i1 to i32
    %sign3A_2 = arith.constant 0 : i32
    %sign3A_3 = arith.cmpi slt, %arg0, %sign3A_2 : i32
    %sign3A_4 = arith.extui %sign3A_3 : i1 to i32
    %sign3A_5 = arith.subi %sign3A_1, %sign3A_4 : i32
    %sign3A_6 = arith.constant 0 : i32
    %sign3A_7 = arith.cmpi sgt, %jit3A, %sign3A_6 : i32
    %sign3A_8 = arith.extui %sign3A_7 : i1 to i32
    %sign3A_9 = arith.constant 0 : i32
    %sign3A_10 = arith.cmpi slt, %jit3A, %sign3A_9 : i32
    %sign3A_11 = arith.extui %sign3A_10 : i1 to i32
    %sign3A_12 = arith.subi %sign3A_8, %sign3A_11 : i32
    %ne3A = arith.cmpi ne, %sign3A_5, %sign3A_12 : i32
    %rem3A = arith.remsi %arg0, %jit3A : i32
    %ne3A_13 = arith.constant 0 : i32
    %ne3A_14 = arith.cmpi ne, %rem3A, %ne3A_13 : i32
    %and3A = arith.andi %ne3A, %ne3A_14 : i1
    %sub3A = arith.constant 1 : i32
    %sub3A_15 = arith.subi %div3A, %sub3A : i32
    %select_n3A = arith.select %and3A, %sub3A_15, %div3A : i32
    %jit3A_16 = arith.constant 8 : i32
    %eq3A = arith.constant 0 : i32
    %eq3A_17 = arith.cmpi eq, %jit3A_16, %eq3A : i32
    %jit3A_18 = arith.constant 1 : i32
    %select_n3A_19 = arith.select %eq3A_17, %jit3A_18, %jit3A_16 : i32
    %rem3A_20 = arith.remsi %arg0, %select_n3A_19 : i32
    %ne3A_21 = arith.constant 0 : i32
    %ne3A_22 = arith.cmpi ne, %rem3A_20, %ne3A_21 : i32
    %lt3A = arith.constant 0 : i32
    %lt3A_23 = arith.cmpi slt, %rem3A_20, %lt3A : i32
    %lt3A_24 = arith.constant 0 : i32
    %lt3A_25 = arith.cmpi slt, %select_n3A_19, %lt3A_24 : i32
    %ne3A_26 = arith.xori %lt3A_23, %lt3A_25 : i1
    %and3A_27 = arith.andi %ne3A_26, %ne3A_22 : i1
    %add3A = arith.addi %rem3A_20, %select_n3A_19 : i32
    %select_n3A_28 = arith.select %and3A_27, %add3A, %rem3A_20 : i32
    %c0_i32 = arith.constant 0 : i32
    %c0_i32_29 = arith.constant 0 : i32
    return %select_n3A, %c0_i32, %select_n3A_28 : i32, i32, i32
  }
  func.func @transform_1(%arg0: i32) -> (i32, i32, i32) {
    %jit3A = arith.constant 8 : i32
    %div3A = arith.divsi %arg0, %jit3A : i32
    %sign3A = arith.constant 0 : i32
    %sign3A_0 = arith.cmpi sgt, %arg0, %sign3A : i32
    %sign3A_1 = arith.extui %sign3A_0 : i1 to i32
    %sign3A_2 = arith.constant 0 : i32
    %sign3A_3 = arith.cmpi slt, %arg0, %sign3A_2 : i32
    %sign3A_4 = arith.extui %sign3A_3 : i1 to i32
    %sign3A_5 = arith.subi %sign3A_1, %sign3A_4 : i32
    %sign3A_6 = arith.constant 0 : i32
    %sign3A_7 = arith.cmpi sgt, %jit3A, %sign3A_6 : i32
    %sign3A_8 = arith.extui %sign3A_7 : i1 to i32
    %sign3A_9 = arith.constant 0 : i32
    %sign3A_10 = arith.cmpi slt, %jit3A, %sign3A_9 : i32
    %sign3A_11 = arith.extui %sign3A_10 : i1 to i32
    %sign3A_12 = arith.subi %sign3A_8, %sign3A_11 : i32
    %ne3A = arith.cmpi ne, %sign3A_5, %sign3A_12 : i32
    %rem3A = arith.remsi %arg0, %jit3A : i32
    %ne3A_13 = arith.constant 0 : i32
    %ne3A_14 = arith.cmpi ne, %rem3A, %ne3A_13 : i32
    %and3A = arith.andi %ne3A, %ne3A_14 : i1
    %sub3A = arith.constant 1 : i32
    %sub3A_15 = arith.subi %div3A, %sub3A : i32
    %select_n3A = arith.select %and3A, %sub3A_15, %div3A : i32
    %jit3A_16 = arith.constant 8 : i32
    %eq3A = arith.constant 0 : i32
    %eq3A_17 = arith.cmpi eq, %jit3A_16, %eq3A : i32
    %jit3A_18 = arith.constant 1 : i32
    %select_n3A_19 = arith.select %eq3A_17, %jit3A_18, %jit3A_16 : i32
    %rem3A_20 = arith.remsi %arg0, %select_n3A_19 : i32
    %ne3A_21 = arith.constant 0 : i32
    %ne3A_22 = arith.cmpi ne, %rem3A_20, %ne3A_21 : i32
    %lt3A = arith.constant 0 : i32
    %lt3A_23 = arith.cmpi slt, %rem3A_20, %lt3A : i32
    %lt3A_24 = arith.constant 0 : i32
    %lt3A_25 = arith.cmpi slt, %select_n3A_19, %lt3A_24 : i32
    %ne3A_26 = arith.xori %lt3A_23, %lt3A_25 : i1
    %and3A_27 = arith.andi %ne3A_26, %ne3A_22 : i1
    %add3A = arith.addi %rem3A_20, %select_n3A_19 : i32
    %select_n3A_28 = arith.select %and3A_27, %add3A, %rem3A_20 : i32
    %c0_i32 = arith.constant 0 : i32
    %c0_i32_29 = arith.constant 0 : i32
    return %select_n3A, %c0_i32, %select_n3A_28 : i32, i32, i32
  }
  func.func @transform_2(%arg0: i32) -> (i32, i32, i32) {
    %jit3A = arith.constant 8 : i32
    %div3A = arith.divsi %arg0, %jit3A : i32
    %sign3A = arith.constant 0 : i32
    %sign3A_0 = arith.cmpi sgt, %arg0, %sign3A : i32
    %sign3A_1 = arith.extui %sign3A_0 : i1 to i32
    %sign3A_2 = arith.constant 0 : i32
    %sign3A_3 = arith.cmpi slt, %arg0, %sign3A_2 : i32
    %sign3A_4 = arith.extui %sign3A_3 : i1 to i32
    %sign3A_5 = arith.subi %sign3A_1, %sign3A_4 : i32
    %sign3A_6 = arith.constant 0 : i32
    %sign3A_7 = arith.cmpi sgt, %jit3A, %sign3A_6 : i32
    %sign3A_8 = arith.extui %sign3A_7 : i1 to i32
    %sign3A_9 = arith.constant 0 : i32
    %sign3A_10 = arith.cmpi slt, %jit3A, %sign3A_9 : i32
    %sign3A_11 = arith.extui %sign3A_10 : i1 to i32
    %sign3A_12 = arith.subi %sign3A_8, %sign3A_11 : i32
    %ne3A = arith.cmpi ne, %sign3A_5, %sign3A_12 : i32
    %rem3A = arith.remsi %arg0, %jit3A : i32
    %ne3A_13 = arith.constant 0 : i32
    %ne3A_14 = arith.cmpi ne, %rem3A, %ne3A_13 : i32
    %and3A = arith.andi %ne3A, %ne3A_14 : i1
    %sub3A = arith.constant 1 : i32
    %sub3A_15 = arith.subi %div3A, %sub3A : i32
    %select_n3A = arith.select %and3A, %sub3A_15, %div3A : i32
    %jit3A_16 = arith.constant 8 : i32
    %eq3A = arith.constant 0 : i32
    %eq3A_17 = arith.cmpi eq, %jit3A_16, %eq3A : i32
    %jit3A_18 = arith.constant 1 : i32
    %select_n3A_19 = arith.select %eq3A_17, %jit3A_18, %jit3A_16 : i32
    %rem3A_20 = arith.remsi %arg0, %select_n3A_19 : i32
    %ne3A_21 = arith.constant 0 : i32
    %ne3A_22 = arith.cmpi ne, %rem3A_20, %ne3A_21 : i32
    %lt3A = arith.constant 0 : i32
    %lt3A_23 = arith.cmpi slt, %rem3A_20, %lt3A : i32
    %lt3A_24 = arith.constant 0 : i32
    %lt3A_25 = arith.cmpi slt, %select_n3A_19, %lt3A_24 : i32
    %ne3A_26 = arith.xori %lt3A_23, %lt3A_25 : i1
    %and3A_27 = arith.andi %ne3A_26, %ne3A_22 : i1
    %add3A = arith.addi %rem3A_20, %select_n3A_19 : i32
    %select_n3A_28 = arith.select %and3A_27, %add3A, %rem3A_20 : i32
    %c0_i32 = arith.constant 0 : i32
    %c0_i32_29 = arith.constant 0 : i32
    return %select_n3A, %c0_i32, %select_n3A_28 : i32, i32, i32
  }
  func.func @transform_3(%arg0: i32) -> (i32, i32, i32) {
    %jit3A = arith.constant 8 : i32
    %div3A = arith.divsi %arg0, %jit3A : i32
    %sign3A = arith.constant 0 : i32
    %sign3A_0 = arith.cmpi sgt, %arg0, %sign3A : i32
    %sign3A_1 = arith.extui %sign3A_0 : i1 to i32
    %sign3A_2 = arith.constant 0 : i32
    %sign3A_3 = arith.cmpi slt, %arg0, %sign3A_2 : i32
    %sign3A_4 = arith.extui %sign3A_3 : i1 to i32
    %sign3A_5 = arith.subi %sign3A_1, %sign3A_4 : i32
    %sign3A_6 = arith.constant 0 : i32
    %sign3A_7 = arith.cmpi sgt, %jit3A, %sign3A_6 : i32
    %sign3A_8 = arith.extui %sign3A_7 : i1 to i32
    %sign3A_9 = arith.constant 0 : i32
    %sign3A_10 = arith.cmpi slt, %jit3A, %sign3A_9 : i32
    %sign3A_11 = arith.extui %sign3A_10 : i1 to i32
    %sign3A_12 = arith.subi %sign3A_8, %sign3A_11 : i32
    %ne3A = arith.cmpi ne, %sign3A_5, %sign3A_12 : i32
    %rem3A = arith.remsi %arg0, %jit3A : i32
    %ne3A_13 = arith.constant 0 : i32
    %ne3A_14 = arith.cmpi ne, %rem3A, %ne3A_13 : i32
    %and3A = arith.andi %ne3A, %ne3A_14 : i1
    %sub3A = arith.constant 1 : i32
    %sub3A_15 = arith.subi %div3A, %sub3A : i32
    %select_n3A = arith.select %and3A, %sub3A_15, %div3A : i32
    %c0_i32 = arith.constant 0 : i32
    %c0_i32_16 = arith.constant 0 : i32
    %c0_i32_17 = arith.constant 0 : i32
    return %select_n3A, %c0_i32, %c0_i32_16 : i32, i32, i32
  }
  func.func @transform_4(%arg0: i32) -> (i32, i32, i32) {
    %c0_i32 = arith.constant 0 : i32
    %c0_i32_0 = arith.constant 0 : i32
    %c0_i32_1 = arith.constant 0 : i32
    return %arg0, %c0_i32, %c0_i32_0 : i32, i32, i32
  }
  func.func @transform_5(%arg0: i32) -> (i32, i32, i32) {
    %c0_i32 = arith.constant 0 : i32
    %c0_i32_0 = arith.constant 0 : i32
    %c0_i32_1 = arith.constant 0 : i32
    return %arg0, %c0_i32, %c0_i32_0 : i32, i32, i32
  }
  func.func @transform_6(%arg0: i32) -> (i32, i32, i32) {
    %jit3A = arith.constant 8 : i32
    %div3A = arith.divsi %arg0, %jit3A : i32
    %sign3A = arith.constant 0 : i32
    %sign3A_0 = arith.cmpi sgt, %arg0, %sign3A : i32
    %sign3A_1 = arith.extui %sign3A_0 : i1 to i32
    %sign3A_2 = arith.constant 0 : i32
    %sign3A_3 = arith.cmpi slt, %arg0, %sign3A_2 : i32
    %sign3A_4 = arith.extui %sign3A_3 : i1 to i32
    %sign3A_5 = arith.subi %sign3A_1, %sign3A_4 : i32
    %sign3A_6 = arith.constant 0 : i32
    %sign3A_7 = arith.cmpi sgt, %jit3A, %sign3A_6 : i32
    %sign3A_8 = arith.extui %sign3A_7 : i1 to i32
    %sign3A_9 = arith.constant 0 : i32
    %sign3A_10 = arith.cmpi slt, %jit3A, %sign3A_9 : i32
    %sign3A_11 = arith.extui %sign3A_10 : i1 to i32
    %sign3A_12 = arith.subi %sign3A_8, %sign3A_11 : i32
    %ne3A = arith.cmpi ne, %sign3A_5, %sign3A_12 : i32
    %rem3A = arith.remsi %arg0, %jit3A : i32
    %ne3A_13 = arith.constant 0 : i32
    %ne3A_14 = arith.cmpi ne, %rem3A, %ne3A_13 : i32
    %and3A = arith.andi %ne3A, %ne3A_14 : i1
    %sub3A = arith.constant 1 : i32
    %sub3A_15 = arith.subi %div3A, %sub3A : i32
    %select_n3A = arith.select %and3A, %sub3A_15, %div3A : i32
    %c0_i32 = arith.constant 0 : i32
    %c0_i32_16 = arith.constant 0 : i32
    %c0_i32_17 = arith.constant 0 : i32
    return %select_n3A, %c0_i32, %c0_i32_16 : i32, i32, i32
  }
  func.func @transform_7(%arg0: i32) -> (i32, i32, i32) {
    %jit3A = arith.constant 8 : i32
    %div3A = arith.divsi %arg0, %jit3A : i32
    %sign3A = arith.constant 0 : i32
    %sign3A_0 = arith.cmpi sgt, %arg0, %sign3A : i32
    %sign3A_1 = arith.extui %sign3A_0 : i1 to i32
    %sign3A_2 = arith.constant 0 : i32
    %sign3A_3 = arith.cmpi slt, %arg0, %sign3A_2 : i32
    %sign3A_4 = arith.extui %sign3A_3 : i1 to i32
    %sign3A_5 = arith.subi %sign3A_1, %sign3A_4 : i32
    %sign3A_6 = arith.constant 0 : i32
    %sign3A_7 = arith.cmpi sgt, %jit3A, %sign3A_6 : i32
    %sign3A_8 = arith.extui %sign3A_7 : i1 to i32
    %sign3A_9 = arith.constant 0 : i32
    %sign3A_10 = arith.cmpi slt, %jit3A, %sign3A_9 : i32
    %sign3A_11 = arith.extui %sign3A_10 : i1 to i32
    %sign3A_12 = arith.subi %sign3A_8, %sign3A_11 : i32
    %ne3A = arith.cmpi ne, %sign3A_5, %sign3A_12 : i32
    %rem3A = arith.remsi %arg0, %jit3A : i32
    %ne3A_13 = arith.constant 0 : i32
    %ne3A_14 = arith.cmpi ne, %rem3A, %ne3A_13 : i32
    %and3A = arith.andi %ne3A, %ne3A_14 : i1
    %sub3A = arith.constant 1 : i32
    %sub3A_15 = arith.subi %div3A, %sub3A : i32
    %select_n3A = arith.select %and3A, %sub3A_15, %div3A : i32
    %c0_i32 = arith.constant 0 : i32
    %c0_i32_16 = arith.constant 0 : i32
    %c0_i32_17 = arith.constant 0 : i32
    return %select_n3A, %c0_i32, %c0_i32_16 : i32, i32, i32
  }
  func.func @transform_8(%arg0: i32) -> (i32, i32, i32) {
    %c0_i32 = arith.constant 0 : i32
    %c0_i32_0 = arith.constant 0 : i32
    %c0_i32_1 = arith.constant 0 : i32
    return %arg0, %c0_i32, %c0_i32_0 : i32, i32, i32
  }
}

</mosaic_0001>

<sc_bundles>
// kernel: gather_offload_async_start.1
scs
__scs_entry_jumppad:
0x0: {  	(pc) =	sbr.rel $0x88, $3  }
0x1: {  	(tag) =	ssettag $0x0;
	lr =	simm.s32 $0x1  }
0x2: {  	[smem:$0x3F9D] =	sst lr;
	_ =	strace $0xD0000000  }
0x3: {  	_ = 	snop  }
0x4: {  	_ = 	snop  }
0x5: {  	_ = 	snop  }
0x6: {  	_ = 	snop  }
0x7: {  	_ = 	snop  }
__scs_overlays_trampoline_lowered:
0x8: {  	[smem:$0x3FAC] =	sst s0  }
0x9: {  	[smem:$0x3FAD] =	sst s1  }
0xa: {  	[smem:$0x3FAE] =	sst s2  }
0xb: {  	[smem:$0x3FAF] =	sst s3  }
0xc: {  	[smem:$0x3FB0] =	sst s4  }
0xd: {  	[smem:$0x3FB1] =	sst s5  }
0xe: {  	[smem:$0x3FB2] =	sst s6  }
0xf: {  	[smem:$0x3FB3] =	sst s7  }
0x10: {  	[smem:$0x3FB4] =	sst s8  }
0x11: {  	[smem:$0x3FB5] =	sst s9;
	s0 =	simm.s32 @!p0 $0x0  }
0x12: {  	s1 =	sld [smem:$0x3F9B];
	s0 =	simm.s32 @p0 $0x1  }
0x13: {  	[smem:$0x3FB6] =	sst s0;
	s0 =	simm.s32 @!p1 $0x0  }
0x14: {  	s2 =	sld [smem:$0x3F9A];
	s0 =	simm.s32 @p1 $0x1  }
0x15: {  	[smem:$0x3FB7] =	sst s0;
	s0 =	simm.s32 @!p2 $0x0  }
0x16: {  	s3 =	sld [smem:$0x3FDB];
	s0 =	simm.s32 @p2 $0x1  }
0x17: {  	s4 =	simm.s32 $0x1BF5;
	[smem:$0x3FB9] =	sst s0  }
0x18: {  	s0 =	sld [smem:$0x3F9C];
	_ =	swait.ge [sflag:s4], $0x0  }
0x19: {  	s7 =	sld [smem:$0x3F9D]  }
0x1a: {  	s8 =	sadd.s32 $0xFFFFE003, lr  }
0x1b: {  	s9 =	sadd.s32 $0xFFFFFEF7, lr;
	s5 =	simm.s32 $0xFFFFFFFF;
	p2 =	slt.u32 s8, $0xFFFFF086  }
0x1c: {  	p1 =	slt.u32 s9, $0xF7A;
	s5 =	simm.s32 @!p2 $0x0  }
0x1d: {  	s5 =	simm.s32 @p1 $0x1;
	p0 =	seq.s32 s7, s2  }
0x1e: {  	s7 =	smul.u32 @!p0 $0xF7A, s2;
	p2 =	seq.s32 @!p0 s5, $0x0  }
0x1f: {  	s9 =	smul.u32 $0xF7A, s1;
	s8 =	simm.s32 @!p0 $0x1BF5;
	p2 =	por !p2, p0  }
0x20: {  	[sflag:s8] =	ssyncset.s32 @!p0 $0xFFFFF086;
	s6 =	sadd.s32 @!p0 s3, s7;
	s7 =	simm.s32 @!p0 $0x108  }
0x21: {  	s3 =	sadd.s32 s3, s9;
	s6 =	sadd.s32 @!p0 $0x88, s6;
	s7 =	simm.s32 @p2 $0x1082  }
0x22: {  	[simem:s7], [sflag:s8] =	dma.local @!p0 [hbm:s6], $0xF7A  }
0x23: {  	s9 =	sor.u32 $0xD0000000, s2;
	s6 =	simm.s32 $0x108;
	_ =	swait.ge @!p0 [sflag:s8], $0x0  }
0x24: {  	s3 =	sadd.s32 $0x88, s3;
	s6 =	simm.s32 @!p1 $0x1082;
	[sflag:s4] =	ssyncset.s32 $0xFFFFF086  }
0x25: {  	[simem:s6], [sflag:s4] =	dma.local [hbm:s3], $0xF7A  }
0x26: {  	[smem:$0x3F9D] =	sst s1;
	(tag) =	ssettag s2;
	_ =	strace s9  }
0x27: {  	s1 =	sld [smem:$0x3FAD]  }
0x28: {  	s2 =	sld [smem:$0x3FAE]  }
0x29: {  	s4 =	sld [smem:$0x3FB0]  }
0x2a: {  	p0 =	seq.s32 s5, $0x0;
	s5 =	sld [smem:$0x3FB1]  }
0x2b: {  	s6 =	sld [smem:$0x3FB2]  }
0x2c: {  	s7 =	sld [smem:$0x3FB3]  }
0x2d: {  	s3 =	simm.s32 $0x108;
	s8 =	sld [smem:$0x3FB4]  }
0x2e: {  	s3 =	simm.s32 @!p0 $0x1082;
	s9 =	sld [smem:$0x3FB5]  }
0x2f: {  	lr =	sadd.s32 s0, s3;
	s0 =	sld [smem:$0x3FAC]  }
0x30: {  	s3 =	sld [smem:$0x3FAF]  }
0x31: {  	[smem:$0x3FB8] =	sst s10  }
0x32: {  	s10 =	sld [smem:$0x3FB6];
	_ =	sdelay $0x3  }
0x33: {  	p0 =	seq.s32 s10, $0x1;
	s10 =	sld [smem:$0x3FB8];
	_ =	sdelay $0x3  }
0x34: {  	[smem:$0x3FB8] =	sst s10  }
0x35: {  	s10 =	sld [smem:$0x3FB7];
	_ =	sdelay $0x3  }
0x36: {  	p1 =	seq.s32 s10, $0x1;
	s10 =	sld [smem:$0x3FB8];
	_ =	sdelay $0x3  }
0x37: {  	[smem:$0x3FB8] =	sst s10  }
0x38: {  	s10 =	sld [smem:$0x3FB9]  }
0x39: {  	_ = 	snop;
	(pc) =	sbr.ind lr, $3  }
0x3a: {  	_ = 	snop  }
0x3b: {  	_ = 	snop  }
0x3c: {  	p2 =	seq.s32 s10, $0x1;
	s10 =	sld [smem:$0x3FB8]  }
0x3d: {  	_ =	shalt  }
0x3e: {  	_ =	shalt  }
0x3f: {  	_ =	shalt  }
0x40: {  	_ =	shalt  }
0x41: {  	_ =	shalt  }
0x42: {  	_ =	shalt  }
0x43: {  	_ =	shalt  }
0x44: {  	_ =	shalt  }
0x45: {  	_ =	shalt  }
0x46: {  	_ =	shalt  }
0x47: {  	_ =	shalt  }
0x48: {  	_ =	shalt  }
0x49: {  	_ =	shalt  }
0x4a: {  	_ =	shalt  }
0x4b: {  	_ =	shalt  }
0x4c: {  	_ =	shalt  }
0x4d: {  	_ =	shalt  }
0x4e: {  	_ =	shalt  }
0x4f: {  	_ =	shalt  }
0x50: {  	_ =	shalt  }
0x51: {  	_ =	shalt  }
0x52: {  	_ =	shalt  }
0x53: {  	_ =	shalt  }
0x54: {  	_ =	shalt  }
0x55: {  	_ =	shalt  }
0x56: {  	_ =	shalt  }
0x57: {  	_ =	shalt  }
0x58: {  	_ =	shalt  }
0x59: {  	_ =	shalt  }
0x5a: {  	_ =	shalt  }
0x5b: {  	_ =	shalt  }
0x5c: {  	_ =	shalt  }
0x5d: {  	_ =	shalt  }
0x5e: {  	_ =	shalt  }
0x5f: {  	_ =	shalt  }
0x60: {  	_ =	shalt  }
0x61: {  	_ =	shalt  }
0x62: {  	_ =	shalt  }
0x63: {  	_ =	shalt  }
0x64: {  	_ =	shalt  }
0x65: {  	_ =	shalt  }
0x66: {  	_ =	shalt  }
0x67: {  	_ =	shalt  }
0x68: {  	_ =	shalt  }
0x69: {  	_ =	shalt  }
0x6a: {  	_ =	shalt  }
0x6b: {  	_ =	shalt  }
0x6c: {  	_ =	shalt  }
0x6d: {  	_ =	shalt  }
0x6e: {  	_ =	shalt  }
0x6f: {  	_ =	shalt  }
0x70: {  	_ =	shalt  }
0x71: {  	_ =	shalt  }
0x72: {  	_ =	shalt  }
0x73: {  	_ =	shalt  }
0x74: {  	_ =	shalt  }
0x75: {  	_ =	shalt  }
0x76: {  	_ =	shalt  }
0x77: {  	_ =	shalt  }
0x78: {  	_ =	shalt  }
0x79: {  	_ =	shalt  }
0x7a: {  	_ =	shalt  }
0x7b: {  	_ =	shalt  }
0x7c: {  	_ =	shalt  }
0x7d: {  	_ =	shalt  }
0x7e: {  	_ =	shalt  }
0x7f: {  	_ =	shalt  }
0x80: {  	_ =	shalt  }
0x81: {  	_ =	shalt  }
0x82: {  	_ =	shalt  }
0x83: {  	_ =	shalt  }
0x84: {  	_ =	shalt  }
0x85: {  	_ =	shalt  }
0x86: {  	_ =	shalt  }
0x87: {  	_ =	shalt  }
.Lfunc_end0:
.L_simem_size_0:
called_computation.2_lowered:
.L_overlay_start_0:
0x88: {  	s2 =	sld [smem:$0x3FD9]  }
0x89: {  	s3 =	sld [smem:$0x3FFE];
	_ =	sdelay $0x1  }
0x8a: {  	s1 =	srdreg.scid  }
0x8b: {  	s0 =	sand.u32 $0x1, s1  }
0x8c: {  	s17 =	sshll.u32 s0, $0xA;
	s2 =	sadd.s32 s3, s2  }
0x8d: {  	s2 =	sadd.s32 s2, s17  }
0x8e: {  	[smem:$0x3FC4] =	sst s2  }
0x8f: {  	_ = 	snop  }
0x90: {  	(tm) =	ssettm $0x1  }
0x91: {  	s18 =	sld [smem:$0x3FFB];
	_ =	sdelay $0x3  }
0x92: {  	_ =	strace s18  }
0x93: {  	s2 =	sld [smem:$0x3FFC];
	_ =	sdelay $0x3  }
0x94: {  	_ =	strace s2  }
0x95: {  	s2 =	sld [smem:$0x3FFD];
	_ =	sdelay $0x3  }
0x96: {  	_ =	strace s2  }
0x97: {  	_ =	strace $0x8FFFFFFF  }
0x98: {  	s19 =	sld [smem:$0x3FDB];
	_ =	sdelay $0x1  }
0x99: {  	s20 =	simm.s32 $_scs_section_size  }
0x9a: {  	s4 =	simm.s32 $_size__tile_overlayer_lowered;
	s5 =	simm.s32 $_tile_overlayer_lowered  }
0x9b: {  	s6 =	simm.s32 $0x1BFF;
	s21 =	sshll.u32 s5, $0x1;
	s3 =	sadd.s32 s20, s19  }
0x9c: {  	s22 =	simm.s32 $0x0;
	s4 =	sshll.u32 s4, $0x1;
	s5 =	sadd.s32 s21, s3  }
0x9d: {  	[timem:s22], [sflag:s6] =	dma.local [hbm:s5], s4  }
0x9e: {  	_ =	swait.ge [sflag:s6], s4  }
0x9f: {  	s4 =	ssub.s32 $0x0, s4;
	[sflag:s6] =	ssyncset.done $0x0  }
0xa0: {  	[sflag:s6] =	ssyncadd.s32 s4;
	_ =	sdelay $0x1  }
0xa1: {  	s23 =	simm.s32 $0x1B8B  }
0xa2: {  	_ =	swait.ge [sflag:s23], $0x1  }
0xa3: {  	[sflag:s23] =	ssyncset.done $0x0  }
0xa4: {  	[sflag:s23] =	ssyncadd.s32 $0xFFFFFFFF  }
0xa5: {  	s4 =	sld [smem:$0x0]  }
0xa6: {  	s5 =	sand.u32 $0xFFFFFFFE, s1  }
0xa7: {  	p0 =	sne.s32 s1, s5  }
0xa8: {  	s5 =	sshll.u32 @p0 s5, $0xE  }
0xa9: {  	s5 =	sadd.s32 @p0 $0x11B8D, s5;
	s6 =	sshll.u32 @p0 s4, $0x11  }
0xaa: {  	s5 =	sor.u32 @p0 s6, s5  }
0xab: {  	[sflag:s5] =	ssyncadd.remote.s32 @p0 $0x1;
	_ =	sdelay $0x1  }
0xac: {  	s5 =	simm.s32 @p0 $0x1B8D  }
0xad: {  	_ =	swait.eq @p0 [sflag:s5], $0x1  }
0xae: {  	[sflag:s5] =	ssyncadd.s32 @p0 $0xFFFFFFFF  }
0xaf: {  	s6 =	sshll.u32 @!p0 s1, $0xE  }
0xb0: {  	s6 =	sor.u32 @!p0 $0x4000, s6;
	s5 =	simm.s32 @!p0 $0x1B8D  }
0xb1: {  	s4 =	sshll.u32 @!p0 s4, $0x11;
	s6 =	sadd.s32 @!p0 $0x11B8D, s6;
	_ =	swait.eq @!p0 [sflag:s5], $0x1  }
0xb2: {  	s4 =	sor.u32 @!p0 s4, s6;
	[sflag:s5] =	ssyncadd.s32 @!p0 $0xFFFFFFFF  }
0xb3: {  	s25 =	simm.s32 $0x1B8E;
	s24 =	sld [smem:$0x3FFE];
	[sflag:s4] =	ssyncadd.remote.s32 @!p0 $0x1  }
0xb4: {  	s26 =	simm.s32 $execute0_lowered;
	[smem:$0x3FD2] =	sst s25  }
0xb5: {  	s5 =	sshll.u32 s26, $0x1;
	_ =	strace $0x8000004C;
	[dreg:$0x1] =	wrdreg $0xFFFFFFFF  }
0xb6: {  	s28 =	simm.s32 $_size_execute0_lowered;
	s3 =	sadd.s32 s3, s5;
	[dreg:$0x0] =	wrdreg $0x0  }
0xb7: {  	s5 =	sshll.u32 s28, $0x1;
	[dreg:$0x2] =	wrdreg s3  }
0xb8: {  	[dreg:$0x3] =	wrdreg s5  }
0xb9: {  	[dreg:$0x4] =	wrdreg $0xC0  }
0xba: {  	_ =	task [dreg:s22], $0x5FFFF  }
0xbb: {  	[dreg:$0x1] =	wrdreg $0xFFFFFFFF  }
0xbc: {  	[dreg:$0x0] =	wrdreg $0x60  }
0xbd: {  	[dreg:$0x2] =	wrdreg s24  }
0xbe: {  	[dreg:$0x3] =	wrdreg $0xA  }
0xbf: {  	_ =	task.clear_ibuf [dreg:s22], $0x4FFFF;
	_ =	strace $0x9000004C  }
0xc0: {  	s29 =	simm.s32 $0xA;
	_ =	strace $0x8000004E  }
0xc1: {  	_ =	swait.ge [sflag:s29], $0x1  }
0xc2: {  	[sflag:s29] =	ssyncadd.s32 $0xFFFFFFFF  }
0xc3: {  	_ =	strace $0x9000004E  }
0xc4: {  	_ =	sfence  }
0xc5: {  	s30 =	sld [smem:$0x0];
	_ =	sdelay $0x2  }
0xc6: {  	s31 =	sshll.u32 s1, $0xD;
	s1 =	sshrl.u32 s1, $0x2  }
0xc7: {  	s4 =	sand.u32 $0x4000, s31;
	s1 =	sadd.s32 s1, s30  }
0xc8: {  	s0 =	sor.u32 s4, s0;
	s1 =	sshll.u32 s1, $0x11  }
0xc9: {  	s0 =	sor.u32 s1, s0  }
0xca: {  	s0 =	sadd.s32 $0x8F2B, s0  }
0xcb: {  	[sflag:s0] =	ssyncadd.remote.s32 $0x1  }
0xcc: {  	_ =	sfence.sel $0xFFFF  }
0xcd: {  	[dreg:$0x0] =	wrdreg $0xFFFFFFFF;
	(pc) =	sbr.abs _section_cstart, $3  }
0xce: {  	[dreg:$0x1] =	wrdreg $0xFFFFFFFF  }
0xcf: {  	_ =	task.clear_ibuf [dreg:s22], $0x2FFFF;
	_ =	strace $0x9FFFFFFF  }
0xd0: {  	(tm) =	ssettm $0x7FFFFFFF  }
0xd1: {  	_ =	shalt  }
tec
execute0_lowered:
.L_overlay_start_1:
0x0: {  	(tag) =	ssettag $0x1  }
0x1: {  	s0 =	srdreg.scid  }
0x2: {  	s1 =	sshll.u32 s0, $0x4  }
0x3: {  	s0 =	stileid.u32;
	s1 =	sand.u32 $0x10, s1  }
0x4: {  	s1 =	sor.u32 s0, s1  }
0x5: {  	s2 =	smin.u32 s1, $0x6  }
0x6: {  	s2 =	sadd.s32 s1, s2  }
0x7: {  	p0 =	slt.u32 s1, $0x6;
	s1 =	simm.s32 $0x300;
	s2 =	smul.u32 $0x180, s2  }
0x8: {  	s1 =	simm.s32 @!p0 $0x180  }
0x9: {  	s1 =	sadd.s32 s1, s2  }
0xa: {  	s3 =	smin.u32 s1, $0x3900  }
0xb: {  	s7 =	ssub.s32 s3, s2  }
0xc: {  	p0 =	sgt.s32 s7, $0x0  }
0xd: {  	s7 =	simm.s32 @!p0 $0x0  }
0xe: {  	s31 =	smul.u32 $0xAAAB, s7  }
0xf: {  	s9 =	rddreg [dreg:$0x0];
	s6 =	simm.s32 $0x1;
	s11 =	simm.s32 $0x3  }
0x10: {  	s13 =	simm.s32 $0x0;
	s12 =	simm.s32 $0x0;
	s8 =	sshrl.u32 s31, $0x18  }
0x11: {  	s4 =	sadd.s32 $0x8400, s9;
	s5 =	sadd.s32 $0x8A200, s9;
	s10 =	smul.u32 $0x180, s8  }
.Ltmp0:
0x12: {  	s9 =	sadd.s32 $0x41400, s9;
	s1 =	rddreg [dreg:$0x1];
	(pc) =	sbr.rel .LBB2_1-.Ltmp0, $4  }
0x13: {  	_ =	strace $0x8000004D;
	p0 =	sne.s32 s7, s10;
	s10 =	simm.s32 $0x1  }
0x14: {  	[sflag:s6] =	ssyncpa.u1 $0x0;
	s7 =	simm.s32 $0x2;
	s10 =	simm.s32 @!p0 $0x0  }
0x15: {  	[sflag:s7] =	ssyncpa.u1 $0x0;
	p0 =	por $0x0, $0x0;
	s8 =	sadd.s32 s8, s10  }
0x16: {  	vm0 =	vmmov $0xff;
	vm1 =	vcmask $0x3F20;
	[sflag:s11] =	ssyncpa.u1 $0x0;
	s11 =	smov.u32 s2;
	s10 =	sadd.s32 $0x1, s8  }
.LBB2_6:
0x17: {  	[hbm:s17] =	stream.linear.scatter [tilespmem:s14], [sflag:$0x3], $0x400, $0x38;
	[tilespmem:$0x18300] =	vst v63  }
.LBB2_7:
0x18: {  	s13 =	sadd.s32 $0x180, s11  }
0x19: {  	s15 =	smov.u32 s2;
	p2 =	slt.s32 s13, s3  }
0x1a: {  	s15 =	smov.u32 @p2 s13;
	p2 =	sne.s32 s12, s10  }
.Ltmp1:
0x1b: {  	p1 =	slt.u32 s12, $0x2;
	(pc) =	sbr.rel @!p2 .LBB2_8-.Ltmp1, $4  }
0x1c: {  	s14 =	simm.s32 @!p1 $0x3  }
0x1d: {  	s16 =	sadd.s32 $0x1, s12;
	_ =	swait.ge @!p1 [sflag:s14], $0xC000  }
0x1e: {  	p0 =	por !p0, !p0;
	s13 =	smov.u32 s11;
	[sflag:s14] =	ssyncset.done @!p1 $0x0  }
0x1f: {  	s12 =	smov.u32 s16;
	s11 =	smov.u32 s15;
	[sflag:s14] =	ssyncadd.s32 @!p1 $0xFFFF4000  }
.LBB2_1:
0x20: {  	p1 =	sge.u32 s12, s8  }
0x21: {  	s14 =	sxor.u32 @!p1 $0xFFFFFFFF, s12  }
0x22: {  	s14 =	sand.u32 @!p1 $0x1, s14  }
0x23: {  	s14 =	smul.u32 @!p1 $0x600, s14  }
0x24: {  	s31 =	sadd.s32 $0xFFFFFFFF, s12;
	s15 =	sshrl.u32 @!p1 s11, $0x3  }
0x25: {  	s16 =	sand.u32 @!p1 $0x7, s11;
	s15 =	sadd.s32 @!p1 s5, s15;
	s14 =	sshrl.u32 @!p1 s14, $0x2  }
0x26: {  	[tilespmem:s14], [sflag:$0x2] =	stream.linear.gather @!p1 [hbm4b:s15+s16], $0x180, $0x38;
	[tilespmem:$0x18300] =	vst v63  }
0x27: {  	p1 =	sge.u32 s31, s8  }
.Ltmp2:
0x28: {  	_ = 	snop;
	(pc) =	sbr.rel @p1 .LBB2_7-.Ltmp2, $1  }
0x29: {  	_ =	sdelay $0x3  }
0x2a: {  	s14 =	simm.s32 $0x1  }
0x2b: {  	s14 =	simm.s32 @!p0 $0x0  }
0x2c: {  	s15 =	smul.u32 $0x600, s14  }
0x2d: {  	_ =	swait.ge [sflag:s7], $0x180  }
0x2e: {  	[sflag:s7] =	ssyncset.done $0x0;
	s16 =	sshrl.u32 s15, $0x2  }
0x2f: {  	[sflag:s7] =	ssyncadd.s32 $0xFFFFFE80;
	s15 =	sadd.s32 $0x0, s16  }
0x30: {  	v0 =	vld.msk [tilespmem:s15+$0x0 ss:$0x1], $0xffff;
	_ =	sdelay $0x4  }
0x31: {  	v1 =	vand.u32 $0x3FF, v0;
	v2 =	vshrl.u32 v0, $0x3  }
0x32: {  	vm2 =	veq.s32 v0, $0x80000000;
	v0 =	vmul.u32 $0xC00, v1;
	v1 =	vand.u32 $0xF80, v2  }
0x33: {  	v1 =	vsel vm2, $0xFFFFFF80, v1  }
0x34: {  	v0 =	vsel vm2, $0xFFFFF400, v0;
	v2 =	vand.u32 $0xFFFFFC00, v1  }
0x35: {  	v1 =	vand.u32 $0x380, v1;
	v0 =	vadd.s32 v0, v2  }
0x36: {  	v0 =	vor.u32 v1, v0  }
0x37: {  	v0 =	vshrl.u32 v0, $0x3  }
0x38: {  	s14 =	smul.u32 $0x30000, s14;
	_ =	sdelay $0x1  }
0x39: {  	s14 =	sshrl.u32 s14, $0x2  }
0x3a: {  	s14 =	sor.u32 $0x300, s14  }
0x3b: {  	[tilespmem:s14], [sflag:$0x1] =	stream.indirect_vreg.gather [hbm:s4], $0x80, v0, vm0, $0x38;
	[tilespmem:$0x18300] =	vst v63  }
0x3c: {  	s17 =	sadd.s32 $0x10, s16;
	s15 =	sadd.s32 $0x400, s14  }
0x3d: {  	[tilespmem:s15], [sflag:$0x1] =	stream.indirect_vreg.gather [hbm:s4], $0x80, v0, vm1, $0x38;
	[tilespmem:$0x18300] =	vst v63  }
0x3e: {  	s18 =	simm.s32 $0x80;
	v0 =	vld.msk [tilespmem:s17+$0x0 ss:$0x1], $0xffff;
	s17 =	smov.u32 s14  }
.LBB2_3:
0x3f: {  	p1 =	sne.s32 s18, $0x5C0;
	_ =	sdelay $0x4  }
0x40: {  	v1 =	vand.u32 $0x3FF, v0;
	v2 =	vshrl.u32 v0, $0x3  }
0x41: {  	vm2 =	veq.s32 v0, $0x80000000;
	v0 =	vmul.u32 $0xC00, v1;
	v1 =	vand.u32 $0xF80, v2  }
0x42: {  	v1 =	vsel vm2, $0xFFFFFF80, v1  }
0x43: {  	v0 =	vsel vm2, $0xFFFFF400, v0;
	v2 =	vand.u32 $0xFFFFFC00, v1  }
0x44: {  	v1 =	vand.u32 $0x380, v1;
	v0 =	vadd.s32 v0, v2  }
0x45: {  	v0 =	vor.u32 v1, v0  }
0x46: {  	v0 =	vshrl.u32 v0, $0x3;
	_ =	sdelay $0x3  }
.Ltmp3:
0x47: {  	s19 =	sshra.s32 s18, $0x2;
	s17 =	sadd.s32 $0x800, s17;
	(pc) =	sbr.rel @p1 .LBB2_3-.Ltmp3, $4  }
0x48: {  	[tilespmem:s17], [sflag:$0x1] =	stream.indirect_vreg.gather [hbm:s4], $0x80, v0, vm0, $0x38;
	[tilespmem:$0x18300] =	vst v63  }
0x49: {  	s19 =	sadd.s32 s19, s16;
	s20 =	sadd.s32 $0x400, s17  }
0x4a: {  	[tilespmem:s20], [sflag:$0x1] =	stream.indirect_vreg.gather [hbm:s4], $0x80, v0, vm1, $0x38;
	[tilespmem:$0x18300] =	vst v63  }
0x4b: {  	s18 =	sadd.s32 $0x40, s18;
	v0 =	vld.msk [tilespmem:s19+$0x0 ss:$0x1], $0xffff  }
0x4c: {  	_ =	sdelay $0x3  }
0x4d: {  	v1 =	vand.u32 $0x3FF, v0;
	v2 =	vshrl.u32 v0, $0x3  }
0x4e: {  	vm2 =	veq.s32 v0, $0x80000000;
	v61 =	vmul.u32 $0xC00, v1;
	v62 =	vand.u32 $0xF80, v2  }
0x4f: {  	v1 =	vsel vm2, $0xFFFFFF80, v62  }
0x50: {  	v0 =	vsel vm2, $0xFFFFF400, v61;
	v63 =	vand.u32 $0xFFFFFC00, v1  }
0x51: {  	v1 =	vand.u32 $0x380, v1;
	v0 =	vadd.s32 v0, v63  }
0x52: {  	v0 =	vor.u32 v1, v0  }
0x53: {  	v0 =	vshrl.u32 v0, $0x3;
	_ =	sdelay $0x3  }
0x54: {  	s16 =	sadd.s32 $0x800, s17  }
0x55: {  	[tilespmem:s16], [sflag:$0x1] =	stream.indirect_vreg.gather [hbm:s4], $0x80, v0, vm0, $0x38;
	[tilespmem:$0x18300] =	vst v63  }
0x56: {  	s16 =	sadd.s32 $0x400, s16  }
0x57: {  	[tilespmem:s16], [sflag:$0x1] =	stream.indirect_vreg.gather [hbm:s4], $0x80, v0, vm1, $0x38;
	[tilespmem:$0x18300] =	vst v63  }
0x58: {  	s13 =	sshll.u32 s13, $0x4;
	_ =	swait.ge [sflag:s6], $0xC000  }
0x59: {  	s13 =	sadd.s32 s13, s9;
	[sflag:s6] =	ssyncset.done $0x0  }
0x5a: {  	s17 =	sadd.s32 $0x0, s13;
	s16 =	simm.s32 $0x80;
	[sflag:s6] =	ssyncadd.s32 $0xFFFF4000  }
.LBB2_5:
0x5b: {  	[hbm:s17] =	stream.linear.scatter [tilespmem:s14], [sflag:$0x3], $0x400, $0x38;
	[tilespmem:$0x18300] =	vst v63  }
0x5c: {  	s17 =	smov.u32 s16;
	s14 =	smov.u32 s15;
	p1 =	sne.s32 s16, $0x1780  }
.Ltmp4:
0x5d: {  	s16 =	sadd.s32 $0x80, s16;
	(pc) =	sbr.rel @p1 .LBB2_5-.Ltmp4, $2  }
0x5e: {  	_ =	sdelay $0x2  }
0x5f: {  	s15 =	sadd.s32 $0x400, s15;
	s17 =	sadd.s32 s17, s13  }
.Ltmp5:
0x60: {  	_ = 	snop;
	(pc) =	sbr.rel .LBB2_6-.Ltmp5, $1  }
0x61: {  	_ =	sdelay $0x3  }
.LBB2_8:
0x62: {  	_ =	sfence.sel $0x180000  }
0x63: {  	s2 =	simm.s32 $0x2;
	[bflag:$0x0] =	sbarrier.arrive $0xFFFF  }
0x64: {  	s30 =	simm.s32 $0x3;
	[sflag:s2] =	ssyncpa.u1 $0x1  }
0x65: {  	s31 =	simm.s32 $0x1;
	[sflag:s30] =	ssyncpa.u1 $0x1  }
0x66: {  	[sflag:s31] =	ssyncpa.u1 $0x1  }
0x67: {  	p0 =	sne.s32 s0, $0x0;
	_ =	strace $0x9000004D  }
0x68: {  	s0 =	sadd.s32 @!p0 $0x100000, s1;
	[bflag:$0x2] =	sbarrier.arrive $0xFFFF  }
0x69: {  	[sflag:s0] =	ssyncadd.tile.s32 @!p0 $0x1;
	_ =	shalt  }
.Lfunc_end2:
_tile_overlayer_lowered:
.L_overlay_start_2:
0x6a: {  	(tag) =	ssettag $0x2  }
0x6b: {  	s0 =	rddreg [dreg:$0x0];
	s2 =	stileid.u32  }
0x6c: {  	s1 =	rddreg [dreg:$0x1];
	p0 =	sne.s32 s2, $0x0  }
0x6d: {  	s3 =	rddreg [dreg:$0x2];
	[bflag:$0x3] =	sbarrier.arrive $0xFFFF;
	s2 =	simm.s32 @!p0 $0x1C01  }
0x6e: {  	[timem:s3], [sflag:s2] =	dma.local @!p0 [hbm:s0], s1  }
0x6f: {  	s0 =	simm.s32 @!p0 $0x1  }
0x70: {  	_ =	swait.ge @!p0 [sflag:s0], s1  }
0x71: {  	s1 =	ssub.s32 @!p0 $0x0, s1;
	[sflag:s0] =	ssyncset.done @!p0 $0x0  }
0x72: {  	[sflag:s0] =	ssyncadd.s32 @!p0 s1  }
0x73: {  	[bflag:$0x3] =	sbarrier.arrive $0xFFFF  }
0x74: {  	_ =	shalt  }

// kernel: gather_offload_async_start
scs
__scs_entry_jumppad:
0x0: {  	(pc) =	sbr.rel $0x88, $3  }
0x1: {  	(tag) =	ssettag $0x0;
	lr =	simm.s32 $0x1  }
0x2: {  	[smem:$0x3F9D] =	sst lr;
	_ =	strace $0xD0000000  }
0x3: {  	_ = 	snop  }
0x4: {  	_ = 	snop  }
0x5: {  	_ = 	snop  }
0x6: {  	_ = 	snop  }
0x7: {  	_ = 	snop  }
__scs_overlays_trampoline_lowered:
0x8: {  	[smem:$0x3FAC] =	sst s0  }
0x9: {  	[smem:$0x3FAD] =	sst s1  }
0xa: {  	[smem:$0x3FAE] =	sst s2  }
0xb: {  	[smem:$0x3FAF] =	sst s3  }
0xc: {  	[smem:$0x3FB0] =	sst s4  }
0xd: {  	[smem:$0x3FB1] =	sst s5  }
0xe: {  	[smem:$0x3FB2] =	sst s6  }
0xf: {  	[smem:$0x3FB3] =	sst s7  }
0x10: {  	[smem:$0x3FB4] =	sst s8  }
0x11: {  	[smem:$0x3FB5] =	sst s9;
	s0 =	simm.s32 @!p0 $0x0  }
0x12: {  	s1 =	sld [smem:$0x3F9B];
	s0 =	simm.s32 @p0 $0x1  }
0x13: {  	[smem:$0x3FB6] =	sst s0;
	s0 =	simm.s32 @!p1 $0x0  }
0x14: {  	s2 =	sld [smem:$0x3F9A];
	s0 =	simm.s32 @p1 $0x1  }
0x15: {  	[smem:$0x3FB7] =	sst s0;
	s0 =	simm.s32 @!p2 $0x0  }
0x16: {  	s3 =	sld [smem:$0x3FDB];
	s0 =	simm.s32 @p2 $0x1  }
0x17: {  	s4 =	simm.s32 $0x1BF5;
	[smem:$0x3FB9] =	sst s0  }
0x18: {  	s0 =	sld [smem:$0x3F9C];
	_ =	swait.ge [sflag:s4], $0x0  }
0x19: {  	s7 =	sld [smem:$0x3F9D]  }
0x1a: {  	s8 =	sadd.s32 $0xFFFFE003, lr  }
0x1b: {  	s9 =	sadd.s32 $0xFFFFFEF7, lr;
	s5 =	simm.s32 $0xFFFFFFFF;
	p2 =	slt.u32 s8, $0xFFFFF086  }
0x1c: {  	p1 =	slt.u32 s9, $0xF7A;
	s5 =	simm.s32 @!p2 $0x0  }
0x1d: {  	s5 =	simm.s32 @p1 $0x1;
	p0 =	seq.s32 s7, s2  }
0x1e: {  	s7 =	smul.u32 @!p0 $0xF7A, s2;
	p2 =	seq.s32 @!p0 s5, $0x0  }
0x1f: {  	s9 =	smul.u32 $0xF7A, s1;
	s8 =	simm.s32 @!p0 $0x1BF5;
	p2 =	por !p2, p0  }
0x20: {  	[sflag:s8] =	ssyncset.s32 @!p0 $0xFFFFF086;
	s6 =	sadd.s32 @!p0 s3, s7;
	s7 =	simm.s32 @!p0 $0x108  }
0x21: {  	s3 =	sadd.s32 s3, s9;
	s6 =	sadd.s32 @!p0 $0x88, s6;
	s7 =	simm.s32 @p2 $0x1082  }
0x22: {  	[simem:s7], [sflag:s8] =	dma.local @!p0 [hbm:s6], $0xF7A  }
0x23: {  	s9 =	sor.u32 $0xD0000000, s2;
	s6 =	simm.s32 $0x108;
	_ =	swait.ge @!p0 [sflag:s8], $0x0  }
0x24: {  	s3 =	sadd.s32 $0x88, s3;
	s6 =	simm.s32 @!p1 $0x1082;
	[sflag:s4] =	ssyncset.s32 $0xFFFFF086  }
0x25: {  	[simem:s6], [sflag:s4] =	dma.local [hbm:s3], $0xF7A  }
0x26: {  	[smem:$0x3F9D] =	sst s1;
	(tag) =	ssettag s2;
	_ =	strace s9  }
0x27: {  	s1 =	sld [smem:$0x3FAD]  }
0x28: {  	s2 =	sld [smem:$0x3FAE]  }
0x29: {  	s4 =	sld [smem:$0x3FB0]  }
0x2a: {  	p0 =	seq.s32 s5, $0x0;
	s5 =	sld [smem:$0x3FB1]  }
0x2b: {  	s6 =	sld [smem:$0x3FB2]  }
0x2c: {  	s7 =	sld [smem:$0x3FB3]  }
0x2d: {  	s3 =	simm.s32 $0x108;
	s8 =	sld [smem:$0x3FB4]  }
0x2e: {  	s3 =	simm.s32 @!p0 $0x1082;
	s9 =	sld [smem:$0x3FB5]  }
0x2f: {  	lr =	sadd.s32 s0, s3;
	s0 =	sld [smem:$0x3FAC]  }
0x30: {  	s3 =	sld [smem:$0x3FAF]  }
0x31: {  	[smem:$0x3FB8] =	sst s10  }
0x32: {  	s10 =	sld [smem:$0x3FB6];
	_ =	sdelay $0x3  }
0x33: {  	p0 =	seq.s32 s10, $0x1;
	s10 =	sld [smem:$0x3FB8];
	_ =	sdelay $0x3  }
0x34: {  	[smem:$0x3FB8] =	sst s10  }
0x35: {  	s10 =	sld [smem:$0x3FB7];
	_ =	sdelay $0x3  }
0x36: {  	p1 =	seq.s32 s10, $0x1;
	s10 =	sld [smem:$0x3FB8];
	_ =	sdelay $0x3  }
0x37: {  	[smem:$0x3FB8] =	sst s10  }
0x38: {  	s10 =	sld [smem:$0x3FB9]  }
0x39: {  	_ = 	snop;
	(pc) =	sbr.ind lr, $3  }
0x3a: {  	_ = 	snop  }
0x3b: {  	_ = 	snop  }
0x3c: {  	p2 =	seq.s32 s10, $0x1;
	s10 =	sld [smem:$0x3FB8]  }
0x3d: {  	_ =	shalt  }
0x3e: {  	_ =	shalt  }
0x3f: {  	_ =	shalt  }
0x40: {  	_ =	shalt  }
0x41: {  	_ =	shalt  }
0x42: {  	_ =	shalt  }
0x43: {  	_ =	shalt  }
0x44: {  	_ =	shalt  }
0x45: {  	_ =	shalt  }
0x46: {  	_ =	shalt  }
0x47: {  	_ =	shalt  }
0x48: {  	_ =	shalt  }
0x49: {  	_ =	shalt  }
0x4a: {  	_ =	shalt  }
0x4b: {  	_ =	shalt  }
0x4c: {  	_ =	shalt  }
0x4d: {  	_ =	shalt  }
0x4e: {  	_ =	shalt  }
0x4f: {  	_ =	shalt  }
0x50: {  	_ =	shalt  }
0x51: {  	_ =	shalt  }
0x52: {  	_ =	shalt  }
0x53: {  	_ =	shalt  }
0x54: {  	_ =	shalt  }
0x55: {  	_ =	shalt  }
0x56: {  	_ =	shalt  }
0x57: {  	_ =	shalt  }
0x58: {  	_ =	shalt  }
0x59: {  	_ =	shalt  }
0x5a: {  	_ =	shalt  }
0x5b: {  	_ =	shalt  }
0x5c: {  	_ =	shalt  }
0x5d: {  	_ =	shalt  }
0x5e: {  	_ =	shalt  }
0x5f: {  	_ =	shalt  }
0x60: {  	_ =	shalt  }
0x61: {  	_ =	shalt  }
0x62: {  	_ =	shalt  }
0x63: {  	_ =	shalt  }
0x64: {  	_ =	shalt  }
0x65: {  	_ =	shalt  }
0x66: {  	_ =	shalt  }
0x67: {  	_ =	shalt  }
0x68: {  	_ =	shalt  }
0x69: {  	_ =	shalt  }
0x6a: {  	_ =	shalt  }
0x6b: {  	_ =	shalt  }
0x6c: {  	_ =	shalt  }
0x6d: {  	_ =	shalt  }
0x6e: {  	_ =	shalt  }
0x6f: {  	_ =	shalt  }
0x70: {  	_ =	shalt  }
0x71: {  	_ =	shalt  }
0x72: {  	_ =	shalt  }
0x73: {  	_ =	shalt  }
0x74: {  	_ =	shalt  }
0x75: {  	_ =	shalt  }
0x76: {  	_ =	shalt  }
0x77: {  	_ =	shalt  }
0x78: {  	_ =	shalt  }
0x79: {  	_ =	shalt  }
0x7a: {  	_ =	shalt  }
0x7b: {  	_ =	shalt  }
0x7c: {  	_ =	shalt  }
0x7d: {  	_ =	shalt  }
0x7e: {  	_ =	shalt  }
0x7f: {  	_ =	shalt  }
0x80: {  	_ =	shalt  }
0x81: {  	_ =	shalt  }
0x82: {  	_ =	shalt  }
0x83: {  	_ =	shalt  }
0x84: {  	_ =	shalt  }
0x85: {  	_ =	shalt  }
0x86: {  	_ =	shalt  }
0x87: {  	_ =	shalt  }
.Lfunc_end0:
.L_simem_size_0:
called_computation.1_lowered:
.L_overlay_start_0:
0x88: {  	s0 =	sld [smem:$0x3FD9]  }
0x89: {  	s1 =	sld [smem:$0x3FFE];
	_ =	sdelay $0x3  }
0x8a: {  	s0 =	sadd.s32 s1, s0  }
0x8b: {  	[smem:$0x3FC4] =	sst s0  }
0x8c: {  	_ = 	snop  }
0x8d: {  	(tm) =	ssettm $0x1  }
0x8e: {  	s15 =	sld [smem:$0x3FFB];
	_ =	sdelay $0x3  }
0x8f: {  	_ =	strace s15  }
0x90: {  	s0 =	sld [smem:$0x3FFC];
	_ =	sdelay $0x3  }
0x91: {  	_ =	strace s0  }
0x92: {  	s0 =	sld [smem:$0x3FFD];
	_ =	sdelay $0x3  }
0x93: {  	_ =	strace s0  }
0x94: {  	_ =	strace $0x8FFFFFFF  }
0x95: {  	s16 =	sld [smem:$0x3FDB];
	_ =	sdelay $0x1  }
0x96: {  	s17 =	simm.s32 $_scs_section_size  }
0x97: {  	s2 =	simm.s32 $_size__tile_overlayer_lowered;
	s3 =	simm.s32 $_tile_overlayer_lowered  }
0x98: {  	s20 =	simm.s32 $0x1BFF;
	s19 =	sshll.u32 s3, $0x1;
	s0 =	sadd.s32 s17, s16  }
0x99: {  	s4 =	simm.s32 $0x0;
	s18 =	sshll.u32 s2, $0x1;
	s2 =	sadd.s32 s19, s0  }
0x9a: {  	[timem:s4], [sflag:s20] =	dma.local [hbm:s2], s18  }
0x9b: {  	_ =	swait.ge [sflag:s20], s18  }
0x9c: {  	s1 =	ssub.s32 $0x0, s18;
	[sflag:s20] =	ssyncset.done $0x0  }
0x9d: {  	[sflag:s20] =	ssyncadd.s32 s1;
	_ =	sdelay $0x1  }
0x9e: {  	s21 =	simm.s32 $0x1B8B  }
0x9f: {  	_ =	swait.ge [sflag:s21], $0x1  }
0xa0: {  	[sflag:s21] =	ssyncset.done $0x0  }
0xa1: {  	s23 =	simm.s32 $0x1B8E;
	s22 =	sld [smem:$0x3FFE];
	[sflag:s21] =	ssyncadd.s32 $0xFFFFFFFF  }
0xa2: {  	s24 =	simm.s32 $execute0_lowered;
	[smem:$0x3FD2] =	sst s23  }
0xa3: {  	s2 =	sshll.u32 s24, $0x1;
	_ =	strace $0x80000049;
	[dreg:$0x1] =	wrdreg $0xFFFFFFFF  }
0xa4: {  	s25 =	simm.s32 $_size_execute0_lowered;
	s0 =	sadd.s32 s0, s2;
	[dreg:$0x0] =	wrdreg $0x0  }
0xa5: {  	s2 =	sshll.u32 s25, $0x1;
	[dreg:$0x2] =	wrdreg s0  }
0xa6: {  	[dreg:$0x3] =	wrdreg s2  }
0xa7: {  	[dreg:$0x4] =	wrdreg $0xC0  }
0xa8: {  	_ =	task [dreg:s4], $0x5FFFF  }
0xa9: {  	[dreg:$0x1] =	wrdreg $0xFFFFFFFF  }
0xaa: {  	[dreg:$0x0] =	wrdreg $0x60  }
0xab: {  	[dreg:$0x2] =	wrdreg s22  }
0xac: {  	[dreg:$0x3] =	wrdreg $0x9  }
0xad: {  	_ =	task.clear_ibuf [dreg:s4], $0x4FFFF;
	_ =	strace $0x90000049  }
0xae: {  	s26 =	simm.s32 $0x9;
	_ =	strace $0x8000004B  }
0xaf: {  	_ =	swait.ge [sflag:s26], $0x1  }
0xb0: {  	[sflag:s26] =	ssyncadd.s32 $0xFFFFFFFF  }
0xb1: {  	_ =	strace $0x9000004B  }
0xb2: {  	_ =	sfence  }
0xb3: {  	s28 =	sld [smem:$0x0];
	_ =	sdelay $0x1  }
0xb4: {  	s29 =	srdreg.scid  }
0xb5: {  	s30 =	sshll.u32 s29, $0xD;
	s31 =	sshrl.u32 s29, $0x2  }
0xb6: {  	s1 =	sand.u32 $0x1, s29;
	s2 =	sand.u32 $0x4000, s30;
	s0 =	sadd.s32 s31, s28  }
0xb7: {  	s1 =	sor.u32 s2, s1;
	s0 =	sshll.u32 s0, $0x11  }
0xb8: {  	s0 =	sor.u32 s0, s1  }
0xb9: {  	s0 =	sadd.s32 $0x8F2B, s0  }
0xba: {  	[sflag:s0] =	ssyncadd.remote.s32 $0x1  }
0xbb: {  	_ =	sfence.sel $0xFFFF  }
0xbc: {  	[dreg:$0x0] =	wrdreg $0xFFFFFFFF;
	(pc) =	sbr.abs _section_cstart, $3  }
0xbd: {  	[dreg:$0x1] =	wrdreg $0xFFFFFFFF  }
0xbe: {  	_ =	task.clear_ibuf [dreg:s4], $0x2FFFF;
	_ =	strace $0x9FFFFFFF  }
0xbf: {  	(tm) =	ssettm $0x7FFFFFFF  }
tec
execute0_lowered:
.L_overlay_start_1:
0x0: {  	(tag) =	ssettag $0x1  }
0x1: {  	s0 =	stileid.u32  }
0x2: {  	s3 =	simm.s32 $0x400;
	s7 =	rddreg [dreg:$0x0];
	s6 =	simm.s32 $0x1  }
0x3: {  	s8 =	simm.s32 $0x3;
	s11 =	simm.s32 $0x4;
	s1 =	smin.u32 s0, $0xD  }
0x4: {  	s12 =	simm.s32 $0xFFFFF800;
	p0 =	slt.u32 s0, $0xD;
	s1 =	sadd.s32 s0, s1  }
0x5: {  	s13 =	simm.s32 $0xFFFFFE00;
	s3 =	simm.s32 @!p0 $0x200;
	s2 =	sshll.u32 s1, $0x9  }
0x6: {  	s14 =	simm.s32 $0xFFFFFFFF;
	s18 =	simm.s32 $0x0;
	s3 =	sadd.s32 s3, s2  }
0x7: {  	s15 =	simm.s32 $0x0;
	s17 =	simm.s32 $0x0;
	s3 =	smin.u32 s3, $0x3900  }
0x8: {  	s4 =	sadd.s32 $0x8A000, s7;
	s5 =	sadd.s32 $0x8A200, s7;
	s9 =	ssub.s32 s3, s2  }
0x9: {  	s7 =	sadd.s32 $0x8AA00, s7;
	s1 =	rddreg [dreg:$0x1];
	p0 =	sgt.s32 s9, $0x0  }
.Ltmp0:
0xa: {  	_ =	strace $0x8000004A;
	s9 =	simm.s32 @!p0 $0x0;
	(pc) =	sbr.rel .LBB2_1-.Ltmp0, $4  }
0xb: {  	[sflag:s6] =	ssyncpa.u1 $0x0;
	s6 =	simm.s32 $0x2;
	s10 =	sshrl.u32 s9, $0x8  }
0xc: {  	[sflag:s6] =	ssyncpa.u1 $0x0;
	s9 =	sshrl.u32 s9, $0x9;
	s10 =	sand.u32 $0x1, s10  }
0xd: {  	s16 =	smov.u32 s2;
	[sflag:s8] =	ssyncpa.u1 $0x0;
	s9 =	sadd.s32 s9, s10  }
0xe: {  	v0 =	vlaneseq.u32;
	vm0 =	vmmov $0xffff;
	[sflag:s11] =	ssyncpa.u1 $0x0;
	s11 =	simm.s32 $0x0;
	s10 =	sadd.s32 $0x2, s9  }
.LBB2_7:
0xf: {  	p0 =	slt.u32 s17, $0x3  }
0x10: {  	s18 =	simm.s32 @!p0 $0x4  }
0x11: {  	_ =	swait.ge @!p0 [sflag:s18], $0x80  }
0x12: {  	s19 =	sadd.s32 $0x200, s16;
	[sflag:s18] =	ssyncset.done @!p0 $0x0  }
0x13: {  	s20 =	smov.u32 s2;
	[sflag:s18] =	ssyncadd.s32 @!p0 $0xFFFFFF80;
	p0 =	slt.s32 s19, s3  }
0x14: {  	s20 =	smov.u32 @p0 s19;
	p0 =	sne.s32 s17, s10  }
.Ltmp1:
0x15: {  	_ = 	snop;
	(pc) =	sbr.rel @!p0 .LBB2_8-.Ltmp1, $4  }
0x16: {  	_ = 	snop  }
0x17: {  	s31 =	sadd.s32 $0x1, s17;
	s12 =	sadd.s32 $0x800, s12  }
0x18: {  	s13 =	sadd.s32 $0x200, s13;
	s14 =	sadd.s32 $0x1, s14;
	s18 =	smov.u32 s15  }
0x19: {  	s15 =	smov.u32 s16;
	s17 =	smov.u32 s31;
	s16 =	smov.u32 s20  }
.LBB2_1:
0x1a: {  	p0 =	sge.u32 s17, s9  }
0x1b: {  	s19 =	smulhi.u32 @!p0 $0xAAAAAAAB, s17;
	_ =	sdelay $0x1  }
0x1c: {  	s19 =	sshrl.u32 @!p0 s19, $0x1  }
0x1d: {  	s19 =	smul.u32 @!p0 $0x3, s19;
	_ =	sdelay $0x1  }
0x1e: {  	s31 =	sadd.s32 $0xFFFFFFFF, s17;
	s20 =	sshrl.u32 @!p0 s16, $0x3;
	s19 =	ssub.s32 @!p0 s17, s19  }
0x1f: {  	s21 =	sand.u32 @!p0 $0x7, s16;
	s20 =	sadd.s32 @!p0 s5, s20;
	s19 =	sshll.u32 @!p0 s19, $0x9  }
0x20: {  	[tilespmem:s19], [sflag:$0x2] =	stream.linear.gather @!p0 [hbm4b:s20+s21], $0x200, $0x38;
	[tilespmem:$0xB00] =	vst v63  }
0x21: {  	p0 =	sge.u32 s31, s9  }
.Ltmp2:
0x22: {  	_ = 	snop;
	(pc) =	sbr.rel @p0 .LBB2_5-.Ltmp2, $1  }
0x23: {  	_ =	sdelay $0x3  }
0x24: {  	s19 =	smulhi.u32 $0xAAAAAAAB, s14;
	_ =	sdelay $0x1  }
0x25: {  	s19 =	sshrl.u32 s19, $0x1  }
0x26: {  	s19 =	smul.u32 $0xFFFFE800, s19;
	_ =	sdelay $0x1  }
0x27: {  	_ =	swait.ge [sflag:s6], $0x200;
	s19 =	sshra.s32 s19, $0x2  }
0x28: {  	[sflag:s6] =	ssyncset.done $0x0;
	s21 =	sadd.s32 s19, s13  }
0x29: {  	[sflag:s6] =	ssyncadd.s32 $0xFFFFFE00;
	(ifvalue) =	ssetifvalue $0x7FFFFFFF;
	v1 =	vld.msk [tilespmem:s21+$0x0 ss:$0x1], $0xffff;
	_ =	sdelay $0x4  }
0x2a: {  	s22 =	ssub.s32 $0x3900, s15;
	v2 =	vshrl.u32 v1, $0xA  }
0x2b: {  	p0 =	slt.s32 s22, $0x200;
	s19 =	sadd.s32 $0x10, s21;
	vm1 =	veq.s32 v1, $0x80000000;
	v2 =	vand.u32 $0x1F, v2  }
0x2c: {  	s22 =	simm.s32 @!p0 $0x200;
	v1 =	vand.u32 $0x3FF, v1;
	v3 =	vsel vm1, $0xFFFFFFFF, v2;
	v2 =	vld.msk [tilespmem:s19+$0x0 ss:$0x1], $0xffff  }
0x2d: {  	p0 =	sgt.s32 s22, $0x0;
	s20 =	smov.u32 s22;
	v1 =	vsel vm1, $0xFFFFFFFF, v1;
	v4 =	vshrl.u32 v3, $0x3  }
0x2e: {  	s20 =	simm.s32 @!p0 $0x0;
	v5 =	vshll.u32 v1, $0x3;
	v1 =	vshll.u32 v1, $0x2;
	v4 =	vmul.u32 $0x1400, v4  }
0x2f: {  	s20 =	smin.u32 s20, $0x10;
	v5 =	vand.u32 $0xFFFFFC00, v5;
	v6 =	vshll.u32 v3, $0x7;
	v1 =	vand.u32 $0x1FC, v1  }
0x30: {  	v4 =	vadd.s32 v5, v4;
	v5 =	vand.u32 $0x200, v6;
	v6 =	vmov s20  }
0x31: {  	v4 =	vor.u32 v5, v4;
	v5 =	vshrl.u32 v2, $0xA;
	vm1 =	vgt.u32 v6, v0  }
0x32: {  	s20 =	sadd.s32 $0x10, s19;
	vm2 =	veq.s32 v2, $0x80000000;
	v1 =	vor.u32 v1, v4;
	v4 =	vand.u32 $0x1F, v5  }
0x33: {  	v6 =	vand.u32 $0x3FF, v2;
	v2 =	vld.msk [tilespmem:s20+$0x0 ss:$0x1], $0xffff;
	v5 =	vshrl.u32 v1, $0x2;
	v1 =	vsel vm2, $0xFFFFFFFF, v4  }
0x34: {  	v4 =	vnsel vm1, $0x7FFFFFFF, v5;
	v5 =	vsel vm2, $0xFFFFFFFF, v6;
	v6 =	vshrl.u32 v1, $0x3  }
0x35: {  	s22 =	sadd.s32 $0xFFFFFFF0, s22;
	v6 =	vmul.u32 $0x1400, v6;
	v7 =	vshll.u32 v5, $0x3  }
0x36: {  	s23 =	sshrl.u32 s12, $0x2;
	p0 =	sgt.s32 s22, $0x0;
	s24 =	smov.u32 s22;
	v3 =	vand.u32 $0x3, v3;
	v8 =	vshll.u32 v1, $0x7;
	v7 =	vand.u32 $0xFFFFFC00, v7  }
0x37: {  	s23 =	sand.u32 $0x200, s23;
	s24 =	simm.s32 @!p0 $0x0;
	[tilespmem:s21+$0x0] =	vst v3;
	v5 =	vshll.u32 v5, $0x2;
	v3 =	vadd.s32 v7, v6;
	v6 =	vand.u32 $0x200, v8  }
0x38: {  	s31 =	smin.u32 s24, $0x10;
	s21 =	sadd.s32 $0x600, s23;
	(ifvalue) =	ssetifvalue $0x7FFFFFFF;
	v5 =	vand.u32 $0x1FC, v5;
	vm2 =	veq.s32 v2, $0x80000000;
	v3 =	vor.u32 v6, v3  }
0x39: {  	v7 =	vmov s31;
	[tilespmem:s21], [sflag:$0x3] =	stream.indirect_vreg.gather [hbm4b:s4+s11], $0x1, v4, vm0, $0x4038;
	v4 =	vshrl.u32 v2, $0xA;
	v3 =	vor.u32 v5, v3;
	[tilespmem:$0xB00] =	vst v63  }
0x3a: {  	s23 =	simm.s32 $0x20;
	s24 =	sadd.s32 $0x10, s20;
	vm1 =	vgt.u32 v7, v0;
	v4 =	vand.u32 $0x1F, v4;
	v3 =	vshrl.u32 v3, $0x2  }
.LBB2_3:
0x3b: {  	s23 =	sadd.s32 $0x10, s23;
	v5 =	vand.u32 $0x3FF, v2;
	v2 =	vld.msk [tilespmem:s24+$0x0 ss:$0x1], $0xffff;
	v4 =	vsel vm2, $0xFFFFFFFF, v4;
	v3 =	vnsel vm1, $0x7FFFFFFF, v3  }
0x3c: {  	s22 =	sadd.s32 $0xFFFFFFF0, s22;
	p0 =	slt.u32 s23, $0x1F0;
	v5 =	vsel vm2, $0xFFFFFFFF, v5;
	v6 =	vshrl.u32 v4, $0x3  }
0x3d: {  	p1 =	sgt.s32 s22, $0x0;
	s25 =	smov.u32 s22;
	v6 =	vmul.u32 $0x1400, v6;
	v7 =	vshll.u32 v5, $0x3  }
.Ltmp3:
0x3e: {  	v9 =	vand.u32 $0x3, v1;
	v8 =	vshll.u32 v4, $0x7;
	v1 =	vmovc v4;
	s25 =	simm.s32 @!p1 $0x0;
	v7 =	vand.u32 $0xFFFFFC00, v7;
	(pc) =	sbr.rel @p0 .LBB2_3-.Ltmp3, $4  }
0x3f: {  	s21 =	sadd.s32 $0x10, s21;
	v5 =	vshll.u32 v5, $0x2;
	s25 =	smin.u32 s25, $0x10;
	v4 =	vadd.s32 v7, v6;
	v6 =	vand.u32 $0x200, v8;
	[tilespmem:s19+$0x0] =	vst v9;
	(ifvalue) =	ssetifvalue $0x7FFFFFFF  }
0x40: {  	v5 =	vand.u32 $0x1FC, v5;
	v7 =	vmov s25;
	v4 =	vor.u32 v6, v4;
	[tilespmem:s21], [sflag:$0x3] =	stream.indirect_vreg.gather [hbm4b:s4+s11], $0x1, v3, vm0, $0x4038;
	[tilespmem:$0xB00] =	vst v63  }
0x41: {  	s19 =	smov.u32 s20;
	s20 =	smov.u32 s24;
	v3 =	vshrl.u32 v2, $0xA;
	vm1 =	vgt.u32 v7, v0;
	v5 =	vor.u32 v5, v4  }
0x42: {  	s24 =	sadd.s32 $0x10, s24;
	vm2 =	veq.s32 v2, $0x80000000;
	v4 =	vand.u32 $0x1F, v3;
	v3 =	vshrl.u32 v5, $0x2  }
0x43: {  	v2 =	vand.u32 $0x3FF, v2;
	v4 =	vsel vm2, $0xFFFFFFFF, v4  }
0x44: {  	v2 =	vsel vm2, $0xFFFFFFFF, v2;
	v5 =	vshrl.u32 v4, $0x3  }
0x45: {  	s22 =	sadd.s32 $0xFFFFFFF0, s22;
	v5 =	vmul.u32 $0x1400, v5;
	v6 =	vshll.u32 v2, $0x3  }
0x46: {  	p0 =	sgt.s32 s22, $0x0;
	v7 =	vshll.u32 v4, $0x7;
	v6 =	vand.u32 $0xFFFFFC00, v6  }
0x47: {  	s22 =	simm.s32 @!p0 $0x0;
	v62 =	vand.u32 $0x200, v7;
	v2 =	vshll.u32 v2, $0x2;
	v5 =	vadd.s32 v6, v5  }
0x48: {  	s22 =	smin.u32 s22, $0x10;
	v2 =	vand.u32 $0x1FC, v2;
	v5 =	vor.u32 v62, v5  }
0x49: {  	v3 =	vnsel vm1, $0x7FFFFFFF, v3;
	v63 =	vmov s22;
	v2 =	vor.u32 v2, v5  }
0x4a: {  	vm1 =	vgt.u32 v63, v0;
	v2 =	vshrl.u32 v2, $0x2  }
0x4b: {  	v2 =	vnsel vm1, $0x7FFFFFFF, v2  }
0x4c: {  	v1 =	vand.u32 $0x3, v1  }
0x4d: {  	s31 =	sadd.s32 $0x10, s21;
	[tilespmem:s19+$0x0] =	vst v1;
	(ifvalue) =	ssetifvalue $0x7FFFFFFF  }
0x4e: {  	v1 =	vand.u32 $0x3, v4;
	[tilespmem:s31], [sflag:$0x3] =	stream.indirect_vreg.gather [hbm4b:s4+s11], $0x1, v3, vm0, $0x4038;
	[tilespmem:$0xB00] =	vst v63  }
0x4f: {  	s19 =	sadd.s32 $0x10, s31;
	[tilespmem:s20+$0x0] =	vst v1;
	(ifvalue) =	ssetifvalue $0x7FFFFFFF  }
0x50: {  	[tilespmem:s19], [sflag:$0x3] =	stream.indirect_vreg.gather [hbm4b:s4+s11], $0x1, v2, vm0, $0x4038;
	[tilespmem:$0xB00] =	vst v63  }
.LBB2_5:
0x51: {  	p0 =	slt.u32 s17, $0x2  }
0x52: {  	p1 =	sge.u32 @!p0 s17, s10  }
0x53: {  	p0 =	por p0, p1  }
.Ltmp4:
0x54: {  	_ = 	snop;
	(pc) =	sbr.rel @p0 .LBB2_7-.Ltmp4, $1  }
0x55: {  	_ =	sdelay $0x3  }
0x56: {  	s19 =	sadd.s32 $0xFFFFFFFE, s17  }
0x57: {  	s20 =	smulhi.u32 $0xAAAAAAAB, s19  }
0x58: {  	_ =	swait.ge [sflag:s8], $0x200  }
0x59: {  	s21 =	sand.u32 $0x1, s17;
	[sflag:s8] =	ssyncset.done $0x0;
	s20 =	sshrl.u32 s20, $0x1  }
0x5a: {  	s28 =	sshll.u32 s21, $0x9;
	[sflag:s8] =	ssyncadd.s32 $0xFFFFFE00;
	s20 =	smul.u32 $0x3, s20  }
0x5b: {  	v1 =	vld [tilespmem:s28+$0x600]  }
0x5c: {  	v3 =	vld [tilespmem:s28+$0x680];
	s20 =	ssub.s32 s19, s20  }
0x5d: {  	v6 =	vld [tilespmem:s28+$0x700];
	s20 =	sshll.u32 s20, $0x9  }
0x5e: {  	v2 =	vld [tilespmem:s20+$0x0]  }
0x5f: {  	v4 =	vld [tilespmem:s20+$0x80]  }
0x60: {  	v5 =	vld [tilespmem:s20+$0x100]  }
0x61: {  	v7 =	vld [tilespmem:s20+$0x180];
	_ =	sdelay $0x1  }
0x62: {  	v8 =	vld [tilespmem:s28+$0x780]  }
0x63: {  	v2 =	vshll.u32 v2, $0x3;
	v4 =	vshll.u32 v4, $0x3  }
0x64: {  	v1 =	vshrl.u32 v1, v2;
	v2 =	vshrl.u32 v3, v4;
	v3 =	vshll.u32 v5, $0x3  }
0x65: {  	v21 =	vshll.u32 v7, $0x3;
	v2 =	vshll.u32 v2, $0x8;
	v3 =	vshrl.u32 v6, v3  }
0x66: {  	v1 =	vand.u32 $0xFF, v1;
	v2 =	vand.u32 $0xFF00, v2;
	v3 =	vshll.u32 v3, $0x10  }
0x67: {  	v1 =	vor.u32 v1, v2;
	v2 =	vand.u32 $0xFF0000, v3;
	v3 =	vshrl.u32 v8, v21  }
0x68: {  	v1 =	vor.u32 v2, v1;
	v2 =	vshll.u32 v3, $0x18  }
0x69: {  	s21 =	sshll.u32 s21, $0x7;
	v1 =	vor.u32 v2, v1  }
0x6a: {  	[tilespmem:s21+$0xA00] =	vst v1  }
0x6b: {  	v1 =	vld [tilespmem:s28+$0x610]  }
0x6c: {  	v2 =	vld [tilespmem:s20+$0x10]  }
0x6d: {  	v3 =	vld [tilespmem:s28+$0x690]  }
0x6e: {  	v22 =	vld [tilespmem:s20+$0x90]  }
0x6f: {  	v23 =	vld [tilespmem:s20+$0x110]  }
0x70: {  	v24 =	vld [tilespmem:s28+$0x710]  }
0x71: {  	v25 =	vld [tilespmem:s20+$0x190];
	_ =	sdelay $0x1  }
0x72: {  	v26 =	vld [tilespmem:s28+$0x790]  }
0x73: {  	v2 =	vshll.u32 v2, $0x3;
	v4 =	vshll.u32 v22, $0x3  }
0x74: {  	v1 =	vshrl.u32 v1, v2;
	v2 =	vshrl.u32 v3, v4;
	v3 =	vshll.u32 v23, $0x3  }
0x75: {  	v27 =	vshll.u32 v25, $0x3;
	v2 =	vshll.u32 v2, $0x8;
	v3 =	vshrl.u32 v24, v3  }
0x76: {  	v1 =	vand.u32 $0xFF, v1;
	v2 =	vand.u32 $0xFF00, v2;
	v3 =	vshll.u32 v3, $0x10  }
0x77: {  	v1 =	vor.u32 v1, v2;
	v2 =	vand.u32 $0xFF0000, v3;
	v3 =	vshrl.u32 v26, v27  }
0x78: {  	v1 =	vor.u32 v2, v1;
	v2 =	vshll.u32 v3, $0x18  }
0x79: {  	v1 =	vor.u32 v2, v1  }
0x7a: {  	[tilespmem:s21+$0xA10] =	vst v1  }
0x7b: {  	v1 =	vld [tilespmem:s28+$0x620]  }
0x7c: {  	v2 =	vld [tilespmem:s20+$0x20]  }
0x7d: {  	v3 =	vld [tilespmem:s28+$0x6A0]  }
0x7e: {  	v28 =	vld [tilespmem:s20+$0xA0]  }
0x7f: {  	v29 =	vld [tilespmem:s20+$0x120]  }
0x80: {  	v30 =	vld [tilespmem:s28+$0x720]  }
0x81: {  	v31 =	vld [tilespmem:s20+$0x1A0];
	_ =	sdelay $0x1  }
0x82: {  	v32 =	vld [tilespmem:s28+$0x7A0]  }
0x83: {  	v2 =	vshll.u32 v2, $0x3;
	v4 =	vshll.u32 v28, $0x3  }
0x84: {  	v1 =	vshrl.u32 v1, v2;
	v2 =	vshrl.u32 v3, v4;
	v3 =	vshll.u32 v29, $0x3  }
0x85: {  	v33 =	vshll.u32 v31, $0x3;
	v2 =	vshll.u32 v2, $0x8;
	v3 =	vshrl.u32 v30, v3  }
0x86: {  	v1 =	vand.u32 $0xFF, v1;
	v2 =	vand.u32 $0xFF00, v2;
	v3 =	vshll.u32 v3, $0x10  }
0x87: {  	v1 =	vor.u32 v1, v2;
	v2 =	vand.u32 $0xFF0000, v3;
	v3 =	vshrl.u32 v32, v33  }
0x88: {  	v1 =	vor.u32 v2, v1;
	v2 =	vshll.u32 v3, $0x18  }
0x89: {  	v1 =	vor.u32 v2, v1  }
0x8a: {  	[tilespmem:s21+$0xA20] =	vst v1  }
0x8b: {  	v1 =	vld [tilespmem:s28+$0x630]  }
0x8c: {  	v2 =	vld [tilespmem:s20+$0x30]  }
0x8d: {  	v3 =	vld [tilespmem:s28+$0x6B0]  }
0x8e: {  	v34 =	vld [tilespmem:s20+$0xB0]  }
0x8f: {  	v35 =	vld [tilespmem:s20+$0x130]  }
0x90: {  	v36 =	vld [tilespmem:s28+$0x730]  }
0x91: {  	v37 =	vld [tilespmem:s20+$0x1B0];
	_ =	sdelay $0x1  }
0x92: {  	v38 =	vld [tilespmem:s28+$0x7B0]  }
0x93: {  	v2 =	vshll.u32 v2, $0x3;
	v4 =	vshll.u32 v34, $0x3  }
0x94: {  	v1 =	vshrl.u32 v1, v2;
	v2 =	vshrl.u32 v3, v4;
	v3 =	vshll.u32 v35, $0x3  }
0x95: {  	v39 =	vshll.u32 v37, $0x3;
	v2 =	vshll.u32 v2, $0x8;
	v3 =	vshrl.u32 v36, v3  }
0x96: {  	v1 =	vand.u32 $0xFF, v1;
	v2 =	vand.u32 $0xFF00, v2;
	v3 =	vshll.u32 v3, $0x10  }
0x97: {  	v1 =	vor.u32 v1, v2;
	v2 =	vand.u32 $0xFF0000, v3;
	v3 =	vshrl.u32 v38, v39  }
0x98: {  	v1 =	vor.u32 v2, v1;
	v2 =	vshll.u32 v3, $0x18  }
0x99: {  	v1 =	vor.u32 v2, v1  }
0x9a: {  	[tilespmem:s21+$0xA30] =	vst v1  }
0x9b: {  	v1 =	vld [tilespmem:s28+$0x640]  }
0x9c: {  	v2 =	vld [tilespmem:s20+$0x40]  }
0x9d: {  	v3 =	vld [tilespmem:s28+$0x6C0]  }
0x9e: {  	v40 =	vld [tilespmem:s20+$0xC0]  }
0x9f: {  	v41 =	vld [tilespmem:s20+$0x140]  }
0xa0: {  	v42 =	vld [tilespmem:s28+$0x740]  }
0xa1: {  	v43 =	vld [tilespmem:s20+$0x1C0];
	_ =	sdelay $0x1  }
0xa2: {  	v44 =	vld [tilespmem:s28+$0x7C0]  }
0xa3: {  	v2 =	vshll.u32 v2, $0x3;
	v4 =	vshll.u32 v40, $0x3  }
0xa4: {  	v1 =	vshrl.u32 v1, v2;
	v2 =	vshrl.u32 v3, v4;
	v3 =	vshll.u32 v41, $0x3  }
0xa5: {  	v45 =	vshll.u32 v43, $0x3;
	v2 =	vshll.u32 v2, $0x8;
	v3 =	vshrl.u32 v42, v3  }
0xa6: {  	v1 =	vand.u32 $0xFF, v1;
	v2 =	vand.u32 $0xFF00, v2;
	v3 =	vshll.u32 v3, $0x10  }
0xa7: {  	v1 =	vor.u32 v1, v2;
	v2 =	vand.u32 $0xFF0000, v3;
	v3 =	vshrl.u32 v44, v45  }
0xa8: {  	v1 =	vor.u32 v2, v1;
	v2 =	vshll.u32 v3, $0x18  }
0xa9: {  	v1 =	vor.u32 v2, v1  }
0xaa: {  	[tilespmem:s21+$0xA40] =	vst v1  }
0xab: {  	v1 =	vld [tilespmem:s28+$0x650]  }
0xac: {  	v2 =	vld [tilespmem:s20+$0x50]  }
0xad: {  	v3 =	vld [tilespmem:s28+$0x6D0]  }
0xae: {  	v46 =	vld [tilespmem:s20+$0xD0]  }
0xaf: {  	v47 =	vld [tilespmem:s20+$0x150]  }
0xb0: {  	v48 =	vld [tilespmem:s28+$0x750]  }
0xb1: {  	v49 =	vld [tilespmem:s20+$0x1D0];
	_ =	sdelay $0x1  }
0xb2: {  	v50 =	vld [tilespmem:s28+$0x7D0]  }
0xb3: {  	v2 =	vshll.u32 v2, $0x3;
	v4 =	vshll.u32 v46, $0x3  }
0xb4: {  	v1 =	vshrl.u32 v1, v2;
	v2 =	vshrl.u32 v3, v4;
	v3 =	vshll.u32 v47, $0x3  }
0xb5: {  	v51 =	vshll.u32 v49, $0x3;
	v2 =	vshll.u32 v2, $0x8;
	v3 =	vshrl.u32 v48, v3  }
0xb6: {  	v1 =	vand.u32 $0xFF, v1;
	v2 =	vand.u32 $0xFF00, v2;
	v3 =	vshll.u32 v3, $0x10  }
0xb7: {  	v1 =	vor.u32 v1, v2;
	v2 =	vand.u32 $0xFF0000, v3;
	v3 =	vshrl.u32 v50, v51  }
0xb8: {  	v1 =	vor.u32 v2, v1;
	v2 =	vshll.u32 v3, $0x18  }
0xb9: {  	v1 =	vor.u32 v2, v1  }
0xba: {  	[tilespmem:s21+$0xA50] =	vst v1  }
0xbb: {  	v1 =	vld [tilespmem:s28+$0x660]  }
0xbc: {  	v2 =	vld [tilespmem:s20+$0x60]  }
0xbd: {  	v3 =	vld [tilespmem:s28+$0x6E0]  }
0xbe: {  	v52 =	vld [tilespmem:s20+$0xE0]  }
0xbf: {  	v53 =	vld [tilespmem:s20+$0x160]  }
0xc0: {  	v54 =	vld [tilespmem:s28+$0x760]  }
0xc1: {  	v55 =	vld [tilespmem:s20+$0x1E0];
	_ =	sdelay $0x1  }
0xc2: {  	v56 =	vld [tilespmem:s28+$0x7E0]  }
0xc3: {  	v2 =	vshll.u32 v2, $0x3;
	v4 =	vshll.u32 v52, $0x3  }
0xc4: {  	v1 =	vshrl.u32 v1, v2;
	v2 =	vshrl.u32 v3, v4;
	v3 =	vshll.u32 v53, $0x3  }
0xc5: {  	v57 =	vshll.u32 v55, $0x3;
	v2 =	vshll.u32 v2, $0x8;
	v3 =	vshrl.u32 v54, v3  }
0xc6: {  	v1 =	vand.u32 $0xFF, v1;
	v2 =	vand.u32 $0xFF00, v2;
	v3 =	vshll.u32 v3, $0x10  }
0xc7: {  	v1 =	vor.u32 v1, v2;
	v2 =	vand.u32 $0xFF0000, v3;
	v3 =	vshrl.u32 v56, v57  }
0xc8: {  	v1 =	vor.u32 v2, v1;
	v2 =	vshll.u32 v3, $0x18  }
0xc9: {  	v1 =	vor.u32 v2, v1  }
0xca: {  	[tilespmem:s21+$0xA60] =	vst v1  }
0xcb: {  	v1 =	vld [tilespmem:s28+$0x670]  }
0xcc: {  	v2 =	vld [tilespmem:s20+$0x70]  }
0xcd: {  	v3 =	vld [tilespmem:s28+$0x6F0]  }
0xce: {  	v58 =	vld [tilespmem:s20+$0xF0]  }
0xcf: {  	v59 =	vld [tilespmem:s20+$0x170]  }
0xd0: {  	v60 =	vld [tilespmem:s28+$0x770]  }
0xd1: {  	v61 =	vld [tilespmem:s20+$0x1F0];
	_ =	sdelay $0x1  }
0xd2: {  	v62 =	vld [tilespmem:s28+$0x7F0]  }
0xd3: {  	v2 =	vshll.u32 v2, $0x3;
	v4 =	vshll.u32 v58, $0x3  }
0xd4: {  	v1 =	vshrl.u32 v1, v2;
	v2 =	vshrl.u32 v3, v4;
	v3 =	vshll.u32 v59, $0x3  }
0xd5: {  	v63 =	vshll.u32 v61, $0x3;
	v3 =	vshrl.u32 v60, v3;
	v2 =	vshll.u32 v2, $0x8  }
0xd6: {  	v1 =	vand.u32 $0xFF, v1;
	v2 =	vand.u32 $0xFF00, v2;
	v3 =	vshll.u32 v3, $0x10  }
.Ltmp5:
0xd7: {  	v1 =	vor.u32 v1, v2;
	v2 =	vshrl.u32 v62, v63;
	v3 =	vand.u32 $0xFF0000, v3;
	(pc) =	sbr.rel .LBB2_7-.Ltmp5, $4  }
0xd8: {  	v1 =	vor.u32 v3, v1;
	v2 =	vshll.u32 v2, $0x18  }
0xd9: {  	s29 =	sshrl.u32 s18, $0x2;
	s30 =	sshrl.u32 s18, $0x5;
	v1 =	vor.u32 v2, v1  }
0xda: {  	s18 =	sadd.s32 s30, s7;
	s31 =	sor.u32 $0xA00, s21;
	s19 =	sand.u32 $0x7, s29;
	[tilespmem:s21+$0xA70] =	vst v1  }
0xdb: {  	[hbm4b:s18+s19] =	stream.linear.scatter [tilespmem:s31], [sflag:$0x4], $0x80, $0x38;
	[tilespmem:$0xB00] =	vst v63  }
.LBB2_8:
0xdc: {  	_ =	sfence.sel $0x180000  }
0xdd: {  	s2 =	simm.s32 $0x2;
	[bflag:$0x0] =	sbarrier.arrive $0xFFFF  }
0xde: {  	s29 =	simm.s32 $0x3;
	[sflag:s2] =	ssyncpa.u1 $0x1  }
0xdf: {  	s30 =	simm.s32 $0x4;
	[sflag:s29] =	ssyncpa.u1 $0x1  }
0xe0: {  	s31 =	simm.s32 $0x1;
	[sflag:s30] =	ssyncpa.u1 $0x1  }
0xe1: {  	[sflag:s31] =	ssyncpa.u1 $0x1  }
0xe2: {  	p0 =	sne.s32 s0, $0x0;
	_ =	strace $0x9000004A  }
0xe3: {  	s0 =	sadd.s32 @!p0 $0x100000, s1;
	[bflag:$0x2] =	sbarrier.arrive $0xFFFF  }
0xe4: {  	[sflag:s0] =	ssyncadd.tile.s32 @!p0 $0x1;
	_ =	shalt  }
.Lfunc_end2:
_tile_overlayer_lowered:
.L_overlay_start_2:
0xe5: {  	(tag) =	ssettag $0x2  }
0xe6: {  	s0 =	rddreg [dreg:$0x0];
	s2 =	stileid.u32  }
0xe7: {  	s1 =	rddreg [dreg:$0x1];
	p0 =	sne.s32 s2, $0x0  }
0xe8: {  	s3 =	rddreg [dreg:$0x2];
	[bflag:$0x3] =	sbarrier.arrive $0xFFFF;
	s2 =	simm.s32 @!p0 $0x1C01  }
0xe9: {  	[timem:s3], [sflag:s2] =	dma.local @!p0 [hbm:s0], s1  }
0xea: {  	s0 =	simm.s32 @!p0 $0x1  }
0xeb: {  	_ =	swait.ge @!p0 [sflag:s0], s1  }
0xec: {  	s1 =	ssub.s32 @!p0 $0x0, s1;
	[sflag:s0] =	ssyncset.done @!p0 $0x0  }
0xed: {  	[sflag:s0] =	ssyncadd.s32 @!p0 s1  }
0xee: {  	[bflag:$0x3] =	sbarrier.arrive $0xFFFF  }
0xef: {  	_ =	shalt  }

// kernel: scatter_offload_async_start
scs
__scs_entry_jumppad:
0x0: {  	(pc) =	sbr.rel $0x88, $3  }
0x1: {  	(tag) =	ssettag $0x0;
	lr =	simm.s32 $0x1  }
0x2: {  	[smem:$0x3F9D] =	sst lr;
	_ =	strace $0xD0000000  }
0x3: {  	_ = 	snop  }
0x4: {  	_ = 	snop  }
0x5: {  	_ = 	snop  }
0x6: {  	_ = 	snop  }
0x7: {  	_ = 	snop  }
__scs_overlays_trampoline_lowered:
0x8: {  	[smem:$0x3FAC] =	sst s0  }
0x9: {  	[smem:$0x3FAD] =	sst s1  }
0xa: {  	[smem:$0x3FAE] =	sst s2  }
0xb: {  	[smem:$0x3FAF] =	sst s3  }
0xc: {  	[smem:$0x3FB0] =	sst s4  }
0xd: {  	[smem:$0x3FB1] =	sst s5  }
0xe: {  	[smem:$0x3FB2] =	sst s6  }
0xf: {  	[smem:$0x3FB3] =	sst s7  }
0x10: {  	[smem:$0x3FB4] =	sst s8  }
0x11: {  	[smem:$0x3FB5] =	sst s9;
	s0 =	simm.s32 @!p0 $0x0  }
0x12: {  	s1 =	sld [smem:$0x3F9B];
	s0 =	simm.s32 @p0 $0x1  }
0x13: {  	[smem:$0x3FB6] =	sst s0;
	s0 =	simm.s32 @!p1 $0x0  }
0x14: {  	s2 =	sld [smem:$0x3F9A];
	s0 =	simm.s32 @p1 $0x1  }
0x15: {  	[smem:$0x3FB7] =	sst s0;
	s0 =	simm.s32 @!p2 $0x0  }
0x16: {  	s3 =	sld [smem:$0x3FDB];
	s0 =	simm.s32 @p2 $0x1  }
0x17: {  	s4 =	simm.s32 $0x1BF5;
	[smem:$0x3FB9] =	sst s0  }
0x18: {  	s0 =	sld [smem:$0x3F9C];
	_ =	swait.ge [sflag:s4], $0x0  }
0x19: {  	s7 =	sld [smem:$0x3F9D]  }
0x1a: {  	s8 =	sadd.s32 $0xFFFFE003, lr  }
0x1b: {  	s9 =	sadd.s32 $0xFFFFFEF7, lr;
	s5 =	simm.s32 $0xFFFFFFFF;
	p2 =	slt.u32 s8, $0xFFFFF086  }
0x1c: {  	p1 =	slt.u32 s9, $0xF7A;
	s5 =	simm.s32 @!p2 $0x0  }
0x1d: {  	s5 =	simm.s32 @p1 $0x1;
	p0 =	seq.s32 s7, s2  }
0x1e: {  	s7 =	smul.u32 @!p0 $0xF7A, s2;
	p2 =	seq.s32 @!p0 s5, $0x0  }
0x1f: {  	s9 =	smul.u32 $0xF7A, s1;
	s8 =	simm.s32 @!p0 $0x1BF5;
	p2 =	por !p2, p0  }
0x20: {  	[sflag:s8] =	ssyncset.s32 @!p0 $0xFFFFF086;
	s6 =	sadd.s32 @!p0 s3, s7;
	s7 =	simm.s32 @!p0 $0x108  }
0x21: {  	s3 =	sadd.s32 s3, s9;
	s6 =	sadd.s32 @!p0 $0x88, s6;
	s7 =	simm.s32 @p2 $0x1082  }
0x22: {  	[simem:s7], [sflag:s8] =	dma.local @!p0 [hbm:s6], $0xF7A  }
0x23: {  	s9 =	sor.u32 $0xD0000000, s2;
	s6 =	simm.s32 $0x108;
	_ =	swait.ge @!p0 [sflag:s8], $0x0  }
0x24: {  	s3 =	sadd.s32 $0x88, s3;
	s6 =	simm.s32 @!p1 $0x1082;
	[sflag:s4] =	ssyncset.s32 $0xFFFFF086  }
0x25: {  	[simem:s6], [sflag:s4] =	dma.local [hbm:s3], $0xF7A  }
0x26: {  	[smem:$0x3F9D] =	sst s1;
	(tag) =	ssettag s2;
	_ =	strace s9  }
0x27: {  	s1 =	sld [smem:$0x3FAD]  }
0x28: {  	s2 =	sld [smem:$0x3FAE]  }
0x29: {  	s4 =	sld [smem:$0x3FB0]  }
0x2a: {  	p0 =	seq.s32 s5, $0x0;
	s5 =	sld [smem:$0x3FB1]  }
0x2b: {  	s6 =	sld [smem:$0x3FB2]  }
0x2c: {  	s7 =	sld [smem:$0x3FB3]  }
0x2d: {  	s3 =	simm.s32 $0x108;
	s8 =	sld [smem:$0x3FB4]  }
0x2e: {  	s3 =	simm.s32 @!p0 $0x1082;
	s9 =	sld [smem:$0x3FB5]  }
0x2f: {  	lr =	sadd.s32 s0, s3;
	s0 =	sld [smem:$0x3FAC]  }
0x30: {  	s3 =	sld [smem:$0x3FAF]  }
0x31: {  	[smem:$0x3FB8] =	sst s10  }
0x32: {  	s10 =	sld [smem:$0x3FB6];
	_ =	sdelay $0x3  }
0x33: {  	p0 =	seq.s32 s10, $0x1;
	s10 =	sld [smem:$0x3FB8];
	_ =	sdelay $0x3  }
0x34: {  	[smem:$0x3FB8] =	sst s10  }
0x35: {  	s10 =	sld [smem:$0x3FB7];
	_ =	sdelay $0x3  }
0x36: {  	p1 =	seq.s32 s10, $0x1;
	s10 =	sld [smem:$0x3FB8];
	_ =	sdelay $0x3  }
0x37: {  	[smem:$0x3FB8] =	sst s10  }
0x38: {  	s10 =	sld [smem:$0x3FB9]  }
0x39: {  	_ = 	snop;
	(pc) =	sbr.ind lr, $3  }
0x3a: {  	_ = 	snop  }
0x3b: {  	_ = 	snop  }
0x3c: {  	p2 =	seq.s32 s10, $0x1;
	s10 =	sld [smem:$0x3FB8]  }
0x3d: {  	_ =	shalt  }
0x3e: {  	_ =	shalt  }
0x3f: {  	_ =	shalt  }
0x40: {  	_ =	shalt  }
0x41: {  	_ =	shalt  }
0x42: {  	_ =	shalt  }
0x43: {  	_ =	shalt  }
0x44: {  	_ =	shalt  }
0x45: {  	_ =	shalt  }
0x46: {  	_ =	shalt  }
0x47: {  	_ =	shalt  }
0x48: {  	_ =	shalt  }
0x49: {  	_ =	shalt  }
0x4a: {  	_ =	shalt  }
0x4b: {  	_ =	shalt  }
0x4c: {  	_ =	shalt  }
0x4d: {  	_ =	shalt  }
0x4e: {  	_ =	shalt  }
0x4f: {  	_ =	shalt  }
0x50: {  	_ =	shalt  }
0x51: {  	_ =	shalt  }
0x52: {  	_ =	shalt  }
0x53: {  	_ =	shalt  }
0x54: {  	_ =	shalt  }
0x55: {  	_ =	shalt  }
0x56: {  	_ =	shalt  }
0x57: {  	_ =	shalt  }
0x58: {  	_ =	shalt  }
0x59: {  	_ =	shalt  }
0x5a: {  	_ =	shalt  }
0x5b: {  	_ =	shalt  }
0x5c: {  	_ =	shalt  }
0x5d: {  	_ =	shalt  }
0x5e: {  	_ =	shalt  }
0x5f: {  	_ =	shalt  }
0x60: {  	_ =	shalt  }
0x61: {  	_ =	shalt  }
0x62: {  	_ =	shalt  }
0x63: {  	_ =	shalt  }
0x64: {  	_ =	shalt  }
0x65: {  	_ =	shalt  }
0x66: {  	_ =	shalt  }
0x67: {  	_ =	shalt  }
0x68: {  	_ =	shalt  }
0x69: {  	_ =	shalt  }
0x6a: {  	_ =	shalt  }
0x6b: {  	_ =	shalt  }
0x6c: {  	_ =	shalt  }
0x6d: {  	_ =	shalt  }
0x6e: {  	_ =	shalt  }
0x6f: {  	_ =	shalt  }
0x70: {  	_ =	shalt  }
0x71: {  	_ =	shalt  }
0x72: {  	_ =	shalt  }
0x73: {  	_ =	shalt  }
0x74: {  	_ =	shalt  }
0x75: {  	_ =	shalt  }
0x76: {  	_ =	shalt  }
0x77: {  	_ =	shalt  }
0x78: {  	_ =	shalt  }
0x79: {  	_ =	shalt  }
0x7a: {  	_ =	shalt  }
0x7b: {  	_ =	shalt  }
0x7c: {  	_ =	shalt  }
0x7d: {  	_ =	shalt  }
0x7e: {  	_ =	shalt  }
0x7f: {  	_ =	shalt  }
0x80: {  	_ =	shalt  }
0x81: {  	_ =	shalt  }
0x82: {  	_ =	shalt  }
0x83: {  	_ =	shalt  }
0x84: {  	_ =	shalt  }
0x85: {  	_ =	shalt  }
0x86: {  	_ =	shalt  }
0x87: {  	_ =	shalt  }
.Lfunc_end0:
.L_simem_size_0:
called_computation_lowered:
.L_overlay_start_0:
0x88: {  	s0 =	sld [smem:$0x3FD9]  }
0x89: {  	s1 =	sld [smem:$0x3FFE];
	_ =	sdelay $0x3  }
0x8a: {  	s0 =	sadd.s32 s1, s0  }
0x8b: {  	[smem:$0x3FC4] =	sst s0  }
0x8c: {  	_ = 	snop  }
0x8d: {  	(tm) =	ssettm $0x1  }
0x8e: {  	s15 =	sld [smem:$0x3FFB];
	_ =	sdelay $0x3  }
0x8f: {  	_ =	strace s15  }
0x90: {  	s0 =	sld [smem:$0x3FFC];
	_ =	sdelay $0x3  }
0x91: {  	_ =	strace s0  }
0x92: {  	s0 =	sld [smem:$0x3FFD];
	_ =	sdelay $0x3  }
0x93: {  	_ =	strace s0  }
0x94: {  	_ =	strace $0x8FFFFFFF  }
0x95: {  	s16 =	sld [smem:$0x3FDB];
	_ =	sdelay $0x1  }
0x96: {  	s17 =	simm.s32 $_scs_section_size  }
0x97: {  	s2 =	simm.s32 $_size__tile_overlayer_lowered;
	s3 =	simm.s32 $_tile_overlayer_lowered  }
0x98: {  	s20 =	simm.s32 $0x1BFF;
	s19 =	sshll.u32 s3, $0x1;
	s0 =	sadd.s32 s17, s16  }
0x99: {  	s4 =	simm.s32 $0x0;
	s18 =	sshll.u32 s2, $0x1;
	s2 =	sadd.s32 s19, s0  }
0x9a: {  	[timem:s4], [sflag:s20] =	dma.local [hbm:s2], s18  }
0x9b: {  	_ =	swait.ge [sflag:s20], s18  }
0x9c: {  	s1 =	ssub.s32 $0x0, s18;
	[sflag:s20] =	ssyncset.done $0x0  }
0x9d: {  	[sflag:s20] =	ssyncadd.s32 s1;
	_ =	sdelay $0x1  }
0x9e: {  	s21 =	simm.s32 $0x1B8B  }
0x9f: {  	_ =	swait.ge [sflag:s21], $0x1  }
0xa0: {  	[sflag:s21] =	ssyncset.done $0x0  }
0xa1: {  	s23 =	simm.s32 $0x1B8E;
	s22 =	sld [smem:$0x3FFE];
	[sflag:s21] =	ssyncadd.s32 $0xFFFFFFFF  }
0xa2: {  	s24 =	simm.s32 $execute0_lowered;
	[smem:$0x3FD2] =	sst s23  }
0xa3: {  	s2 =	sshll.u32 s24, $0x1;
	_ =	strace $0x80000046;
	[dreg:$0x1] =	wrdreg $0xFFFFFFFF  }
0xa4: {  	s25 =	simm.s32 $_size_execute0_lowered;
	s0 =	sadd.s32 s0, s2;
	[dreg:$0x0] =	wrdreg $0x0  }
0xa5: {  	s2 =	sshll.u32 s25, $0x1;
	[dreg:$0x2] =	wrdreg s0  }
0xa6: {  	[dreg:$0x3] =	wrdreg s2  }
0xa7: {  	[dreg:$0x4] =	wrdreg $0xC0  }
0xa8: {  	_ =	task [dreg:s4], $0x5FFFF  }
0xa9: {  	[dreg:$0x1] =	wrdreg $0xFFFFFFFF  }
0xaa: {  	[dreg:$0x0] =	wrdreg $0x60  }
0xab: {  	[dreg:$0x2] =	wrdreg s22  }
0xac: {  	[dreg:$0x3] =	wrdreg $0x9  }
0xad: {  	_ =	task.clear_ibuf [dreg:s4], $0x4FFFF;
	_ =	strace $0x90000046  }
0xae: {  	s26 =	simm.s32 $0x9;
	_ =	strace $0x80000048  }
0xaf: {  	_ =	swait.ge [sflag:s26], $0x1  }
0xb0: {  	[sflag:s26] =	ssyncadd.s32 $0xFFFFFFFF  }
0xb1: {  	_ =	strace $0x90000048  }
0xb2: {  	_ =	sfence  }
0xb3: {  	s28 =	sld [smem:$0x0];
	_ =	sdelay $0x1  }
0xb4: {  	s29 =	srdreg.scid  }
0xb5: {  	s30 =	sshll.u32 s29, $0xD;
	s31 =	sshrl.u32 s29, $0x2  }
0xb6: {  	s1 =	sand.u32 $0x1, s29;
	s2 =	sand.u32 $0x4000, s30;
	s0 =	sadd.s32 s31, s28  }
0xb7: {  	s1 =	sor.u32 s2, s1;
	s0 =	sshll.u32 s0, $0x11  }
0xb8: {  	s0 =	sor.u32 s0, s1  }
0xb9: {  	s0 =	sadd.s32 $0x8F2B, s0  }
0xba: {  	[sflag:s0] =	ssyncadd.remote.s32 $0x1  }
0xbb: {  	_ =	sfence.sel $0xFFFF  }
0xbc: {  	[dreg:$0x0] =	wrdreg $0xFFFFFFFF;
	(pc) =	sbr.abs _section_cstart, $3  }
0xbd: {  	[dreg:$0x1] =	wrdreg $0xFFFFFFFF  }
0xbe: {  	_ =	task.clear_ibuf [dreg:s4], $0x2FFFF;
	_ =	strace $0x9FFFFFFF  }
0xbf: {  	(tm) =	ssettm $0x7FFFFFFF  }
tec
execute0_lowered:
.L_overlay_start_1:
0x0: {  	(tag) =	ssettag $0x1  }
0x1: {  	s2 =	rddreg [dreg:$0x0]  }
0x2: {  	s0 =	rddreg [dreg:$0x1];
	_ =	strace $0x80000047;
	s3 =	stileid.u32  }
0x3: {  	s4 =	simm.s32 $0x3E;
	s1 =	sadd.s32 $0xA8400, s2;
	p0 =	sne.s32 s3, $0x0  }
0x4: {  	[sflag:s4] =	ssyncpa.u1 $0x0;
	s5 =	simm.s32 @!p0 $0x1C3E;
	s6 =	simm.s32 @!p0 $0x0  }
0x5: {  	[spmem:s6], [sflag:s5] =	dma.local @!p0 [hbm:s1], $0x20  }
0x6: {  	s5 =	simm.s32 @!p0 $0x3E  }
0x7: {  	_ =	swait.ge @!p0 [sflag:s5], $0x20  }
0x8: {  	[sflag:s5] =	ssyncset.done @!p0 $0x0  }
0x9: {  	s26 =	simm.s32 $0x1;
	[sflag:s5] =	ssyncadd.s32 @!p0 $0xFFFFFFE0  }
0xa: {  	s29 =	simm.s32 $0x2;
	s7 =	simm.s32 $0x810;
	[bflag:$0x0] =	sbarrier.arrive $0xFFFF  }
0xb: {  	s28 =	sadd.s32 $0x8A000, s2;
	s30 =	sadd.s32 $0xA7400, s2;
	[sflag:s4] =	ssyncpa.u1 $0x1  }
0xc: {  	s3 =	sshll.u32 s3, $0x8;
	s2 =	simm.s32 $0x0;
	[sflag:s26] =	ssyncpa.u1 $0x0  }
0xd: {  	s4 =	sadd.s32 s28, s3;
	(ifvalue) =	ssetifvalue $0x100;
	[sflag:s29] =	ssyncpa.u1 $0x0  }
0xe: {  	[tilespmem:s7], [sflag:$0x2] =	stream.linear.gather [hbm4b:s4+s2], $0x800, $0x38;
	[tilespmem:$0x2010] =	vst v63  }
0xf: {  	s31 =	sadd.s32 s30, s3;
	s3 =	simm.s32 $0x1810  }
0x10: {  	[tilespmem:s3], [sflag:$0x2] =	stream.linear.gather [hbm4b:s31+s2], $0x800, $0x38;
	[tilespmem:$0x2010] =	vst v63  }
0x11: {  	_ =	swait.ge [sflag:s29], $0x1000  }
0x12: {  	[sflag:s29] =	ssyncset.done $0x0  }
0x13: {  	[sflag:s29] =	ssyncadd.s32 $0xFFFFF000  }
0x14: {  	v0 =	vld.msk [tilespmem:s7+$0x0 ss:$0x1], $0xffff;
	_ =	sdelay $0x4  }
0x15: {  	v0 =	vmin.u32 v0, $0x100;
	_ =	sdelay $0x3  }
0x16: {  	vm0 =	vmmov $0xffff;
	s5 =	simm.s32 $0x820;
	s4 =	simm.s32 $0x0  }
0x17: {  	[spmem:s2] =	stream.indirect_vreg.scatter.add.s32 [tilespmem:s3], [sflag:$0x1], $0x1, v0, vm0, $0x4038;
	[tilespmem:$0x2010] =	vst v63  }
.LBB2_1:
0x18: {  	v0 =	vld.msk [tilespmem:s5+$0x0 ss:$0x1], $0xffff;
	s4 =	sadd.s32 $0x10, s4  }
0x19: {  	p1 =	slt.u32 s4, $0x7F0;
	_ =	sdelay $0x4  }
0x1a: {  	v0 =	vmin.u32 v0, $0x100  }
.Ltmp0:
0x1b: {  	(pc) =	sbr.rel @p1 .LBB2_1-.Ltmp0, $3  }
0x1c: {  	_ =	sdelay $0x1  }
0x1d: {  	s5 =	sadd.s32 $0x10, s5;
	s3 =	sadd.s32 $0x10, s3  }
0x1e: {  	[spmem:s2] =	stream.indirect_vreg.scatter.add.s32 [tilespmem:s3], [sflag:$0x1], $0x1, v0, vm0, $0x4038;
	[tilespmem:$0x2010] =	vst v63  }
0x1f: {  	s2 =	simm.s32 $0x1  }
0x20: {  	_ =	swait.ge [sflag:s2], $0x800  }
0x21: {  	[sflag:s2] =	ssyncset.done $0x0  }
0x22: {  	[sflag:s2] =	ssyncadd.s32 $0xFFFFF800  }
0x23: {  	_ =	sfence.sel $0x180000  }
0x24: {  	s3 =	simm.s32 $0x2;
	[bflag:$0x0] =	sbarrier.arrive $0xFFFF  }
0x25: {  	[sflag:s3] =	ssyncpa.u1 $0x1  }
0x26: {  	[sflag:s2] =	ssyncpa.u1 $0x1  }
0x27: {  	_ =	sfence.stream.spmem  }
0x28: {  	s31 =	simm.s32 $0x3D;
	[bflag:$0x0] =	sbarrier.arrive $0xFFFF  }
0x29: {  	s2 =	simm.s32 @p0 $0x3D;
	[sflag:s31] =	ssyncpa.u1 $0x0  }
0x2a: {  	[sflag:s2] =	ssyncpa.u1 @p0 $0x1  }
0x2b: {  	[bflag:$0x0] =	sbarrier.arrive @p0 $0xFFFF  }
0x2c: {  	_ =	strace @p0 $0x90000047  }
0x2d: {  	s3 =	simm.s32 @!p0 $0x1C3D;
	s2 =	simm.s32 @!p0 $0x0;
	[bflag:$0x2] =	sbarrier.arrive @p0 $0xFFFF  }
0x2e: {  	[hbm:s1], [sflag:s3] =	dma.local @!p0 [spmem:s2], $0x20  }
0x2f: {  	s1 =	simm.s32 @!p0 $0x3D  }
0x30: {  	_ =	swait.ge @!p0 [sflag:s1], $0x20  }
0x31: {  	[sflag:s1] =	ssyncset.done @!p0 $0x0  }
0x32: {  	[sflag:s1] =	ssyncadd.s32 @!p0 $0xFFFFFFE0  }
0x33: {  	[sflag:s1] =	ssyncpa.u1 @!p0 $0x1  }
0x34: {  	[bflag:$0x0] =	sbarrier.arrive @!p0 $0xFFFF  }
0x35: {  	_ =	strace @!p0 $0x90000047  }
0x36: {  	s0 =	sadd.s32 @!p0 $0x100000, s0;
	[bflag:$0x2] =	sbarrier.arrive @!p0 $0xFFFF  }
0x37: {  	[sflag:s0] =	ssyncadd.tile.s32 @!p0 $0x1;
	_ =	shalt  }
.Lfunc_end2:
_tile_overlayer_lowered:
.L_overlay_start_2:
0x38: {  	(tag) =	ssettag $0x2  }
0x39: {  	s0 =	rddreg [dreg:$0x0];
	s2 =	stileid.u32  }
0x3a: {  	s1 =	rddreg [dreg:$0x1];
	p0 =	sne.s32 s2, $0x0  }
0x3b: {  	s3 =	rddreg [dreg:$0x2];
	[bflag:$0x3] =	sbarrier.arrive $0xFFFF;
	s2 =	simm.s32 @!p0 $0x1C01  }
0x3c: {  	[timem:s3], [sflag:s2] =	dma.local @!p0 [hbm:s0], s1  }
0x3d: {  	s0 =	simm.s32 @!p0 $0x1  }
0x3e: {  	_ =	swait.ge @!p0 [sflag:s0], s1  }
0x3f: {  	s1 =	ssub.s32 @!p0 $0x0, s1;
	[sflag:s0] =	ssyncset.done @!p0 $0x0  }
0x40: {  	[sflag:s0] =	ssyncadd.s32 @!p0 s1  }
0x41: {  	[bflag:$0x3] =	sbarrier.arrive $0xFFFF  }
0x42: {  	_ =	shalt  }

</sc_bundles>
